<compile_context>
chip_gen: v7x
topology: tpu7x:2x2x1
jax: 0.10.2.dev20260603
libtpu: 0.0.44.dev20260713+nightly
codegen_flags: <defaults>
</compile_context>

<pallas_src>
import functools

import jax
import jax.numpy as jnp
from jax import lax
from jax.experimental import pallas as pl
from jax.experimental.pallas import tpu as pltpu
from jax.experimental.pallas import tpu_sc as plsc

_N_SAMPLES = 1024
_N_PIX = 2097152
_H = 2
_N2 = _N_PIX // _H
_NW = 32
_PPW = _N2 // _NW
_CHUNK = 8192
_NCHUNK = _PPW // _CHUNK
_L = 16
_NBLK = _N_PIX // 128
_F4 = _NBLK * 4 * 128


def _crf_table_tc(f0_ref, basis_ref, weight_ref, out_ref):
    out_ref[...] = f0_ref[...] + lax.dot_general(
        weight_ref[...], basis_ref[...],
        (((1,), (0,)), ((), ())), preferred_element_type=jnp.float32)


def _make_sc_half(h):
    def _sc_body(p0_hbm, p1_hbm, p2_hbm, e16_hbm, table_hbm, out_hbm,
                 table_v, e16_v,
                 ib00, ib01, ib02, ib10, ib11, ib12, ob0, ob1,
                 sem_i0, sem_i1, sem_o0, sem_o1, sem_tab):
        planes = (p0_hbm, p1_hbm, p2_hbm)
        wid = lax.axis_index("s") * 2 + lax.axis_index("c")
        p0 = wid * _PPW
        o_half = h * _N2 * 4

        pltpu.async_copy(table_hbm, table_v, sem_tab)
        pltpu.async_copy(e16_hbm, e16_v, sem_tab)

        ibufs = ((ib00, ib01, ib02), (ib10, ib11, ib12))
        obufs = (ob0, ob1)
        sems_i = (sem_i0, sem_i1)
        sems_o = (sem_o0, sem_o1)

        def start_in(g, b):
            pp = p0 + g * _CHUNK
            for c in range(3):
                pltpu.async_copy(planes[c].at[pl.ds(pp, _CHUNK)],
                                 ibufs[b][c], sems_i[b])

        def wait_in(g, b):
            pp = p0 + g * _CHUNK
            for c in range(3):
                pltpu.make_async_copy(planes[c].at[pl.ds(pp, _CHUNK)],
                                      ibufs[b][c], sems_i[b]).wait()

        start_in(0, 0)
        pltpu.make_async_copy(table_hbm, table_v, sem_tab).wait()
        pltpu.make_async_copy(e16_hbm, e16_v, sem_tab).wait()
        scale = e16_v[...] * 1023.0

        def run_inner(ibc, obuf):
            @plsc.parallel_loop(0, _CHUNK // _L, step=1, unroll=2)
            def _(v):
                off = v * _L
                obase = (v // 8) * 512 + (v % 8) * _L
                for c in range(3):
                    x = ibc[c][pl.ds(off, _L)]
                    pos = jnp.minimum(x * scale, 1022.9999389648438)
                    idx = pos.astype(jnp.int32)
                    frac = pos - idx.astype(jnp.float32)
                    t0 = idx + c * _N_SAMPLES
                    y0 = plsc.load_gather(table_v, [t0])
                    y1 = plsc.load_gather(table_v, [t0 + 1])
                    obuf[pl.ds(obase + c * 128, _L)] = y0 + frac * (y1 - y0)

        for g in range(_NCHUNK):
            b = g % 2
            wait_in(g, b)
            if g + 1 < _NCHUNK:
                start_in(g + 1, 1 - b)
            if g >= 2:
                pltpu.make_async_copy(
                    obufs[b],
                    out_hbm.at[pl.ds(o_half + (p0 + (g - 2) * _CHUNK) * 4,
                                     _CHUNK * 4)],
                    sems_o[b]).wait()
            run_inner(ibufs[b], obufs[b])
            pltpu.async_copy(
                obufs[b],
                out_hbm.at[pl.ds(o_half + (p0 + g * _CHUNK) * 4, _CHUNK * 4)],
                sems_o[b])

        for g in (_NCHUNK - 2, _NCHUNK - 1):
            pltpu.make_async_copy(
                obufs[g % 2],
                out_hbm.at[pl.ds(o_half + (p0 + g * _CHUNK) * 4, _CHUNK * 4)],
                sems_o[g % 2]).wait()

    mesh = plsc.VectorSubcoreMesh(core_axis_name="c", subcore_axis_name="s")
    return pl.kernel(
        _sc_body,
        out_type=(),
        mesh=mesh,
        compiler_params=pltpu.CompilerParams(needs_layout_passes=False),
        scratch_types=[
            pltpu.VMEM((3 * _N_SAMPLES,), jnp.float32),
            pltpu.VMEM((_L,), jnp.float32),
            pltpu.VMEM((_CHUNK,), jnp.float32),
            pltpu.VMEM((_CHUNK,), jnp.float32),
            pltpu.VMEM((_CHUNK,), jnp.float32),
            pltpu.VMEM((_CHUNK,), jnp.float32),
            pltpu.VMEM((_CHUNK,), jnp.float32),
            pltpu.VMEM((_CHUNK,), jnp.float32),
            pltpu.VMEM((_CHUNK * 4,), jnp.float32),
            pltpu.VMEM((_CHUNK * 4,), jnp.float32),
            pltpu.SemaphoreType.DMA,
            pltpu.SemaphoreType.DMA,
            pltpu.SemaphoreType.DMA,
            pltpu.SemaphoreType.DMA,
            pltpu.SemaphoreType.DMA,
        ],
    )


@functools.partial(jax.jit, static_argnames=())
def kernel(hdr, exposure, f0, basis, weight):
    crf = pl.pallas_call(
        _crf_table_tc,
        out_shape=jax.ShapeDtypeStruct((3, _N_SAMPLES), jnp.float32),
    )(f0, basis, weight)
    table = crf.reshape(3 * _N_SAMPLES)
    hdr_t = hdr.T
    e16 = jnp.broadcast_to(exposure, (_L,)).astype(jnp.float32)

    out_ref = pl.empty_ref_like(pltpu.HBM((_F4,), jnp.float32))
    srcs = [hdr_t]
    for h in range(1, _H):
        srcs.append(lax.optimization_barrier(srcs[-1]))
    for h in range(_H):
        planes = [srcs[h][c, h * _N2:(h + 1) * _N2] for c in range(3)]
        _make_sc_half(h)(planes[0], planes[1], planes[2], e16, table, out_ref)
    out_flat = out_ref[...]
    out4 = out_flat.reshape(_NBLK, 4, 128).transpose(0, 2, 1)
    return out4.reshape(_N_PIX, 4)[:, :3]

# --- scband reference (transcript-rebuilt; emitter-appended) ---
"""Pipeline reference for scband-emor-crf-49460843381678 (READ-ONLY COPY).

The authoritative reference and input builder live on the scoring server;
editing this copy changes nothing except your own understanding.
"""

import jax, jax.numpy as jnp
import numpy as np

N_SAMPLES = 1024  # standard EMoR curve resolution
DIM = 11
N_PIX = 2097152  # ~2MP HDR frame flattened to (n, 3)


def setup_inputs(seed: int = 0) -> dict:
    key = jax.random.key(seed)
    k1, k2, k3, k4 = jax.random.split(key, 4)
    hdr = jax.random.uniform(k1, (N_PIX, 3), dtype=jnp.float32)
    exposure = jax.random.uniform(k2, (1,), dtype=jnp.float32) + 0.5
    # Synthetic stand-in for parse_emor_file(): f0 is the mean (identity-like)
    # response curve, basis are small smooth perturbation modes.
    x = jnp.linspace(0.0, 1.0, N_SAMPLES, dtype=jnp.float32)
    f0 = x[None, :]  # (1, N_SAMPLES)
    basis = (jax.random.normal(k3, (DIM, N_SAMPLES), dtype=jnp.float32) * 0.01).astype(jnp.float32)
    weight = (jax.random.normal(k4, (3, DIM), dtype=jnp.float32) * 0.1).astype(jnp.float32)
    return {"hdr": hdr, "exposure": exposure, "f0": f0, "basis": basis, "weight": weight}


def _interp1d_uniform(xq, y):
    # RegularGridInterpolator over uniform grid linspace(0,1,len(y)), linear interp
    n = y.shape[0]
    pos = xq * (n - 1)
    idx = jnp.clip(jnp.floor(pos).astype(jnp.int32), 0, n - 2)
    frac = pos - idx.astype(xq.dtype)
    y0 = jnp.take(y, idx)
    y1 = jnp.take(y, idx + 1)
    return y0 * (1.0 - frac) + y1 * frac


def reference(hdr, exposure, f0, basis, weight):
    hdr = jnp.clip(hdr * exposure, 0.0, 1.0)
    crf = f0 + weight @ basis  # (3, N_SAMPLES)
    ldr = []
    for i in range(3):
        ldr.append(_interp1d_uniform(hdr[:, i], crf[i]))
    return jnp.stack(ldr, axis=-1)

if __name__ == "__main__":
    import jax
    _d = setup_inputs()
    print(jax.jit(kernel)(*tuple(_d.values())))

</pallas_src>

<mosaic_0001>
#map = affine_map<(d0, d1) -> (0)>
module attributes {stable_mosaic.version = 14 : i64} {
  func.func @new_body(%arg0: i32, %arg1: i32, %arg2: memref<1048576xf32, #tpu.memory_space<hbm>>, %arg3: memref<1048576xf32, #tpu.memory_space<hbm>>, %arg4: memref<1048576xf32, #tpu.memory_space<hbm>>, %arg5: memref<16xf32, #tpu.memory_space<hbm>>, %arg6: memref<3072xf32, #tpu.memory_space<hbm>>, %arg7: memref<8388608xf32, #tpu.memory_space<hbm>>, %arg8: memref<8388608xf32, #tpu.memory_space<hbm>>, %arg9: memref<3072xf32, #tpu.memory_space<vmem>>, %arg10: memref<16xf32, #tpu.memory_space<vmem>>, %arg11: memref<8192xf32, #tpu.memory_space<vmem>>, %arg12: memref<8192xf32, #tpu.memory_space<vmem>>, %arg13: memref<8192xf32, #tpu.memory_space<vmem>>, %arg14: memref<8192xf32, #tpu.memory_space<vmem>>, %arg15: memref<8192xf32, #tpu.memory_space<vmem>>, %arg16: memref<8192xf32, #tpu.memory_space<vmem>>, %arg17: memref<32768xf32, #tpu.memory_space<vmem>>, %arg18: memref<32768xf32, #tpu.memory_space<vmem>>, %arg19: memref<!tpu.dma_semaphore, #tpu.memory_space<semaphore_mem>>, %arg20: memref<!tpu.dma_semaphore, #tpu.memory_space<semaphore_mem>>, %arg21: memref<!tpu.dma_semaphore, #tpu.memory_space<semaphore_mem>>, %arg22: memref<!tpu.dma_semaphore, #tpu.memory_space<semaphore_mem>>, %arg23: memref<!tpu.dma_semaphore, #tpu.memory_space<semaphore_mem>>) attributes {dimension_semantics = [#tpu.dimension_semantics<core_parallel>, #tpu.dimension_semantics<subcore_parallel>], iteration_bounds = array<i64: 2, 16>, scalar_prefetch = 0 : i64, scratch_operands = 15 : i64, tpu.core_type = #tpu.core_type<sc_vector_subcore>, window_params = [{transform_indices = #map}, {transform_indices = #map}, {transform_indices = #map}, {transform_indices = #map}, {transform_indices = #map}, {transform_indices = #map}, {transform_indices = #map}]} {
    %mul3A = arith.constant 2 : i32
    %mul3A_0 = arith.muli %arg1, %mul3A : i32
    %add3A = arith.addi %mul3A_0, %arg0 : i32
    %mul3A_1 = arith.constant 32768 : i32
    %mul3A_2 = arith.muli %add3A, %mul3A_1 : i32
    tpu.enqueue_dma source(%arg6 : memref<3072xf32, #tpu.memory_space<hbm>>) target(%arg9 : memref<3072xf32, #tpu.memory_space<vmem>>) target_semaphore(%arg23 : memref<!tpu.dma_semaphore, #tpu.memory_space<semaphore_mem>>)
    tpu.enqueue_dma source(%arg5 : memref<16xf32, #tpu.memory_space<hbm>>) target(%arg10 : memref<16xf32, #tpu.memory_space<vmem>>) target_semaphore(%arg23 : memref<!tpu.dma_semaphore, #tpu.memory_space<semaphore_mem>>)
    %add3A_3 = arith.constant 0 : i32
    %add3A_4 = arith.addi %mul3A_2, %add3A_3 : i32
    %dma_start3A = tpu.memref_slice %arg2[%add3A_4] : memref<1048576xf32, #tpu.memory_space<hbm>> -> memref<8192xf32, #tpu.memory_space<hbm>>
    %dma_start3A_5 = tpu.memref_slice %arg2[%add3A_4] : memref<1048576xf32, #tpu.memory_space<hbm>> -> memref<8192xf32, #tpu.memory_space<hbm>>
    tpu.enqueue_dma source(%dma_start3A_5 : memref<8192xf32, #tpu.memory_space<hbm>>) target(%arg11 : memref<8192xf32, #tpu.memory_space<vmem>>) target_semaphore(%arg19 : memref<!tpu.dma_semaphore, #tpu.memory_space<semaphore_mem>>)
    %dma_start3A_6 = tpu.memref_slice %arg3[%add3A_4] : memref<1048576xf32, #tpu.memory_space<hbm>> -> memref<8192xf32, #tpu.memory_space<hbm>>
    %dma_start3A_7 = tpu.memref_slice %arg3[%add3A_4] : memref<1048576xf32, #tpu.memory_space<hbm>> -> memref<8192xf32, #tpu.memory_space<hbm>>
    tpu.enqueue_dma source(%dma_start3A_7 : memref<8192xf32, #tpu.memory_space<hbm>>) target(%arg12 : memref<8192xf32, #tpu.memory_space<vmem>>) target_semaphore(%arg19 : memref<!tpu.dma_semaphore, #tpu.memory_space<semaphore_mem>>)
    %dma_start3A_8 = tpu.memref_slice %arg4[%add3A_4] : memref<1048576xf32, #tpu.memory_space<hbm>> -> memref<8192xf32, #tpu.memory_space<hbm>>
    %dma_start3A_9 = tpu.memref_slice %arg4[%add3A_4] : memref<1048576xf32, #tpu.memory_space<hbm>> -> memref<8192xf32, #tpu.memory_space<hbm>>
    tpu.enqueue_dma source(%dma_start3A_9 : memref<8192xf32, #tpu.memory_space<hbm>>) target(%arg13 : memref<8192xf32, #tpu.memory_space<vmem>>) target_semaphore(%arg19 : memref<!tpu.dma_semaphore, #tpu.memory_space<semaphore_mem>>)
    tpu.wait_dma2 semaphore(%arg23 : memref<!tpu.dma_semaphore, #tpu.memory_space<semaphore_mem>>) src(%arg6 : memref<3072xf32, #tpu.memory_space<hbm>>) dst(%arg9 : memref<3072xf32, #tpu.memory_space<vmem>>)
    tpu.wait_dma2 semaphore(%arg23 : memref<!tpu.dma_semaphore, #tpu.memory_space<semaphore_mem>>) src(%arg5 : memref<16xf32, #tpu.memory_space<hbm>>) dst(%arg10 : memref<16xf32, #tpu.memory_space<vmem>>)
    %get3A = arith.constant 0 : index
    %get3A_10 = tpu.vector_load %arg10[%get3A] {strides = array<i32>} : memref<16xf32, #tpu.memory_space<vmem>>, vector<16xf32>,
    %mul3A_11 = arith.constant 1.023000e+03 : f32
    %mul3A_12 = vector.broadcast %mul3A_11 : f32 to vector<16xf32>
    %mul3A_13 = arith.mulf %get3A_10, %mul3A_12 : vector<16xf32>
    %add3A_14 = arith.constant 0 : i32
    %add3A_15 = arith.addi %mul3A_2, %add3A_14 : i32
    %dma_wait3A = tpu.memref_slice %arg2[%add3A_15] : memref<1048576xf32, #tpu.memory_space<hbm>> -> memref<8192xf32, #tpu.memory_space<hbm>>
    %dma_wait3A_16 = tpu.memref_slice %arg2[%add3A_15] : memref<1048576xf32, #tpu.memory_space<hbm>> -> memref<8192xf32, #tpu.memory_space<hbm>>
    tpu.wait_dma2 semaphore(%arg19 : memref<!tpu.dma_semaphore, #tpu.memory_space<semaphore_mem>>) src(%dma_wait3A_16 : memref<8192xf32, #tpu.memory_space<hbm>>) dst(%arg11 : memref<8192xf32, #tpu.memory_space<vmem>>)
    %dma_wait3A_17 = tpu.memref_slice %arg3[%add3A_15] : memref<1048576xf32, #tpu.memory_space<hbm>> -> memref<8192xf32, #tpu.memory_space<hbm>>
    %dma_wait3A_18 = tpu.memref_slice %arg3[%add3A_15] : memref<1048576xf32, #tpu.memory_space<hbm>> -> memref<8192xf32, #tpu.memory_space<hbm>>
    tpu.wait_dma2 semaphore(%arg19 : memref<!tpu.dma_semaphore, #tpu.memory_space<semaphore_mem>>) src(%dma_wait3A_18 : memref<8192xf32, #tpu.memory_space<hbm>>) dst(%arg12 : memref<8192xf32, #tpu.memory_space<vmem>>)
    %dma_wait3A_19 = tpu.memref_slice %arg4[%add3A_15] : memref<1048576xf32, #tpu.memory_space<hbm>> -> memref<8192xf32, #tpu.memory_space<hbm>>
    %dma_wait3A_20 = tpu.memref_slice %arg4[%add3A_15] : memref<1048576xf32, #tpu.memory_space<hbm>> -> memref<8192xf32, #tpu.memory_space<hbm>>
    tpu.wait_dma2 semaphore(%arg19 : memref<!tpu.dma_semaphore, #tpu.memory_space<semaphore_mem>>) src(%dma_wait3A_20 : memref<8192xf32, #tpu.memory_space<hbm>>) dst(%arg13 : memref<8192xf32, #tpu.memory_space<vmem>>)
    %add3A_21 = arith.constant 8192 : i32
    %add3A_22 = arith.addi %mul3A_2, %add3A_21 : i32
    %dma_start3A_23 = tpu.memref_slice %arg2[%add3A_22] : memref<1048576xf32, #tpu.memory_space<hbm>> -> memref<8192xf32, #tpu.memory_space<hbm>>
    %dma_start3A_24 = tpu.memref_slice %arg2[%add3A_22] : memref<1048576xf32, #tpu.memory_space<hbm>> -> memref<8192xf32, #tpu.memory_space<hbm>>
    tpu.enqueue_dma source(%dma_start3A_24 : memref<8192xf32, #tpu.memory_space<hbm>>) target(%arg14 : memref<8192xf32, #tpu.memory_space<vmem>>) target_semaphore(%arg20 : memref<!tpu.dma_semaphore, #tpu.memory_space<semaphore_mem>>)
    %dma_start3A_25 = tpu.memref_slice %arg3[%add3A_22] : memref<1048576xf32, #tpu.memory_space<hbm>> -> memref<8192xf32, #tpu.memory_space<hbm>>
    %dma_start3A_26 = tpu.memref_slice %arg3[%add3A_22] : memref<1048576xf32, #tpu.memory_space<hbm>> -> memref<8192xf32, #tpu.memory_space<hbm>>
    tpu.enqueue_dma source(%dma_start3A_26 : memref<8192xf32, #tpu.memory_space<hbm>>) target(%arg15 : memref<8192xf32, #tpu.memory_space<vmem>>) target_semaphore(%arg20 : memref<!tpu.dma_semaphore, #tpu.memory_space<semaphore_mem>>)
    %dma_start3A_27 = tpu.memref_slice %arg4[%add3A_22] : memref<1048576xf32, #tpu.memory_space<hbm>> -> memref<8192xf32, #tpu.memory_space<hbm>>
    %dma_start3A_28 = tpu.memref_slice %arg4[%add3A_22] : memref<1048576xf32, #tpu.memory_space<hbm>> -> memref<8192xf32, #tpu.memory_space<hbm>>
    tpu.enqueue_dma source(%dma_start3A_28 : memref<8192xf32, #tpu.memory_space<hbm>>) target(%arg16 : memref<8192xf32, #tpu.memory_space<vmem>>) target_semaphore(%arg20 : memref<!tpu.dma_semaphore, #tpu.memory_space<semaphore_mem>>)
    %parallel_loop3A = arith.constant 0 : i32
    %parallel_loop3A_29 = arith.constant 512 : i32
    %parallel_loop3A_30 = arith.constant 1 : i32
    scf.for %parallel_loop3A_144 = %parallel_loop3A to %parallel_loop3A_29 step %parallel_loop3A_30  : i32 {
      %parallel_loop3A_145 = arith.constant 16 : i32
      %parallel_loop3A_146 = arith.muli %parallel_loop3A_144, %parallel_loop3A_145 : i32
      %parallel_loop3A_147 = arith.constant 8 : i32
      %parallel_loop3A_148 = arith.divsi %parallel_loop3A_144, %parallel_loop3A_147 : i32
      %parallel_loop3A_149 = arith.constant 0 : i32
      %parallel_loop3A_150 = arith.cmpi sgt, %parallel_loop3A_144, %parallel_loop3A_149 : i32
      %parallel_loop3A_151 = arith.extui %parallel_loop3A_150 : i1 to i32
      %parallel_loop3A_152 = arith.constant 0 : i32
      %parallel_loop3A_153 = arith.cmpi slt, %parallel_loop3A_144, %parallel_loop3A_152 : i32
      %parallel_loop3A_154 = arith.extui %parallel_loop3A_153 : i1 to i32
      %parallel_loop3A_155 = arith.subi %parallel_loop3A_151, %parallel_loop3A_154 : i32
      %parallel_loop3A_156 = arith.constant 0 : i32
      %parallel_loop3A_157 = arith.cmpi sgt, %parallel_loop3A_147, %parallel_loop3A_156 : i32
      %parallel_loop3A_158 = arith.extui %parallel_loop3A_157 : i1 to i32
      %parallel_loop3A_159 = arith.constant 0 : i32
      %parallel_loop3A_160 = arith.cmpi slt, %parallel_loop3A_147, %parallel_loop3A_159 : i32
      %parallel_loop3A_161 = arith.extui %parallel_loop3A_160 : i1 to i32
      %parallel_loop3A_162 = arith.subi %parallel_loop3A_158, %parallel_loop3A_161 : i32
      %parallel_loop3A_163 = arith.cmpi ne, %parallel_loop3A_155, %parallel_loop3A_162 : i32
      %parallel_loop3A_164 = arith.remsi %parallel_loop3A_144, %parallel_loop3A_147 : i32
      %parallel_loop3A_165 = arith.constant 0 : i32
      %parallel_loop3A_166 = arith.cmpi ne, %parallel_loop3A_164, %parallel_loop3A_165 : i32
      %parallel_loop3A_167 = arith.andi %parallel_loop3A_163, %parallel_loop3A_166 : i1
      %parallel_loop3A_168 = arith.constant 1 : i32
      %parallel_loop3A_169 = arith.subi %parallel_loop3A_148, %parallel_loop3A_168 : i32
      %parallel_loop3A_170 = arith.select %parallel_loop3A_167, %parallel_loop3A_169, %parallel_loop3A_148 : i32
      %parallel_loop3A_171 = arith.constant 512 : i32
      %parallel_loop3A_172 = arith.muli %parallel_loop3A_170, %parallel_loop3A_171 : i32
      %parallel_loop3A_173 = arith.constant 8 : i32
      %parallel_loop3A_174 = arith.constant 0 : i32
      %parallel_loop3A_175 = arith.cmpi eq, %parallel_loop3A_173, %parallel_loop3A_174 : i32
      %parallel_loop3A_176 = arith.constant 1 : i32
      %parallel_loop3A_177 = arith.select %parallel_loop3A_175, %parallel_loop3A_176, %parallel_loop3A_173 : i32
      %parallel_loop3A_178 = arith.remsi %parallel_loop3A_144, %parallel_loop3A_177 : i32
      %parallel_loop3A_179 = arith.constant 0 : i32
      %parallel_loop3A_180 = arith.cmpi ne, %parallel_loop3A_178, %parallel_loop3A_179 : i32
      %parallel_loop3A_181 = arith.constant 0 : i32
      %parallel_loop3A_182 = arith.cmpi slt, %parallel_loop3A_178, %parallel_loop3A_181 : i32
      %parallel_loop3A_183 = arith.constant 0 : i32
      %parallel_loop3A_184 = arith.cmpi slt, %parallel_loop3A_177, %parallel_loop3A_183 : i32
      %parallel_loop3A_185 = arith.xori %parallel_loop3A_182, %parallel_loop3A_184 : i1
      %parallel_loop3A_186 = arith.andi %parallel_loop3A_185, %parallel_loop3A_180 : i1
      %parallel_loop3A_187 = arith.addi %parallel_loop3A_178, %parallel_loop3A_177 : i32
      %parallel_loop3A_188 = arith.select %parallel_loop3A_186, %parallel_loop3A_187, %parallel_loop3A_178 : i32
      %parallel_loop3A_189 = arith.constant 16 : i32
      %parallel_loop3A_190 = arith.muli %parallel_loop3A_188, %parallel_loop3A_189 : i32
      %parallel_loop3A_191 = arith.addi %parallel_loop3A_172, %parallel_loop3A_190 : i32
      %parallel_loop3A_192 = arith.index_cast %parallel_loop3A_146 : i32 to index
      %parallel_loop3A_193 = tpu.vector_load %arg11[%parallel_loop3A_192] {strides = array<i32>} : memref<8192xf32, #tpu.memory_space<vmem>>, vector<16xf32>,
      %parallel_loop3A_194 = arith.mulf %parallel_loop3A_193, %mul3A_13 : vector<16xf32>
      %parallel_loop3A_195 = arith.constant 1022.99994 : f32
      %parallel_loop3A_196 = vector.broadcast %parallel_loop3A_195 : f32 to vector<16xf32>
      %parallel_loop3A_197 = arith.minimumf %parallel_loop3A_194, %parallel_loop3A_196 : vector<16xf32>
      %parallel_loop3A_198 = arith.fptosi %parallel_loop3A_197 : vector<16xf32> to vector<16xi32>
      %parallel_loop3A_199 = arith.sitofp %parallel_loop3A_198 : vector<16xi32> to vector<16xf32>
      %parallel_loop3A_200 = arith.subf %parallel_loop3A_197, %parallel_loop3A_199 : vector<16xf32>
      %parallel_loop3A_201 = arith.constant 0 : i32
      %parallel_loop3A_202 = vector.broadcast %parallel_loop3A_201 : i32 to vector<16xi32>
      %parallel_loop3A_203 = arith.addi %parallel_loop3A_198, %parallel_loop3A_202 : vector<16xi32>
      %parallel_loop3A_204 = tpu.vector_load_idx %arg9[%parallel_loop3A_203] : memref<3072xf32, #tpu.memory_space<vmem>>[vector<16xi32>], vector<16xf32>,
      %parallel_loop3A_205 = arith.constant 1 : i32
      %parallel_loop3A_206 = vector.broadcast %parallel_loop3A_205 : i32 to vector<16xi32>
      %parallel_loop3A_207 = arith.addi %parallel_loop3A_203, %parallel_loop3A_206 : vector<16xi32>
      %parallel_loop3A_208 = tpu.vector_load_idx %arg9[%parallel_loop3A_207] : memref<3072xf32, #tpu.memory_space<vmem>>[vector<16xi32>], vector<16xf32>,
      %parallel_loop3A_209 = arith.subf %parallel_loop3A_208, %parallel_loop3A_204 : vector<16xf32>
      %parallel_loop3A_210 = arith.mulf %parallel_loop3A_200, %parallel_loop3A_209 : vector<16xf32>
      %parallel_loop3A_211 = arith.addf %parallel_loop3A_204, %parallel_loop3A_210 : vector<16xf32>
      %parallel_loop3A_212 = arith.constant 0 : i32
      %parallel_loop3A_213 = arith.addi %parallel_loop3A_191, %parallel_loop3A_212 : i32
      %parallel_loop3A_214 = arith.index_cast %parallel_loop3A_213 : i32 to index
      %parallel_loop3A_215 = tpu.vector_load %arg17[%parallel_loop3A_214] {strides = array<i32>} : memref<32768xf32, #tpu.memory_space<vmem>>, vector<16xf32>,
      tpu.vector_store %arg17[%parallel_loop3A_214], %parallel_loop3A_211 {strides = array<i32>} : memref<32768xf32, #tpu.memory_space<vmem>>, vector<16xf32>,
      %parallel_loop3A_216 = arith.index_cast %parallel_loop3A_146 : i32 to index
      %parallel_loop3A_217 = tpu.vector_load %arg12[%parallel_loop3A_216] {strides = array<i32>} : memref<8192xf32, #tpu.memory_space<vmem>>, vector<16xf32>,
      %parallel_loop3A_218 = arith.mulf %parallel_loop3A_217, %mul3A_13 : vector<16xf32>
      %parallel_loop3A_219 = arith.constant 1022.99994 : f32
      %parallel_loop3A_220 = vector.broadcast %parallel_loop3A_219 : f32 to vector<16xf32>
      %parallel_loop3A_221 = arith.minimumf %parallel_loop3A_218, %parallel_loop3A_220 : vector<16xf32>
      %parallel_loop3A_222 = arith.fptosi %parallel_loop3A_221 : vector<16xf32> to vector<16xi32>
      %parallel_loop3A_223 = arith.sitofp %parallel_loop3A_222 : vector<16xi32> to vector<16xf32>
      %parallel_loop3A_224 = arith.subf %parallel_loop3A_221, %parallel_loop3A_223 : vector<16xf32>
      %parallel_loop3A_225 = arith.constant 1024 : i32
      %parallel_loop3A_226 = vector.broadcast %parallel_loop3A_225 : i32 to vector<16xi32>
      %parallel_loop3A_227 = arith.addi %parallel_loop3A_222, %parallel_loop3A_226 : vector<16xi32>
      %parallel_loop3A_228 = tpu.vector_load_idx %arg9[%parallel_loop3A_227] : memref<3072xf32, #tpu.memory_space<vmem>>[vector<16xi32>], vector<16xf32>,
      %parallel_loop3A_229 = arith.constant 1 : i32
      %parallel_loop3A_230 = vector.broadcast %parallel_loop3A_229 : i32 to vector<16xi32>
      %parallel_loop3A_231 = arith.addi %parallel_loop3A_227, %parallel_loop3A_230 : vector<16xi32>
      %parallel_loop3A_232 = tpu.vector_load_idx %arg9[%parallel_loop3A_231] : memref<3072xf32, #tpu.memory_space<vmem>>[vector<16xi32>], vector<16xf32>,
      %parallel_loop3A_233 = arith.subf %parallel_loop3A_232, %parallel_loop3A_228 : vector<16xf32>
      %parallel_loop3A_234 = arith.mulf %parallel_loop3A_224, %parallel_loop3A_233 : vector<16xf32>
      %parallel_loop3A_235 = arith.addf %parallel_loop3A_228, %parallel_loop3A_234 : vector<16xf32>
      %parallel_loop3A_236 = arith.constant 128 : i32
      %parallel_loop3A_237 = arith.addi %parallel_loop3A_191, %parallel_loop3A_236 : i32
      %parallel_loop3A_238 = arith.index_cast %parallel_loop3A_237 : i32 to index
      %parallel_loop3A_239 = tpu.vector_load %arg17[%parallel_loop3A_238] {strides = array<i32>} : memref<32768xf32, #tpu.memory_space<vmem>>, vector<16xf32>,
      tpu.vector_store %arg17[%parallel_loop3A_238], %parallel_loop3A_235 {strides = array<i32>} : memref<32768xf32, #tpu.memory_space<vmem>>, vector<16xf32>,
      %parallel_loop3A_240 = arith.index_cast %parallel_loop3A_146 : i32 to index
      %parallel_loop3A_241 = tpu.vector_load %arg13[%parallel_loop3A_240] {strides = array<i32>} : memref<8192xf32, #tpu.memory_space<vmem>>, vector<16xf32>,
      %parallel_loop3A_242 = arith.mulf %parallel_loop3A_241, %mul3A_13 : vector<16xf32>
      %parallel_loop3A_243 = arith.constant 1022.99994 : f32
      %parallel_loop3A_244 = vector.broadcast %parallel_loop3A_243 : f32 to vector<16xf32>
      %parallel_loop3A_245 = arith.minimumf %parallel_loop3A_242, %parallel_loop3A_244 : vector<16xf32>
      %parallel_loop3A_246 = arith.fptosi %parallel_loop3A_245 : vector<16xf32> to vector<16xi32>
      %parallel_loop3A_247 = arith.sitofp %parallel_loop3A_246 : vector<16xi32> to vector<16xf32>
      %parallel_loop3A_248 = arith.subf %parallel_loop3A_245, %parallel_loop3A_247 : vector<16xf32>
      %parallel_loop3A_249 = arith.constant 2048 : i32
      %parallel_loop3A_250 = vector.broadcast %parallel_loop3A_249 : i32 to vector<16xi32>
      %parallel_loop3A_251 = arith.addi %parallel_loop3A_246, %parallel_loop3A_250 : vector<16xi32>
      %parallel_loop3A_252 = tpu.vector_load_idx %arg9[%parallel_loop3A_251] : memref<3072xf32, #tpu.memory_space<vmem>>[vector<16xi32>], vector<16xf32>,
      %parallel_loop3A_253 = arith.constant 1 : i32
      %parallel_loop3A_254 = vector.broadcast %parallel_loop3A_253 : i32 to vector<16xi32>
      %parallel_loop3A_255 = arith.addi %parallel_loop3A_251, %parallel_loop3A_254 : vector<16xi32>
      %parallel_loop3A_256 = tpu.vector_load_idx %arg9[%parallel_loop3A_255] : memref<3072xf32, #tpu.memory_space<vmem>>[vector<16xi32>], vector<16xf32>,
      %parallel_loop3A_257 = arith.subf %parallel_loop3A_256, %parallel_loop3A_252 : vector<16xf32>
      %parallel_loop3A_258 = arith.mulf %parallel_loop3A_248, %parallel_loop3A_257 : vector<16xf32>
      %parallel_loop3A_259 = arith.addf %parallel_loop3A_252, %parallel_loop3A_258 : vector<16xf32>
      %parallel_loop3A_260 = arith.constant 256 : i32
      %parallel_loop3A_261 = arith.addi %parallel_loop3A_191, %parallel_loop3A_260 : i32
      %parallel_loop3A_262 = arith.index_cast %parallel_loop3A_261 : i32 to index
      %parallel_loop3A_263 = tpu.vector_load %arg17[%parallel_loop3A_262] {strides = array<i32>} : memref<32768xf32, #tpu.memory_space<vmem>>, vector<16xf32>,
      tpu.vector_store %arg17[%parallel_loop3A_262], %parallel_loop3A_259 {strides = array<i32>} : memref<32768xf32, #tpu.memory_space<vmem>>, vector<16xf32>,
    } {sc.loop_unroll_factor = 2 : i64, sc.parallel_access}
    %add3A_31 = arith.constant 0 : i32
    %add3A_32 = arith.addi %mul3A_2, %add3A_31 : i32
    %mul3A_33 = arith.constant 4 : i32
    %mul3A_34 = arith.muli %add3A_32, %mul3A_33 : i32
    %add3A_35 = arith.constant 4194304 : i32
    %add3A_36 = arith.addi %add3A_35, %mul3A_34 : i32
    %dma_start3A_37 = tpu.memref_slice %arg7[%add3A_36] : memref<8388608xf32, #tpu.memory_space<hbm>> -> memref<32768xf32, #tpu.memory_space<hbm>>
    %dma_start3A_38 = tpu.memref_slice %arg7[%add3A_36] : memref<8388608xf32, #tpu.memory_space<hbm>> -> memref<32768xf32, #tpu.memory_space<hbm>>
    tpu.enqueue_dma source(%arg17 : memref<32768xf32, #tpu.memory_space<vmem>>) target(%dma_start3A_38 : memref<32768xf32, #tpu.memory_space<hbm>>) target_semaphore(%arg21 : memref<!tpu.dma_semaphore, #tpu.memory_space<semaphore_mem>>)
    %add3A_39 = arith.constant 8192 : i32
    %add3A_40 = arith.addi %mul3A_2, %add3A_39 : i32
    %dma_wait3A_41 = tpu.memref_slice %arg2[%add3A_40] : memref<1048576xf32, #tpu.memory_space<hbm>> -> memref<8192xf32, #tpu.memory_space<hbm>>
    %dma_wait3A_42 = tpu.memref_slice %arg2[%add3A_40] : memref<1048576xf32, #tpu.memory_space<hbm>> -> memref<8192xf32, #tpu.memory_space<hbm>>
    tpu.wait_dma2 semaphore(%arg20 : memref<!tpu.dma_semaphore, #tpu.memory_space<semaphore_mem>>) src(%dma_wait3A_42 : memref<8192xf32, #tpu.memory_space<hbm>>) dst(%arg14 : memref<8192xf32, #tpu.memory_space<vmem>>)
    %dma_wait3A_43 = tpu.memref_slice %arg3[%add3A_40] : memref<1048576xf32, #tpu.memory_space<hbm>> -> memref<8192xf32, #tpu.memory_space<hbm>>
    %dma_wait3A_44 = tpu.memref_slice %arg3[%add3A_40] : memref<1048576xf32, #tpu.memory_space<hbm>> -> memref<8192xf32, #tpu.memory_space<hbm>>
    tpu.wait_dma2 semaphore(%arg20 : memref<!tpu.dma_semaphore, #tpu.memory_space<semaphore_mem>>) src(%dma_wait3A_44 : memref<8192xf32, #tpu.memory_space<hbm>>) dst(%arg15 : memref<8192xf32, #tpu.memory_space<vmem>>)
    %dma_wait3A_45 = tpu.memref_slice %arg4[%add3A_40] : memref<1048576xf32, #tpu.memory_space<hbm>> -> memref<8192xf32, #tpu.memory_space<hbm>>
    %dma_wait3A_46 = tpu.memref_slice %arg4[%add3A_40] : memref<1048576xf32, #tpu.memory_space<hbm>> -> memref<8192xf32, #tpu.memory_space<hbm>>
    tpu.wait_dma2 semaphore(%arg20 : memref<!tpu.dma_semaphore, #tpu.memory_space<semaphore_mem>>) src(%dma_wait3A_46 : memref<8192xf32, #tpu.memory_space<hbm>>) dst(%arg16 : memref<8192xf32, #tpu.memory_space<vmem>>)
    %add3A_47 = arith.constant 16384 : i32
    %add3A_48 = arith.addi %mul3A_2, %add3A_47 : i32
    %dma_start3A_49 = tpu.memref_slice %arg2[%add3A_48] : memref<1048576xf32, #tpu.memory_space<hbm>> -> memref<8192xf32, #tpu.memory_space<hbm>>
    %dma_start3A_50 = tpu.memref_slice %arg2[%add3A_48] : memref<1048576xf32, #tpu.memory_space<hbm>> -> memref<8192xf32, #tpu.memory_space<hbm>>
    tpu.enqueue_dma source(%dma_start3A_50 : memref<8192xf32, #tpu.memory_space<hbm>>) target(%arg11 : memref<8192xf32, #tpu.memory_space<vmem>>) target_semaphore(%arg19 : memref<!tpu.dma_semaphore, #tpu.memory_space<semaphore_mem>>)
    %dma_start3A_51 = tpu.memref_slice %arg3[%add3A_48] : memref<1048576xf32, #tpu.memory_space<hbm>> -> memref<8192xf32, #tpu.memory_space<hbm>>
    %dma_start3A_52 = tpu.memref_slice %arg3[%add3A_48] : memref<1048576xf32, #tpu.memory_space<hbm>> -> memref<8192xf32, #tpu.memory_space<hbm>>
    tpu.enqueue_dma source(%dma_start3A_52 : memref<8192xf32, #tpu.memory_space<hbm>>) target(%arg12 : memref<8192xf32, #tpu.memory_space<vmem>>) target_semaphore(%arg19 : memref<!tpu.dma_semaphore, #tpu.memory_space<semaphore_mem>>)
    %dma_start3A_53 = tpu.memref_slice %arg4[%add3A_48] : memref<1048576xf32, #tpu.memory_space<hbm>> -> memref<8192xf32, #tpu.memory_space<hbm>>
    %dma_start3A_54 = tpu.memref_slice %arg4[%add3A_48] : memref<1048576xf32, #tpu.memory_space<hbm>> -> memref<8192xf32, #tpu.memory_space<hbm>>
    tpu.enqueue_dma source(%dma_start3A_54 : memref<8192xf32, #tpu.memory_space<hbm>>) target(%arg13 : memref<8192xf32, #tpu.memory_space<vmem>>) target_semaphore(%arg19 : memref<!tpu.dma_semaphore, #tpu.memory_space<semaphore_mem>>)
    %parallel_loop3A_55 = arith.constant 0 : i32
    %parallel_loop3A_56 = arith.constant 512 : i32
    %parallel_loop3A_57 = arith.constant 1 : i32
    scf.for %parallel_loop3A_144 = %parallel_loop3A_55 to %parallel_loop3A_56 step %parallel_loop3A_57  : i32 {
      %parallel_loop3A_145 = arith.constant 16 : i32
      %parallel_loop3A_146 = arith.muli %parallel_loop3A_144, %parallel_loop3A_145 : i32
      %parallel_loop3A_147 = arith.constant 8 : i32
      %parallel_loop3A_148 = arith.divsi %parallel_loop3A_144, %parallel_loop3A_147 : i32
      %parallel_loop3A_149 = arith.constant 0 : i32
      %parallel_loop3A_150 = arith.cmpi sgt, %parallel_loop3A_144, %parallel_loop3A_149 : i32
      %parallel_loop3A_151 = arith.extui %parallel_loop3A_150 : i1 to i32
      %parallel_loop3A_152 = arith.constant 0 : i32
      %parallel_loop3A_153 = arith.cmpi slt, %parallel_loop3A_144, %parallel_loop3A_152 : i32
      %parallel_loop3A_154 = arith.extui %parallel_loop3A_153 : i1 to i32
      %parallel_loop3A_155 = arith.subi %parallel_loop3A_151, %parallel_loop3A_154 : i32
      %parallel_loop3A_156 = arith.constant 0 : i32
      %parallel_loop3A_157 = arith.cmpi sgt, %parallel_loop3A_147, %parallel_loop3A_156 : i32
      %parallel_loop3A_158 = arith.extui %parallel_loop3A_157 : i1 to i32
      %parallel_loop3A_159 = arith.constant 0 : i32
      %parallel_loop3A_160 = arith.cmpi slt, %parallel_loop3A_147, %parallel_loop3A_159 : i32
      %parallel_loop3A_161 = arith.extui %parallel_loop3A_160 : i1 to i32
      %parallel_loop3A_162 = arith.subi %parallel_loop3A_158, %parallel_loop3A_161 : i32
      %parallel_loop3A_163 = arith.cmpi ne, %parallel_loop3A_155, %parallel_loop3A_162 : i32
      %parallel_loop3A_164 = arith.remsi %parallel_loop3A_144, %parallel_loop3A_147 : i32
      %parallel_loop3A_165 = arith.constant 0 : i32
      %parallel_loop3A_166 = arith.cmpi ne, %parallel_loop3A_164, %parallel_loop3A_165 : i32
      %parallel_loop3A_167 = arith.andi %parallel_loop3A_163, %parallel_loop3A_166 : i1
      %parallel_loop3A_168 = arith.constant 1 : i32
      %parallel_loop3A_169 = arith.subi %parallel_loop3A_148, %parallel_loop3A_168 : i32
      %parallel_loop3A_170 = arith.select %parallel_loop3A_167, %parallel_loop3A_169, %parallel_loop3A_148 : i32
      %parallel_loop3A_171 = arith.constant 512 : i32
      %parallel_loop3A_172 = arith.muli %parallel_loop3A_170, %parallel_loop3A_171 : i32
      %parallel_loop3A_173 = arith.constant 8 : i32
      %parallel_loop3A_174 = arith.constant 0 : i32
      %parallel_loop3A_175 = arith.cmpi eq, %parallel_loop3A_173, %parallel_loop3A_174 : i32
      %parallel_loop3A_176 = arith.constant 1 : i32
      %parallel_loop3A_177 = arith.select %parallel_loop3A_175, %parallel_loop3A_176, %parallel_loop3A_173 : i32
      %parallel_loop3A_178 = arith.remsi %parallel_loop3A_144, %parallel_loop3A_177 : i32
      %parallel_loop3A_179 = arith.constant 0 : i32
      %parallel_loop3A_180 = arith.cmpi ne, %parallel_loop3A_178, %parallel_loop3A_179 : i32
      %parallel_loop3A_181 = arith.constant 0 : i32
      %parallel_loop3A_182 = arith.cmpi slt, %parallel_loop3A_178, %parallel_loop3A_181 : i32
      %parallel_loop3A_183 = arith.constant 0 : i32
      %parallel_loop3A_184 = arith.cmpi slt, %parallel_loop3A_177, %parallel_loop3A_183 : i32
      %parallel_loop3A_185 = arith.xori %parallel_loop3A_182, %parallel_loop3A_184 : i1
      %parallel_loop3A_186 = arith.andi %parallel_loop3A_185, %parallel_loop3A_180 : i1
      %parallel_loop3A_187 = arith.addi %parallel_loop3A_178, %parallel_loop3A_177 : i32
      %parallel_loop3A_188 = arith.select %parallel_loop3A_186, %parallel_loop3A_187, %parallel_loop3A_178 : i32
      %parallel_loop3A_189 = arith.constant 16 : i32
      %parallel_loop3A_190 = arith.muli %parallel_loop3A_188, %parallel_loop3A_189 : i32
      %parallel_loop3A_191 = arith.addi %parallel_loop3A_172, %parallel_loop3A_190 : i32
      %parallel_loop3A_192 = arith.index_cast %parallel_loop3A_146 : i32 to index
      %parallel_loop3A_193 = tpu.vector_load %arg14[%parallel_loop3A_192] {strides = array<i32>} : memref<8192xf32, #tpu.memory_space<vmem>>, vector<16xf32>,
      %parallel_loop3A_194 = arith.mulf %parallel_loop3A_193, %mul3A_13 : vector<16xf32>
      %parallel_loop3A_195 = arith.constant 1022.99994 : f32
      %parallel_loop3A_196 = vector.broadcast %parallel_loop3A_195 : f32 to vector<16xf32>
      %parallel_loop3A_197 = arith.minimumf %parallel_loop3A_194, %parallel_loop3A_196 : vector<16xf32>
      %parallel_loop3A_198 = arith.fptosi %parallel_loop3A_197 : vector<16xf32> to vector<16xi32>
      %parallel_loop3A_199 = arith.sitofp %parallel_loop3A_198 : vector<16xi32> to vector<16xf32>
      %parallel_loop3A_200 = arith.subf %parallel_loop3A_197, %parallel_loop3A_199 : vector<16xf32>
      %parallel_loop3A_201 = arith.constant 0 : i32
      %parallel_loop3A_202 = vector.broadcast %parallel_loop3A_201 : i32 to vector<16xi32>
      %parallel_loop3A_203 = arith.addi %parallel_loop3A_198, %parallel_loop3A_202 : vector<16xi32>
      %parallel_loop3A_204 = tpu.vector_load_idx %arg9[%parallel_loop3A_203] : memref<3072xf32, #tpu.memory_space<vmem>>[vector<16xi32>], vector<16xf32>,
      %parallel_loop3A_205 = arith.constant 1 : i32
      %parallel_loop3A_206 = vector.broadcast %parallel_loop3A_205 : i32 to vector<16xi32>
      %parallel_loop3A_207 = arith.addi %parallel_loop3A_203, %parallel_loop3A_206 : vector<16xi32>
      %parallel_loop3A_208 = tpu.vector_load_idx %arg9[%parallel_loop3A_207] : memref<3072xf32, #tpu.memory_space<vmem>>[vector<16xi32>], vector<16xf32>,
      %parallel_loop3A_209 = arith.subf %parallel_loop3A_208, %parallel_loop3A_204 : vector<16xf32>
      %parallel_loop3A_210 = arith.mulf %parallel_loop3A_200, %parallel_loop3A_209 : vector<16xf32>
      %parallel_loop3A_211 = arith.addf %parallel_loop3A_204, %parallel_loop3A_210 : vector<16xf32>
      %parallel_loop3A_212 = arith.constant 0 : i32
      %parallel_loop3A_213 = arith.addi %parallel_loop3A_191, %parallel_loop3A_212 : i32
      %parallel_loop3A_214 = arith.index_cast %parallel_loop3A_213 : i32 to index
      %parallel_loop3A_215 = tpu.vector_load %arg18[%parallel_loop3A_214] {strides = array<i32>} : memref<32768xf32, #tpu.memory_space<vmem>>, vector<16xf32>,
      tpu.vector_store %arg18[%parallel_loop3A_214], %parallel_loop3A_211 {strides = array<i32>} : memref<32768xf32, #tpu.memory_space<vmem>>, vector<16xf32>,
      %parallel_loop3A_216 = arith.index_cast %parallel_loop3A_146 : i32 to index
      %parallel_loop3A_217 = tpu.vector_load %arg15[%parallel_loop3A_216] {strides = array<i32>} : memref<8192xf32, #tpu.memory_space<vmem>>, vector<16xf32>,
      %parallel_loop3A_218 = arith.mulf %parallel_loop3A_217, %mul3A_13 : vector<16xf32>
      %parallel_loop3A_219 = arith.constant 1022.99994 : f32
      %parallel_loop3A_220 = vector.broadcast %parallel_loop3A_219 : f32 to vector<16xf32>
      %parallel_loop3A_221 = arith.minimumf %parallel_loop3A_218, %parallel_loop3A_220 : vector<16xf32>
      %parallel_loop3A_222 = arith.fptosi %parallel_loop3A_221 : vector<16xf32> to vector<16xi32>
      %parallel_loop3A_223 = arith.sitofp %parallel_loop3A_222 : vector<16xi32> to vector<16xf32>
      %parallel_loop3A_224 = arith.subf %parallel_loop3A_221, %parallel_loop3A_223 : vector<16xf32>
      %parallel_loop3A_225 = arith.constant 1024 : i32
      %parallel_loop3A_226 = vector.broadcast %parallel_loop3A_225 : i32 to vector<16xi32>
      %parallel_loop3A_227 = arith.addi %parallel_loop3A_222, %parallel_loop3A_226 : vector<16xi32>
      %parallel_loop3A_228 = tpu.vector_load_idx %arg9[%parallel_loop3A_227] : memref<3072xf32, #tpu.memory_space<vmem>>[vector<16xi32>], vector<16xf32>,
      %parallel_loop3A_229 = arith.constant 1 : i32
      %parallel_loop3A_230 = vector.broadcast %parallel_loop3A_229 : i32 to vector<16xi32>
      %parallel_loop3A_231 = arith.addi %parallel_loop3A_227, %parallel_loop3A_230 : vector<16xi32>
      %parallel_loop3A_232 = tpu.vector_load_idx %arg9[%parallel_loop3A_231] : memref<3072xf32, #tpu.memory_space<vmem>>[vector<16xi32>], vector<16xf32>,
      %parallel_loop3A_233 = arith.subf %parallel_loop3A_232, %parallel_loop3A_228 : vector<16xf32>
      %parallel_loop3A_234 = arith.mulf %parallel_loop3A_224, %parallel_loop3A_233 : vector<16xf32>
      %parallel_loop3A_235 = arith.addf %parallel_loop3A_228, %parallel_loop3A_234 : vector<16xf32>
      %parallel_loop3A_236 = arith.constant 128 : i32
      %parallel_loop3A_237 = arith.addi %parallel_loop3A_191, %parallel_loop3A_236 : i32
      %parallel_loop3A_238 = arith.index_cast %parallel_loop3A_237 : i32 to index
      %parallel_loop3A_239 = tpu.vector_load %arg18[%parallel_loop3A_238] {strides = array<i32>} : memref<32768xf32, #tpu.memory_space<vmem>>, vector<16xf32>,
      tpu.vector_store %arg18[%parallel_loop3A_238], %parallel_loop3A_235 {strides = array<i32>} : memref<32768xf32, #tpu.memory_space<vmem>>, vector<16xf32>,
      %parallel_loop3A_240 = arith.index_cast %parallel_loop3A_146 : i32 to index
      %parallel_loop3A_241 = tpu.vector_load %arg16[%parallel_loop3A_240] {strides = array<i32>} : memref<8192xf32, #tpu.memory_space<vmem>>, vector<16xf32>,
      %parallel_loop3A_242 = arith.mulf %parallel_loop3A_241, %mul3A_13 : vector<16xf32>
      %parallel_loop3A_243 = arith.constant 1022.99994 : f32
      %parallel_loop3A_244 = vector.broadcast %parallel_loop3A_243 : f32 to vector<16xf32>
      %parallel_loop3A_245 = arith.minimumf %parallel_loop3A_242, %parallel_loop3A_244 : vector<16xf32>
      %parallel_loop3A_246 = arith.fptosi %parallel_loop3A_245 : vector<16xf32> to vector<16xi32>
      %parallel_loop3A_247 = arith.sitofp %parallel_loop3A_246 : vector<16xi32> to vector<16xf32>
      %parallel_loop3A_248 = arith.subf %parallel_loop3A_245, %parallel_loop3A_247 : vector<16xf32>
      %parallel_loop3A_249 = arith.constant 2048 : i32
      %parallel_loop3A_250 = vector.broadcast %parallel_loop3A_249 : i32 to vector<16xi32>
      %parallel_loop3A_251 = arith.addi %parallel_loop3A_246, %parallel_loop3A_250 : vector<16xi32>
      %parallel_loop3A_252 = tpu.vector_load_idx %arg9[%parallel_loop3A_251] : memref<3072xf32, #tpu.memory_space<vmem>>[vector<16xi32>], vector<16xf32>,
      %parallel_loop3A_253 = arith.constant 1 : i32
      %parallel_loop3A_254 = vector.broadcast %parallel_loop3A_253 : i32 to vector<16xi32>
      %parallel_loop3A_255 = arith.addi %parallel_loop3A_251, %parallel_loop3A_254 : vector<16xi32>
      %parallel_loop3A_256 = tpu.vector_load_idx %arg9[%parallel_loop3A_255] : memref<3072xf32, #tpu.memory_space<vmem>>[vector<16xi32>], vector<16xf32>,
      %parallel_loop3A_257 = arith.subf %parallel_loop3A_256, %parallel_loop3A_252 : vector<16xf32>
      %parallel_loop3A_258 = arith.mulf %parallel_loop3A_248, %parallel_loop3A_257 : vector<16xf32>
      %parallel_loop3A_259 = arith.addf %parallel_loop3A_252, %parallel_loop3A_258 : vector<16xf32>
      %parallel_loop3A_260 = arith.constant 256 : i32
      %parallel_loop3A_261 = arith.addi %parallel_loop3A_191, %parallel_loop3A_260 : i32
      %parallel_loop3A_262 = arith.index_cast %parallel_loop3A_261 : i32 to index
      %parallel_loop3A_263 = tpu.vector_load %arg18[%parallel_loop3A_262] {strides = array<i32>} : memref<32768xf32, #tpu.memory_space<vmem>>, vector<16xf32>,
      tpu.vector_store %arg18[%parallel_loop3A_262], %parallel_loop3A_259 {strides = array<i32>} : memref<32768xf32, #tpu.memory_space<vmem>>, vector<16xf32>,
    } {sc.loop_unroll_factor = 2 : i64, sc.parallel_access}
    %add3A_58 = arith.constant 8192 : i32
    %add3A_59 = arith.addi %mul3A_2, %add3A_58 : i32
    %mul3A_60 = arith.constant 4 : i32
    %mul3A_61 = arith.muli %add3A_59, %mul3A_60 : i32
    %add3A_62 = arith.constant 4194304 : i32
    %add3A_63 = arith.addi %add3A_62, %mul3A_61 : i32
    %dma_start3A_64 = tpu.memref_slice %arg7[%add3A_63] : memref<8388608xf32, #tpu.memory_space<hbm>> -> memref<32768xf32, #tpu.memory_space<hbm>>
    %dma_start3A_65 = tpu.memref_slice %arg7[%add3A_63] : memref<8388608xf32, #tpu.memory_space<hbm>> -> memref<32768xf32, #tpu.memory_space<hbm>>
    tpu.enqueue_dma source(%arg18 : memref<32768xf32, #tpu.memory_space<vmem>>) target(%dma_start3A_65 : memref<32768xf32, #tpu.memory_space<hbm>>) target_semaphore(%arg22 : memref<!tpu.dma_semaphore, #tpu.memory_space<semaphore_mem>>)
    %add3A_66 = arith.constant 16384 : i32
    %add3A_67 = arith.addi %mul3A_2, %add3A_66 : i32
    %dma_wait3A_68 = tpu.memref_slice %arg2[%add3A_67] : memref<1048576xf32, #tpu.memory_space<hbm>> -> memref<8192xf32, #tpu.memory_space<hbm>>
    %dma_wait3A_69 = tpu.memref_slice %arg2[%add3A_67] : memref<1048576xf32, #tpu.memory_space<hbm>> -> memref<8192xf32, #tpu.memory_space<hbm>>
    tpu.wait_dma2 semaphore(%arg19 : memref<!tpu.dma_semaphore, #tpu.memory_space<semaphore_mem>>) src(%dma_wait3A_69 : memref<8192xf32, #tpu.memory_space<hbm>>) dst(%arg11 : memref<8192xf32, #tpu.memory_space<vmem>>)
    %dma_wait3A_70 = tpu.memref_slice %arg3[%add3A_67] : memref<1048576xf32, #tpu.memory_space<hbm>> -> memref<8192xf32, #tpu.memory_space<hbm>>
    %dma_wait3A_71 = tpu.memref_slice %arg3[%add3A_67] : memref<1048576xf32, #tpu.memory_space<hbm>> -> memref<8192xf32, #tpu.memory_space<hbm>>
    tpu.wait_dma2 semaphore(%arg19 : memref<!tpu.dma_semaphore, #tpu.memory_space<semaphore_mem>>) src(%dma_wait3A_71 : memref<8192xf32, #tpu.memory_space<hbm>>) dst(%arg12 : memref<8192xf32, #tpu.memory_space<vmem>>)
    %dma_wait3A_72 = tpu.memref_slice %arg4[%add3A_67] : memref<1048576xf32, #tpu.memory_space<hbm>> -> memref<8192xf32, #tpu.memory_space<hbm>>
    %dma_wait3A_73 = tpu.memref_slice %arg4[%add3A_67] : memref<1048576xf32, #tpu.memory_space<hbm>> -> memref<8192xf32, #tpu.memory_space<hbm>>
    tpu.wait_dma2 semaphore(%arg19 : memref<!tpu.dma_semaphore, #tpu.memory_space<semaphore_mem>>) src(%dma_wait3A_73 : memref<8192xf32, #tpu.memory_space<hbm>>) dst(%arg13 : memref<8192xf32, #tpu.memory_space<vmem>>)
    %add3A_74 = arith.constant 24576 : i32
    %add3A_75 = arith.addi %mul3A_2, %add3A_74 : i32
    %dma_start3A_76 = tpu.memref_slice %arg2[%add3A_75] : memref<1048576xf32, #tpu.memory_space<hbm>> -> memref<8192xf32, #tpu.memory_space<hbm>>
    %dma_start3A_77 = tpu.memref_slice %arg2[%add3A_75] : memref<1048576xf32, #tpu.memory_space<hbm>> -> memref<8192xf32, #tpu.memory_space<hbm>>
    tpu.enqueue_dma source(%dma_start3A_77 : memref<8192xf32, #tpu.memory_space<hbm>>) target(%arg14 : memref<8192xf32, #tpu.memory_space<vmem>>) target_semaphore(%arg20 : memref<!tpu.dma_semaphore, #tpu.memory_space<semaphore_mem>>)
    %dma_start3A_78 = tpu.memref_slice %arg3[%add3A_75] : memref<1048576xf32, #tpu.memory_space<hbm>> -> memref<8192xf32, #tpu.memory_space<hbm>>
    %dma_start3A_79 = tpu.memref_slice %arg3[%add3A_75] : memref<1048576xf32, #tpu.memory_space<hbm>> -> memref<8192xf32, #tpu.memory_space<hbm>>
    tpu.enqueue_dma source(%dma_start3A_79 : memref<8192xf32, #tpu.memory_space<hbm>>) target(%arg15 : memref<8192xf32, #tpu.memory_space<vmem>>) target_semaphore(%arg20 : memref<!tpu.dma_semaphore, #tpu.memory_space<semaphore_mem>>)
    %dma_start3A_80 = tpu.memref_slice %arg4[%add3A_75] : memref<1048576xf32, #tpu.memory_space<hbm>> -> memref<8192xf32, #tpu.memory_space<hbm>>
    %dma_start3A_81 = tpu.memref_slice %arg4[%add3A_75] : memref<1048576xf32, #tpu.memory_space<hbm>> -> memref<8192xf32, #tpu.memory_space<hbm>>
    tpu.enqueue_dma source(%dma_start3A_81 : memref<8192xf32, #tpu.memory_space<hbm>>) target(%arg16 : memref<8192xf32, #tpu.memory_space<vmem>>) target_semaphore(%arg20 : memref<!tpu.dma_semaphore, #tpu.memory_space<semaphore_mem>>)
    %add3A_82 = arith.constant 0 : i32
    %add3A_83 = arith.addi %mul3A_2, %add3A_82 : i32
    %mul3A_84 = arith.constant 4 : i32
    %mul3A_85 = arith.muli %add3A_83, %mul3A_84 : i32
    %add3A_86 = arith.constant 4194304 : i32
    %add3A_87 = arith.addi %add3A_86, %mul3A_85 : i32
    %dma_wait3A_88 = tpu.memref_slice %arg7[%add3A_87] : memref<8388608xf32, #tpu.memory_space<hbm>> -> memref<32768xf32, #tpu.memory_space<hbm>>
    %dma_wait3A_89 = tpu.memref_slice %arg7[%add3A_87] : memref<8388608xf32, #tpu.memory_space<hbm>> -> memref<32768xf32, #tpu.memory_space<hbm>>
    tpu.wait_dma2 semaphore(%arg21 : memref<!tpu.dma_semaphore, #tpu.memory_space<semaphore_mem>>) src(%arg17 : memref<32768xf32, #tpu.memory_space<vmem>>) dst(%dma_wait3A_89 : memref<32768xf32, #tpu.memory_space<hbm>>)
    %parallel_loop3A_90 = arith.constant 0 : i32
    %parallel_loop3A_91 = arith.constant 512 : i32
    %parallel_loop3A_92 = arith.constant 1 : i32
    scf.for %parallel_loop3A_144 = %parallel_loop3A_90 to %parallel_loop3A_91 step %parallel_loop3A_92  : i32 {
      %parallel_loop3A_145 = arith.constant 16 : i32
      %parallel_loop3A_146 = arith.muli %parallel_loop3A_144, %parallel_loop3A_145 : i32
      %parallel_loop3A_147 = arith.constant 8 : i32
      %parallel_loop3A_148 = arith.divsi %parallel_loop3A_144, %parallel_loop3A_147 : i32
      %parallel_loop3A_149 = arith.constant 0 : i32
      %parallel_loop3A_150 = arith.cmpi sgt, %parallel_loop3A_144, %parallel_loop3A_149 : i32
      %parallel_loop3A_151 = arith.extui %parallel_loop3A_150 : i1 to i32
      %parallel_loop3A_152 = arith.constant 0 : i32
      %parallel_loop3A_153 = arith.cmpi slt, %parallel_loop3A_144, %parallel_loop3A_152 : i32
      %parallel_loop3A_154 = arith.extui %parallel_loop3A_153 : i1 to i32
      %parallel_loop3A_155 = arith.subi %parallel_loop3A_151, %parallel_loop3A_154 : i32
      %parallel_loop3A_156 = arith.constant 0 : i32
      %parallel_loop3A_157 = arith.cmpi sgt, %parallel_loop3A_147, %parallel_loop3A_156 : i32
      %parallel_loop3A_158 = arith.extui %parallel_loop3A_157 : i1 to i32
      %parallel_loop3A_159 = arith.constant 0 : i32
      %parallel_loop3A_160 = arith.cmpi slt, %parallel_loop3A_147, %parallel_loop3A_159 : i32
      %parallel_loop3A_161 = arith.extui %parallel_loop3A_160 : i1 to i32
      %parallel_loop3A_162 = arith.subi %parallel_loop3A_158, %parallel_loop3A_161 : i32
      %parallel_loop3A_163 = arith.cmpi ne, %parallel_loop3A_155, %parallel_loop3A_162 : i32
      %parallel_loop3A_164 = arith.remsi %parallel_loop3A_144, %parallel_loop3A_147 : i32
      %parallel_loop3A_165 = arith.constant 0 : i32
      %parallel_loop3A_166 = arith.cmpi ne, %parallel_loop3A_164, %parallel_loop3A_165 : i32
      %parallel_loop3A_167 = arith.andi %parallel_loop3A_163, %parallel_loop3A_166 : i1
      %parallel_loop3A_168 = arith.constant 1 : i32
      %parallel_loop3A_169 = arith.subi %parallel_loop3A_148, %parallel_loop3A_168 : i32
      %parallel_loop3A_170 = arith.select %parallel_loop3A_167, %parallel_loop3A_169, %parallel_loop3A_148 : i32
      %parallel_loop3A_171 = arith.constant 512 : i32
      %parallel_loop3A_172 = arith.muli %parallel_loop3A_170, %parallel_loop3A_171 : i32
      %parallel_loop3A_173 = arith.constant 8 : i32
      %parallel_loop3A_174 = arith.constant 0 : i32
      %parallel_loop3A_175 = arith.cmpi eq, %parallel_loop3A_173, %parallel_loop3A_174 : i32
      %parallel_loop3A_176 = arith.constant 1 : i32
      %parallel_loop3A_177 = arith.select %parallel_loop3A_175, %parallel_loop3A_176, %parallel_loop3A_173 : i32
      %parallel_loop3A_178 = arith.remsi %parallel_loop3A_144, %parallel_loop3A_177 : i32
      %parallel_loop3A_179 = arith.constant 0 : i32
      %parallel_loop3A_180 = arith.cmpi ne, %parallel_loop3A_178, %parallel_loop3A_179 : i32
      %parallel_loop3A_181 = arith.constant 0 : i32
      %parallel_loop3A_182 = arith.cmpi slt, %parallel_loop3A_178, %parallel_loop3A_181 : i32
      %parallel_loop3A_183 = arith.constant 0 : i32
      %parallel_loop3A_184 = arith.cmpi slt, %parallel_loop3A_177, %parallel_loop3A_183 : i32
      %parallel_loop3A_185 = arith.xori %parallel_loop3A_182, %parallel_loop3A_184 : i1
      %parallel_loop3A_186 = arith.andi %parallel_loop3A_185, %parallel_loop3A_180 : i1
      %parallel_loop3A_187 = arith.addi %parallel_loop3A_178, %parallel_loop3A_177 : i32
      %parallel_loop3A_188 = arith.select %parallel_loop3A_186, %parallel_loop3A_187, %parallel_loop3A_178 : i32
      %parallel_loop3A_189 = arith.constant 16 : i32
      %parallel_loop3A_190 = arith.muli %parallel_loop3A_188, %parallel_loop3A_189 : i32
      %parallel_loop3A_191 = arith.addi %parallel_loop3A_172, %parallel_loop3A_190 : i32
      %parallel_loop3A_192 = arith.index_cast %parallel_loop3A_146 : i32 to index
      %parallel_loop3A_193 = tpu.vector_load %arg11[%parallel_loop3A_192] {strides = array<i32>} : memref<8192xf32, #tpu.memory_space<vmem>>, vector<16xf32>,
      %parallel_loop3A_194 = arith.mulf %parallel_loop3A_193, %mul3A_13 : vector<16xf32>
      %parallel_loop3A_195 = arith.constant 1022.99994 : f32
      %parallel_loop3A_196 = vector.broadcast %parallel_loop3A_195 : f32 to vector<16xf32>
      %parallel_loop3A_197 = arith.minimumf %parallel_loop3A_194, %parallel_loop3A_196 : vector<16xf32>
      %parallel_loop3A_198 = arith.fptosi %parallel_loop3A_197 : vector<16xf32> to vector<16xi32>
      %parallel_loop3A_199 = arith.sitofp %parallel_loop3A_198 : vector<16xi32> to vector<16xf32>
      %parallel_loop3A_200 = arith.subf %parallel_loop3A_197, %parallel_loop3A_199 : vector<16xf32>
      %parallel_loop3A_201 = arith.constant 0 : i32
      %parallel_loop3A_202 = vector.broadcast %parallel_loop3A_201 : i32 to vector<16xi32>
      %parallel_loop3A_203 = arith.addi %parallel_loop3A_198, %parallel_loop3A_202 : vector<16xi32>
      %parallel_loop3A_204 = tpu.vector_load_idx %arg9[%parallel_loop3A_203] : memref<3072xf32, #tpu.memory_space<vmem>>[vector<16xi32>], vector<16xf32>,
      %parallel_loop3A_205 = arith.constant 1 : i32
      %parallel_loop3A_206 = vector.broadcast %parallel_loop3A_205 : i32 to vector<16xi32>
      %parallel_loop3A_207 = arith.addi %parallel_loop3A_203, %parallel_loop3A_206 : vector<16xi32>
      %parallel_loop3A_208 = tpu.vector_load_idx %arg9[%parallel_loop3A_207] : memref<3072xf32, #tpu.memory_space<vmem>>[vector<16xi32>], vector<16xf32>,
      %parallel_loop3A_209 = arith.subf %parallel_loop3A_208, %parallel_loop3A_204 : vector<16xf32>
      %parallel_loop3A_210 = arith.mulf %parallel_loop3A_200, %parallel_loop3A_209 : vector<16xf32>
      %parallel_loop3A_211 = arith.addf %parallel_loop3A_204, %parallel_loop3A_210 : vector<16xf32>
      %parallel_loop3A_212 = arith.constant 0 : i32
      %parallel_loop3A_213 = arith.addi %parallel_loop3A_191, %parallel_loop3A_212 : i32
      %parallel_loop3A_214 = arith.index_cast %parallel_loop3A_213 : i32 to index
      %parallel_loop3A_215 = tpu.vector_load %arg17[%parallel_loop3A_214] {strides = array<i32>} : memref<32768xf32, #tpu.memory_space<vmem>>, vector<16xf32>,
      tpu.vector_store %arg17[%parallel_loop3A_214], %parallel_loop3A_211 {strides = array<i32>} : memref<32768xf32, #tpu.memory_space<vmem>>, vector<16xf32>,
      %parallel_loop3A_216 = arith.index_cast %parallel_loop3A_146 : i32 to index
      %parallel_loop3A_217 = tpu.vector_load %arg12[%parallel_loop3A_216] {strides = array<i32>} : memref<8192xf32, #tpu.memory_space<vmem>>, vector<16xf32>,
      %parallel_loop3A_218 = arith.mulf %parallel_loop3A_217, %mul3A_13 : vector<16xf32>
      %parallel_loop3A_219 = arith.constant 1022.99994 : f32
      %parallel_loop3A_220 = vector.broadcast %parallel_loop3A_219 : f32 to vector<16xf32>
      %parallel_loop3A_221 = arith.minimumf %parallel_loop3A_218, %parallel_loop3A_220 : vector<16xf32>
      %parallel_loop3A_222 = arith.fptosi %parallel_loop3A_221 : vector<16xf32> to vector<16xi32>
      %parallel_loop3A_223 = arith.sitofp %parallel_loop3A_222 : vector<16xi32> to vector<16xf32>
      %parallel_loop3A_224 = arith.subf %parallel_loop3A_221, %parallel_loop3A_223 : vector<16xf32>
      %parallel_loop3A_225 = arith.constant 1024 : i32
      %parallel_loop3A_226 = vector.broadcast %parallel_loop3A_225 : i32 to vector<16xi32>
      %parallel_loop3A_227 = arith.addi %parallel_loop3A_222, %parallel_loop3A_226 : vector<16xi32>
      %parallel_loop3A_228 = tpu.vector_load_idx %arg9[%parallel_loop3A_227] : memref<3072xf32, #tpu.memory_space<vmem>>[vector<16xi32>], vector<16xf32>,
      %parallel_loop3A_229 = arith.constant 1 : i32
      %parallel_loop3A_230 = vector.broadcast %parallel_loop3A_229 : i32 to vector<16xi32>
      %parallel_loop3A_231 = arith.addi %parallel_loop3A_227, %parallel_loop3A_230 : vector<16xi32>
      %parallel_loop3A_232 = tpu.vector_load_idx %arg9[%parallel_loop3A_231] : memref<3072xf32, #tpu.memory_space<vmem>>[vector<16xi32>], vector<16xf32>,
      %parallel_loop3A_233 = arith.subf %parallel_loop3A_232, %parallel_loop3A_228 : vector<16xf32>
      %parallel_loop3A_234 = arith.mulf %parallel_loop3A_224, %parallel_loop3A_233 : vector<16xf32>
      %parallel_loop3A_235 = arith.addf %parallel_loop3A_228, %parallel_loop3A_234 : vector<16xf32>
      %parallel_loop3A_236 = arith.constant 128 : i32
      %parallel_loop3A_237 = arith.addi %parallel_loop3A_191, %parallel_loop3A_236 : i32
      %parallel_loop3A_238 = arith.index_cast %parallel_loop3A_237 : i32 to index
      %parallel_loop3A_239 = tpu.vector_load %arg17[%parallel_loop3A_238] {strides = array<i32>} : memref<32768xf32, #tpu.memory_space<vmem>>, vector<16xf32>,
      tpu.vector_store %arg17[%parallel_loop3A_238], %parallel_loop3A_235 {strides = array<i32>} : memref<32768xf32, #tpu.memory_space<vmem>>, vector<16xf32>,
      %parallel_loop3A_240 = arith.index_cast %parallel_loop3A_146 : i32 to index
      %parallel_loop3A_241 = tpu.vector_load %arg13[%parallel_loop3A_240] {strides = array<i32>} : memref<8192xf32, #tpu.memory_space<vmem>>, vector<16xf32>,
      %parallel_loop3A_242 = arith.mulf %parallel_loop3A_241, %mul3A_13 : vector<16xf32>
      %parallel_loop3A_243 = arith.constant 1022.99994 : f32
      %parallel_loop3A_244 = vector.broadcast %parallel_loop3A_243 : f32 to vector<16xf32>
      %parallel_loop3A_245 = arith.minimumf %parallel_loop3A_242, %parallel_loop3A_244 : vector<16xf32>
      %parallel_loop3A_246 = arith.fptosi %parallel_loop3A_245 : vector<16xf32> to vector<16xi32>
      %parallel_loop3A_247 = arith.sitofp %parallel_loop3A_246 : vector<16xi32> to vector<16xf32>
      %parallel_loop3A_248 = arith.subf %parallel_loop3A_245, %parallel_loop3A_247 : vector<16xf32>
      %parallel_loop3A_249 = arith.constant 2048 : i32
      %parallel_loop3A_250 = vector.broadcast %parallel_loop3A_249 : i32 to vector<16xi32>
      %parallel_loop3A_251 = arith.addi %parallel_loop3A_246, %parallel_loop3A_250 : vector<16xi32>
      %parallel_loop3A_252 = tpu.vector_load_idx %arg9[%parallel_loop3A_251] : memref<3072xf32, #tpu.memory_space<vmem>>[vector<16xi32>], vector<16xf32>,
      %parallel_loop3A_253 = arith.constant 1 : i32
      %parallel_loop3A_254 = vector.broadcast %parallel_loop3A_253 : i32 to vector<16xi32>
      %parallel_loop3A_255 = arith.addi %parallel_loop3A_251, %parallel_loop3A_254 : vector<16xi32>
      %parallel_loop3A_256 = tpu.vector_load_idx %arg9[%parallel_loop3A_255] : memref<3072xf32, #tpu.memory_space<vmem>>[vector<16xi32>], vector<16xf32>,
      %parallel_loop3A_257 = arith.subf %parallel_loop3A_256, %parallel_loop3A_252 : vector<16xf32>
      %parallel_loop3A_258 = arith.mulf %parallel_loop3A_248, %parallel_loop3A_257 : vector<16xf32>
      %parallel_loop3A_259 = arith.addf %parallel_loop3A_252, %parallel_loop3A_258 : vector<16xf32>
      %parallel_loop3A_260 = arith.constant 256 : i32
      %parallel_loop3A_261 = arith.addi %parallel_loop3A_191, %parallel_loop3A_260 : i32
      %parallel_loop3A_262 = arith.index_cast %parallel_loop3A_261 : i32 to index
      %parallel_loop3A_263 = tpu.vector_load %arg17[%parallel_loop3A_262] {strides = array<i32>} : memref<32768xf32, #tpu.memory_space<vmem>>, vector<16xf32>,
      tpu.vector_store %arg17[%parallel_loop3A_262], %parallel_loop3A_259 {strides = array<i32>} : memref<32768xf32, #tpu.memory_space<vmem>>, vector<16xf32>,
    } {sc.loop_unroll_factor = 2 : i64, sc.parallel_access}
    %add3A_93 = arith.constant 16384 : i32
    %add3A_94 = arith.addi %mul3A_2, %add3A_93 : i32
    %mul3A_95 = arith.constant 4 : i32
    %mul3A_96 = arith.muli %add3A_94, %mul3A_95 : i32
    %add3A_97 = arith.constant 4194304 : i32
    %add3A_98 = arith.addi %add3A_97, %mul3A_96 : i32
    %dma_start3A_99 = tpu.memref_slice %arg7[%add3A_98] : memref<8388608xf32, #tpu.memory_space<hbm>> -> memref<32768xf32, #tpu.memory_space<hbm>>
    %dma_start3A_100 = tpu.memref_slice %arg7[%add3A_98] : memref<8388608xf32, #tpu.memory_space<hbm>> -> memref<32768xf32, #tpu.memory_space<hbm>>
    tpu.enqueue_dma source(%arg17 : memref<32768xf32, #tpu.memory_space<vmem>>) target(%dma_start3A_100 : memref<32768xf32, #tpu.memory_space<hbm>>) target_semaphore(%arg21 : memref<!tpu.dma_semaphore, #tpu.memory_space<semaphore_mem>>)
    %add3A_101 = arith.constant 24576 : i32
    %add3A_102 = arith.addi %mul3A_2, %add3A_101 : i32
    %dma_wait3A_103 = tpu.memref_slice %arg2[%add3A_102] : memref<1048576xf32, #tpu.memory_space<hbm>> -> memref<8192xf32, #tpu.memory_space<hbm>>
    %dma_wait3A_104 = tpu.memref_slice %arg2[%add3A_102] : memref<1048576xf32, #tpu.memory_space<hbm>> -> memref<8192xf32, #tpu.memory_space<hbm>>
    tpu.wait_dma2 semaphore(%arg20 : memref<!tpu.dma_semaphore, #tpu.memory_space<semaphore_mem>>) src(%dma_wait3A_104 : memref<8192xf32, #tpu.memory_space<hbm>>) dst(%arg14 : memref<8192xf32, #tpu.memory_space<vmem>>)
    %dma_wait3A_105 = tpu.memref_slice %arg3[%add3A_102] : memref<1048576xf32, #tpu.memory_space<hbm>> -> memref<8192xf32, #tpu.memory_space<hbm>>
    %dma_wait3A_106 = tpu.memref_slice %arg3[%add3A_102] : memref<1048576xf32, #tpu.memory_space<hbm>> -> memref<8192xf32, #tpu.memory_space<hbm>>
    tpu.wait_dma2 semaphore(%arg20 : memref<!tpu.dma_semaphore, #tpu.memory_space<semaphore_mem>>) src(%dma_wait3A_106 : memref<8192xf32, #tpu.memory_space<hbm>>) dst(%arg15 : memref<8192xf32, #tpu.memory_space<vmem>>)
    %dma_wait3A_107 = tpu.memref_slice %arg4[%add3A_102] : memref<1048576xf32, #tpu.memory_space<hbm>> -> memref<8192xf32, #tpu.memory_space<hbm>>
    %dma_wait3A_108 = tpu.memref_slice %arg4[%add3A_102] : memref<1048576xf32, #tpu.memory_space<hbm>> -> memref<8192xf32, #tpu.memory_space<hbm>>
    tpu.wait_dma2 semaphore(%arg20 : memref<!tpu.dma_semaphore, #tpu.memory_space<semaphore_mem>>) src(%dma_wait3A_108 : memref<8192xf32, #tpu.memory_space<hbm>>) dst(%arg16 : memref<8192xf32, #tpu.memory_space<vmem>>)
    %add3A_109 = arith.constant 8192 : i32
    %add3A_110 = arith.addi %mul3A_2, %add3A_109 : i32
    %mul3A_111 = arith.constant 4 : i32
    %mul3A_112 = arith.muli %add3A_110, %mul3A_111 : i32
    %add3A_113 = arith.constant 4194304 : i32
    %add3A_114 = arith.addi %add3A_113, %mul3A_112 : i32
    %dma_wait3A_115 = tpu.memref_slice %arg7[%add3A_114] : memref<8388608xf32, #tpu.memory_space<hbm>> -> memref<32768xf32, #tpu.memory_space<hbm>>
    %dma_wait3A_116 = tpu.memref_slice %arg7[%add3A_114] : memref<8388608xf32, #tpu.memory_space<hbm>> -> memref<32768xf32, #tpu.memory_space<hbm>>
    tpu.wait_dma2 semaphore(%arg22 : memref<!tpu.dma_semaphore, #tpu.memory_space<semaphore_mem>>) src(%arg18 : memref<32768xf32, #tpu.memory_space<vmem>>) dst(%dma_wait3A_116 : memref<32768xf32, #tpu.memory_space<hbm>>)
    %parallel_loop3A_117 = arith.constant 0 : i32
    %parallel_loop3A_118 = arith.constant 512 : i32
    %parallel_loop3A_119 = arith.constant 1 : i32
    scf.for %parallel_loop3A_144 = %parallel_loop3A_117 to %parallel_loop3A_118 step %parallel_loop3A_119  : i32 {
      %parallel_loop3A_145 = arith.constant 16 : i32
      %parallel_loop3A_146 = arith.muli %parallel_loop3A_144, %parallel_loop3A_145 : i32
      %parallel_loop3A_147 = arith.constant 8 : i32
      %parallel_loop3A_148 = arith.divsi %parallel_loop3A_144, %parallel_loop3A_147 : i32
      %parallel_loop3A_149 = arith.constant 0 : i32
      %parallel_loop3A_150 = arith.cmpi sgt, %parallel_loop3A_144, %parallel_loop3A_149 : i32
      %parallel_loop3A_151 = arith.extui %parallel_loop3A_150 : i1 to i32
      %parallel_loop3A_152 = arith.constant 0 : i32
      %parallel_loop3A_153 = arith.cmpi slt, %parallel_loop3A_144, %parallel_loop3A_152 : i32
      %parallel_loop3A_154 = arith.extui %parallel_loop3A_153 : i1 to i32
      %parallel_loop3A_155 = arith.subi %parallel_loop3A_151, %parallel_loop3A_154 : i32
      %parallel_loop3A_156 = arith.constant 0 : i32
      %parallel_loop3A_157 = arith.cmpi sgt, %parallel_loop3A_147, %parallel_loop3A_156 : i32
      %parallel_loop3A_158 = arith.extui %parallel_loop3A_157 : i1 to i32
      %parallel_loop3A_159 = arith.constant 0 : i32
      %parallel_loop3A_160 = arith.cmpi slt, %parallel_loop3A_147, %parallel_loop3A_159 : i32
      %parallel_loop3A_161 = arith.extui %parallel_loop3A_160 : i1 to i32
      %parallel_loop3A_162 = arith.subi %parallel_loop3A_158, %parallel_loop3A_161 : i32
      %parallel_loop3A_163 = arith.cmpi ne, %parallel_loop3A_155, %parallel_loop3A_162 : i32
      %parallel_loop3A_164 = arith.remsi %parallel_loop3A_144, %parallel_loop3A_147 : i32
      %parallel_loop3A_165 = arith.constant 0 : i32
      %parallel_loop3A_166 = arith.cmpi ne, %parallel_loop3A_164, %parallel_loop3A_165 : i32
      %parallel_loop3A_167 = arith.andi %parallel_loop3A_163, %parallel_loop3A_166 : i1
      %parallel_loop3A_168 = arith.constant 1 : i32
      %parallel_loop3A_169 = arith.subi %parallel_loop3A_148, %parallel_loop3A_168 : i32
      %parallel_loop3A_170 = arith.select %parallel_loop3A_167, %parallel_loop3A_169, %parallel_loop3A_148 : i32
      %parallel_loop3A_171 = arith.constant 512 : i32
      %parallel_loop3A_172 = arith.muli %parallel_loop3A_170, %parallel_loop3A_171 : i32
      %parallel_loop3A_173 = arith.constant 8 : i32
      %parallel_loop3A_174 = arith.constant 0 : i32
      %parallel_loop3A_175 = arith.cmpi eq, %parallel_loop3A_173, %parallel_loop3A_174 : i32
      %parallel_loop3A_176 = arith.constant 1 : i32
      %parallel_loop3A_177 = arith.select %parallel_loop3A_175, %parallel_loop3A_176, %parallel_loop3A_173 : i32
      %parallel_loop3A_178 = arith.remsi %parallel_loop3A_144, %parallel_loop3A_177 : i32
      %parallel_loop3A_179 = arith.constant 0 : i32
      %parallel_loop3A_180 = arith.cmpi ne, %parallel_loop3A_178, %parallel_loop3A_179 : i32
      %parallel_loop3A_181 = arith.constant 0 : i32
      %parallel_loop3A_182 = arith.cmpi slt, %parallel_loop3A_178, %parallel_loop3A_181 : i32
      %parallel_loop3A_183 = arith.constant 0 : i32
      %parallel_loop3A_184 = arith.cmpi slt, %parallel_loop3A_177, %parallel_loop3A_183 : i32
      %parallel_loop3A_185 = arith.xori %parallel_loop3A_182, %parallel_loop3A_184 : i1
      %parallel_loop3A_186 = arith.andi %parallel_loop3A_185, %parallel_loop3A_180 : i1
      %parallel_loop3A_187 = arith.addi %parallel_loop3A_178, %parallel_loop3A_177 : i32
      %parallel_loop3A_188 = arith.select %parallel_loop3A_186, %parallel_loop3A_187, %parallel_loop3A_178 : i32
      %parallel_loop3A_189 = arith.constant 16 : i32
      %parallel_loop3A_190 = arith.muli %parallel_loop3A_188, %parallel_loop3A_189 : i32
      %parallel_loop3A_191 = arith.addi %parallel_loop3A_172, %parallel_loop3A_190 : i32
      %parallel_loop3A_192 = arith.index_cast %parallel_loop3A_146 : i32 to index
      %parallel_loop3A_193 = tpu.vector_load %arg14[%parallel_loop3A_192] {strides = array<i32>} : memref<8192xf32, #tpu.memory_space<vmem>>, vector<16xf32>,
      %parallel_loop3A_194 = arith.mulf %parallel_loop3A_193, %mul3A_13 : vector<16xf32>
      %parallel_loop3A_195 = arith.constant 1022.99994 : f32
      %parallel_loop3A_196 = vector.broadcast %parallel_loop3A_195 : f32 to vector<16xf32>
      %parallel_loop3A_197 = arith.minimumf %parallel_loop3A_194, %parallel_loop3A_196 : vector<16xf32>
      %parallel_loop3A_198 = arith.fptosi %parallel_loop3A_197 : vector<16xf32> to vector<16xi32>
      %parallel_loop3A_199 = arith.sitofp %parallel_loop3A_198 : vector<16xi32> to vector<16xf32>
      %parallel_loop3A_200 = arith.subf %parallel_loop3A_197, %parallel_loop3A_199 : vector<16xf32>
      %parallel_loop3A_201 = arith.constant 0 : i32
      %parallel_loop3A_202 = vector.broadcast %parallel_loop3A_201 : i32 to vector<16xi32>
      %parallel_loop3A_203 = arith.addi %parallel_loop3A_198, %parallel_loop3A_202 : vector<16xi32>
      %parallel_loop3A_204 = tpu.vector_load_idx %arg9[%parallel_loop3A_203] : memref<3072xf32, #tpu.memory_space<vmem>>[vector<16xi32>], vector<16xf32>,
      %parallel_loop3A_205 = arith.constant 1 : i32
      %parallel_loop3A_206 = vector.broadcast %parallel_loop3A_205 : i32 to vector<16xi32>
      %parallel_loop3A_207 = arith.addi %parallel_loop3A_203, %parallel_loop3A_206 : vector<16xi32>
      %parallel_loop3A_208 = tpu.vector_load_idx %arg9[%parallel_loop3A_207] : memref<3072xf32, #tpu.memory_space<vmem>>[vector<16xi32>], vector<16xf32>,
      %parallel_loop3A_209 = arith.subf %parallel_loop3A_208, %parallel_loop3A_204 : vector<16xf32>
      %parallel_loop3A_210 = arith.mulf %parallel_loop3A_200, %parallel_loop3A_209 : vector<16xf32>
      %parallel_loop3A_211 = arith.addf %parallel_loop3A_204, %parallel_loop3A_210 : vector<16xf32>
      %parallel_loop3A_212 = arith.constant 0 : i32
      %parallel_loop3A_213 = arith.addi %parallel_loop3A_191, %parallel_loop3A_212 : i32
      %parallel_loop3A_214 = arith.index_cast %parallel_loop3A_213 : i32 to index
      %parallel_loop3A_215 = tpu.vector_load %arg18[%parallel_loop3A_214] {strides = array<i32>} : memref<32768xf32, #tpu.memory_space<vmem>>, vector<16xf32>,
      tpu.vector_store %arg18[%parallel_loop3A_214], %parallel_loop3A_211 {strides = array<i32>} : memref<32768xf32, #tpu.memory_space<vmem>>, vector<16xf32>,
      %parallel_loop3A_216 = arith.index_cast %parallel_loop3A_146 : i32 to index
      %parallel_loop3A_217 = tpu.vector_load %arg15[%parallel_loop3A_216] {strides = array<i32>} : memref<8192xf32, #tpu.memory_space<vmem>>, vector<16xf32>,
      %parallel_loop3A_218 = arith.mulf %parallel_loop3A_217, %mul3A_13 : vector<16xf32>
      %parallel_loop3A_219 = arith.constant 1022.99994 : f32
      %parallel_loop3A_220 = vector.broadcast %parallel_loop3A_219 : f32 to vector<16xf32>
      %parallel_loop3A_221 = arith.minimumf %parallel_loop3A_218, %parallel_loop3A_220 : vector<16xf32>
      %parallel_loop3A_222 = arith.fptosi %parallel_loop3A_221 : vector<16xf32> to vector<16xi32>
      %parallel_loop3A_223 = arith.sitofp %parallel_loop3A_222 : vector<16xi32> to vector<16xf32>
      %parallel_loop3A_224 = arith.subf %parallel_loop3A_221, %parallel_loop3A_223 : vector<16xf32>
      %parallel_loop3A_225 = arith.constant 1024 : i32
      %parallel_loop3A_226 = vector.broadcast %parallel_loop3A_225 : i32 to vector<16xi32>
      %parallel_loop3A_227 = arith.addi %parallel_loop3A_222, %parallel_loop3A_226 : vector<16xi32>
      %parallel_loop3A_228 = tpu.vector_load_idx %arg9[%parallel_loop3A_227] : memref<3072xf32, #tpu.memory_space<vmem>>[vector<16xi32>], vector<16xf32>,
      %parallel_loop3A_229 = arith.constant 1 : i32
      %parallel_loop3A_230 = vector.broadcast %parallel_loop3A_229 : i32 to vector<16xi32>
      %parallel_loop3A_231 = arith.addi %parallel_loop3A_227, %parallel_loop3A_230 : vector<16xi32>
      %parallel_loop3A_232 = tpu.vector_load_idx %arg9[%parallel_loop3A_231] : memref<3072xf32, #tpu.memory_space<vmem>>[vector<16xi32>], vector<16xf32>,
      %parallel_loop3A_233 = arith.subf %parallel_loop3A_232, %parallel_loop3A_228 : vector<16xf32>
      %parallel_loop3A_234 = arith.mulf %parallel_loop3A_224, %parallel_loop3A_233 : vector<16xf32>
      %parallel_loop3A_235 = arith.addf %parallel_loop3A_228, %parallel_loop3A_234 : vector<16xf32>
      %parallel_loop3A_236 = arith.constant 128 : i32
      %parallel_loop3A_237 = arith.addi %parallel_loop3A_191, %parallel_loop3A_236 : i32
      %parallel_loop3A_238 = arith.index_cast %parallel_loop3A_237 : i32 to index
      %parallel_loop3A_239 = tpu.vector_load %arg18[%parallel_loop3A_238] {strides = array<i32>} : memref<32768xf32, #tpu.memory_space<vmem>>, vector<16xf32>,
      tpu.vector_store %arg18[%parallel_loop3A_238], %parallel_loop3A_235 {strides = array<i32>} : memref<32768xf32, #tpu.memory_space<vmem>>, vector<16xf32>,
      %parallel_loop3A_240 = arith.index_cast %parallel_loop3A_146 : i32 to index
      %parallel_loop3A_241 = tpu.vector_load %arg16[%parallel_loop3A_240] {strides = array<i32>} : memref<8192xf32, #tpu.memory_space<vmem>>, vector<16xf32>,
      %parallel_loop3A_242 = arith.mulf %parallel_loop3A_241, %mul3A_13 : vector<16xf32>
      %parallel_loop3A_243 = arith.constant 1022.99994 : f32
      %parallel_loop3A_244 = vector.broadcast %parallel_loop3A_243 : f32 to vector<16xf32>
      %parallel_loop3A_245 = arith.minimumf %parallel_loop3A_242, %parallel_loop3A_244 : vector<16xf32>
      %parallel_loop3A_246 = arith.fptosi %parallel_loop3A_245 : vector<16xf32> to vector<16xi32>
      %parallel_loop3A_247 = arith.sitofp %parallel_loop3A_246 : vector<16xi32> to vector<16xf32>
      %parallel_loop3A_248 = arith.subf %parallel_loop3A_245, %parallel_loop3A_247 : vector<16xf32>
      %parallel_loop3A_249 = arith.constant 2048 : i32
      %parallel_loop3A_250 = vector.broadcast %parallel_loop3A_249 : i32 to vector<16xi32>
      %parallel_loop3A_251 = arith.addi %parallel_loop3A_246, %parallel_loop3A_250 : vector<16xi32>
      %parallel_loop3A_252 = tpu.vector_load_idx %arg9[%parallel_loop3A_251] : memref<3072xf32, #tpu.memory_space<vmem>>[vector<16xi32>], vector<16xf32>,
      %parallel_loop3A_253 = arith.constant 1 : i32
      %parallel_loop3A_254 = vector.broadcast %parallel_loop3A_253 : i32 to vector<16xi32>
      %parallel_loop3A_255 = arith.addi %parallel_loop3A_251, %parallel_loop3A_254 : vector<16xi32>
      %parallel_loop3A_256 = tpu.vector_load_idx %arg9[%parallel_loop3A_255] : memref<3072xf32, #tpu.memory_space<vmem>>[vector<16xi32>], vector<16xf32>,
      %parallel_loop3A_257 = arith.subf %parallel_loop3A_256, %parallel_loop3A_252 : vector<16xf32>
      %parallel_loop3A_258 = arith.mulf %parallel_loop3A_248, %parallel_loop3A_257 : vector<16xf32>
      %parallel_loop3A_259 = arith.addf %parallel_loop3A_252, %parallel_loop3A_258 : vector<16xf32>
      %parallel_loop3A_260 = arith.constant 256 : i32
      %parallel_loop3A_261 = arith.addi %parallel_loop3A_191, %parallel_loop3A_260 : i32
      %parallel_loop3A_262 = arith.index_cast %parallel_loop3A_261 : i32 to index
      %parallel_loop3A_263 = tpu.vector_load %arg18[%parallel_loop3A_262] {strides = array<i32>} : memref<32768xf32, #tpu.memory_space<vmem>>, vector<16xf32>,
      tpu.vector_store %arg18[%parallel_loop3A_262], %parallel_loop3A_259 {strides = array<i32>} : memref<32768xf32, #tpu.memory_space<vmem>>, vector<16xf32>,
    } {sc.loop_unroll_factor = 2 : i64, sc.parallel_access}
    %add3A_120 = arith.constant 24576 : i32
    %add3A_121 = arith.addi %mul3A_2, %add3A_120 : i32
    %mul3A_122 = arith.constant 4 : i32
    %mul3A_123 = arith.muli %add3A_121, %mul3A_122 : i32
    %add3A_124 = arith.constant 4194304 : i32
    %add3A_125 = arith.addi %add3A_124, %mul3A_123 : i32
    %dma_start3A_126 = tpu.memref_slice %arg7[%add3A_125] : memref<8388608xf32, #tpu.memory_space<hbm>> -> memref<32768xf32, #tpu.memory_space<hbm>>
    %dma_start3A_127 = tpu.memref_slice %arg7[%add3A_125] : memref<8388608xf32, #tpu.memory_space<hbm>> -> memref<32768xf32, #tpu.memory_space<hbm>>
    tpu.enqueue_dma source(%arg18 : memref<32768xf32, #tpu.memory_space<vmem>>) target(%dma_start3A_127 : memref<32768xf32, #tpu.memory_space<hbm>>) target_semaphore(%arg22 : memref<!tpu.dma_semaphore, #tpu.memory_space<semaphore_mem>>)
    %add3A_128 = arith.constant 16384 : i32
    %add3A_129 = arith.addi %mul3A_2, %add3A_128 : i32
    %mul3A_130 = arith.constant 4 : i32
    %mul3A_131 = arith.muli %add3A_129, %mul3A_130 : i32
    %add3A_132 = arith.constant 4194304 : i32
    %add3A_133 = arith.addi %add3A_132, %mul3A_131 : i32
    %dma_wait3A_134 = tpu.memref_slice %arg7[%add3A_133] : memref<8388608xf32, #tpu.memory_space<hbm>> -> memref<32768xf32, #tpu.memory_space<hbm>>
    %dma_wait3A_135 = tpu.memref_slice %arg7[%add3A_133] : memref<8388608xf32, #tpu.memory_space<hbm>> -> memref<32768xf32, #tpu.memory_space<hbm>>
    tpu.wait_dma2 semaphore(%arg21 : memref<!tpu.dma_semaphore, #tpu.memory_space<semaphore_mem>>) src(%arg17 : memref<32768xf32, #tpu.memory_space<vmem>>) dst(%dma_wait3A_135 : memref<32768xf32, #tpu.memory_space<hbm>>)
    %add3A_136 = arith.constant 24576 : i32
    %add3A_137 = arith.addi %mul3A_2, %add3A_136 : i32
    %mul3A_138 = arith.constant 4 : i32
    %mul3A_139 = arith.muli %add3A_137, %mul3A_138 : i32
    %add3A_140 = arith.constant 4194304 : i32
    %add3A_141 = arith.addi %add3A_140, %mul3A_139 : i32
    %dma_wait3A_142 = tpu.memref_slice %arg7[%add3A_141] : memref<8388608xf32, #tpu.memory_space<hbm>> -> memref<32768xf32, #tpu.memory_space<hbm>>
    %dma_wait3A_143 = tpu.memref_slice %arg7[%add3A_141] : memref<8388608xf32, #tpu.memory_space<hbm>> -> memref<32768xf32, #tpu.memory_space<hbm>>
    tpu.wait_dma2 semaphore(%arg22 : memref<!tpu.dma_semaphore, #tpu.memory_space<semaphore_mem>>) src(%arg18 : memref<32768xf32, #tpu.memory_space<vmem>>) dst(%dma_wait3A_143 : memref<32768xf32, #tpu.memory_space<hbm>>)
    return
  }
}

#map = affine_map<(d0, d1) -> (0)>
module attributes {stable_mosaic.version = 14 : i64} {
  func.func @new_body(%arg0: i32, %arg1: i32, %arg2: memref<1048576xf32, #tpu.memory_space<hbm>>, %arg3: memref<1048576xf32, #tpu.memory_space<hbm>>, %arg4: memref<1048576xf32, #tpu.memory_space<hbm>>, %arg5: memref<16xf32, #tpu.memory_space<hbm>>, %arg6: memref<3072xf32, #tpu.memory_space<hbm>>, %arg7: memref<8388608xf32, #tpu.memory_space<hbm>>, %arg8: memref<8388608xf32, #tpu.memory_space<hbm>>, %arg9: memref<3072xf32, #tpu.memory_space<vmem>>, %arg10: memref<16xf32, #tpu.memory_space<vmem>>, %arg11: memref<8192xf32, #tpu.memory_space<vmem>>, %arg12: memref<8192xf32, #tpu.memory_space<vmem>>, %arg13: memref<8192xf32, #tpu.memory_space<vmem>>, %arg14: memref<8192xf32, #tpu.memory_space<vmem>>, %arg15: memref<8192xf32, #tpu.memory_space<vmem>>, %arg16: memref<8192xf32, #tpu.memory_space<vmem>>, %arg17: memref<32768xf32, #tpu.memory_space<vmem>>, %arg18: memref<32768xf32, #tpu.memory_space<vmem>>, %arg19: memref<!tpu.dma_semaphore, #tpu.memory_space<semaphore_mem>>, %arg20: memref<!tpu.dma_semaphore, #tpu.memory_space<semaphore_mem>>, %arg21: memref<!tpu.dma_semaphore, #tpu.memory_space<semaphore_mem>>, %arg22: memref<!tpu.dma_semaphore, #tpu.memory_space<semaphore_mem>>, %arg23: memref<!tpu.dma_semaphore, #tpu.memory_space<semaphore_mem>>) attributes {dimension_semantics = [#tpu.dimension_semantics<core_parallel>, #tpu.dimension_semantics<subcore_parallel>], iteration_bounds = array<i64: 2, 16>, scalar_prefetch = 0 : i64, scratch_operands = 15 : i64, tpu.core_type = #tpu.core_type<sc_vector_subcore>, window_params = [{transform_indices = #map}, {transform_indices = #map}, {transform_indices = #map}, {transform_indices = #map}, {transform_indices = #map}, {transform_indices = #map}, {transform_indices = #map}]} {
    %mul3A = arith.constant 2 : i32
    %mul3A_0 = arith.muli %arg1, %mul3A : i32
    %add3A = arith.addi %mul3A_0, %arg0 : i32
    %mul3A_1 = arith.constant 32768 : i32
    %mul3A_2 = arith.muli %add3A, %mul3A_1 : i32
    tpu.enqueue_dma source(%arg6 : memref<3072xf32, #tpu.memory_space<hbm>>) target(%arg9 : memref<3072xf32, #tpu.memory_space<vmem>>) target_semaphore(%arg23 : memref<!tpu.dma_semaphore, #tpu.memory_space<semaphore_mem>>)
    tpu.enqueue_dma source(%arg5 : memref<16xf32, #tpu.memory_space<hbm>>) target(%arg10 : memref<16xf32, #tpu.memory_space<vmem>>) target_semaphore(%arg23 : memref<!tpu.dma_semaphore, #tpu.memory_space<semaphore_mem>>)
    %add3A_3 = arith.constant 0 : i32
    %add3A_4 = arith.addi %mul3A_2, %add3A_3 : i32
    %dma_start3A = tpu.memref_slice %arg2[%add3A_4] : memref<1048576xf32, #tpu.memory_space<hbm>> -> memref<8192xf32, #tpu.memory_space<hbm>>
    %dma_start3A_5 = tpu.memref_slice %arg2[%add3A_4] : memref<1048576xf32, #tpu.memory_space<hbm>> -> memref<8192xf32, #tpu.memory_space<hbm>>
    tpu.enqueue_dma source(%dma_start3A_5 : memref<8192xf32, #tpu.memory_space<hbm>>) target(%arg11 : memref<8192xf32, #tpu.memory_space<vmem>>) target_semaphore(%arg19 : memref<!tpu.dma_semaphore, #tpu.memory_space<semaphore_mem>>)
    %dma_start3A_6 = tpu.memref_slice %arg3[%add3A_4] : memref<1048576xf32, #tpu.memory_space<hbm>> -> memref<8192xf32, #tpu.memory_space<hbm>>
    %dma_start3A_7 = tpu.memref_slice %arg3[%add3A_4] : memref<1048576xf32, #tpu.memory_space<hbm>> -> memref<8192xf32, #tpu.memory_space<hbm>>
    tpu.enqueue_dma source(%dma_start3A_7 : memref<8192xf32, #tpu.memory_space<hbm>>) target(%arg12 : memref<8192xf32, #tpu.memory_space<vmem>>) target_semaphore(%arg19 : memref<!tpu.dma_semaphore, #tpu.memory_space<semaphore_mem>>)
    %dma_start3A_8 = tpu.memref_slice %arg4[%add3A_4] : memref<1048576xf32, #tpu.memory_space<hbm>> -> memref<8192xf32, #tpu.memory_space<hbm>>
    %dma_start3A_9 = tpu.memref_slice %arg4[%add3A_4] : memref<1048576xf32, #tpu.memory_space<hbm>> -> memref<8192xf32, #tpu.memory_space<hbm>>
    tpu.enqueue_dma source(%dma_start3A_9 : memref<8192xf32, #tpu.memory_space<hbm>>) target(%arg13 : memref<8192xf32, #tpu.memory_space<vmem>>) target_semaphore(%arg19 : memref<!tpu.dma_semaphore, #tpu.memory_space<semaphore_mem>>)
    tpu.wait_dma2 semaphore(%arg23 : memref<!tpu.dma_semaphore, #tpu.memory_space<semaphore_mem>>) src(%arg6 : memref<3072xf32, #tpu.memory_space<hbm>>) dst(%arg9 : memref<3072xf32, #tpu.memory_space<vmem>>)
    tpu.wait_dma2 semaphore(%arg23 : memref<!tpu.dma_semaphore, #tpu.memory_space<semaphore_mem>>) src(%arg5 : memref<16xf32, #tpu.memory_space<hbm>>) dst(%arg10 : memref<16xf32, #tpu.memory_space<vmem>>)
    %get3A = arith.constant 0 : index
    %get3A_10 = tpu.vector_load %arg10[%get3A] {strides = array<i32>} : memref<16xf32, #tpu.memory_space<vmem>>, vector<16xf32>,
    %mul3A_11 = arith.constant 1.023000e+03 : f32
    %mul3A_12 = vector.broadcast %mul3A_11 : f32 to vector<16xf32>
    %mul3A_13 = arith.mulf %get3A_10, %mul3A_12 : vector<16xf32>
    %add3A_14 = arith.constant 0 : i32
    %add3A_15 = arith.addi %mul3A_2, %add3A_14 : i32
    %dma_wait3A = tpu.memref_slice %arg2[%add3A_15] : memref<1048576xf32, #tpu.memory_space<hbm>> -> memref<8192xf32, #tpu.memory_space<hbm>>
    %dma_wait3A_16 = tpu.memref_slice %arg2[%add3A_15] : memref<1048576xf32, #tpu.memory_space<hbm>> -> memref<8192xf32, #tpu.memory_space<hbm>>
    tpu.wait_dma2 semaphore(%arg19 : memref<!tpu.dma_semaphore, #tpu.memory_space<semaphore_mem>>) src(%dma_wait3A_16 : memref<8192xf32, #tpu.memory_space<hbm>>) dst(%arg11 : memref<8192xf32, #tpu.memory_space<vmem>>)
    %dma_wait3A_17 = tpu.memref_slice %arg3[%add3A_15] : memref<1048576xf32, #tpu.memory_space<hbm>> -> memref<8192xf32, #tpu.memory_space<hbm>>
    %dma_wait3A_18 = tpu.memref_slice %arg3[%add3A_15] : memref<1048576xf32, #tpu.memory_space<hbm>> -> memref<8192xf32, #tpu.memory_space<hbm>>
    tpu.wait_dma2 semaphore(%arg19 : memref<!tpu.dma_semaphore, #tpu.memory_space<semaphore_mem>>) src(%dma_wait3A_18 : memref<8192xf32, #tpu.memory_space<hbm>>) dst(%arg12 : memref<8192xf32, #tpu.memory_space<vmem>>)
    %dma_wait3A_19 = tpu.memref_slice %arg4[%add3A_15] : memref<1048576xf32, #tpu.memory_space<hbm>> -> memref<8192xf32, #tpu.memory_space<hbm>>
    %dma_wait3A_20 = tpu.memref_slice %arg4[%add3A_15] : memref<1048576xf32, #tpu.memory_space<hbm>> -> memref<8192xf32, #tpu.memory_space<hbm>>
    tpu.wait_dma2 semaphore(%arg19 : memref<!tpu.dma_semaphore, #tpu.memory_space<semaphore_mem>>) src(%dma_wait3A_20 : memref<8192xf32, #tpu.memory_space<hbm>>) dst(%arg13 : memref<8192xf32, #tpu.memory_space<vmem>>)
    %add3A_21 = arith.constant 8192 : i32
    %add3A_22 = arith.addi %mul3A_2, %add3A_21 : i32
    %dma_start3A_23 = tpu.memref_slice %arg2[%add3A_22] : memref<1048576xf32, #tpu.memory_space<hbm>> -> memref<8192xf32, #tpu.memory_space<hbm>>
    %dma_start3A_24 = tpu.memref_slice %arg2[%add3A_22] : memref<1048576xf32, #tpu.memory_space<hbm>> -> memref<8192xf32, #tpu.memory_space<hbm>>
    tpu.enqueue_dma source(%dma_start3A_24 : memref<8192xf32, #tpu.memory_space<hbm>>) target(%arg14 : memref<8192xf32, #tpu.memory_space<vmem>>) target_semaphore(%arg20 : memref<!tpu.dma_semaphore, #tpu.memory_space<semaphore_mem>>)
    %dma_start3A_25 = tpu.memref_slice %arg3[%add3A_22] : memref<1048576xf32, #tpu.memory_space<hbm>> -> memref<8192xf32, #tpu.memory_space<hbm>>
    %dma_start3A_26 = tpu.memref_slice %arg3[%add3A_22] : memref<1048576xf32, #tpu.memory_space<hbm>> -> memref<8192xf32, #tpu.memory_space<hbm>>
    tpu.enqueue_dma source(%dma_start3A_26 : memref<8192xf32, #tpu.memory_space<hbm>>) target(%arg15 : memref<8192xf32, #tpu.memory_space<vmem>>) target_semaphore(%arg20 : memref<!tpu.dma_semaphore, #tpu.memory_space<semaphore_mem>>)
    %dma_start3A_27 = tpu.memref_slice %arg4[%add3A_22] : memref<1048576xf32, #tpu.memory_space<hbm>> -> memref<8192xf32, #tpu.memory_space<hbm>>
    %dma_start3A_28 = tpu.memref_slice %arg4[%add3A_22] : memref<1048576xf32, #tpu.memory_space<hbm>> -> memref<8192xf32, #tpu.memory_space<hbm>>
    tpu.enqueue_dma source(%dma_start3A_28 : memref<8192xf32, #tpu.memory_space<hbm>>) target(%arg16 : memref<8192xf32, #tpu.memory_space<vmem>>) target_semaphore(%arg20 : memref<!tpu.dma_semaphore, #tpu.memory_space<semaphore_mem>>)
    %parallel_loop3A = arith.constant 0 : i32
    %parallel_loop3A_29 = arith.constant 512 : i32
    %parallel_loop3A_30 = arith.constant 1 : i32
    scf.for %parallel_loop3A_144 = %parallel_loop3A to %parallel_loop3A_29 step %parallel_loop3A_30  : i32 {
      %parallel_loop3A_145 = arith.constant 16 : i32
      %parallel_loop3A_146 = arith.muli %parallel_loop3A_144, %parallel_loop3A_145 : i32
      %parallel_loop3A_147 = arith.constant 8 : i32
      %parallel_loop3A_148 = arith.divsi %parallel_loop3A_144, %parallel_loop3A_147 : i32
      %parallel_loop3A_149 = arith.constant 0 : i32
      %parallel_loop3A_150 = arith.cmpi sgt, %parallel_loop3A_144, %parallel_loop3A_149 : i32
      %parallel_loop3A_151 = arith.extui %parallel_loop3A_150 : i1 to i32
      %parallel_loop3A_152 = arith.constant 0 : i32
      %parallel_loop3A_153 = arith.cmpi slt, %parallel_loop3A_144, %parallel_loop3A_152 : i32
      %parallel_loop3A_154 = arith.extui %parallel_loop3A_153 : i1 to i32
      %parallel_loop3A_155 = arith.subi %parallel_loop3A_151, %parallel_loop3A_154 : i32
      %parallel_loop3A_156 = arith.constant 0 : i32
      %parallel_loop3A_157 = arith.cmpi sgt, %parallel_loop3A_147, %parallel_loop3A_156 : i32
      %parallel_loop3A_158 = arith.extui %parallel_loop3A_157 : i1 to i32
      %parallel_loop3A_159 = arith.constant 0 : i32
      %parallel_loop3A_160 = arith.cmpi slt, %parallel_loop3A_147, %parallel_loop3A_159 : i32
      %parallel_loop3A_161 = arith.extui %parallel_loop3A_160 : i1 to i32
      %parallel_loop3A_162 = arith.subi %parallel_loop3A_158, %parallel_loop3A_161 : i32
      %parallel_loop3A_163 = arith.cmpi ne, %parallel_loop3A_155, %parallel_loop3A_162 : i32
      %parallel_loop3A_164 = arith.remsi %parallel_loop3A_144, %parallel_loop3A_147 : i32
      %parallel_loop3A_165 = arith.constant 0 : i32
      %parallel_loop3A_166 = arith.cmpi ne, %parallel_loop3A_164, %parallel_loop3A_165 : i32
      %parallel_loop3A_167 = arith.andi %parallel_loop3A_163, %parallel_loop3A_166 : i1
      %parallel_loop3A_168 = arith.constant 1 : i32
      %parallel_loop3A_169 = arith.subi %parallel_loop3A_148, %parallel_loop3A_168 : i32
      %parallel_loop3A_170 = arith.select %parallel_loop3A_167, %parallel_loop3A_169, %parallel_loop3A_148 : i32
      %parallel_loop3A_171 = arith.constant 512 : i32
      %parallel_loop3A_172 = arith.muli %parallel_loop3A_170, %parallel_loop3A_171 : i32
      %parallel_loop3A_173 = arith.constant 8 : i32
      %parallel_loop3A_174 = arith.constant 0 : i32
      %parallel_loop3A_175 = arith.cmpi eq, %parallel_loop3A_173, %parallel_loop3A_174 : i32
      %parallel_loop3A_176 = arith.constant 1 : i32
      %parallel_loop3A_177 = arith.select %parallel_loop3A_175, %parallel_loop3A_176, %parallel_loop3A_173 : i32
      %parallel_loop3A_178 = arith.remsi %parallel_loop3A_144, %parallel_loop3A_177 : i32
      %parallel_loop3A_179 = arith.constant 0 : i32
      %parallel_loop3A_180 = arith.cmpi ne, %parallel_loop3A_178, %parallel_loop3A_179 : i32
      %parallel_loop3A_181 = arith.constant 0 : i32
      %parallel_loop3A_182 = arith.cmpi slt, %parallel_loop3A_178, %parallel_loop3A_181 : i32
      %parallel_loop3A_183 = arith.constant 0 : i32
      %parallel_loop3A_184 = arith.cmpi slt, %parallel_loop3A_177, %parallel_loop3A_183 : i32
      %parallel_loop3A_185 = arith.xori %parallel_loop3A_182, %parallel_loop3A_184 : i1
      %parallel_loop3A_186 = arith.andi %parallel_loop3A_185, %parallel_loop3A_180 : i1
      %parallel_loop3A_187 = arith.addi %parallel_loop3A_178, %parallel_loop3A_177 : i32
      %parallel_loop3A_188 = arith.select %parallel_loop3A_186, %parallel_loop3A_187, %parallel_loop3A_178 : i32
      %parallel_loop3A_189 = arith.constant 16 : i32
      %parallel_loop3A_190 = arith.muli %parallel_loop3A_188, %parallel_loop3A_189 : i32
      %parallel_loop3A_191 = arith.addi %parallel_loop3A_172, %parallel_loop3A_190 : i32
      %parallel_loop3A_192 = arith.index_cast %parallel_loop3A_146 : i32 to index
      %parallel_loop3A_193 = tpu.vector_load %arg11[%parallel_loop3A_192] {strides = array<i32>} : memref<8192xf32, #tpu.memory_space<vmem>>, vector<16xf32>,
      %parallel_loop3A_194 = arith.mulf %parallel_loop3A_193, %mul3A_13 : vector<16xf32>
      %parallel_loop3A_195 = arith.constant 1022.99994 : f32
      %parallel_loop3A_196 = vector.broadcast %parallel_loop3A_195 : f32 to vector<16xf32>
      %parallel_loop3A_197 = arith.minimumf %parallel_loop3A_194, %parallel_loop3A_196 : vector<16xf32>
      %parallel_loop3A_198 = arith.fptosi %parallel_loop3A_197 : vector<16xf32> to vector<16xi32>
      %parallel_loop3A_199 = arith.sitofp %parallel_loop3A_198 : vector<16xi32> to vector<16xf32>
      %parallel_loop3A_200 = arith.subf %parallel_loop3A_197, %parallel_loop3A_199 : vector<16xf32>
      %parallel_loop3A_201 = arith.constant 0 : i32
      %parallel_loop3A_202 = vector.broadcast %parallel_loop3A_201 : i32 to vector<16xi32>
      %parallel_loop3A_203 = arith.addi %parallel_loop3A_198, %parallel_loop3A_202 : vector<16xi32>
      %parallel_loop3A_204 = tpu.vector_load_idx %arg9[%parallel_loop3A_203] : memref<3072xf32, #tpu.memory_space<vmem>>[vector<16xi32>], vector<16xf32>,
      %parallel_loop3A_205 = arith.constant 1 : i32
      %parallel_loop3A_206 = vector.broadcast %parallel_loop3A_205 : i32 to vector<16xi32>
      %parallel_loop3A_207 = arith.addi %parallel_loop3A_203, %parallel_loop3A_206 : vector<16xi32>
      %parallel_loop3A_208 = tpu.vector_load_idx %arg9[%parallel_loop3A_207] : memref<3072xf32, #tpu.memory_space<vmem>>[vector<16xi32>], vector<16xf32>,
      %parallel_loop3A_209 = arith.subf %parallel_loop3A_208, %parallel_loop3A_204 : vector<16xf32>
      %parallel_loop3A_210 = arith.mulf %parallel_loop3A_200, %parallel_loop3A_209 : vector<16xf32>
      %parallel_loop3A_211 = arith.addf %parallel_loop3A_204, %parallel_loop3A_210 : vector<16xf32>
      %parallel_loop3A_212 = arith.constant 0 : i32
      %parallel_loop3A_213 = arith.addi %parallel_loop3A_191, %parallel_loop3A_212 : i32
      %parallel_loop3A_214 = arith.index_cast %parallel_loop3A_213 : i32 to index
      %parallel_loop3A_215 = tpu.vector_load %arg17[%parallel_loop3A_214] {strides = array<i32>} : memref<32768xf32, #tpu.memory_space<vmem>>, vector<16xf32>,
      tpu.vector_store %arg17[%parallel_loop3A_214], %parallel_loop3A_211 {strides = array<i32>} : memref<32768xf32, #tpu.memory_space<vmem>>, vector<16xf32>,
      %parallel_loop3A_216 = arith.index_cast %parallel_loop3A_146 : i32 to index
      %parallel_loop3A_217 = tpu.vector_load %arg12[%parallel_loop3A_216] {strides = array<i32>} : memref<8192xf32, #tpu.memory_space<vmem>>, vector<16xf32>,
      %parallel_loop3A_218 = arith.mulf %parallel_loop3A_217, %mul3A_13 : vector<16xf32>
      %parallel_loop3A_219 = arith.constant 1022.99994 : f32
      %parallel_loop3A_220 = vector.broadcast %parallel_loop3A_219 : f32 to vector<16xf32>
      %parallel_loop3A_221 = arith.minimumf %parallel_loop3A_218, %parallel_loop3A_220 : vector<16xf32>
      %parallel_loop3A_222 = arith.fptosi %parallel_loop3A_221 : vector<16xf32> to vector<16xi32>
      %parallel_loop3A_223 = arith.sitofp %parallel_loop3A_222 : vector<16xi32> to vector<16xf32>
      %parallel_loop3A_224 = arith.subf %parallel_loop3A_221, %parallel_loop3A_223 : vector<16xf32>
      %parallel_loop3A_225 = arith.constant 1024 : i32
      %parallel_loop3A_226 = vector.broadcast %parallel_loop3A_225 : i32 to vector<16xi32>
      %parallel_loop3A_227 = arith.addi %parallel_loop3A_222, %parallel_loop3A_226 : vector<16xi32>
      %parallel_loop3A_228 = tpu.vector_load_idx %arg9[%parallel_loop3A_227] : memref<3072xf32, #tpu.memory_space<vmem>>[vector<16xi32>], vector<16xf32>,
      %parallel_loop3A_229 = arith.constant 1 : i32
      %parallel_loop3A_230 = vector.broadcast %parallel_loop3A_229 : i32 to vector<16xi32>
      %parallel_loop3A_231 = arith.addi %parallel_loop3A_227, %parallel_loop3A_230 : vector<16xi32>
      %parallel_loop3A_232 = tpu.vector_load_idx %arg9[%parallel_loop3A_231] : memref<3072xf32, #tpu.memory_space<vmem>>[vector<16xi32>], vector<16xf32>,
      %parallel_loop3A_233 = arith.subf %parallel_loop3A_232, %parallel_loop3A_228 : vector<16xf32>
      %parallel_loop3A_234 = arith.mulf %parallel_loop3A_224, %parallel_loop3A_233 : vector<16xf32>
      %parallel_loop3A_235 = arith.addf %parallel_loop3A_228, %parallel_loop3A_234 : vector<16xf32>
      %parallel_loop3A_236 = arith.constant 128 : i32
      %parallel_loop3A_237 = arith.addi %parallel_loop3A_191, %parallel_loop3A_236 : i32
      %parallel_loop3A_238 = arith.index_cast %parallel_loop3A_237 : i32 to index
      %parallel_loop3A_239 = tpu.vector_load %arg17[%parallel_loop3A_238] {strides = array<i32>} : memref<32768xf32, #tpu.memory_space<vmem>>, vector<16xf32>,
      tpu.vector_store %arg17[%parallel_loop3A_238], %parallel_loop3A_235 {strides = array<i32>} : memref<32768xf32, #tpu.memory_space<vmem>>, vector<16xf32>,
      %parallel_loop3A_240 = arith.index_cast %parallel_loop3A_146 : i32 to index
      %parallel_loop3A_241 = tpu.vector_load %arg13[%parallel_loop3A_240] {strides = array<i32>} : memref<8192xf32, #tpu.memory_space<vmem>>, vector<16xf32>,
      %parallel_loop3A_242 = arith.mulf %parallel_loop3A_241, %mul3A_13 : vector<16xf32>
      %parallel_loop3A_243 = arith.constant 1022.99994 : f32
      %parallel_loop3A_244 = vector.broadcast %parallel_loop3A_243 : f32 to vector<16xf32>
      %parallel_loop3A_245 = arith.minimumf %parallel_loop3A_242, %parallel_loop3A_244 : vector<16xf32>
      %parallel_loop3A_246 = arith.fptosi %parallel_loop3A_245 : vector<16xf32> to vector<16xi32>
      %parallel_loop3A_247 = arith.sitofp %parallel_loop3A_246 : vector<16xi32> to vector<16xf32>
      %parallel_loop3A_248 = arith.subf %parallel_loop3A_245, %parallel_loop3A_247 : vector<16xf32>
      %parallel_loop3A_249 = arith.constant 2048 : i32
      %parallel_loop3A_250 = vector.broadcast %parallel_loop3A_249 : i32 to vector<16xi32>
      %parallel_loop3A_251 = arith.addi %parallel_loop3A_246, %parallel_loop3A_250 : vector<16xi32>
      %parallel_loop3A_252 = tpu.vector_load_idx %arg9[%parallel_loop3A_251] : memref<3072xf32, #tpu.memory_space<vmem>>[vector<16xi32>], vector<16xf32>,
      %parallel_loop3A_253 = arith.constant 1 : i32
      %parallel_loop3A_254 = vector.broadcast %parallel_loop3A_253 : i32 to vector<16xi32>
      %parallel_loop3A_255 = arith.addi %parallel_loop3A_251, %parallel_loop3A_254 : vector<16xi32>
      %parallel_loop3A_256 = tpu.vector_load_idx %arg9[%parallel_loop3A_255] : memref<3072xf32, #tpu.memory_space<vmem>>[vector<16xi32>], vector<16xf32>,
      %parallel_loop3A_257 = arith.subf %parallel_loop3A_256, %parallel_loop3A_252 : vector<16xf32>
      %parallel_loop3A_258 = arith.mulf %parallel_loop3A_248, %parallel_loop3A_257 : vector<16xf32>
      %parallel_loop3A_259 = arith.addf %parallel_loop3A_252, %parallel_loop3A_258 : vector<16xf32>
      %parallel_loop3A_260 = arith.constant 256 : i32
      %parallel_loop3A_261 = arith.addi %parallel_loop3A_191, %parallel_loop3A_260 : i32
      %parallel_loop3A_262 = arith.index_cast %parallel_loop3A_261 : i32 to index
      %parallel_loop3A_263 = tpu.vector_load %arg17[%parallel_loop3A_262] {strides = array<i32>} : memref<32768xf32, #tpu.memory_space<vmem>>, vector<16xf32>,
      tpu.vector_store %arg17[%parallel_loop3A_262], %parallel_loop3A_259 {strides = array<i32>} : memref<32768xf32, #tpu.memory_space<vmem>>, vector<16xf32>,
    } {sc.loop_unroll_factor = 2 : i64, sc.parallel_access}
    %add3A_31 = arith.constant 0 : i32
    %add3A_32 = arith.addi %mul3A_2, %add3A_31 : i32
    %mul3A_33 = arith.constant 4 : i32
    %mul3A_34 = arith.muli %add3A_32, %mul3A_33 : i32
    %add3A_35 = arith.constant 0 : i32
    %add3A_36 = arith.addi %add3A_35, %mul3A_34 : i32
    %dma_start3A_37 = tpu.memref_slice %arg7[%add3A_36] : memref<8388608xf32, #tpu.memory_space<hbm>> -> memref<32768xf32, #tpu.memory_space<hbm>>
    %dma_start3A_38 = tpu.memref_slice %arg7[%add3A_36] : memref<8388608xf32, #tpu.memory_space<hbm>> -> memref<32768xf32, #tpu.memory_space<hbm>>
    tpu.enqueue_dma source(%arg17 : memref<32768xf32, #tpu.memory_space<vmem>>) target(%dma_start3A_38 : memref<32768xf32, #tpu.memory_space<hbm>>) target_semaphore(%arg21 : memref<!tpu.dma_semaphore, #tpu.memory_space<semaphore_mem>>)
    %add3A_39 = arith.constant 8192 : i32
    %add3A_40 = arith.addi %mul3A_2, %add3A_39 : i32
    %dma_wait3A_41 = tpu.memref_slice %arg2[%add3A_40] : memref<1048576xf32, #tpu.memory_space<hbm>> -> memref<8192xf32, #tpu.memory_space<hbm>>
    %dma_wait3A_42 = tpu.memref_slice %arg2[%add3A_40] : memref<1048576xf32, #tpu.memory_space<hbm>> -> memref<8192xf32, #tpu.memory_space<hbm>>
    tpu.wait_dma2 semaphore(%arg20 : memref<!tpu.dma_semaphore, #tpu.memory_space<semaphore_mem>>) src(%dma_wait3A_42 : memref<8192xf32, #tpu.memory_space<hbm>>) dst(%arg14 : memref<8192xf32, #tpu.memory_space<vmem>>)
    %dma_wait3A_43 = tpu.memref_slice %arg3[%add3A_40] : memref<1048576xf32, #tpu.memory_space<hbm>> -> memref<8192xf32, #tpu.memory_space<hbm>>
    %dma_wait3A_44 = tpu.memref_slice %arg3[%add3A_40] : memref<1048576xf32, #tpu.memory_space<hbm>> -> memref<8192xf32, #tpu.memory_space<hbm>>
    tpu.wait_dma2 semaphore(%arg20 : memref<!tpu.dma_semaphore, #tpu.memory_space<semaphore_mem>>) src(%dma_wait3A_44 : memref<8192xf32, #tpu.memory_space<hbm>>) dst(%arg15 : memref<8192xf32, #tpu.memory_space<vmem>>)
    %dma_wait3A_45 = tpu.memref_slice %arg4[%add3A_40] : memref<1048576xf32, #tpu.memory_space<hbm>> -> memref<8192xf32, #tpu.memory_space<hbm>>
    %dma_wait3A_46 = tpu.memref_slice %arg4[%add3A_40] : memref<1048576xf32, #tpu.memory_space<hbm>> -> memref<8192xf32, #tpu.memory_space<hbm>>
    tpu.wait_dma2 semaphore(%arg20 : memref<!tpu.dma_semaphore, #tpu.memory_space<semaphore_mem>>) src(%dma_wait3A_46 : memref<8192xf32, #tpu.memory_space<hbm>>) dst(%arg16 : memref<8192xf32, #tpu.memory_space<vmem>>)
    %add3A_47 = arith.constant 16384 : i32
    %add3A_48 = arith.addi %mul3A_2, %add3A_47 : i32
    %dma_start3A_49 = tpu.memref_slice %arg2[%add3A_48] : memref<1048576xf32, #tpu.memory_space<hbm>> -> memref<8192xf32, #tpu.memory_space<hbm>>
    %dma_start3A_50 = tpu.memref_slice %arg2[%add3A_48] : memref<1048576xf32, #tpu.memory_space<hbm>> -> memref<8192xf32, #tpu.memory_space<hbm>>
    tpu.enqueue_dma source(%dma_start3A_50 : memref<8192xf32, #tpu.memory_space<hbm>>) target(%arg11 : memref<8192xf32, #tpu.memory_space<vmem>>) target_semaphore(%arg19 : memref<!tpu.dma_semaphore, #tpu.memory_space<semaphore_mem>>)
    %dma_start3A_51 = tpu.memref_slice %arg3[%add3A_48] : memref<1048576xf32, #tpu.memory_space<hbm>> -> memref<8192xf32, #tpu.memory_space<hbm>>
    %dma_start3A_52 = tpu.memref_slice %arg3[%add3A_48] : memref<1048576xf32, #tpu.memory_space<hbm>> -> memref<8192xf32, #tpu.memory_space<hbm>>
    tpu.enqueue_dma source(%dma_start3A_52 : memref<8192xf32, #tpu.memory_space<hbm>>) target(%arg12 : memref<8192xf32, #tpu.memory_space<vmem>>) target_semaphore(%arg19 : memref<!tpu.dma_semaphore, #tpu.memory_space<semaphore_mem>>)
    %dma_start3A_53 = tpu.memref_slice %arg4[%add3A_48] : memref<1048576xf32, #tpu.memory_space<hbm>> -> memref<8192xf32, #tpu.memory_space<hbm>>
    %dma_start3A_54 = tpu.memref_slice %arg4[%add3A_48] : memref<1048576xf32, #tpu.memory_space<hbm>> -> memref<8192xf32, #tpu.memory_space<hbm>>
    tpu.enqueue_dma source(%dma_start3A_54 : memref<8192xf32, #tpu.memory_space<hbm>>) target(%arg13 : memref<8192xf32, #tpu.memory_space<vmem>>) target_semaphore(%arg19 : memref<!tpu.dma_semaphore, #tpu.memory_space<semaphore_mem>>)
    %parallel_loop3A_55 = arith.constant 0 : i32
    %parallel_loop3A_56 = arith.constant 512 : i32
    %parallel_loop3A_57 = arith.constant 1 : i32
    scf.for %parallel_loop3A_144 = %parallel_loop3A_55 to %parallel_loop3A_56 step %parallel_loop3A_57  : i32 {
      %parallel_loop3A_145 = arith.constant 16 : i32
      %parallel_loop3A_146 = arith.muli %parallel_loop3A_144, %parallel_loop3A_145 : i32
      %parallel_loop3A_147 = arith.constant 8 : i32
      %parallel_loop3A_148 = arith.divsi %parallel_loop3A_144, %parallel_loop3A_147 : i32
      %parallel_loop3A_149 = arith.constant 0 : i32
      %parallel_loop3A_150 = arith.cmpi sgt, %parallel_loop3A_144, %parallel_loop3A_149 : i32
      %parallel_loop3A_151 = arith.extui %parallel_loop3A_150 : i1 to i32
      %parallel_loop3A_152 = arith.constant 0 : i32
      %parallel_loop3A_153 = arith.cmpi slt, %parallel_loop3A_144, %parallel_loop3A_152 : i32
      %parallel_loop3A_154 = arith.extui %parallel_loop3A_153 : i1 to i32
      %parallel_loop3A_155 = arith.subi %parallel_loop3A_151, %parallel_loop3A_154 : i32
      %parallel_loop3A_156 = arith.constant 0 : i32
      %parallel_loop3A_157 = arith.cmpi sgt, %parallel_loop3A_147, %parallel_loop3A_156 : i32
      %parallel_loop3A_158 = arith.extui %parallel_loop3A_157 : i1 to i32
      %parallel_loop3A_159 = arith.constant 0 : i32
      %parallel_loop3A_160 = arith.cmpi slt, %parallel_loop3A_147, %parallel_loop3A_159 : i32
      %parallel_loop3A_161 = arith.extui %parallel_loop3A_160 : i1 to i32
      %parallel_loop3A_162 = arith.subi %parallel_loop3A_158, %parallel_loop3A_161 : i32
      %parallel_loop3A_163 = arith.cmpi ne, %parallel_loop3A_155, %parallel_loop3A_162 : i32
      %parallel_loop3A_164 = arith.remsi %parallel_loop3A_144, %parallel_loop3A_147 : i32
      %parallel_loop3A_165 = arith.constant 0 : i32
      %parallel_loop3A_166 = arith.cmpi ne, %parallel_loop3A_164, %parallel_loop3A_165 : i32
      %parallel_loop3A_167 = arith.andi %parallel_loop3A_163, %parallel_loop3A_166 : i1
      %parallel_loop3A_168 = arith.constant 1 : i32
      %parallel_loop3A_169 = arith.subi %parallel_loop3A_148, %parallel_loop3A_168 : i32
      %parallel_loop3A_170 = arith.select %parallel_loop3A_167, %parallel_loop3A_169, %parallel_loop3A_148 : i32
      %parallel_loop3A_171 = arith.constant 512 : i32
      %parallel_loop3A_172 = arith.muli %parallel_loop3A_170, %parallel_loop3A_171 : i32
      %parallel_loop3A_173 = arith.constant 8 : i32
      %parallel_loop3A_174 = arith.constant 0 : i32
      %parallel_loop3A_175 = arith.cmpi eq, %parallel_loop3A_173, %parallel_loop3A_174 : i32
      %parallel_loop3A_176 = arith.constant 1 : i32
      %parallel_loop3A_177 = arith.select %parallel_loop3A_175, %parallel_loop3A_176, %parallel_loop3A_173 : i32
      %parallel_loop3A_178 = arith.remsi %parallel_loop3A_144, %parallel_loop3A_177 : i32
      %parallel_loop3A_179 = arith.constant 0 : i32
      %parallel_loop3A_180 = arith.cmpi ne, %parallel_loop3A_178, %parallel_loop3A_179 : i32
      %parallel_loop3A_181 = arith.constant 0 : i32
      %parallel_loop3A_182 = arith.cmpi slt, %parallel_loop3A_178, %parallel_loop3A_181 : i32
      %parallel_loop3A_183 = arith.constant 0 : i32
      %parallel_loop3A_184 = arith.cmpi slt, %parallel_loop3A_177, %parallel_loop3A_183 : i32
      %parallel_loop3A_185 = arith.xori %parallel_loop3A_182, %parallel_loop3A_184 : i1
      %parallel_loop3A_186 = arith.andi %parallel_loop3A_185, %parallel_loop3A_180 : i1
      %parallel_loop3A_187 = arith.addi %parallel_loop3A_178, %parallel_loop3A_177 : i32
      %parallel_loop3A_188 = arith.select %parallel_loop3A_186, %parallel_loop3A_187, %parallel_loop3A_178 : i32
      %parallel_loop3A_189 = arith.constant 16 : i32
      %parallel_loop3A_190 = arith.muli %parallel_loop3A_188, %parallel_loop3A_189 : i32
      %parallel_loop3A_191 = arith.addi %parallel_loop3A_172, %parallel_loop3A_190 : i32
      %parallel_loop3A_192 = arith.index_cast %parallel_loop3A_146 : i32 to index
      %parallel_loop3A_193 = tpu.vector_load %arg14[%parallel_loop3A_192] {strides = array<i32>} : memref<8192xf32, #tpu.memory_space<vmem>>, vector<16xf32>,
      %parallel_loop3A_194 = arith.mulf %parallel_loop3A_193, %mul3A_13 : vector<16xf32>
      %parallel_loop3A_195 = arith.constant 1022.99994 : f32
      %parallel_loop3A_196 = vector.broadcast %parallel_loop3A_195 : f32 to vector<16xf32>
      %parallel_loop3A_197 = arith.minimumf %parallel_loop3A_194, %parallel_loop3A_196 : vector<16xf32>
      %parallel_loop3A_198 = arith.fptosi %parallel_loop3A_197 : vector<16xf32> to vector<16xi32>
      %parallel_loop3A_199 = arith.sitofp %parallel_loop3A_198 : vector<16xi32> to vector<16xf32>
      %parallel_loop3A_200 = arith.subf %parallel_loop3A_197, %parallel_loop3A_199 : vector<16xf32>
      %parallel_loop3A_201 = arith.constant 0 : i32
      %parallel_loop3A_202 = vector.broadcast %parallel_loop3A_201 : i32 to vector<16xi32>
      %parallel_loop3A_203 = arith.addi %parallel_loop3A_198, %parallel_loop3A_202 : vector<16xi32>
      %parallel_loop3A_204 = tpu.vector_load_idx %arg9[%parallel_loop3A_203] : memref<3072xf32, #tpu.memory_space<vmem>>[vector<16xi32>], vector<16xf32>,
      %parallel_loop3A_205 = arith.constant 1 : i32
      %parallel_loop3A_206 = vector.broadcast %parallel_loop3A_205 : i32 to vector<16xi32>
      %parallel_loop3A_207 = arith.addi %parallel_loop3A_203, %parallel_loop3A_206 : vector<16xi32>
      %parallel_loop3A_208 = tpu.vector_load_idx %arg9[%parallel_loop3A_207] : memref<3072xf32, #tpu.memory_space<vmem>>[vector<16xi32>], vector<16xf32>,
      %parallel_loop3A_209 = arith.subf %parallel_loop3A_208, %parallel_loop3A_204 : vector<16xf32>
      %parallel_loop3A_210 = arith.mulf %parallel_loop3A_200, %parallel_loop3A_209 : vector<16xf32>
      %parallel_loop3A_211 = arith.addf %parallel_loop3A_204, %parallel_loop3A_210 : vector<16xf32>
      %parallel_loop3A_212 = arith.constant 0 : i32
      %parallel_loop3A_213 = arith.addi %parallel_loop3A_191, %parallel_loop3A_212 : i32
      %parallel_loop3A_214 = arith.index_cast %parallel_loop3A_213 : i32 to index
      %parallel_loop3A_215 = tpu.vector_load %arg18[%parallel_loop3A_214] {strides = array<i32>} : memref<32768xf32, #tpu.memory_space<vmem>>, vector<16xf32>,
      tpu.vector_store %arg18[%parallel_loop3A_214], %parallel_loop3A_211 {strides = array<i32>} : memref<32768xf32, #tpu.memory_space<vmem>>, vector<16xf32>,
      %parallel_loop3A_216 = arith.index_cast %parallel_loop3A_146 : i32 to index
      %parallel_loop3A_217 = tpu.vector_load %arg15[%parallel_loop3A_216] {strides = array<i32>} : memref<8192xf32, #tpu.memory_space<vmem>>, vector<16xf32>,
      %parallel_loop3A_218 = arith.mulf %parallel_loop3A_217, %mul3A_13 : vector<16xf32>
      %parallel_loop3A_219 = arith.constant 1022.99994 : f32
      %parallel_loop3A_220 = vector.broadcast %parallel_loop3A_219 : f32 to vector<16xf32>
      %parallel_loop3A_221 = arith.minimumf %parallel_loop3A_218, %parallel_loop3A_220 : vector<16xf32>
      %parallel_loop3A_222 = arith.fptosi %parallel_loop3A_221 : vector<16xf32> to vector<16xi32>
      %parallel_loop3A_223 = arith.sitofp %parallel_loop3A_222 : vector<16xi32> to vector<16xf32>
      %parallel_loop3A_224 = arith.subf %parallel_loop3A_221, %parallel_loop3A_223 : vector<16xf32>
      %parallel_loop3A_225 = arith.constant 1024 : i32
      %parallel_loop3A_226 = vector.broadcast %parallel_loop3A_225 : i32 to vector<16xi32>
      %parallel_loop3A_227 = arith.addi %parallel_loop3A_222, %parallel_loop3A_226 : vector<16xi32>
      %parallel_loop3A_228 = tpu.vector_load_idx %arg9[%parallel_loop3A_227] : memref<3072xf32, #tpu.memory_space<vmem>>[vector<16xi32>], vector<16xf32>,
      %parallel_loop3A_229 = arith.constant 1 : i32
      %parallel_loop3A_230 = vector.broadcast %parallel_loop3A_229 : i32 to vector<16xi32>
      %parallel_loop3A_231 = arith.addi %parallel_loop3A_227, %parallel_loop3A_230 : vector<16xi32>
      %parallel_loop3A_232 = tpu.vector_load_idx %arg9[%parallel_loop3A_231] : memref<3072xf32, #tpu.memory_space<vmem>>[vector<16xi32>], vector<16xf32>,
      %parallel_loop3A_233 = arith.subf %parallel_loop3A_232, %parallel_loop3A_228 : vector<16xf32>
      %parallel_loop3A_234 = arith.mulf %parallel_loop3A_224, %parallel_loop3A_233 : vector<16xf32>
      %parallel_loop3A_235 = arith.addf %parallel_loop3A_228, %parallel_loop3A_234 : vector<16xf32>
      %parallel_loop3A_236 = arith.constant 128 : i32
      %parallel_loop3A_237 = arith.addi %parallel_loop3A_191, %parallel_loop3A_236 : i32
      %parallel_loop3A_238 = arith.index_cast %parallel_loop3A_237 : i32 to index
      %parallel_loop3A_239 = tpu.vector_load %arg18[%parallel_loop3A_238] {strides = array<i32>} : memref<32768xf32, #tpu.memory_space<vmem>>, vector<16xf32>,
      tpu.vector_store %arg18[%parallel_loop3A_238], %parallel_loop3A_235 {strides = array<i32>} : memref<32768xf32, #tpu.memory_space<vmem>>, vector<16xf32>,
      %parallel_loop3A_240 = arith.index_cast %parallel_loop3A_146 : i32 to index
      %parallel_loop3A_241 = tpu.vector_load %arg16[%parallel_loop3A_240] {strides = array<i32>} : memref<8192xf32, #tpu.memory_space<vmem>>, vector<16xf32>,
      %parallel_loop3A_242 = arith.mulf %parallel_loop3A_241, %mul3A_13 : vector<16xf32>
      %parallel_loop3A_243 = arith.constant 1022.99994 : f32
      %parallel_loop3A_244 = vector.broadcast %parallel_loop3A_243 : f32 to vector<16xf32>
      %parallel_loop3A_245 = arith.minimumf %parallel_loop3A_242, %parallel_loop3A_244 : vector<16xf32>
      %parallel_loop3A_246 = arith.fptosi %parallel_loop3A_245 : vector<16xf32> to vector<16xi32>
      %parallel_loop3A_247 = arith.sitofp %parallel_loop3A_246 : vector<16xi32> to vector<16xf32>
      %parallel_loop3A_248 = arith.subf %parallel_loop3A_245, %parallel_loop3A_247 : vector<16xf32>
      %parallel_loop3A_249 = arith.constant 2048 : i32
      %parallel_loop3A_250 = vector.broadcast %parallel_loop3A_249 : i32 to vector<16xi32>
      %parallel_loop3A_251 = arith.addi %parallel_loop3A_246, %parallel_loop3A_250 : vector<16xi32>
      %parallel_loop3A_252 = tpu.vector_load_idx %arg9[%parallel_loop3A_251] : memref<3072xf32, #tpu.memory_space<vmem>>[vector<16xi32>], vector<16xf32>,
      %parallel_loop3A_253 = arith.constant 1 : i32
      %parallel_loop3A_254 = vector.broadcast %parallel_loop3A_253 : i32 to vector<16xi32>
      %parallel_loop3A_255 = arith.addi %parallel_loop3A_251, %parallel_loop3A_254 : vector<16xi32>
      %parallel_loop3A_256 = tpu.vector_load_idx %arg9[%parallel_loop3A_255] : memref<3072xf32, #tpu.memory_space<vmem>>[vector<16xi32>], vector<16xf32>,
      %parallel_loop3A_257 = arith.subf %parallel_loop3A_256, %parallel_loop3A_252 : vector<16xf32>
      %parallel_loop3A_258 = arith.mulf %parallel_loop3A_248, %parallel_loop3A_257 : vector<16xf32>
      %parallel_loop3A_259 = arith.addf %parallel_loop3A_252, %parallel_loop3A_258 : vector<16xf32>
      %parallel_loop3A_260 = arith.constant 256 : i32
      %parallel_loop3A_261 = arith.addi %parallel_loop3A_191, %parallel_loop3A_260 : i32
      %parallel_loop3A_262 = arith.index_cast %parallel_loop3A_261 : i32 to index
      %parallel_loop3A_263 = tpu.vector_load %arg18[%parallel_loop3A_262] {strides = array<i32>} : memref<32768xf32, #tpu.memory_space<vmem>>, vector<16xf32>,
      tpu.vector_store %arg18[%parallel_loop3A_262], %parallel_loop3A_259 {strides = array<i32>} : memref<32768xf32, #tpu.memory_space<vmem>>, vector<16xf32>,
    } {sc.loop_unroll_factor = 2 : i64, sc.parallel_access}
    %add3A_58 = arith.constant 8192 : i32
    %add3A_59 = arith.addi %mul3A_2, %add3A_58 : i32
    %mul3A_60 = arith.constant 4 : i32
    %mul3A_61 = arith.muli %add3A_59, %mul3A_60 : i32
    %add3A_62 = arith.constant 0 : i32
    %add3A_63 = arith.addi %add3A_62, %mul3A_61 : i32
    %dma_start3A_64 = tpu.memref_slice %arg7[%add3A_63] : memref<8388608xf32, #tpu.memory_space<hbm>> -> memref<32768xf32, #tpu.memory_space<hbm>>
    %dma_start3A_65 = tpu.memref_slice %arg7[%add3A_63] : memref<8388608xf32, #tpu.memory_space<hbm>> -> memref<32768xf32, #tpu.memory_space<hbm>>
    tpu.enqueue_dma source(%arg18 : memref<32768xf32, #tpu.memory_space<vmem>>) target(%dma_start3A_65 : memref<32768xf32, #tpu.memory_space<hbm>>) target_semaphore(%arg22 : memref<!tpu.dma_semaphore, #tpu.memory_space<semaphore_mem>>)
    %add3A_66 = arith.constant 16384 : i32
    %add3A_67 = arith.addi %mul3A_2, %add3A_66 : i32
    %dma_wait3A_68 = tpu.memref_slice %arg2[%add3A_67] : memref<1048576xf32, #tpu.memory_space<hbm>> -> memref<8192xf32, #tpu.memory_space<hbm>>
    %dma_wait3A_69 = tpu.memref_slice %arg2[%add3A_67] : memref<1048576xf32, #tpu.memory_space<hbm>> -> memref<8192xf32, #tpu.memory_space<hbm>>
    tpu.wait_dma2 semaphore(%arg19 : memref<!tpu.dma_semaphore, #tpu.memory_space<semaphore_mem>>) src(%dma_wait3A_69 : memref<8192xf32, #tpu.memory_space<hbm>>) dst(%arg11 : memref<8192xf32, #tpu.memory_space<vmem>>)
    %dma_wait3A_70 = tpu.memref_slice %arg3[%add3A_67] : memref<1048576xf32, #tpu.memory_space<hbm>> -> memref<8192xf32, #tpu.memory_space<hbm>>
    %dma_wait3A_71 = tpu.memref_slice %arg3[%add3A_67] : memref<1048576xf32, #tpu.memory_space<hbm>> -> memref<8192xf32, #tpu.memory_space<hbm>>
    tpu.wait_dma2 semaphore(%arg19 : memref<!tpu.dma_semaphore, #tpu.memory_space<semaphore_mem>>) src(%dma_wait3A_71 : memref<8192xf32, #tpu.memory_space<hbm>>) dst(%arg12 : memref<8192xf32, #tpu.memory_space<vmem>>)
    %dma_wait3A_72 = tpu.memref_slice %arg4[%add3A_67] : memref<1048576xf32, #tpu.memory_space<hbm>> -> memref<8192xf32, #tpu.memory_space<hbm>>
    %dma_wait3A_73 = tpu.memref_slice %arg4[%add3A_67] : memref<1048576xf32, #tpu.memory_space<hbm>> -> memref<8192xf32, #tpu.memory_space<hbm>>
    tpu.wait_dma2 semaphore(%arg19 : memref<!tpu.dma_semaphore, #tpu.memory_space<semaphore_mem>>) src(%dma_wait3A_73 : memref<8192xf32, #tpu.memory_space<hbm>>) dst(%arg13 : memref<8192xf32, #tpu.memory_space<vmem>>)
    %add3A_74 = arith.constant 24576 : i32
    %add3A_75 = arith.addi %mul3A_2, %add3A_74 : i32
    %dma_start3A_76 = tpu.memref_slice %arg2[%add3A_75] : memref<1048576xf32, #tpu.memory_space<hbm>> -> memref<8192xf32, #tpu.memory_space<hbm>>
    %dma_start3A_77 = tpu.memref_slice %arg2[%add3A_75] : memref<1048576xf32, #tpu.memory_space<hbm>> -> memref<8192xf32, #tpu.memory_space<hbm>>
    tpu.enqueue_dma source(%dma_start3A_77 : memref<8192xf32, #tpu.memory_space<hbm>>) target(%arg14 : memref<8192xf32, #tpu.memory_space<vmem>>) target_semaphore(%arg20 : memref<!tpu.dma_semaphore, #tpu.memory_space<semaphore_mem>>)
    %dma_start3A_78 = tpu.memref_slice %arg3[%add3A_75] : memref<1048576xf32, #tpu.memory_space<hbm>> -> memref<8192xf32, #tpu.memory_space<hbm>>
    %dma_start3A_79 = tpu.memref_slice %arg3[%add3A_75] : memref<1048576xf32, #tpu.memory_space<hbm>> -> memref<8192xf32, #tpu.memory_space<hbm>>
    tpu.enqueue_dma source(%dma_start3A_79 : memref<8192xf32, #tpu.memory_space<hbm>>) target(%arg15 : memref<8192xf32, #tpu.memory_space<vmem>>) target_semaphore(%arg20 : memref<!tpu.dma_semaphore, #tpu.memory_space<semaphore_mem>>)
    %dma_start3A_80 = tpu.memref_slice %arg4[%add3A_75] : memref<1048576xf32, #tpu.memory_space<hbm>> -> memref<8192xf32, #tpu.memory_space<hbm>>
    %dma_start3A_81 = tpu.memref_slice %arg4[%add3A_75] : memref<1048576xf32, #tpu.memory_space<hbm>> -> memref<8192xf32, #tpu.memory_space<hbm>>
    tpu.enqueue_dma source(%dma_start3A_81 : memref<8192xf32, #tpu.memory_space<hbm>>) target(%arg16 : memref<8192xf32, #tpu.memory_space<vmem>>) target_semaphore(%arg20 : memref<!tpu.dma_semaphore, #tpu.memory_space<semaphore_mem>>)
    %add3A_82 = arith.constant 0 : i32
    %add3A_83 = arith.addi %mul3A_2, %add3A_82 : i32
    %mul3A_84 = arith.constant 4 : i32
    %mul3A_85 = arith.muli %add3A_83, %mul3A_84 : i32
    %add3A_86 = arith.constant 0 : i32
    %add3A_87 = arith.addi %add3A_86, %mul3A_85 : i32
    %dma_wait3A_88 = tpu.memref_slice %arg7[%add3A_87] : memref<8388608xf32, #tpu.memory_space<hbm>> -> memref<32768xf32, #tpu.memory_space<hbm>>
    %dma_wait3A_89 = tpu.memref_slice %arg7[%add3A_87] : memref<8388608xf32, #tpu.memory_space<hbm>> -> memref<32768xf32, #tpu.memory_space<hbm>>
    tpu.wait_dma2 semaphore(%arg21 : memref<!tpu.dma_semaphore, #tpu.memory_space<semaphore_mem>>) src(%arg17 : memref<32768xf32, #tpu.memory_space<vmem>>) dst(%dma_wait3A_89 : memref<32768xf32, #tpu.memory_space<hbm>>)
    %parallel_loop3A_90 = arith.constant 0 : i32
    %parallel_loop3A_91 = arith.constant 512 : i32
    %parallel_loop3A_92 = arith.constant 1 : i32
    scf.for %parallel_loop3A_144 = %parallel_loop3A_90 to %parallel_loop3A_91 step %parallel_loop3A_92  : i32 {
      %parallel_loop3A_145 = arith.constant 16 : i32
      %parallel_loop3A_146 = arith.muli %parallel_loop3A_144, %parallel_loop3A_145 : i32
      %parallel_loop3A_147 = arith.constant 8 : i32
      %parallel_loop3A_148 = arith.divsi %parallel_loop3A_144, %parallel_loop3A_147 : i32
      %parallel_loop3A_149 = arith.constant 0 : i32
      %parallel_loop3A_150 = arith.cmpi sgt, %parallel_loop3A_144, %parallel_loop3A_149 : i32
      %parallel_loop3A_151 = arith.extui %parallel_loop3A_150 : i1 to i32
      %parallel_loop3A_152 = arith.constant 0 : i32
      %parallel_loop3A_153 = arith.cmpi slt, %parallel_loop3A_144, %parallel_loop3A_152 : i32
      %parallel_loop3A_154 = arith.extui %parallel_loop3A_153 : i1 to i32
      %parallel_loop3A_155 = arith.subi %parallel_loop3A_151, %parallel_loop3A_154 : i32
      %parallel_loop3A_156 = arith.constant 0 : i32
      %parallel_loop3A_157 = arith.cmpi sgt, %parallel_loop3A_147, %parallel_loop3A_156 : i32
      %parallel_loop3A_158 = arith.extui %parallel_loop3A_157 : i1 to i32
      %parallel_loop3A_159 = arith.constant 0 : i32
      %parallel_loop3A_160 = arith.cmpi slt, %parallel_loop3A_147, %parallel_loop3A_159 : i32
      %parallel_loop3A_161 = arith.extui %parallel_loop3A_160 : i1 to i32
      %parallel_loop3A_162 = arith.subi %parallel_loop3A_158, %parallel_loop3A_161 : i32
      %parallel_loop3A_163 = arith.cmpi ne, %parallel_loop3A_155, %parallel_loop3A_162 : i32
      %parallel_loop3A_164 = arith.remsi %parallel_loop3A_144, %parallel_loop3A_147 : i32
      %parallel_loop3A_165 = arith.constant 0 : i32
      %parallel_loop3A_166 = arith.cmpi ne, %parallel_loop3A_164, %parallel_loop3A_165 : i32
      %parallel_loop3A_167 = arith.andi %parallel_loop3A_163, %parallel_loop3A_166 : i1
      %parallel_loop3A_168 = arith.constant 1 : i32
      %parallel_loop3A_169 = arith.subi %parallel_loop3A_148, %parallel_loop3A_168 : i32
      %parallel_loop3A_170 = arith.select %parallel_loop3A_167, %parallel_loop3A_169, %parallel_loop3A_148 : i32
      %parallel_loop3A_171 = arith.constant 512 : i32
      %parallel_loop3A_172 = arith.muli %parallel_loop3A_170, %parallel_loop3A_171 : i32
      %parallel_loop3A_173 = arith.constant 8 : i32
      %parallel_loop3A_174 = arith.constant 0 : i32
      %parallel_loop3A_175 = arith.cmpi eq, %parallel_loop3A_173, %parallel_loop3A_174 : i32
      %parallel_loop3A_176 = arith.constant 1 : i32
      %parallel_loop3A_177 = arith.select %parallel_loop3A_175, %parallel_loop3A_176, %parallel_loop3A_173 : i32
      %parallel_loop3A_178 = arith.remsi %parallel_loop3A_144, %parallel_loop3A_177 : i32
      %parallel_loop3A_179 = arith.constant 0 : i32
      %parallel_loop3A_180 = arith.cmpi ne, %parallel_loop3A_178, %parallel_loop3A_179 : i32
      %parallel_loop3A_181 = arith.constant 0 : i32
      %parallel_loop3A_182 = arith.cmpi slt, %parallel_loop3A_178, %parallel_loop3A_181 : i32
      %parallel_loop3A_183 = arith.constant 0 : i32
      %parallel_loop3A_184 = arith.cmpi slt, %parallel_loop3A_177, %parallel_loop3A_183 : i32
      %parallel_loop3A_185 = arith.xori %parallel_loop3A_182, %parallel_loop3A_184 : i1
      %parallel_loop3A_186 = arith.andi %parallel_loop3A_185, %parallel_loop3A_180 : i1
      %parallel_loop3A_187 = arith.addi %parallel_loop3A_178, %parallel_loop3A_177 : i32
      %parallel_loop3A_188 = arith.select %parallel_loop3A_186, %parallel_loop3A_187, %parallel_loop3A_178 : i32
      %parallel_loop3A_189 = arith.constant 16 : i32
      %parallel_loop3A_190 = arith.muli %parallel_loop3A_188, %parallel_loop3A_189 : i32
      %parallel_loop3A_191 = arith.addi %parallel_loop3A_172, %parallel_loop3A_190 : i32
      %parallel_loop3A_192 = arith.index_cast %parallel_loop3A_146 : i32 to index
      %parallel_loop3A_193 = tpu.vector_load %arg11[%parallel_loop3A_192] {strides = array<i32>} : memref<8192xf32, #tpu.memory_space<vmem>>, vector<16xf32>,
      %parallel_loop3A_194 = arith.mulf %parallel_loop3A_193, %mul3A_13 : vector<16xf32>
      %parallel_loop3A_195 = arith.constant 1022.99994 : f32
      %parallel_loop3A_196 = vector.broadcast %parallel_loop3A_195 : f32 to vector<16xf32>
      %parallel_loop3A_197 = arith.minimumf %parallel_loop3A_194, %parallel_loop3A_196 : vector<16xf32>
      %parallel_loop3A_198 = arith.fptosi %parallel_loop3A_197 : vector<16xf32> to vector<16xi32>
      %parallel_loop3A_199 = arith.sitofp %parallel_loop3A_198 : vector<16xi32> to vector<16xf32>
      %parallel_loop3A_200 = arith.subf %parallel_loop3A_197, %parallel_loop3A_199 : vector<16xf32>
      %parallel_loop3A_201 = arith.constant 0 : i32
      %parallel_loop3A_202 = vector.broadcast %parallel_loop3A_201 : i32 to vector<16xi32>
      %parallel_loop3A_203 = arith.addi %parallel_loop3A_198, %parallel_loop3A_202 : vector<16xi32>
      %parallel_loop3A_204 = tpu.vector_load_idx %arg9[%parallel_loop3A_203] : memref<3072xf32, #tpu.memory_space<vmem>>[vector<16xi32>], vector<16xf32>,
      %parallel_loop3A_205 = arith.constant 1 : i32
      %parallel_loop3A_206 = vector.broadcast %parallel_loop3A_205 : i32 to vector<16xi32>
      %parallel_loop3A_207 = arith.addi %parallel_loop3A_203, %parallel_loop3A_206 : vector<16xi32>
      %parallel_loop3A_208 = tpu.vector_load_idx %arg9[%parallel_loop3A_207] : memref<3072xf32, #tpu.memory_space<vmem>>[vector<16xi32>], vector<16xf32>,
      %parallel_loop3A_209 = arith.subf %parallel_loop3A_208, %parallel_loop3A_204 : vector<16xf32>
      %parallel_loop3A_210 = arith.mulf %parallel_loop3A_200, %parallel_loop3A_209 : vector<16xf32>
      %parallel_loop3A_211 = arith.addf %parallel_loop3A_204, %parallel_loop3A_210 : vector<16xf32>
      %parallel_loop3A_212 = arith.constant 0 : i32
      %parallel_loop3A_213 = arith.addi %parallel_loop3A_191, %parallel_loop3A_212 : i32
      %parallel_loop3A_214 = arith.index_cast %parallel_loop3A_213 : i32 to index
      %parallel_loop3A_215 = tpu.vector_load %arg17[%parallel_loop3A_214] {strides = array<i32>} : memref<32768xf32, #tpu.memory_space<vmem>>, vector<16xf32>,
      tpu.vector_store %arg17[%parallel_loop3A_214], %parallel_loop3A_211 {strides = array<i32>} : memref<32768xf32, #tpu.memory_space<vmem>>, vector<16xf32>,
      %parallel_loop3A_216 = arith.index_cast %parallel_loop3A_146 : i32 to index
      %parallel_loop3A_217 = tpu.vector_load %arg12[%parallel_loop3A_216] {strides = array<i32>} : memref<8192xf32, #tpu.memory_space<vmem>>, vector<16xf32>,
      %parallel_loop3A_218 = arith.mulf %parallel_loop3A_217, %mul3A_13 : vector<16xf32>
      %parallel_loop3A_219 = arith.constant 1022.99994 : f32
      %parallel_loop3A_220 = vector.broadcast %parallel_loop3A_219 : f32 to vector<16xf32>
      %parallel_loop3A_221 = arith.minimumf %parallel_loop3A_218, %parallel_loop3A_220 : vector<16xf32>
      %parallel_loop3A_222 = arith.fptosi %parallel_loop3A_221 : vector<16xf32> to vector<16xi32>
      %parallel_loop3A_223 = arith.sitofp %parallel_loop3A_222 : vector<16xi32> to vector<16xf32>
      %parallel_loop3A_224 = arith.subf %parallel_loop3A_221, %parallel_loop3A_223 : vector<16xf32>
      %parallel_loop3A_225 = arith.constant 1024 : i32
      %parallel_loop3A_226 = vector.broadcast %parallel_loop3A_225 : i32 to vector<16xi32>
      %parallel_loop3A_227 = arith.addi %parallel_loop3A_222, %parallel_loop3A_226 : vector<16xi32>
      %parallel_loop3A_228 = tpu.vector_load_idx %arg9[%parallel_loop3A_227] : memref<3072xf32, #tpu.memory_space<vmem>>[vector<16xi32>], vector<16xf32>,
      %parallel_loop3A_229 = arith.constant 1 : i32
      %parallel_loop3A_230 = vector.broadcast %parallel_loop3A_229 : i32 to vector<16xi32>
      %parallel_loop3A_231 = arith.addi %parallel_loop3A_227, %parallel_loop3A_230 : vector<16xi32>
      %parallel_loop3A_232 = tpu.vector_load_idx %arg9[%parallel_loop3A_231] : memref<3072xf32, #tpu.memory_space<vmem>>[vector<16xi32>], vector<16xf32>,
      %parallel_loop3A_233 = arith.subf %parallel_loop3A_232, %parallel_loop3A_228 : vector<16xf32>
      %parallel_loop3A_234 = arith.mulf %parallel_loop3A_224, %parallel_loop3A_233 : vector<16xf32>
      %parallel_loop3A_235 = arith.addf %parallel_loop3A_228, %parallel_loop3A_234 : vector<16xf32>
      %parallel_loop3A_236 = arith.constant 128 : i32
      %parallel_loop3A_237 = arith.addi %parallel_loop3A_191, %parallel_loop3A_236 : i32
      %parallel_loop3A_238 = arith.index_cast %parallel_loop3A_237 : i32 to index
      %parallel_loop3A_239 = tpu.vector_load %arg17[%parallel_loop3A_238] {strides = array<i32>} : memref<32768xf32, #tpu.memory_space<vmem>>, vector<16xf32>,
      tpu.vector_store %arg17[%parallel_loop3A_238], %parallel_loop3A_235 {strides = array<i32>} : memref<32768xf32, #tpu.memory_space<vmem>>, vector<16xf32>,
      %parallel_loop3A_240 = arith.index_cast %parallel_loop3A_146 : i32 to index
      %parallel_loop3A_241 = tpu.vector_load %arg13[%parallel_loop3A_240] {strides = array<i32>} : memref<8192xf32, #tpu.memory_space<vmem>>, vector<16xf32>,
      %parallel_loop3A_242 = arith.mulf %parallel_loop3A_241, %mul3A_13 : vector<16xf32>
      %parallel_loop3A_243 = arith.constant 1022.99994 : f32
      %parallel_loop3A_244 = vector.broadcast %parallel_loop3A_243 : f32 to vector<16xf32>
      %parallel_loop3A_245 = arith.minimumf %parallel_loop3A_242, %parallel_loop3A_244 : vector<16xf32>
      %parallel_loop3A_246 = arith.fptosi %parallel_loop3A_245 : vector<16xf32> to vector<16xi32>
      %parallel_loop3A_247 = arith.sitofp %parallel_loop3A_246 : vector<16xi32> to vector<16xf32>
      %parallel_loop3A_248 = arith.subf %parallel_loop3A_245, %parallel_loop3A_247 : vector<16xf32>
      %parallel_loop3A_249 = arith.constant 2048 : i32
      %parallel_loop3A_250 = vector.broadcast %parallel_loop3A_249 : i32 to vector<16xi32>
      %parallel_loop3A_251 = arith.addi %parallel_loop3A_246, %parallel_loop3A_250 : vector<16xi32>
      %parallel_loop3A_252 = tpu.vector_load_idx %arg9[%parallel_loop3A_251] : memref<3072xf32, #tpu.memory_space<vmem>>[vector<16xi32>], vector<16xf32>,
      %parallel_loop3A_253 = arith.constant 1 : i32
      %parallel_loop3A_254 = vector.broadcast %parallel_loop3A_253 : i32 to vector<16xi32>
      %parallel_loop3A_255 = arith.addi %parallel_loop3A_251, %parallel_loop3A_254 : vector<16xi32>
      %parallel_loop3A_256 = tpu.vector_load_idx %arg9[%parallel_loop3A_255] : memref<3072xf32, #tpu.memory_space<vmem>>[vector<16xi32>], vector<16xf32>,
      %parallel_loop3A_257 = arith.subf %parallel_loop3A_256, %parallel_loop3A_252 : vector<16xf32>
      %parallel_loop3A_258 = arith.mulf %parallel_loop3A_248, %parallel_loop3A_257 : vector<16xf32>
      %parallel_loop3A_259 = arith.addf %parallel_loop3A_252, %parallel_loop3A_258 : vector<16xf32>
      %parallel_loop3A_260 = arith.constant 256 : i32
      %parallel_loop3A_261 = arith.addi %parallel_loop3A_191, %parallel_loop3A_260 : i32
      %parallel_loop3A_262 = arith.index_cast %parallel_loop3A_261 : i32 to index
      %parallel_loop3A_263 = tpu.vector_load %arg17[%parallel_loop3A_262] {strides = array<i32>} : memref<32768xf32, #tpu.memory_space<vmem>>, vector<16xf32>,
      tpu.vector_store %arg17[%parallel_loop3A_262], %parallel_loop3A_259 {strides = array<i32>} : memref<32768xf32, #tpu.memory_space<vmem>>, vector<16xf32>,
    } {sc.loop_unroll_factor = 2 : i64, sc.parallel_access}
    %add3A_93 = arith.constant 16384 : i32
    %add3A_94 = arith.addi %mul3A_2, %add3A_93 : i32
    %mul3A_95 = arith.constant 4 : i32
    %mul3A_96 = arith.muli %add3A_94, %mul3A_95 : i32
    %add3A_97 = arith.constant 0 : i32
    %add3A_98 = arith.addi %add3A_97, %mul3A_96 : i32
    %dma_start3A_99 = tpu.memref_slice %arg7[%add3A_98] : memref<8388608xf32, #tpu.memory_space<hbm>> -> memref<32768xf32, #tpu.memory_space<hbm>>
    %dma_start3A_100 = tpu.memref_slice %arg7[%add3A_98] : memref<8388608xf32, #tpu.memory_space<hbm>> -> memref<32768xf32, #tpu.memory_space<hbm>>
    tpu.enqueue_dma source(%arg17 : memref<32768xf32, #tpu.memory_space<vmem>>) target(%dma_start3A_100 : memref<32768xf32, #tpu.memory_space<hbm>>) target_semaphore(%arg21 : memref<!tpu.dma_semaphore, #tpu.memory_space<semaphore_mem>>)
    %add3A_101 = arith.constant 24576 : i32
    %add3A_102 = arith.addi %mul3A_2, %add3A_101 : i32
    %dma_wait3A_103 = tpu.memref_slice %arg2[%add3A_102] : memref<1048576xf32, #tpu.memory_space<hbm>> -> memref<8192xf32, #tpu.memory_space<hbm>>
    %dma_wait3A_104 = tpu.memref_slice %arg2[%add3A_102] : memref<1048576xf32, #tpu.memory_space<hbm>> -> memref<8192xf32, #tpu.memory_space<hbm>>
    tpu.wait_dma2 semaphore(%arg20 : memref<!tpu.dma_semaphore, #tpu.memory_space<semaphore_mem>>) src(%dma_wait3A_104 : memref<8192xf32, #tpu.memory_space<hbm>>) dst(%arg14 : memref<8192xf32, #tpu.memory_space<vmem>>)
    %dma_wait3A_105 = tpu.memref_slice %arg3[%add3A_102] : memref<1048576xf32, #tpu.memory_space<hbm>> -> memref<8192xf32, #tpu.memory_space<hbm>>
    %dma_wait3A_106 = tpu.memref_slice %arg3[%add3A_102] : memref<1048576xf32, #tpu.memory_space<hbm>> -> memref<8192xf32, #tpu.memory_space<hbm>>
    tpu.wait_dma2 semaphore(%arg20 : memref<!tpu.dma_semaphore, #tpu.memory_space<semaphore_mem>>) src(%dma_wait3A_106 : memref<8192xf32, #tpu.memory_space<hbm>>) dst(%arg15 : memref<8192xf32, #tpu.memory_space<vmem>>)
    %dma_wait3A_107 = tpu.memref_slice %arg4[%add3A_102] : memref<1048576xf32, #tpu.memory_space<hbm>> -> memref<8192xf32, #tpu.memory_space<hbm>>
    %dma_wait3A_108 = tpu.memref_slice %arg4[%add3A_102] : memref<1048576xf32, #tpu.memory_space<hbm>> -> memref<8192xf32, #tpu.memory_space<hbm>>
    tpu.wait_dma2 semaphore(%arg20 : memref<!tpu.dma_semaphore, #tpu.memory_space<semaphore_mem>>) src(%dma_wait3A_108 : memref<8192xf32, #tpu.memory_space<hbm>>) dst(%arg16 : memref<8192xf32, #tpu.memory_space<vmem>>)
    %add3A_109 = arith.constant 8192 : i32
    %add3A_110 = arith.addi %mul3A_2, %add3A_109 : i32
    %mul3A_111 = arith.constant 4 : i32
    %mul3A_112 = arith.muli %add3A_110, %mul3A_111 : i32
    %add3A_113 = arith.constant 0 : i32
    %add3A_114 = arith.addi %add3A_113, %mul3A_112 : i32
    %dma_wait3A_115 = tpu.memref_slice %arg7[%add3A_114] : memref<8388608xf32, #tpu.memory_space<hbm>> -> memref<32768xf32, #tpu.memory_space<hbm>>
    %dma_wait3A_116 = tpu.memref_slice %arg7[%add3A_114] : memref<8388608xf32, #tpu.memory_space<hbm>> -> memref<32768xf32, #tpu.memory_space<hbm>>
    tpu.wait_dma2 semaphore(%arg22 : memref<!tpu.dma_semaphore, #tpu.memory_space<semaphore_mem>>) src(%arg18 : memref<32768xf32, #tpu.memory_space<vmem>>) dst(%dma_wait3A_116 : memref<32768xf32, #tpu.memory_space<hbm>>)
    %parallel_loop3A_117 = arith.constant 0 : i32
    %parallel_loop3A_118 = arith.constant 512 : i32
    %parallel_loop3A_119 = arith.constant 1 : i32
    scf.for %parallel_loop3A_144 = %parallel_loop3A_117 to %parallel_loop3A_118 step %parallel_loop3A_119  : i32 {
      %parallel_loop3A_145 = arith.constant 16 : i32
      %parallel_loop3A_146 = arith.muli %parallel_loop3A_144, %parallel_loop3A_145 : i32
      %parallel_loop3A_147 = arith.constant 8 : i32
      %parallel_loop3A_148 = arith.divsi %parallel_loop3A_144, %parallel_loop3A_147 : i32
      %parallel_loop3A_149 = arith.constant 0 : i32
      %parallel_loop3A_150 = arith.cmpi sgt, %parallel_loop3A_144, %parallel_loop3A_149 : i32
      %parallel_loop3A_151 = arith.extui %parallel_loop3A_150 : i1 to i32
      %parallel_loop3A_152 = arith.constant 0 : i32
      %parallel_loop3A_153 = arith.cmpi slt, %parallel_loop3A_144, %parallel_loop3A_152 : i32
      %parallel_loop3A_154 = arith.extui %parallel_loop3A_153 : i1 to i32
      %parallel_loop3A_155 = arith.subi %parallel_loop3A_151, %parallel_loop3A_154 : i32
      %parallel_loop3A_156 = arith.constant 0 : i32
      %parallel_loop3A_157 = arith.cmpi sgt, %parallel_loop3A_147, %parallel_loop3A_156 : i32
      %parallel_loop3A_158 = arith.extui %parallel_loop3A_157 : i1 to i32
      %parallel_loop3A_159 = arith.constant 0 : i32
      %parallel_loop3A_160 = arith.cmpi slt, %parallel_loop3A_147, %parallel_loop3A_159 : i32
      %parallel_loop3A_161 = arith.extui %parallel_loop3A_160 : i1 to i32
      %parallel_loop3A_162 = arith.subi %parallel_loop3A_158, %parallel_loop3A_161 : i32
      %parallel_loop3A_163 = arith.cmpi ne, %parallel_loop3A_155, %parallel_loop3A_162 : i32
      %parallel_loop3A_164 = arith.remsi %parallel_loop3A_144, %parallel_loop3A_147 : i32
      %parallel_loop3A_165 = arith.constant 0 : i32
      %parallel_loop3A_166 = arith.cmpi ne, %parallel_loop3A_164, %parallel_loop3A_165 : i32
      %parallel_loop3A_167 = arith.andi %parallel_loop3A_163, %parallel_loop3A_166 : i1
      %parallel_loop3A_168 = arith.constant 1 : i32
      %parallel_loop3A_169 = arith.subi %parallel_loop3A_148, %parallel_loop3A_168 : i32
      %parallel_loop3A_170 = arith.select %parallel_loop3A_167, %parallel_loop3A_169, %parallel_loop3A_148 : i32
      %parallel_loop3A_171 = arith.constant 512 : i32
      %parallel_loop3A_172 = arith.muli %parallel_loop3A_170, %parallel_loop3A_171 : i32
      %parallel_loop3A_173 = arith.constant 8 : i32
      %parallel_loop3A_174 = arith.constant 0 : i32
      %parallel_loop3A_175 = arith.cmpi eq, %parallel_loop3A_173, %parallel_loop3A_174 : i32
      %parallel_loop3A_176 = arith.constant 1 : i32
      %parallel_loop3A_177 = arith.select %parallel_loop3A_175, %parallel_loop3A_176, %parallel_loop3A_173 : i32
      %parallel_loop3A_178 = arith.remsi %parallel_loop3A_144, %parallel_loop3A_177 : i32
      %parallel_loop3A_179 = arith.constant 0 : i32
      %parallel_loop3A_180 = arith.cmpi ne, %parallel_loop3A_178, %parallel_loop3A_179 : i32
      %parallel_loop3A_181 = arith.constant 0 : i32
      %parallel_loop3A_182 = arith.cmpi slt, %parallel_loop3A_178, %parallel_loop3A_181 : i32
      %parallel_loop3A_183 = arith.constant 0 : i32
      %parallel_loop3A_184 = arith.cmpi slt, %parallel_loop3A_177, %parallel_loop3A_183 : i32
      %parallel_loop3A_185 = arith.xori %parallel_loop3A_182, %parallel_loop3A_184 : i1
      %parallel_loop3A_186 = arith.andi %parallel_loop3A_185, %parallel_loop3A_180 : i1
      %parallel_loop3A_187 = arith.addi %parallel_loop3A_178, %parallel_loop3A_177 : i32
      %parallel_loop3A_188 = arith.select %parallel_loop3A_186, %parallel_loop3A_187, %parallel_loop3A_178 : i32
      %parallel_loop3A_189 = arith.constant 16 : i32
      %parallel_loop3A_190 = arith.muli %parallel_loop3A_188, %parallel_loop3A_189 : i32
      %parallel_loop3A_191 = arith.addi %parallel_loop3A_172, %parallel_loop3A_190 : i32
      %parallel_loop3A_192 = arith.index_cast %parallel_loop3A_146 : i32 to index
      %parallel_loop3A_193 = tpu.vector_load %arg14[%parallel_loop3A_192] {strides = array<i32>} : memref<8192xf32, #tpu.memory_space<vmem>>, vector<16xf32>,
      %parallel_loop3A_194 = arith.mulf %parallel_loop3A_193, %mul3A_13 : vector<16xf32>
      %parallel_loop3A_195 = arith.constant 1022.99994 : f32
      %parallel_loop3A_196 = vector.broadcast %parallel_loop3A_195 : f32 to vector<16xf32>
      %parallel_loop3A_197 = arith.minimumf %parallel_loop3A_194, %parallel_loop3A_196 : vector<16xf32>
      %parallel_loop3A_198 = arith.fptosi %parallel_loop3A_197 : vector<16xf32> to vector<16xi32>
      %parallel_loop3A_199 = arith.sitofp %parallel_loop3A_198 : vector<16xi32> to vector<16xf32>
      %parallel_loop3A_200 = arith.subf %parallel_loop3A_197, %parallel_loop3A_199 : vector<16xf32>
      %parallel_loop3A_201 = arith.constant 0 : i32
      %parallel_loop3A_202 = vector.broadcast %parallel_loop3A_201 : i32 to vector<16xi32>
      %parallel_loop3A_203 = arith.addi %parallel_loop3A_198, %parallel_loop3A_202 : vector<16xi32>
      %parallel_loop3A_204 = tpu.vector_load_idx %arg9[%parallel_loop3A_203] : memref<3072xf32, #tpu.memory_space<vmem>>[vector<16xi32>], vector<16xf32>,
      %parallel_loop3A_205 = arith.constant 1 : i32
      %parallel_loop3A_206 = vector.broadcast %parallel_loop3A_205 : i32 to vector<16xi32>
      %parallel_loop3A_207 = arith.addi %parallel_loop3A_203, %parallel_loop3A_206 : vector<16xi32>
      %parallel_loop3A_208 = tpu.vector_load_idx %arg9[%parallel_loop3A_207] : memref<3072xf32, #tpu.memory_space<vmem>>[vector<16xi32>], vector<16xf32>,
      %parallel_loop3A_209 = arith.subf %parallel_loop3A_208, %parallel_loop3A_204 : vector<16xf32>
      %parallel_loop3A_210 = arith.mulf %parallel_loop3A_200, %parallel_loop3A_209 : vector<16xf32>
      %parallel_loop3A_211 = arith.addf %parallel_loop3A_204, %parallel_loop3A_210 : vector<16xf32>
      %parallel_loop3A_212 = arith.constant 0 : i32
      %parallel_loop3A_213 = arith.addi %parallel_loop3A_191, %parallel_loop3A_212 : i32
      %parallel_loop3A_214 = arith.index_cast %parallel_loop3A_213 : i32 to index
      %parallel_loop3A_215 = tpu.vector_load %arg18[%parallel_loop3A_214] {strides = array<i32>} : memref<32768xf32, #tpu.memory_space<vmem>>, vector<16xf32>,
      tpu.vector_store %arg18[%parallel_loop3A_214], %parallel_loop3A_211 {strides = array<i32>} : memref<32768xf32, #tpu.memory_space<vmem>>, vector<16xf32>,
      %parallel_loop3A_216 = arith.index_cast %parallel_loop3A_146 : i32 to index
      %parallel_loop3A_217 = tpu.vector_load %arg15[%parallel_loop3A_216] {strides = array<i32>} : memref<8192xf32, #tpu.memory_space<vmem>>, vector<16xf32>,
      %parallel_loop3A_218 = arith.mulf %parallel_loop3A_217, %mul3A_13 : vector<16xf32>
      %parallel_loop3A_219 = arith.constant 1022.99994 : f32
      %parallel_loop3A_220 = vector.broadcast %parallel_loop3A_219 : f32 to vector<16xf32>
      %parallel_loop3A_221 = arith.minimumf %parallel_loop3A_218, %parallel_loop3A_220 : vector<16xf32>
      %parallel_loop3A_222 = arith.fptosi %parallel_loop3A_221 : vector<16xf32> to vector<16xi32>
      %parallel_loop3A_223 = arith.sitofp %parallel_loop3A_222 : vector<16xi32> to vector<16xf32>
      %parallel_loop3A_224 = arith.subf %parallel_loop3A_221, %parallel_loop3A_223 : vector<16xf32>
      %parallel_loop3A_225 = arith.constant 1024 : i32
      %parallel_loop3A_226 = vector.broadcast %parallel_loop3A_225 : i32 to vector<16xi32>
      %parallel_loop3A_227 = arith.addi %parallel_loop3A_222, %parallel_loop3A_226 : vector<16xi32>
      %parallel_loop3A_228 = tpu.vector_load_idx %arg9[%parallel_loop3A_227] : memref<3072xf32, #tpu.memory_space<vmem>>[vector<16xi32>], vector<16xf32>,
      %parallel_loop3A_229 = arith.constant 1 : i32
      %parallel_loop3A_230 = vector.broadcast %parallel_loop3A_229 : i32 to vector<16xi32>
      %parallel_loop3A_231 = arith.addi %parallel_loop3A_227, %parallel_loop3A_230 : vector<16xi32>
      %parallel_loop3A_232 = tpu.vector_load_idx %arg9[%parallel_loop3A_231] : memref<3072xf32, #tpu.memory_space<vmem>>[vector<16xi32>], vector<16xf32>,
      %parallel_loop3A_233 = arith.subf %parallel_loop3A_232, %parallel_loop3A_228 : vector<16xf32>
      %parallel_loop3A_234 = arith.mulf %parallel_loop3A_224, %parallel_loop3A_233 : vector<16xf32>
      %parallel_loop3A_235 = arith.addf %parallel_loop3A_228, %parallel_loop3A_234 : vector<16xf32>
      %parallel_loop3A_236 = arith.constant 128 : i32
      %parallel_loop3A_237 = arith.addi %parallel_loop3A_191, %parallel_loop3A_236 : i32
      %parallel_loop3A_238 = arith.index_cast %parallel_loop3A_237 : i32 to index
      %parallel_loop3A_239 = tpu.vector_load %arg18[%parallel_loop3A_238] {strides = array<i32>} : memref<32768xf32, #tpu.memory_space<vmem>>, vector<16xf32>,
      tpu.vector_store %arg18[%parallel_loop3A_238], %parallel_loop3A_235 {strides = array<i32>} : memref<32768xf32, #tpu.memory_space<vmem>>, vector<16xf32>,
      %parallel_loop3A_240 = arith.index_cast %parallel_loop3A_146 : i32 to index
      %parallel_loop3A_241 = tpu.vector_load %arg16[%parallel_loop3A_240] {strides = array<i32>} : memref<8192xf32, #tpu.memory_space<vmem>>, vector<16xf32>,
      %parallel_loop3A_242 = arith.mulf %parallel_loop3A_241, %mul3A_13 : vector<16xf32>
      %parallel_loop3A_243 = arith.constant 1022.99994 : f32
      %parallel_loop3A_244 = vector.broadcast %parallel_loop3A_243 : f32 to vector<16xf32>
      %parallel_loop3A_245 = arith.minimumf %parallel_loop3A_242, %parallel_loop3A_244 : vector<16xf32>
      %parallel_loop3A_246 = arith.fptosi %parallel_loop3A_245 : vector<16xf32> to vector<16xi32>
      %parallel_loop3A_247 = arith.sitofp %parallel_loop3A_246 : vector<16xi32> to vector<16xf32>
      %parallel_loop3A_248 = arith.subf %parallel_loop3A_245, %parallel_loop3A_247 : vector<16xf32>
      %parallel_loop3A_249 = arith.constant 2048 : i32
      %parallel_loop3A_250 = vector.broadcast %parallel_loop3A_249 : i32 to vector<16xi32>
      %parallel_loop3A_251 = arith.addi %parallel_loop3A_246, %parallel_loop3A_250 : vector<16xi32>
      %parallel_loop3A_252 = tpu.vector_load_idx %arg9[%parallel_loop3A_251] : memref<3072xf32, #tpu.memory_space<vmem>>[vector<16xi32>], vector<16xf32>,
      %parallel_loop3A_253 = arith.constant 1 : i32
      %parallel_loop3A_254 = vector.broadcast %parallel_loop3A_253 : i32 to vector<16xi32>
      %parallel_loop3A_255 = arith.addi %parallel_loop3A_251, %parallel_loop3A_254 : vector<16xi32>
      %parallel_loop3A_256 = tpu.vector_load_idx %arg9[%parallel_loop3A_255] : memref<3072xf32, #tpu.memory_space<vmem>>[vector<16xi32>], vector<16xf32>,
      %parallel_loop3A_257 = arith.subf %parallel_loop3A_256, %parallel_loop3A_252 : vector<16xf32>
      %parallel_loop3A_258 = arith.mulf %parallel_loop3A_248, %parallel_loop3A_257 : vector<16xf32>
      %parallel_loop3A_259 = arith.addf %parallel_loop3A_252, %parallel_loop3A_258 : vector<16xf32>
      %parallel_loop3A_260 = arith.constant 256 : i32
      %parallel_loop3A_261 = arith.addi %parallel_loop3A_191, %parallel_loop3A_260 : i32
      %parallel_loop3A_262 = arith.index_cast %parallel_loop3A_261 : i32 to index
      %parallel_loop3A_263 = tpu.vector_load %arg18[%parallel_loop3A_262] {strides = array<i32>} : memref<32768xf32, #tpu.memory_space<vmem>>, vector<16xf32>,
      tpu.vector_store %arg18[%parallel_loop3A_262], %parallel_loop3A_259 {strides = array<i32>} : memref<32768xf32, #tpu.memory_space<vmem>>, vector<16xf32>,
    } {sc.loop_unroll_factor = 2 : i64, sc.parallel_access}
    %add3A_120 = arith.constant 24576 : i32
    %add3A_121 = arith.addi %mul3A_2, %add3A_120 : i32
    %mul3A_122 = arith.constant 4 : i32
    %mul3A_123 = arith.muli %add3A_121, %mul3A_122 : i32
    %add3A_124 = arith.constant 0 : i32
    %add3A_125 = arith.addi %add3A_124, %mul3A_123 : i32
    %dma_start3A_126 = tpu.memref_slice %arg7[%add3A_125] : memref<8388608xf32, #tpu.memory_space<hbm>> -> memref<32768xf32, #tpu.memory_space<hbm>>
    %dma_start3A_127 = tpu.memref_slice %arg7[%add3A_125] : memref<8388608xf32, #tpu.memory_space<hbm>> -> memref<32768xf32, #tpu.memory_space<hbm>>
    tpu.enqueue_dma source(%arg18 : memref<32768xf32, #tpu.memory_space<vmem>>) target(%dma_start3A_127 : memref<32768xf32, #tpu.memory_space<hbm>>) target_semaphore(%arg22 : memref<!tpu.dma_semaphore, #tpu.memory_space<semaphore_mem>>)
    %add3A_128 = arith.constant 16384 : i32
    %add3A_129 = arith.addi %mul3A_2, %add3A_128 : i32
    %mul3A_130 = arith.constant 4 : i32
    %mul3A_131 = arith.muli %add3A_129, %mul3A_130 : i32
    %add3A_132 = arith.constant 0 : i32
    %add3A_133 = arith.addi %add3A_132, %mul3A_131 : i32
    %dma_wait3A_134 = tpu.memref_slice %arg7[%add3A_133] : memref<8388608xf32, #tpu.memory_space<hbm>> -> memref<32768xf32, #tpu.memory_space<hbm>>
    %dma_wait3A_135 = tpu.memref_slice %arg7[%add3A_133] : memref<8388608xf32, #tpu.memory_space<hbm>> -> memref<32768xf32, #tpu.memory_space<hbm>>
    tpu.wait_dma2 semaphore(%arg21 : memref<!tpu.dma_semaphore, #tpu.memory_space<semaphore_mem>>) src(%arg17 : memref<32768xf32, #tpu.memory_space<vmem>>) dst(%dma_wait3A_135 : memref<32768xf32, #tpu.memory_space<hbm>>)
    %add3A_136 = arith.constant 24576 : i32
    %add3A_137 = arith.addi %mul3A_2, %add3A_136 : i32
    %mul3A_138 = arith.constant 4 : i32
    %mul3A_139 = arith.muli %add3A_137, %mul3A_138 : i32
    %add3A_140 = arith.constant 0 : i32
    %add3A_141 = arith.addi %add3A_140, %mul3A_139 : i32
    %dma_wait3A_142 = tpu.memref_slice %arg7[%add3A_141] : memref<8388608xf32, #tpu.memory_space<hbm>> -> memref<32768xf32, #tpu.memory_space<hbm>>
    %dma_wait3A_143 = tpu.memref_slice %arg7[%add3A_141] : memref<8388608xf32, #tpu.memory_space<hbm>> -> memref<32768xf32, #tpu.memory_space<hbm>>
    tpu.wait_dma2 semaphore(%arg22 : memref<!tpu.dma_semaphore, #tpu.memory_space<semaphore_mem>>) src(%arg18 : memref<32768xf32, #tpu.memory_space<vmem>>) dst(%dma_wait3A_143 : memref<32768xf32, #tpu.memory_space<hbm>>)
    return
  }
}

module attributes {stable_mosaic.version = 14 : i64} {
  func.func @_crf_table_tc(%arg0: memref<1x1024xf32, #tpu.memory_space<vmem>>, %arg1: memref<11x1024xf32, #tpu.memory_space<vmem>>, %arg2: memref<3x11xf32, #tpu.memory_space<vmem>>, %arg3: memref<3x1024xf32, #tpu.memory_space<vmem>>) attributes {dimension_semantics = [], scalar_prefetch = 0 : i64, scratch_operands = 0 : i64, tpu.core_type = #tpu.core_type<tc>} {
    %get3A = arith.constant 0 : index
    %get3A_0 = arith.constant 0 : index
    %get3A_1 = vector.load %arg0[%get3A, %get3A_0] : memref<1x1024xf32, #tpu.memory_space<vmem>>, vector<1x1024xf32>
    %get3A_2 = arith.constant 0 : index
    %get3A_3 = arith.constant 0 : index
    %get3A_4 = vector.load %arg2[%get3A_2, %get3A_3] : memref<3x11xf32, #tpu.memory_space<vmem>>, vector<3x11xf32>
    %get3A_5 = arith.constant 0 : index
    %get3A_6 = arith.constant 0 : index
    %get3A_7 = vector.load %arg1[%get3A_5, %get3A_6] : memref<11x1024xf32, #tpu.memory_space<vmem>>, vector<11x1024xf32>
    %dot_general3A = arith.constant dense<0.000000e+00> : vector<3x1024xf32>
    %dot_general3A_8 = tpu.matmul %get3A_4, %get3A_7, %dot_general3A {dimension_numbers = #tpu.dot_dimension_numbers<[1], [0], [0], [1], [0, 0, 1, 1], [], []>, transpose_lhs_hint = false} : vector<3x11xf32>, vector<11x1024xf32>, vector<3x1024xf32> -> vector<3x1024xf32>
    %add3A = vector.broadcast %get3A_1 : vector<1x1024xf32> to vector<3x1024xf32>
    %add3A_9 = arith.addf %add3A, %dot_general3A_8 : vector<3x1024xf32>
    %swap3A = arith.constant 0 : index
    %swap3A_10 = arith.constant 0 : index
    %swap3A_11 = vector.load %arg3[%swap3A, %swap3A_10] : memref<3x1024xf32, #tpu.memory_space<vmem>>, vector<3x1024xf32>
    tpu.vector_store %arg3[%swap3A, %swap3A_10], %add3A_9 {strides = array<i32>} : memref<3x1024xf32, #tpu.memory_space<vmem>>, vector<3x1024xf32>,
    return
  }
}

</mosaic_0001>

<sc_bundles>
// kernel: kernel.5.cloned.1.call-start
scs
__scs_entry_jumppad:
0x0: {  	(pc) =	sbr.rel $0x88, $3  }
0x1: {  	(tag) =	ssettag $0x0;
	lr =	simm.s32 $0x1  }
0x2: {  	[smem:$0x3F9C] =	sst lr;
	_ =	strace $0xD0000000  }
0x3: {  	_ = 	snop  }
0x4: {  	_ = 	snop  }
0x5: {  	_ = 	snop  }
0x6: {  	_ = 	snop  }
0x7: {  	_ = 	snop  }
__scs_overlays_trampoline_lowered:
0x8: {  	[smem:$0x3FAB] =	sst s0  }
0x9: {  	[smem:$0x3FAC] =	sst s1  }
0xa: {  	[smem:$0x3FAD] =	sst s2  }
0xb: {  	[smem:$0x3FAE] =	sst s3  }
0xc: {  	[smem:$0x3FAF] =	sst s4  }
0xd: {  	[smem:$0x3FB0] =	sst s5  }
0xe: {  	[smem:$0x3FB1] =	sst s6  }
0xf: {  	[smem:$0x3FB2] =	sst s7  }
0x10: {  	[smem:$0x3FB3] =	sst s8  }
0x11: {  	[smem:$0x3FB4] =	sst s9;
	s0 =	simm.s32 @!p0 $0x0  }
0x12: {  	s1 =	sld [smem:$0x3F9A];
	s0 =	simm.s32 @p0 $0x1  }
0x13: {  	[smem:$0x3FB5] =	sst s0;
	s0 =	simm.s32 @!p1 $0x0  }
0x14: {  	s2 =	sld [smem:$0x3F99];
	s0 =	simm.s32 @p1 $0x1  }
0x15: {  	[smem:$0x3FB6] =	sst s0;
	s0 =	simm.s32 @!p2 $0x0  }
0x16: {  	s3 =	sld [smem:$0x3FDB];
	s0 =	simm.s32 @p2 $0x1  }
0x17: {  	s4 =	simm.s32 $0x1BF5;
	[smem:$0x3FB8] =	sst s0  }
0x18: {  	s0 =	sld [smem:$0x3F9B];
	_ =	swait.ge [sflag:s4], $0x0  }
0x19: {  	s7 =	sld [smem:$0x3F9C]  }
0x1a: {  	s8 =	sadd.s32 $0xFFFFE003, lr  }
0x1b: {  	s9 =	sadd.s32 $0xFFFFFEF7, lr;
	s5 =	simm.s32 $0xFFFFFFFF;
	p2 =	slt.u32 s8, $0xFFFFF086  }
0x1c: {  	p1 =	slt.u32 s9, $0xF7A;
	s5 =	simm.s32 @!p2 $0x0  }
0x1d: {  	s5 =	simm.s32 @p1 $0x1;
	p0 =	seq.s32 s7, s2  }
0x1e: {  	s7 =	smul.u32 @!p0 $0xF7A, s2;
	p2 =	seq.s32 @!p0 s5, $0x0  }
0x1f: {  	s9 =	smul.u32 $0xF7A, s1;
	s8 =	simm.s32 @!p0 $0x1BF5;
	p2 =	por !p2, p0  }
0x20: {  	[sflag:s8] =	ssyncset.s32 @!p0 $0xFFFFF086;
	s6 =	sadd.s32 @!p0 s3, s7;
	s7 =	simm.s32 @!p0 $0x108  }
0x21: {  	s3 =	sadd.s32 s3, s9;
	s6 =	sadd.s32 @!p0 $0x88, s6;
	s7 =	simm.s32 @p2 $0x1082  }
0x22: {  	[simem:s7], [sflag:s8] =	dma.local @!p0 [hbm:s6], $0xF7A  }
0x23: {  	s9 =	sor.u32 $0xD0000000, s2;
	s6 =	simm.s32 $0x108;
	_ =	swait.ge @!p0 [sflag:s8], $0x0  }
0x24: {  	s3 =	sadd.s32 $0x88, s3;
	s6 =	simm.s32 @!p1 $0x1082;
	[sflag:s4] =	ssyncset.s32 $0xFFFFF086  }
0x25: {  	[simem:s6], [sflag:s4] =	dma.local [hbm:s3], $0xF7A  }
0x26: {  	[smem:$0x3F9C] =	sst s1;
	(tag) =	ssettag s2;
	_ =	strace s9  }
0x27: {  	s1 =	sld [smem:$0x3FAC]  }
0x28: {  	s2 =	sld [smem:$0x3FAD]  }
0x29: {  	s4 =	sld [smem:$0x3FAF]  }
0x2a: {  	p0 =	seq.s32 s5, $0x0;
	s5 =	sld [smem:$0x3FB0]  }
0x2b: {  	s6 =	sld [smem:$0x3FB1]  }
0x2c: {  	s7 =	sld [smem:$0x3FB2]  }
0x2d: {  	s3 =	simm.s32 $0x108;
	s8 =	sld [smem:$0x3FB3]  }
0x2e: {  	s3 =	simm.s32 @!p0 $0x1082;
	s9 =	sld [smem:$0x3FB4]  }
0x2f: {  	lr =	sadd.s32 s0, s3;
	s0 =	sld [smem:$0x3FAB]  }
0x30: {  	s3 =	sld [smem:$0x3FAE]  }
0x31: {  	[smem:$0x3FB7] =	sst s10  }
0x32: {  	s10 =	sld [smem:$0x3FB5];
	_ =	sdelay $0x3  }
0x33: {  	p0 =	seq.s32 s10, $0x1;
	s10 =	sld [smem:$0x3FB7];
	_ =	sdelay $0x3  }
0x34: {  	[smem:$0x3FB7] =	sst s10  }
0x35: {  	s10 =	sld [smem:$0x3FB6];
	_ =	sdelay $0x3  }
0x36: {  	p1 =	seq.s32 s10, $0x1;
	s10 =	sld [smem:$0x3FB7];
	_ =	sdelay $0x3  }
0x37: {  	[smem:$0x3FB7] =	sst s10  }
0x38: {  	s10 =	sld [smem:$0x3FB8]  }
0x39: {  	_ = 	snop;
	(pc) =	sbr.ind lr, $3  }
0x3a: {  	_ = 	snop  }
0x3b: {  	_ = 	snop  }
0x3c: {  	p2 =	seq.s32 s10, $0x1;
	s10 =	sld [smem:$0x3FB7]  }
0x3d: {  	_ =	shalt  }
0x3e: {  	_ =	shalt  }
0x3f: {  	_ =	shalt  }
0x40: {  	_ =	shalt  }
0x41: {  	_ =	shalt  }
0x42: {  	_ =	shalt  }
0x43: {  	_ =	shalt  }
0x44: {  	_ =	shalt  }
0x45: {  	_ =	shalt  }
0x46: {  	_ =	shalt  }
0x47: {  	_ =	shalt  }
0x48: {  	_ =	shalt  }
0x49: {  	_ =	shalt  }
0x4a: {  	_ =	shalt  }
0x4b: {  	_ =	shalt  }
0x4c: {  	_ =	shalt  }
0x4d: {  	_ =	shalt  }
0x4e: {  	_ =	shalt  }
0x4f: {  	_ =	shalt  }
0x50: {  	_ =	shalt  }
0x51: {  	_ =	shalt  }
0x52: {  	_ =	shalt  }
0x53: {  	_ =	shalt  }
0x54: {  	_ =	shalt  }
0x55: {  	_ =	shalt  }
0x56: {  	_ =	shalt  }
0x57: {  	_ =	shalt  }
0x58: {  	_ =	shalt  }
0x59: {  	_ =	shalt  }
0x5a: {  	_ =	shalt  }
0x5b: {  	_ =	shalt  }
0x5c: {  	_ =	shalt  }
0x5d: {  	_ =	shalt  }
0x5e: {  	_ =	shalt  }
0x5f: {  	_ =	shalt  }
0x60: {  	_ =	shalt  }
0x61: {  	_ =	shalt  }
0x62: {  	_ =	shalt  }
0x63: {  	_ =	shalt  }
0x64: {  	_ =	shalt  }
0x65: {  	_ =	shalt  }
0x66: {  	_ =	shalt  }
0x67: {  	_ =	shalt  }
0x68: {  	_ =	shalt  }
0x69: {  	_ =	shalt  }
0x6a: {  	_ =	shalt  }
0x6b: {  	_ =	shalt  }
0x6c: {  	_ =	shalt  }
0x6d: {  	_ =	shalt  }
0x6e: {  	_ =	shalt  }
0x6f: {  	_ =	shalt  }
0x70: {  	_ =	shalt  }
0x71: {  	_ =	shalt  }
0x72: {  	_ =	shalt  }
0x73: {  	_ =	shalt  }
0x74: {  	_ =	shalt  }
0x75: {  	_ =	shalt  }
0x76: {  	_ =	shalt  }
0x77: {  	_ =	shalt  }
0x78: {  	_ =	shalt  }
0x79: {  	_ =	shalt  }
0x7a: {  	_ =	shalt  }
0x7b: {  	_ =	shalt  }
0x7c: {  	_ =	shalt  }
0x7d: {  	_ =	shalt  }
0x7e: {  	_ =	shalt  }
0x7f: {  	_ =	shalt  }
0x80: {  	_ =	shalt  }
0x81: {  	_ =	shalt  }
0x82: {  	_ =	shalt  }
0x83: {  	_ =	shalt  }
0x84: {  	_ =	shalt  }
0x85: {  	_ =	shalt  }
0x86: {  	_ =	shalt  }
0x87: {  	_ =	shalt  }
.Lfunc_end0:
.L_simem_size_0:
called_computation_lowered:
.L_overlay_start_0:
0x88: {  	s2 =	sld [smem:$0x3FD9]  }
0x89: {  	s3 =	sld [smem:$0x3FFE];
	_ =	sdelay $0x1  }
0x8a: {  	s1 =	srdreg.scid  }
0x8b: {  	s0 =	sand.u32 $0x1, s1  }
0x8c: {  	s17 =	sshll.u32 s0, $0xA;
	s2 =	sadd.s32 s3, s2  }
0x8d: {  	s2 =	sadd.s32 s2, s17  }
0x8e: {  	[smem:$0x3FC3] =	sst s2  }
0x8f: {  	_ = 	snop  }
0x90: {  	s2 =	sld [smem:$0x3FD0];
	(tm) =	ssettm $0x1  }
0x91: {  	s18 =	sld [smem:$0x3FFB];
	_ =	sdelay $0x3  }
0x92: {  	_ =	strace s18  }
0x93: {  	s3 =	sld [smem:$0x3FFC];
	_ =	sdelay $0x3  }
0x94: {  	_ =	strace s3  }
0x95: {  	s3 =	sld [smem:$0x3FFD];
	_ =	sdelay $0x3  }
0x96: {  	_ =	strace s3  }
0x97: {  	_ =	strace $0x8FFFFFFF  }
0x98: {  	s19 =	sld [smem:$0x3FDB];
	_ =	sdelay $0x1  }
0x99: {  	s4 =	simm.s32 $_scs_section_size  }
0x9a: {  	s5 =	simm.s32 $_size__tile_overlayer_lowered;
	s6 =	simm.s32 $_tile_overlayer_lowered  }
0x9b: {  	s22 =	simm.s32 $0x1BFF;
	s21 =	sshll.u32 s6, $0x1;
	s3 =	sadd.s32 s4, s19  }
0x9c: {  	s7 =	simm.s32 $0x0;
	s20 =	sshll.u32 s5, $0x1;
	s5 =	sadd.s32 s21, s3  }
0x9d: {  	[timem:s7], [sflag:s22] =	dma.local [hbm:s5], s20  }
0x9e: {  	_ =	swait.ge [sflag:s22], s20  }
0x9f: {  	s4 =	ssub.s32 $0x0, s20;
	[sflag:s22] =	ssyncset.done $0x0  }
0xa0: {  	[sflag:s22] =	ssyncadd.s32 s4;
	_ =	sdelay $0x1  }
0xa1: {  	s23 =	simm.s32 $0x1B8B  }
0xa2: {  	_ =	swait.ge [sflag:s23], $0x1  }
0xa3: {  	[sflag:s23] =	ssyncset.done $0x0  }
0xa4: {  	s25 =	simm.s32 $0x1B8E;
	s24 =	sld [smem:$0x3FFE];
	[sflag:s23] =	ssyncadd.s32 $0xFFFFFFFF  }
0xa5: {  	s26 =	simm.s32 $execute0_lowered;
	[smem:$0x3FD2] =	sst s25  }
0xa6: {  	s5 =	sshll.u32 s26, $0x1;
	_ =	strace $0x80000046;
	[dreg:$0x1] =	wrdreg $0xFFFFFFFF  }
0xa7: {  	s28 =	simm.s32 $_size_execute0_lowered;
	s3 =	sadd.s32 s3, s5;
	[dreg:$0x0] =	wrdreg $0x0  }
0xa8: {  	s5 =	sshll.u32 s28, $0x1;
	[dreg:$0x2] =	wrdreg s3  }
0xa9: {  	[dreg:$0x3] =	wrdreg s5  }
0xaa: {  	[dreg:$0x4] =	wrdreg $0xC0  }
0xab: {  	_ =	task [dreg:s7], $0x5FFFF  }
0xac: {  	[dreg:$0x1] =	wrdreg $0xFFFFFFFF  }
0xad: {  	[dreg:$0x0] =	wrdreg $0x60  }
0xae: {  	[dreg:$0x2] =	wrdreg s24  }
0xaf: {  	[dreg:$0x3] =	wrdreg s2  }
0xb0: {  	[dreg:$0x4] =	wrdreg $0x9  }
0xb1: {  	_ =	task.clear_ibuf [dreg:s7], $0x5FFFF;
	_ =	strace $0x90000046  }
0xb2: {  	s29 =	simm.s32 $0x9;
	_ =	strace $0x80000048  }
0xb3: {  	_ =	swait.ge [sflag:s29], $0x1  }
0xb4: {  	[sflag:s29] =	ssyncadd.s32 $0xFFFFFFFF  }
0xb5: {  	_ =	strace $0x90000048  }
0xb6: {  	_ =	sfence  }
0xb7: {  	s30 =	sld [smem:$0x0];
	_ =	sdelay $0x2  }
0xb8: {  	s31 =	sshll.u32 s1, $0xD;
	s1 =	sshrl.u32 s1, $0x2  }
0xb9: {  	s3 =	sand.u32 $0x4000, s31;
	s1 =	sadd.s32 s1, s30  }
0xba: {  	s0 =	sor.u32 s3, s0;
	s1 =	sshll.u32 s1, $0x11  }
0xbb: {  	s0 =	sor.u32 s1, s0  }
0xbc: {  	s0 =	sadd.s32 $0x8F2B, s0  }
0xbd: {  	[sflag:s0] =	ssyncadd.remote.s32 $0x1  }
0xbe: {  	_ =	sfence.sel $0xFFFF  }
0xbf: {  	[dreg:$0x0] =	wrdreg $0xFFFFFFFF;
	(pc) =	sbr.abs _section_cstart, $3  }
0xc0: {  	[dreg:$0x1] =	wrdreg $0xFFFFFFFF  }
0xc1: {  	_ =	task.clear_ibuf [dreg:s7], $0x2FFFF;
	_ =	strace $0x9FFFFFFF  }
0xc2: {  	(tm) =	ssettm $0x7FFFFFFF  }
0xc3: {  	_ =	shalt  }
tec
execute0_lowered:
.L_overlay_start_1:
0x0: {  	(tag) =	ssettag $0x1  }
0x1: {  	s0 =	rddreg [dreg:$0x0]  }
0x2: {  	s2 =	rddreg [dreg:$0x1]  }
0x3: {  	s1 =	simm.s32 $0x0;
	s4 =	srdreg.scid;
	s6 =	stileid.u32  }
0x4: {  	s28 =	simm.s32 $0x1;
	[smem:$0x7FF] =	sst s1;
	s3 =	sadd.s32 $0x41200, s0  }
0x5: {  	s5 =	sadd.s32 $0x21200, s0;
	s4 =	sand.u32 $0x1, s4;
	s6 =	sshll.u32 s6, $0x1  }
0x6: {  	s7 =	sadd.s32 $0x1200, s0;
	s8 =	sadd.s32 $0x61600, s0;
	s0 =	sadd.s32 $0x61200, s0  }
0x7: {  	_ =	strace $0x80000047;
	[dreg:$0x3] =	wrdreg s8;
	s6 =	sor.u32 s4, s6  }
0x8: {  	[dreg:$0x4] =	wrdreg s0;
	s16 =	ssub.s32 $0x2, s4;
	s17 =	sshll.u32 s6, $0xF  }
0x9: {  	s18 =	sshrl.u32 s16, $0x1;
	s9 =	sshll.u32 s6, $0xC;
	s6 =	sshll.u32 s6, $0xE  }
0xa: {  	s10 =	sor.u32 $0x2000, s17;
	s0 =	ssub.s32 s16, s18;
	s19 =	sadd.s32 s3, s9  }
0xb: {  	s11 =	sadd.s32 s5, s9;
	s9 =	sadd.s32 s7, s9;
	[dreg:$0x5] =	wrdreg s19  }
0xc: {  	s23 =	sor.u32 $0x4000, s17;
	s6 =	sadd.s32 s2, s6;
	[dreg:$0x6] =	wrdreg s11  }
0xd: {  	s4 =	sor.u32 $0x6000, s17;
	s20 =	sshrl.u32 s10, $0x3;
	[dreg:$0x7] =	wrdreg s9  }
0xe: {  	[dreg:$0xb] =	wrdreg s6;
	s24 =	sshrl.u32 s23, $0x3;
	s29 =	sshrl.u32 s10, $0x1  }
0xf: {  	s30 =	sshrl.u32 s4, $0x3;
	s31 =	sshrl.u32 s23, $0x1;
	s4 =	sshrl.u32 s4, $0x1  }
0x10: {  	s23 =	simm.s32 $0x3;
	s21 =	sadd.s32 s3, s20;
	s22 =	sadd.s32 s5, s20  }
0x11: {  	s8 =	sadd.s32 s7, s20;
	s25 =	sadd.s32 s3, s24;
	[dreg:$0x8] =	wrdreg s21  }
0x12: {  	s26 =	sadd.s32 s5, s24;
	s6 =	sadd.s32 s7, s24;
	[dreg:$0x9] =	wrdreg s22  }
0x13: {  	s15 =	sadd.s32 s2, s29;
	s16 =	sadd.s32 s3, s30;
	[dreg:$0xa] =	wrdreg s8  }
0x14: {  	s17 =	sadd.s32 s5, s30;
	s18 =	sadd.s32 s7, s30;
	[dreg:$0xc] =	wrdreg s25  }
0x15: {  	s19 =	sadd.s32 s2, s31;
	s20 =	sadd.s32 s2, s4;
	[dreg:$0xd] =	wrdreg s26  }
0x16: {  	s2 =	simm.s32 $0x2;
	s24 =	simm.s32 $0x4;
	[dreg:$0xe] =	wrdreg s6  }
0x17: {  	s21 =	smax.u32 s0, $0x1;
	s26 =	simm.s32 $0x5;
	s25 =	simm.s32 $0x0  }
.LBB2_1:
0x18: {  	s0 =	rddreg [dreg:$0x4]  }
0x19: {  	[tilespmem:s1], [sflag:$0x5] =	stream.linear.gather [hbm4b:s0+s1], $0xC00, $0x38;
	[tilespmem:$0x1CC80] =	vst v63  }
0x1a: {  	s11 =	rddreg [dreg:$0x3];
	s3 =	simm.s32 $0xC00  }
0x1b: {  	[tilespmem:s3], [sflag:$0x5] =	stream.linear.gather [hbm4b:s11+s1], $0x80, $0x38;
	[tilespmem:$0x1CC80] =	vst v63  }
0x1c: {  	s12 =	rddreg [dreg:$0x5];
	s13 =	simm.s32 $0xC80  }
0x1d: {  	[tilespmem:s13], [sflag:$0x1] =	stream.linear.gather [hbm4b:s12+s1], $0x2000, $0x38;
	[tilespmem:$0x1CC80] =	vst v63  }
0x1e: {  	s14 =	rddreg [dreg:$0x6];
	s22 =	simm.s32 $0x2C80  }
0x1f: {  	[tilespmem:s22], [sflag:$0x1] =	stream.linear.gather [hbm4b:s14+s1], $0x2000, $0x38;
	[tilespmem:$0x1CC80] =	vst v63  }
0x20: {  	s4 =	simm.s32 $0x4C80;
	s3 =	rddreg [dreg:$0x7]  }
0x21: {  	[tilespmem:s4], [sflag:$0x1] =	stream.linear.gather [hbm4b:s3+s1], $0x2000, $0x38;
	[tilespmem:$0x1CC80] =	vst v63  }
0x22: {  	_ =	swait.ge [sflag:s26], $0xC00  }
0x23: {  	[sflag:s26] =	ssyncset.done $0x0  }
0x24: {  	[sflag:s26] =	ssyncadd.s32 $0xFFFFF400  }
0x25: {  	_ =	swait.ge [sflag:s26], $0x80  }
0x26: {  	[sflag:s26] =	ssyncset.done $0x0  }
0x27: {  	[sflag:s26] =	ssyncadd.s32 $0xFFFFFF80  }
0x28: {  	v0 =	vld [tilespmem:$0xC00];
	_ =	swait.ge [sflag:s28], $0x2000  }
0x29: {  	[sflag:s28] =	ssyncset.done $0x0  }
0x2a: {  	[sflag:s28] =	ssyncadd.s32 $0xFFFFE000  }
0x2b: {  	_ =	swait.ge [sflag:s28], $0x2000  }
0x2c: {  	[sflag:s28] =	ssyncset.done $0x0  }
0x2d: {  	[sflag:s28] =	ssyncadd.s32 $0xFFFFE000  }
0x2e: {  	_ =	swait.ge [sflag:s28], $0x2000  }
0x2f: {  	[sflag:s28] =	ssyncset.done $0x0  }
0x30: {  	s6 =	simm.s32 $0x6C80;
	s5 =	rddreg [dreg:$0x8];
	[sflag:s28] =	ssyncadd.s32 $0xFFFFE000  }
0x31: {  	[tilespmem:s6], [sflag:$0x2] =	stream.linear.gather [hbm4b:s5+s1], $0x2000, $0x38;
	[tilespmem:$0x1CC80] =	vst v63  }
0x32: {  	s8 =	simm.s32 $0x8C80;
	s7 =	rddreg [dreg:$0x9]  }
0x33: {  	[tilespmem:s8], [sflag:$0x2] =	stream.linear.gather [hbm4b:s7+s1], $0x2000, $0x38;
	[tilespmem:$0x1CC80] =	vst v63  }
0x34: {  	s10 =	simm.s32 $0xAC80;
	s11 =	simm.s32 $0x0;
	s9 =	rddreg [dreg:$0xa]  }
0x35: {  	[tilespmem:s10], [sflag:$0x2] =	stream.linear.gather [hbm4b:s9+s1], $0x2000, $0x38;
	[tilespmem:$0x1CC80] =	vst v63  }
0x36: {  	v1 =	vld [tilespmem:s11+$0xC90];
	_ =	sdelay $0x2  }
0x37: {  	v0 =	vmul.f32 $1.023000000e+03, v0;
	_ =	sdelay $0x1  }
0x38: {  	v1 =	vmul.f32 v1, v0  }
0x39: {  	v2 =	vld [tilespmem:s11+$0xC80]  }
0x3a: {  	v1 =	vmin.f32 v1, $1.022999940e+03  }
0x3b: {  	v3 =	vtrunc.f32 v1  }
0x3c: {  	v3 =	vcvt.f32.s32 v3;
	_ =	sdelay $0x1  }
0x3d: {  	v2 =	vmul.f32 v2, v0;
	v4 =	vadd.s32 $0x1, v3;
	_ =	sdelay $0x1  }
0x3e: {  	v2 =	vmin.f32 v2, $1.022999940e+03  }
0x3f: {  	v5 =	vtrunc.f32 v2  }
0x40: {  	v5 =	vcvt.f32.s32 v5;
	v6 =	vld.idx.msk [tilespmem:v3+s1+$0x0], $0xffff  }
0x41: {  	v4 =	vld.idx.msk [tilespmem:v4+s1+$0x0], $0xffff  }
0x42: {  	v7 =	vadd.s32 $0x1, v5;
	_ =	sdelay $0x1  }
0x43: {  	v3 =	vcvt.s32.f32 v3  }
0x44: {  	s5 =	simm.s32 $0x20  }
0x45: {  	v8 =	vld [tilespmem:s5+$0xC90];
	v1 =	vsub.f32 v1, v3;
	v3 =	vsub.f32 v4, v6  }
0x46: {  	v4 =	vld.idx.msk [tilespmem:v7+s1+$0x0], $0xffff  }
0x47: {  	v7 =	vld.idx.msk [tilespmem:v5+s1+$0x0], $0xffff;
	v1 =	vmul.f32 v1, v3  }
0x48: {  	s12 =	simm.s32 $0x10;
	s4 =	sand.u32 $0x7E00, s1  }
0x49: {  	s3 =	sand.u32 $0x70, s12;
	s4 =	sadd.s32 $0xCC80, s4;
	v1 =	vadd.f32 v1, v6  }
0x4a: {  	s8 =	sor.u32 s3, s4;
	v5 =	vcvt.s32.f32 v5;
	v3 =	vld [tilespmem:s5+$0xC80];
	v6 =	vmul.f32 v8, v0  }
0x4b: {  	[tilespmem:s8+$0x0] =	vst v1  }
0x4c: {  	v1 =	vsub.f32 v2, v5;
	v2 =	vsub.f32 v4, v7;
	v4 =	vmin.f32 v6, $1.022999940e+03;
	v5 =	vld [tilespmem:s11+$0x2C90]  }
0x4d: {  	v6 =	vtrunc.f32 v4  }
0x4e: {  	v1 =	vmul.f32 v1, v2;
	v2 =	vcvt.f32.s32 v6  }
0x4f: {  	s13 =	simm.s32 $0x0;
	v3 =	vmul.f32 v3, v0  }
0x50: {  	s3 =	sand.u32 $0x60, s13;
	v1 =	vadd.f32 v1, v7;
	v7 =	vadd.s32 $0x1, v2  }
0x51: {  	s3 =	sor.u32 s3, s4;
	v3 =	vmin.f32 v3, $1.022999940e+03;
	v5 =	vmul.f32 v5, v0  }
0x52: {  	v6 =	vtrunc.f32 v3;
	[tilespmem:s3+$0x0] =	vst v1  }
0x53: {  	v6 =	vcvt.f32.s32 v6;
	v1 =	vld [tilespmem:s11+$0x2C80];
	v5 =	vmin.f32 v5, $1.022999940e+03  }
0x54: {  	v9 =	vld.idx.msk [tilespmem:v2+s1+$0x0], $0xffff;
	v10 =	vtrunc.f32 v5  }
0x55: {  	v8 =	vadd.s32 $0x1, v6;
	v7 =	vld.idx.msk [tilespmem:v7+s1+$0x0], $0xffff;
	v10 =	vcvt.f32.s32 v10;
	_ =	sdelay $0x1  }
0x56: {  	s31 =	simm.s32 $0x40;
	v11 =	vadd.s32 $0x400, v10  }
0x57: {  	v13 =	vld [tilespmem:s31+$0xC90];
	v2 =	vcvt.s32.f32 v2;
	v12 =	vadd.s32 $0x401, v10  }
0x58: {  	v14 =	vld.idx.msk [tilespmem:v6+s1+$0x0], $0xffff;
	v1 =	vmul.f32 v1, v0  }
0x59: {  	v2 =	vsub.f32 v4, v2;
	v8 =	vld.idx.msk [tilespmem:v8+s1+$0x0], $0xffff;
	v4 =	vsub.f32 v7, v9  }
0x5a: {  	v1 =	vmin.f32 v1, $1.022999940e+03;
	v7 =	vld [tilespmem:s31+$0xC80]  }
0x5b: {  	s14 =	simm.s32 $0x80;
	v15 =	vtrunc.f32 v1;
	v2 =	vmul.f32 v2, v4;
	v11 =	vld.idx.msk [tilespmem:v11+s1+$0x0], $0xffff  }
0x5c: {  	s6 =	simm.s32 $0x30;
	s4 =	sand.u32 $0x7E00, s14;
	v4 =	vcvt.s32.f32 v6;
	v6 =	vcvt.f32.s32 v15;
	v12 =	vld.idx.msk [tilespmem:v12+s1+$0x0], $0xffff  }
0x5d: {  	s6 =	sand.u32 $0x70, s6;
	s4 =	sadd.s32 $0xCC80, s4;
	v13 =	vmul.f32 v13, v0;
	v2 =	vadd.f32 v2, v9  }
0x5e: {  	s29 =	sor.u32 s6, s4;
	v3 =	vsub.f32 v3, v4;
	v4 =	vsub.f32 v8, v14;
	v8 =	vadd.s32 $0x400, v6  }
0x5f: {  	v9 =	vmin.f32 v13, $1.022999940e+03;
	v7 =	vmul.f32 v7, v0;
	[tilespmem:s29+$0x0] =	vst v2;
	v2 =	vcvt.s32.f32 v10  }
0x60: {  	v10 =	vadd.s32 $0x401, v6;
	v3 =	vmul.f32 v3, v4;
	v4 =	vtrunc.f32 v9  }
0x61: {  	s22 =	simm.s32 $0x20;
	v13 =	vld [tilespmem:s5+$0x2C90];
	v4 =	vcvt.f32.s32 v4;
	v2 =	vsub.f32 v5, v2;
	v5 =	vsub.f32 v12, v11  }
0x62: {  	s6 =	sand.u32 $0x60, s22;
	v7 =	vmin.f32 v7, $1.022999940e+03;
	v3 =	vadd.f32 v3, v14  }
0x63: {  	s30 =	sor.u32 s6, s4;
	v12 =	vtrunc.f32 v7;
	v2 =	vmul.f32 v2, v5  }
0x64: {  	v5 =	vld.idx.msk [tilespmem:v8+s1+$0x0], $0xffff;
	[tilespmem:s30+$0x0] =	vst v3;
	v3 =	vcvt.f32.s32 v12;
	v8 =	vadd.s32 $0x1, v4  }
0x65: {  	v12 =	vld [tilespmem:s5+$0x2C80];
	v2 =	vadd.f32 v2, v11  }
0x66: {  	v10 =	vld.idx.msk [tilespmem:v10+s1+$0x0], $0xffff;
	v13 =	vmul.f32 v13, v0;
	v11 =	vadd.s32 $0x1, v3  }
0x67: {  	v14 =	vld.idx.msk [tilespmem:v4+s1+$0x0], $0xffff;
	[tilespmem:s8+$0x80] =	vst v2  }
0x68: {  	v13 =	vmin.f32 v13, $1.022999940e+03;
	v15 =	vld [tilespmem:s11+$0x4C90]  }
0x69: {  	v6 =	vcvt.s32.f32 v6;
	v2 =	vtrunc.f32 v13;
	v8 =	vld.idx.msk [tilespmem:v8+s1+$0x0], $0xffff  }
0x6a: {  	v4 =	vcvt.s32.f32 v4;
	v2 =	vcvt.f32.s32 v2  }
0x6b: {  	s22 =	simm.s32 $0x60;
	v1 =	vsub.f32 v1, v6;
	v16 =	vcvt.s32.f32 v3;
	v6 =	vld.idx.msk [tilespmem:v11+s1+$0x0], $0xffff;
	v11 =	vmul.f32 v12, v0  }
0x6c: {  	v18 =	vld [tilespmem:s22+$0xC90];
	v4 =	vsub.f32 v9, v4;
	v10 =	vsub.f32 v10, v5;
	v12 =	vadd.s32 $0x400, v2  }
0x6d: {  	v3 =	vld.idx.msk [tilespmem:v3+s1+$0x0], $0xffff;
	v17 =	vadd.s32 $0x401, v2;
	v11 =	vmin.f32 v11, $1.022999940e+03;
	v15 =	vmul.f32 v15, v0  }
0x6e: {  	v1 =	vmul.f32 v1, v10;
	v19 =	vtrunc.f32 v11;
	v8 =	vsub.f32 v8, v14  }
0x6f: {  	v10 =	vcvt.f32.s32 v19;
	v9 =	vmin.f32 v15, $1.022999940e+03  }
0x70: {  	s7 =	simm.s32 $0x100;
	v20 =	vld [tilespmem:s22+$0xC80];
	v1 =	vadd.f32 v1, v5;
	v4 =	vmul.f32 v4, v8;
	v15 =	vtrunc.f32 v9  }
0x71: {  	s9 =	simm.s32 $0x50;
	s4 =	sand.u32 $0x7E00, s7;
	v7 =	vsub.f32 v7, v16;
	v16 =	vmul.f32 v18, v0;
	v12 =	vld.idx.msk [tilespmem:v12+s1+$0x0], $0xffff;
	v8 =	vcvt.f32.s32 v15  }
0x72: {  	s10 =	sand.u32 $0x70, s9;
	s7 =	sadd.s32 $0xCC80, s4;
	v6 =	vsub.f32 v6, v3;
	[tilespmem:s3+$0x80] =	vst v1;
	v5 =	vld.idx.msk [tilespmem:v17+s1+$0x0], $0xffff;
	v15 =	vadd.s32 $0x400, v10;
	v4 =	vadd.f32 v4, v14  }
0x73: {  	s4 =	sor.u32 s10, s7;
	v16 =	vmin.f32 v16, $1.022999940e+03;
	v2 =	vcvt.s32.f32 v2;
	v17 =	vld [tilespmem:s11+$0x4C80];
	v1 =	vadd.s32 $0x800, v8  }
0x74: {  	v6 =	vmul.f32 v7, v6;
	v7 =	vtrunc.f32 v16;
	v18 =	vadd.s32 $0x801, v8;
	[tilespmem:s4+$0x0] =	vst v4  }
0x75: {  	s11 =	simm.s32 $0x40;
	v14 =	vmul.f32 v20, v0;
	v7 =	vcvt.f32.s32 v7;
	v4 =	vadd.s32 $0x401, v10;
	v19 =	vld [tilespmem:s31+$0x2C90]  }
0x76: {  	v2 =	vsub.f32 v13, v2;
	s0 =	sand.u32 $0x60, s11;
	v3 =	vadd.f32 v6, v3  }
0x77: {  	s0 =	sor.u32 s0, s7;
	v10 =	vcvt.s32.f32 v10;
	v13 =	vmin.f32 v14, $1.022999940e+03;
	v5 =	vsub.f32 v5, v12;
	v6 =	vld.idx.msk [tilespmem:v15+s1+$0x0], $0xffff  }
0x78: {  	v14 =	vtrunc.f32 v13;
	[tilespmem:s0+$0x0] =	vst v3;
	v3 =	vmul.f32 v17, v0;
	v1 =	vld.idx.msk [tilespmem:v1+s1+$0x0], $0xffff  }
0x79: {  	v10 =	vsub.f32 v11, v10;
	v2 =	vmul.f32 v2, v5;
	v5 =	vcvt.f32.s32 v14;
	v14 =	vld.idx.msk [tilespmem:v18+s1+$0x0], $0xffff  }
0x7a: {  	v15 =	vadd.s32 $0x1, v7;
	v3 =	vmin.f32 v3, $1.022999940e+03;
	v4 =	vld.idx.msk [tilespmem:v4+s1+$0x0], $0xffff;
	v17 =	vmul.f32 v19, v0  }
0x7b: {  	v20 =	vld.idx.msk [tilespmem:v7+s1+$0x0], $0xffff;
	v7 =	vcvt.s32.f32 v7;
	v2 =	vadd.f32 v2, v12;
	v18 =	vcvt.s32.f32 v5  }
0x7c: {  	v11 =	vld [tilespmem:s31+$0x2C80];
	v12 =	vadd.s32 $0x1, v5;
	v19 =	vtrunc.f32 v3;
	v17 =	vmin.f32 v17, $1.022999940e+03  }
0x7d: {  	[tilespmem:s29+$0x80] =	vst v2;
	v2 =	vcvt.s32.f32 v8;
	v13 =	vsub.f32 v13, v18;
	v18 =	vtrunc.f32 v17  }
0x7e: {  	v8 =	vcvt.f32.s32 v19;
	v19 =	vld [tilespmem:s5+$0x4C90];
	v18 =	vcvt.f32.s32 v18  }
0x7f: {  	v15 =	vld.idx.msk [tilespmem:v15+s1+$0x0], $0xffff;
	v2 =	vsub.f32 v9, v2;
	v9 =	vsub.f32 v14, v1  }
0x80: {  	v7 =	vsub.f32 v16, v7;
	v4 =	vsub.f32 v4, v6;
	v22 =	vadd.s32 $0x400, v18  }
0x81: {  	v11 =	vmul.f32 v11, v0;
	v5 =	vld.idx.msk [tilespmem:v5+s1+$0x0], $0xffff;
	v2 =	vmul.f32 v2, v9;
	v9 =	vadd.s32 $0x401, v18  }
0x82: {  	s7 =	simm.s32 $0x80;
	v14 =	vadd.s32 $0x800, v8;
	v21 =	vadd.s32 $0x801, v8;
	v12 =	vld.idx.msk [tilespmem:v12+s1+$0x0], $0xffff;
	v4 =	vmul.f32 v10, v4  }
0x83: {  	v24 =	vld [tilespmem:s7+$0xC80];
	v8 =	vcvt.s32.f32 v8;
	v23 =	vmin.f32 v11, $1.022999940e+03;
	v11 =	vmul.f32 v19, v0  }
0x84: {  	v10 =	vtrunc.f32 v23;
	v15 =	vsub.f32 v15, v20;
	v19 =	vld [tilespmem:s7+$0xC90];
	v4 =	vadd.f32 v4, v6  }
0x85: {  	v10 =	vcvt.f32.s32 v10;
	v26 =	vadd.f32 v2, v1;
	v25 =	vmin.f32 v11, $1.022999940e+03;
	v2 =	vld.idx.msk [tilespmem:v22+s1+$0x0], $0xffff  }
0x86: {  	s12 =	simm.s32 $0x180;
	v6 =	vmul.f32 v7, v15;
	[tilespmem:s30+$0x80] =	vst v4;
	v1 =	vtrunc.f32 v25;
	v9 =	vld.idx.msk [tilespmem:v9+s1+$0x0], $0xffff  }
0x87: {  	s9 =	simm.s32 $0x70;
	s6 =	sand.u32 $0x7E00, s12;
	v7 =	vsub.f32 v12, v5;
	v4 =	vadd.s32 $0x400, v10;
	v16 =	vld [tilespmem:s5+$0x4C80];
	v12 =	vcvt.f32.s32 v1  }
0x88: {  	s13 =	sand.u32 $0x70, s9;
	s10 =	sadd.s32 $0xCC80, s6;
	v15 =	vcvt.s32.f32 v10;
	v6 =	vadd.f32 v6, v20;
	v1 =	vld.idx.msk [tilespmem:v14+s1+$0x0], $0xffff;
	v14 =	vmul.f32 v24, v0  }
0x89: {  	s6 =	sor.u32 s13, s10;
	v7 =	vmul.f32 v13, v7;
	v11 =	vmul.f32 v19, v0;
	v19 =	vadd.s32 $0x800, v12  }
0x8a: {  	v10 =	vadd.s32 $0x401, v10;
	v20 =	vld.idx.msk [tilespmem:v21+s1+$0x0], $0xffff;
	[tilespmem:s6+$0x0] =	vst v6;
	v6 =	vcvt.s32.f32 v18;
	v13 =	vadd.s32 $0x801, v12  }
0x8b: {  	v18 =	vmin.f32 v14, $1.022999940e+03;
	v21 =	vld [tilespmem:s22+$0x2C90];
	v7 =	vadd.f32 v7, v5;
	v11 =	vmin.f32 v11, $1.022999940e+03  }
0x8c: {  	s14 =	simm.s32 $0x60;
	v6 =	vsub.f32 v17, v6;
	v5 =	vld.idx.msk [tilespmem:v4+s1+$0x0], $0xffff;
	v14 =	vtrunc.f32 v11;
	v4 =	vsub.f32 v9, v2  }
0x8d: {  	s5 =	sand.u32 $0x60, s14;
	v22 =	vsub.f32 v3, v8;
	v16 =	vmul.f32 v16, v0;
	v14 =	vcvt.f32.s32 v14  }
0x8e: {  	v8 =	vsub.f32 v23, v15;
	s5 =	sor.u32 s5, s10;
	v9 =	vtrunc.f32 v18;
	v6 =	vmul.f32 v6, v4;
	v3 =	vld.idx.msk [tilespmem:v19+s1+$0x0], $0xffff  }
0x8f: {  	[tilespmem:s5+$0x0] =	vst v7;
	v15 =	vcvt.f32.s32 v9;
	v4 =	vmin.f32 v16, $1.022999940e+03;
	v9 =	vld.idx.msk [tilespmem:v13+s1+$0x0], $0xffff;
	v19 =	vadd.s32 $0x1, v14  }
0x90: {  	v23 =	vld [tilespmem:s22+$0x2C80];
	v13 =	vsub.f32 v20, v1;
	v7 =	vmul.f32 v21, v0;
	v2 =	vadd.f32 v6, v2  }
0x91: {  	v20 =	vadd.s32 $0x1, v15;
	v21 =	vld.idx.msk [tilespmem:v10+s1+$0x0], $0xffff;
	v10 =	vtrunc.f32 v4;
	v6 =	vcvt.s32.f32 v15  }
0x92: {  	v27 =	vcvt.f32.s32 v10;
	v10 =	vcvt.s32.f32 v12;
	v7 =	vmin.f32 v7, $1.022999940e+03;
	[tilespmem:s4+$0x80] =	vst v2  }
0x93: {  	v18 =	vsub.f32 v18, v6;
	v6 =	vtrunc.f32 v7;
	v2 =	vmul.f32 v22, v13;
	v16 =	vld [tilespmem:s31+$0x4C90]  }
0x94: {  	v10 =	vsub.f32 v25, v10;
	v17 =	vld.idx.msk [tilespmem:v14+s1+$0x0], $0xffff;
	v13 =	vcvt.f32.s32 v6;
	v12 =	vsub.f32 v9, v3  }
0x95: {  	v25 =	vmul.f32 v23, v0;
	v6 =	vadd.s32 $0x801, v27;
	v24 =	vld.idx.msk [tilespmem:v19+s1+$0x0], $0xffff;
	v9 =	vadd.s32 $0x800, v27  }
0x96: {  	v23 =	vld.idx.msk [tilespmem:v20+s1+$0x0], $0xffff;
	v22 =	vsub.f32 v21, v5;
	v20 =	vadd.s32 $0x400, v13;
	v10 =	vmul.f32 v10, v12  }
0x97: {  	s11 =	simm.s32 $0x280;
	[tilespmem:s8+$0x100] =	vst v26;
	s8 =	simm.s32 $0x8;
	s10 =	simm.s32 $0x200;
	v19 =	vld.idx.msk [tilespmem:v15+s1+$0x0], $0xffff;
	v15 =	vmin.f32 v25, $1.022999940e+03;
	v21 =	vadd.s32 $0x401, v13;
	v12 =	vcvt.s32.f32 v27  }
.LBB2_2:
0x98: {  	s12 =	sshra.s32 s11, $0x2;
	v14 =	vcvt.s32.f32 v14;
	v16 =	vmul.f32 v16, v0;
	v3 =	vadd.f32 v10, v3  }
0x99: {  	v25 =	vtrunc.f32 v15;
	v8 =	vmul.f32 v8, v22;
	v10 =	vld [tilespmem:s12+$0xC90];
	v12 =	vsub.f32 v4, v12  }
0x9a: {  	v4 =	vld [tilespmem:s12+$0xC80];
	v11 =	vsub.f32 v11, v14;
	v14 =	vsub.f32 v24, v17;
	v22 =	vmin.f32 v16, $1.022999940e+03;
	[tilespmem:s29+$0x100] =	vst v3;
	s29 =	smov.u32 s4;
	s4 =	smov.u32 s6  }
0x9b: {  	s8 =	sadd.s32 $0x2, s8;
	v3 =	vcvt.f32.s32 v25;
	v5 =	vadd.f32 v8, v5;
	v16 =	vld.idx.msk [tilespmem:v20+s1+$0x0], $0xffff;
	v8 =	vtrunc.f32 v22  }
0x9c: {  	p0 =	slt.u32 s8, $0x1FE;
	v20 =	vsub.f32 v23, v19;
	v11 =	vmul.f32 v11, v14;
	v21 =	vld.idx.msk [tilespmem:v21+s1+$0x0], $0xffff;
	v23 =	vcvt.f32.s32 v8  }
0x9d: {  	s9 =	sadd.s32 $0x20, s9;
	s6 =	sand.u32 $0x7E00, s10;
	s10 =	smov.u32 s11;
	v8 =	vcvt.s32.f32 v3;
	v24 =	vadd.s32 $0x400, v3;
	v25 =	vadd.s32 $0x401, v3;
	[tilespmem:s0+$0x80] =	vst v5;
	v9 =	vld.idx.msk [tilespmem:v9+s1+$0x0], $0xffff  }
0x9e: {  	s13 =	sadd.s32 $0xFFFFFFF0, s9;
	s14 =	sadd.s32 $0xCC80, s6;
	s6 =	sand.u32 $0x70, s9;
	v3 =	vmul.f32 v10, v0;
	v5 =	vadd.f32 v11, v17;
	v10 =	vld [tilespmem:s31+$0x4C80];
	v17 =	vadd.s32 $0x800, v23  }
0x9f: {  	s13 =	sand.u32 $0x60, s13;
	s6 =	sor.u32 s6, s14;
	v14 =	vmul.f32 v18, v20;
	v18 =	vadd.s32 $0x801, v23;
	s31 =	smov.u32 s22;
	v4 =	vmul.f32 v4, v0;
	v6 =	vld.idx.msk [tilespmem:v6+s1+$0x0], $0xffff  }
0xa0: {  	s13 =	sor.u32 s13, s14;
	v8 =	vsub.f32 v15, v8;
	s22 =	smov.u32 s7;
	s7 =	smov.u32 s12;
	v11 =	vmin.f32 v3, $1.022999940e+03;
	[tilespmem:s6+$0x0] =	vst v5;
	v3 =	vcvt.s32.f32 v13  }
0xa1: {  	v15 =	vadd.f32 v14, v19;
	v13 =	vmin.f32 v4, $1.022999940e+03;
	v4 =	vtrunc.f32 v11;
	v19 =	vld [tilespmem:s22+$0x2C90]  }
0xa2: {  	v14 =	vcvt.f32.s32 v4;
	v5 =	vld.idx.msk [tilespmem:v24+s1+$0x0], $0xffff;
	v4 =	vsub.f32 v7, v3;
	v7 =	vsub.f32 v21, v16  }
0xa3: {  	v2 =	vadd.f32 v2, v1;
	v20 =	vtrunc.f32 v13;
	[tilespmem:s13+$0x0] =	vst v15;
	v10 =	vmul.f32 v10, v0;
	v3 =	vld.idx.msk [tilespmem:v17+s1+$0x0], $0xffff  }
0xa4: {  	v1 =	vmov v9;
	v15 =	vcvt.f32.s32 v20;
	v7 =	vmul.f32 v4, v7;
	v20 =	vld.idx.msk [tilespmem:v18+s1+$0x0], $0xffff  }
0xa5: {  	v9 =	vadd.s32 $0x1, v14;
	v6 =	vsub.f32 v6, v1;
	v21 =	vld [tilespmem:s22+$0x2C80];
	v4 =	vmin.f32 v10, $1.022999940e+03;
	[tilespmem:s3+$0x100] =	vst v2;
	s3 =	smov.u32 s30;
	s30 =	smov.u32 s0;
	s0 =	smov.u32 s5  }
0xa6: {  	v10 =	vadd.s32 $0x1, v15;
	s5 =	smov.u32 s13;
	v2 =	vmul.f32 v19, v0;
	v25 =	vld.idx.msk [tilespmem:v25+s1+$0x0], $0xffff;
	v16 =	vadd.f32 v7, v16  }
0xa7: {  	v18 =	vcvt.s32.f32 v15;
	v19 =	vtrunc.f32 v4  }
0xa8: {  	v26 =	vcvt.f32.s32 v19;
	v19 =	vcvt.s32.f32 v23;
	v17 =	vld.idx.msk [tilespmem:v14+s1+$0x0], $0xffff;
	v7 =	vmin.f32 v2, $1.022999940e+03;
	[tilespmem:s4+$0x80] =	vst v16  }
.Ltmp0:
0xa9: {  	v18 =	vsub.f32 v13, v18;
	v2 =	vmul.f32 v12, v6;
	v13 =	vtrunc.f32 v7;
	v16 =	vld [tilespmem:s31+$0x4C90];
	(pc) =	sbr.rel @p0 .LBB2_2-.Ltmp0, $4  }
0xaa: {  	v12 =	vsub.f32 v22, v19;
	v27 =	vsub.f32 v20, v3;
	v24 =	vld.idx.msk [tilespmem:v9+s1+$0x0], $0xffff;
	v13 =	vcvt.f32.s32 v13  }
0xab: {  	v6 =	vadd.s32 $0x801, v26;
	v21 =	vmul.f32 v21, v0;
	v9 =	vadd.s32 $0x800, v26;
	v23 =	vld.idx.msk [tilespmem:v10+s1+$0x0], $0xffff  }
0xac: {  	v22 =	vsub.f32 v25, v5;
	v10 =	vmul.f32 v12, v27;
	v19 =	vld.idx.msk [tilespmem:v15+s1+$0x0], $0xffff;
	v20 =	vadd.s32 $0x400, v13  }
0xad: {  	s11 =	sadd.s32 $0x80, s11;
	v12 =	vcvt.s32.f32 v26;
	v15 =	vmin.f32 v21, $1.022999940e+03;
	v21 =	vadd.s32 $0x401, v13  }
0xae: {  	v14 =	vcvt.s32.f32 v14;
	_ =	sdelay $0x1  }
0xaf: {  	v11 =	vsub.f32 v11, v14;
	v14 =	vsub.f32 v24, v17;
	_ =	sdelay $0x1  }
0xb0: {  	v23 =	vsub.f32 v23, v19;
	v11 =	vmul.f32 v11, v14  }
0xb1: {  	s8 =	sand.u32 $0x7E00, s10;
	s9 =	sadd.s32 $0x20, s9  }
0xb2: {  	s10 =	sadd.s32 $0xCC80, s8;
	s14 =	sand.u32 $0x70, s9;
	v14 =	vmul.f32 v18, v23;
	v11 =	vadd.f32 v11, v17  }
0xb3: {  	s9 =	sadd.s32 $0xFFFFFFF0, s9;
	s8 =	sor.u32 s14, s10  }
0xb4: {  	s9 =	sand.u32 $0x60, s9;
	[tilespmem:s8+$0x0] =	vst v11;
	v11 =	vadd.f32 v14, v19  }
0xb5: {  	s9 =	sor.u32 s9, s10;
	v14 =	vld [tilespmem:s7+$0x2C90]  }
0xb6: {  	[tilespmem:s9+$0x0] =	vst v11  }
0xb7: {  	v17 =	vtrunc.f32 v15;
	v11 =	vld [tilespmem:s7+$0x2C80]  }
0xb8: {  	v17 =	vcvt.f32.s32 v17;
	_ =	sdelay $0x1  }
0xb9: {  	v18 =	vadd.s32 $0x400, v17;
	v14 =	vmul.f32 v14, v0  }
0xba: {  	v23 =	vadd.s32 $0x401, v17  }
0xbb: {  	v20 =	vld.idx.msk [tilespmem:v20+s1+$0x0], $0xffff;
	v14 =	vmin.f32 v14, $1.022999940e+03;
	v11 =	vmul.f32 v11, v0  }
0xbc: {  	v21 =	vld.idx.msk [tilespmem:v21+s1+$0x0], $0xffff;
	v19 =	vtrunc.f32 v14  }
0xbd: {  	v19 =	vcvt.f32.s32 v19;
	v11 =	vmin.f32 v11, $1.022999940e+03  }
0xbe: {  	v18 =	vld.idx.msk [tilespmem:v18+s1+$0x0], $0xffff;
	v24 =	vtrunc.f32 v11  }
0xbf: {  	v13 =	vcvt.s32.f32 v13;
	v23 =	vld.idx.msk [tilespmem:v23+s1+$0x0], $0xffff;
	v25 =	vadd.s32 $0x400, v19;
	v24 =	vcvt.f32.s32 v24  }
0xc0: {  	v8 =	vmul.f32 v8, v22;
	v26 =	vadd.s32 $0x401, v19  }
0xc1: {  	v7 =	vsub.f32 v7, v13;
	v13 =	vsub.f32 v21, v20;
	v27 =	vadd.s32 $0x400, v24  }
0xc2: {  	v17 =	vcvt.s32.f32 v17;
	v28 =	vadd.s32 $0x401, v24  }
0xc3: {  	v5 =	vadd.f32 v8, v5;
	v7 =	vmul.f32 v7, v13  }
0xc4: {  	v15 =	vsub.f32 v15, v17;
	v13 =	vsub.f32 v23, v18;
	v22 =	vld.idx.msk [tilespmem:v25+s1+$0x0], $0xffff  }
0xc5: {  	[tilespmem:s0+$0x80] =	vst v5;
	v5 =	vadd.f32 v7, v20;
	v21 =	vld.idx.msk [tilespmem:v26+s1+$0x0], $0xffff  }
0xc6: {  	v7 =	vmul.f32 v15, v13;
	v8 =	vld.idx.msk [tilespmem:v27+s1+$0x0], $0xffff  }
0xc7: {  	[tilespmem:s6+$0x80] =	vst v5;
	v17 =	vld.idx.msk [tilespmem:v28+s1+$0x0], $0xffff  }
0xc8: {  	v19 =	vcvt.s32.f32 v19;
	v5 =	vadd.f32 v7, v18;
	v7 =	vld [tilespmem:s22+$0x4C90];
	_ =	sdelay $0x1  }
0xc9: {  	v13 =	vld [tilespmem:s31+$0x4C80];
	v15 =	vcvt.s32.f32 v24;
	v14 =	vsub.f32 v14, v19;
	v19 =	vsub.f32 v21, v22;
	_ =	sdelay $0x1  }
0xca: {  	v11 =	vsub.f32 v11, v15;
	v14 =	vmul.f32 v14, v19;
	v15 =	vsub.f32 v17, v8  }
0xcb: {  	v7 =	vmul.f32 v7, v0  }
0xcc: {  	[tilespmem:s5+$0x80] =	vst v5;
	v5 =	vadd.f32 v14, v22;
	v11 =	vmul.f32 v11, v15  }
0xcd: {  	v16 =	vmul.f32 v16, v0;
	v13 =	vmul.f32 v13, v0;
	v7 =	vmin.f32 v7, $1.022999940e+03;
	v14 =	vld [tilespmem:s22+$0x4C80]  }
0xce: {  	v18 =	vtrunc.f32 v7;
	[tilespmem:s8+$0x80] =	vst v5;
	v5 =	vadd.f32 v11, v8  }
0xcf: {  	v18 =	vcvt.f32.s32 v18;
	v15 =	vmin.f32 v16, $1.022999940e+03;
	v11 =	vmin.f32 v13, $1.022999940e+03;
	v13 =	vld [tilespmem:s7+$0x4C90]  }
0xd0: {  	v8 =	vtrunc.f32 v15;
	v16 =	vtrunc.f32 v11;
	[tilespmem:s9+$0x80] =	vst v5  }
0xd1: {  	v8 =	vcvt.f32.s32 v8;
	v5 =	vcvt.f32.s32 v16;
	v16 =	vld [tilespmem:s7+$0x4C80]  }
0xd2: {  	v21 =	vadd.s32 $0x800, v18;
	v14 =	vmul.f32 v14, v0  }
0xd3: {  	v17 =	vadd.s32 $0x800, v8  }
0xd4: {  	v19 =	vadd.s32 $0x801, v8;
	v14 =	vmin.f32 v14, $1.022999940e+03;
	v13 =	vmul.f32 v13, v0  }
0xd5: {  	v9 =	vld.idx.msk [tilespmem:v9+s1+$0x0], $0xffff;
	v22 =	vadd.s32 $0x801, v18;
	v20 =	vadd.s32 $0x800, v5;
	v23 =	vtrunc.f32 v14  }
0xd6: {  	v6 =	vld.idx.msk [tilespmem:v6+s1+$0x0], $0xffff;
	v23 =	vcvt.f32.s32 v23;
	v13 =	vmin.f32 v13, $1.022999940e+03;
	v16 =	vmul.f32 v16, v0  }
0xd7: {  	v21 =	vld.idx.msk [tilespmem:v21+s1+$0x0], $0xffff;
	v24 =	vadd.s32 $0x801, v5;
	v25 =	vtrunc.f32 v13  }
0xd8: {  	v17 =	vld.idx.msk [tilespmem:v17+s1+$0x0], $0xffff;
	v26 =	vadd.s32 $0x800, v23;
	v25 =	vcvt.f32.s32 v25;
	v16 =	vmin.f32 v16, $1.022999940e+03  }
0xd9: {  	v19 =	vld.idx.msk [tilespmem:v19+s1+$0x0], $0xffff;
	v27 =	vadd.s32 $0x801, v23;
	v63 =	vtrunc.f32 v16  }
0xda: {  	v22 =	vld.idx.msk [tilespmem:v22+s1+$0x0], $0xffff;
	v29 =	vadd.s32 $0x800, v25;
	v28 =	vcvt.f32.s32 v63  }
0xdb: {  	v20 =	vld.idx.msk [tilespmem:v20+s1+$0x0], $0xffff;
	v30 =	vadd.s32 $0x801, v25  }
0xdc: {  	v8 =	vcvt.s32.f32 v8;
	v24 =	vld.idx.msk [tilespmem:v24+s1+$0x0], $0xffff;
	v31 =	vadd.s32 $0x800, v28  }
0xdd: {  	v4 =	vsub.f32 v4, v12;
	v6 =	vsub.f32 v6, v9;
	v26 =	vld.idx.msk [tilespmem:v26+s1+$0x0], $0xffff;
	v32 =	vadd.s32 $0x801, v28  }
0xde: {  	v18 =	vcvt.s32.f32 v18;
	v8 =	vsub.f32 v15, v8;
	v15 =	vsub.f32 v19, v17;
	v19 =	vld.idx.msk [tilespmem:v27+s1+$0x0], $0xffff  }
0xdf: {  	v3 =	vadd.f32 v10, v3;
	v4 =	vmul.f32 v4, v6;
	v5 =	vcvt.s32.f32 v5;
	v12 =	vld.idx.msk [tilespmem:v29+s1+$0x0], $0xffff  }
0xe0: {  	v1 =	vadd.f32 v2, v1;
	v7 =	vsub.f32 v7, v18;
	v8 =	vmul.f32 v8, v15;
	v18 =	vld.idx.msk [tilespmem:v30+s1+$0x0], $0xffff  }
0xe1: {  	v4 =	vadd.f32 v4, v9;
	v5 =	vsub.f32 v11, v5;
	v6 =	vld.idx.msk [tilespmem:v31+s1+$0x0], $0xffff  }
0xe2: {  	v9 =	vcvt.s32.f32 v25;
	v10 =	vsub.f32 v24, v20;
	v2 =	vadd.f32 v8, v17;
	v8 =	vld.idx.msk [tilespmem:v32+s1+$0x0], $0xffff  }
0xe3: {  	[tilespmem:s29+$0x100] =	vst v3;
	v11 =	vcvt.s32.f32 v23  }
0xe4: {  	[tilespmem:s3+$0x100] =	vst v1;
	v3 =	vsub.f32 v13, v9;
	v15 =	vsub.f32 v22, v21;
	v1 =	vmul.f32 v5, v10  }
0xe5: {  	v13 =	vcvt.s32.f32 v28;
	v5 =	vsub.f32 v14, v11;
	v9 =	vsub.f32 v18, v12  }
0xe6: {  	v7 =	vmul.f32 v7, v15;
	v1 =	vadd.f32 v1, v20;
	v10 =	vsub.f32 v19, v26  }
0xe7: {  	[tilespmem:s4+$0x100] =	vst v2;
	v2 =	vmul.f32 v3, v9;
	v3 =	vsub.f32 v16, v13;
	v8 =	vsub.f32 v8, v6  }
0xe8: {  	[tilespmem:s30+$0x100] =	vst v4;
	v7 =	vadd.f32 v7, v21;
	v4 =	vmul.f32 v5, v10  }
0xe9: {  	[tilespmem:s0+$0x100] =	vst v1;
	v2 =	vadd.f32 v2, v12;
	v3 =	vmul.f32 v3, v8  }
0xea: {  	[tilespmem:s6+$0x100] =	vst v7;
	v1 =	vadd.f32 v4, v26  }
0xeb: {  	[tilespmem:s8+$0x100] =	vst v2;
	v2 =	vadd.f32 v3, v6  }
0xec: {  	[tilespmem:s5+$0x100] =	vst v1  }
0xed: {  	[tilespmem:s9+$0x100] =	vst v2  }
0xee: {  	s11 =	simm.s32 $0xCC80;
	s10 =	simm.s32 $0x0;
	s0 =	rddreg [dreg:$0xb]  }
0xef: {  	[hbm4b:s0+s10] =	stream.linear.scatter [tilespmem:s11], [sflag:$0x3], $0x8000, $0x38;
	[tilespmem:$0x1CC80] =	vst v63  }
0xf0: {  	_ =	swait.ge [sflag:s2], $0x2000  }
0xf1: {  	[sflag:s2] =	ssyncset.done $0x0  }
0xf2: {  	[sflag:s2] =	ssyncadd.s32 $0xFFFFE000  }
0xf3: {  	_ =	swait.ge [sflag:s2], $0x2000  }
0xf4: {  	[sflag:s2] =	ssyncset.done $0x0  }
0xf5: {  	[sflag:s2] =	ssyncadd.s32 $0xFFFFE000  }
0xf6: {  	_ =	swait.ge [sflag:s2], $0x2000  }
0xf7: {  	[sflag:s2] =	ssyncset.done $0x0  }
0xf8: {  	s13 =	simm.s32 $0xC80;
	s12 =	rddreg [dreg:$0xc];
	[sflag:s2] =	ssyncadd.s32 $0xFFFFE000  }
0xf9: {  	[tilespmem:s13], [sflag:$0x1] =	stream.linear.gather [hbm4b:s12+s10], $0x2000, $0x38;
	[tilespmem:$0x1CC80] =	vst v63  }
0xfa: {  	s22 =	simm.s32 $0x2C80;
	s14 =	rddreg [dreg:$0xd]  }
0xfb: {  	[tilespmem:s22], [sflag:$0x1] =	stream.linear.gather [hbm4b:s14+s10], $0x2000, $0x38;
	[tilespmem:$0x1CC80] =	vst v63  }
0xfc: {  	s5 =	simm.s32 $0x4C80;
	s0 =	simm.s32 $0x0;
	s4 =	rddreg [dreg:$0xe]  }
0xfd: {  	[tilespmem:s5], [sflag:$0x1] =	stream.linear.gather [hbm4b:s4+s10], $0x2000, $0x38;
	[tilespmem:$0x1CC80] =	vst v63  }
0xfe: {  	v1 =	vld [tilespmem:s0+$0x6C90];
	_ =	sdelay $0x4  }
0xff: {  	v1 =	vmul.f32 v1, v0  }
0x100: {  	v2 =	vld [tilespmem:s0+$0x6C80]  }
0x101: {  	v1 =	vmin.f32 v1, $1.022999940e+03  }
0x102: {  	v3 =	vtrunc.f32 v1  }
0x103: {  	v3 =	vcvt.f32.s32 v3;
	_ =	sdelay $0x1  }
0x104: {  	v2 =	vmul.f32 v2, v0;
	v4 =	vadd.s32 $0x1, v3;
	_ =	sdelay $0x1  }
0x105: {  	v2 =	vmin.f32 v2, $1.022999940e+03  }
0x106: {  	v5 =	vtrunc.f32 v2  }
0x107: {  	v5 =	vcvt.f32.s32 v5;
	v6 =	vld.idx.msk [tilespmem:v3+s1+$0x0], $0xffff  }
0x108: {  	v4 =	vld.idx.msk [tilespmem:v4+s1+$0x0], $0xffff  }
0x109: {  	v7 =	vadd.s32 $0x1, v5;
	_ =	sdelay $0x1  }
0x10a: {  	v3 =	vcvt.s32.f32 v3  }
0x10b: {  	s5 =	simm.s32 $0x20  }
0x10c: {  	v8 =	vld [tilespmem:s5+$0x6C90];
	v1 =	vsub.f32 v1, v3;
	v3 =	vsub.f32 v4, v6  }
0x10d: {  	v4 =	vld.idx.msk [tilespmem:v7+s1+$0x0], $0xffff  }
0x10e: {  	v7 =	vld.idx.msk [tilespmem:v5+s1+$0x0], $0xffff;
	v1 =	vmul.f32 v1, v3  }
0x10f: {  	s3 =	sand.u32 $0x7E00, s10;
	s6 =	simm.s32 $0x10  }
0x110: {  	s3 =	sadd.s32 $0x14C80, s3;
	s4 =	sand.u32 $0x70, s6;
	v1 =	vadd.f32 v1, v6  }
0x111: {  	s8 =	sor.u32 s4, s3;
	v5 =	vcvt.s32.f32 v5;
	v3 =	vld [tilespmem:s5+$0x6C80];
	v6 =	vmul.f32 v8, v0  }
0x112: {  	[tilespmem:s8+$0x0] =	vst v1  }
0x113: {  	v1 =	vsub.f32 v2, v5;
	v2 =	vsub.f32 v4, v7;
	v4 =	vmin.f32 v6, $1.022999940e+03;
	v5 =	vld [tilespmem:s0+$0x8C90]  }
0x114: {  	v6 =	vtrunc.f32 v4  }
0x115: {  	v1 =	vmul.f32 v1, v2;
	v2 =	vcvt.f32.s32 v6  }
0x116: {  	s7 =	simm.s32 $0x0;
	v3 =	vmul.f32 v3, v0  }
0x117: {  	s4 =	sand.u32 $0x60, s7;
	v1 =	vadd.f32 v1, v7;
	v7 =	vadd.s32 $0x1, v2  }
0x118: {  	s3 =	sor.u32 s4, s3;
	v3 =	vmin.f32 v3, $1.022999940e+03;
	v5 =	vmul.f32 v5, v0  }
0x119: {  	v6 =	vtrunc.f32 v3;
	[tilespmem:s3+$0x0] =	vst v1  }
0x11a: {  	v6 =	vcvt.f32.s32 v6;
	v1 =	vld [tilespmem:s0+$0x8C80];
	v5 =	vmin.f32 v5, $1.022999940e+03  }
0x11b: {  	v9 =	vld.idx.msk [tilespmem:v2+s1+$0x0], $0xffff;
	v10 =	vtrunc.f32 v5  }
0x11c: {  	v8 =	vadd.s32 $0x1, v6;
	v7 =	vld.idx.msk [tilespmem:v7+s1+$0x0], $0xffff;
	v10 =	vcvt.f32.s32 v10;
	_ =	sdelay $0x1  }
0x11d: {  	s31 =	simm.s32 $0x40;
	v11 =	vadd.s32 $0x400, v10  }
0x11e: {  	v13 =	vld [tilespmem:s31+$0x6C90];
	v2 =	vcvt.s32.f32 v2;
	v12 =	vadd.s32 $0x401, v10  }
0x11f: {  	v14 =	vld.idx.msk [tilespmem:v6+s1+$0x0], $0xffff;
	v1 =	vmul.f32 v1, v0  }
0x120: {  	v2 =	vsub.f32 v4, v2;
	v8 =	vld.idx.msk [tilespmem:v8+s1+$0x0], $0xffff;
	v4 =	vsub.f32 v7, v9  }
0x121: {  	v1 =	vmin.f32 v1, $1.022999940e+03;
	v7 =	vld [tilespmem:s31+$0x6C80]  }
0x122: {  	s9 =	simm.s32 $0x80;
	v15 =	vtrunc.f32 v1;
	v2 =	vmul.f32 v2, v4;
	v11 =	vld.idx.msk [tilespmem:v11+s1+$0x0], $0xffff  }
0x123: {  	s10 =	simm.s32 $0x30;
	s4 =	sand.u32 $0x7E00, s9;
	v4 =	vcvt.s32.f32 v6;
	v6 =	vcvt.f32.s32 v15;
	v12 =	vld.idx.msk [tilespmem:v12+s1+$0x0], $0xffff  }
0x124: {  	s6 =	sand.u32 $0x70, s10;
	s4 =	sadd.s32 $0x14C80, s4;
	v13 =	vmul.f32 v13, v0;
	v2 =	vadd.f32 v2, v9  }
0x125: {  	s29 =	sor.u32 s6, s4;
	v3 =	vsub.f32 v3, v4;
	v4 =	vsub.f32 v8, v14;
	v8 =	vadd.s32 $0x400, v6  }
0x126: {  	v9 =	vmin.f32 v13, $1.022999940e+03;
	v7 =	vmul.f32 v7, v0;
	[tilespmem:s29+$0x0] =	vst v2;
	v2 =	vcvt.s32.f32 v10  }
0x127: {  	v10 =	vadd.s32 $0x401, v6;
	v3 =	vmul.f32 v3, v4;
	v4 =	vtrunc.f32 v9  }
0x128: {  	s11 =	simm.s32 $0x20;
	v13 =	vld [tilespmem:s5+$0x8C90];
	v4 =	vcvt.f32.s32 v4;
	v2 =	vsub.f32 v5, v2;
	v5 =	vsub.f32 v12, v11  }
0x129: {  	s6 =	sand.u32 $0x60, s11;
	v7 =	vmin.f32 v7, $1.022999940e+03;
	v3 =	vadd.f32 v3, v14  }
0x12a: {  	s30 =	sor.u32 s6, s4;
	v12 =	vtrunc.f32 v7;
	v2 =	vmul.f32 v2, v5  }
0x12b: {  	v5 =	vld.idx.msk [tilespmem:v8+s1+$0x0], $0xffff;
	[tilespmem:s30+$0x0] =	vst v3;
	v3 =	vcvt.f32.s32 v12;
	v8 =	vadd.s32 $0x1, v4  }
0x12c: {  	v12 =	vld [tilespmem:s5+$0x8C80];
	v2 =	vadd.f32 v2, v11  }
0x12d: {  	v10 =	vld.idx.msk [tilespmem:v10+s1+$0x0], $0xffff;
	v13 =	vmul.f32 v13, v0;
	v11 =	vadd.s32 $0x1, v3  }
0x12e: {  	v14 =	vld.idx.msk [tilespmem:v4+s1+$0x0], $0xffff;
	[tilespmem:s8+$0x80] =	vst v2  }
0x12f: {  	v13 =	vmin.f32 v13, $1.022999940e+03;
	v15 =	vld [tilespmem:s0+$0xAC90]  }
0x130: {  	v6 =	vcvt.s32.f32 v6;
	v2 =	vtrunc.f32 v13;
	v8 =	vld.idx.msk [tilespmem:v8+s1+$0x0], $0xffff  }
0x131: {  	v4 =	vcvt.s32.f32 v4;
	v2 =	vcvt.f32.s32 v2  }
0x132: {  	s22 =	simm.s32 $0x60;
	v1 =	vsub.f32 v1, v6;
	v16 =	vcvt.s32.f32 v3;
	v6 =	vld.idx.msk [tilespmem:v11+s1+$0x0], $0xffff;
	v11 =	vmul.f32 v12, v0  }
0x133: {  	v18 =	vld [tilespmem:s22+$0x6C90];
	v4 =	vsub.f32 v9, v4;
	v10 =	vsub.f32 v10, v5;
	v12 =	vadd.s32 $0x400, v2  }
0x134: {  	v3 =	vld.idx.msk [tilespmem:v3+s1+$0x0], $0xffff;
	v17 =	vadd.s32 $0x401, v2;
	v11 =	vmin.f32 v11, $1.022999940e+03;
	v15 =	vmul.f32 v15, v0  }
0x135: {  	v1 =	vmul.f32 v1, v10;
	v19 =	vtrunc.f32 v11;
	v8 =	vsub.f32 v8, v14  }
0x136: {  	v10 =	vcvt.f32.s32 v19;
	v9 =	vmin.f32 v15, $1.022999940e+03  }
0x137: {  	s12 =	simm.s32 $0x100;
	v20 =	vld [tilespmem:s22+$0x6C80];
	v1 =	vadd.f32 v1, v5;
	v4 =	vmul.f32 v4, v8;
	v15 =	vtrunc.f32 v9  }
0x138: {  	s13 =	simm.s32 $0x50;
	s4 =	sand.u32 $0x7E00, s12;
	v7 =	vsub.f32 v7, v16;
	v16 =	vmul.f32 v18, v0;
	v12 =	vld.idx.msk [tilespmem:v12+s1+$0x0], $0xffff;
	v8 =	vcvt.f32.s32 v15  }
0x139: {  	s9 =	sand.u32 $0x70, s13;
	s14 =	sadd.s32 $0x14C80, s4;
	v6 =	vsub.f32 v6, v3;
	[tilespmem:s3+$0x80] =	vst v1;
	v5 =	vld.idx.msk [tilespmem:v17+s1+$0x0], $0xffff;
	v15 =	vadd.s32 $0x400, v10;
	v4 =	vadd.f32 v4, v14  }
0x13a: {  	s4 =	sor.u32 s9, s14;
	v16 =	vmin.f32 v16, $1.022999940e+03;
	v2 =	vcvt.s32.f32 v2;
	v17 =	vld [tilespmem:s0+$0xAC80];
	v1 =	vadd.s32 $0x800, v8  }
0x13b: {  	v6 =	vmul.f32 v7, v6;
	v7 =	vtrunc.f32 v16;
	v18 =	vadd.s32 $0x801, v8;
	[tilespmem:s4+$0x0] =	vst v4  }
0x13c: {  	s10 =	simm.s32 $0x40;
	v14 =	vmul.f32 v20, v0;
	v7 =	vcvt.f32.s32 v7;
	v4 =	vadd.s32 $0x401, v10;
	v19 =	vld [tilespmem:s31+$0x8C90]  }
0x13d: {  	v2 =	vsub.f32 v13, v2;
	s0 =	sand.u32 $0x60, s10;
	v3 =	vadd.f32 v6, v3  }
0x13e: {  	s0 =	sor.u32 s0, s14;
	v10 =	vcvt.s32.f32 v10;
	v13 =	vmin.f32 v14, $1.022999940e+03;
	v5 =	vsub.f32 v5, v12;
	v6 =	vld.idx.msk [tilespmem:v15+s1+$0x0], $0xffff  }
0x13f: {  	v14 =	vtrunc.f32 v13;
	[tilespmem:s0+$0x0] =	vst v3;
	v3 =	vmul.f32 v17, v0;
	v1 =	vld.idx.msk [tilespmem:v1+s1+$0x0], $0xffff  }
0x140: {  	v10 =	vsub.f32 v11, v10;
	v2 =	vmul.f32 v2, v5;
	v5 =	vcvt.f32.s32 v14;
	v14 =	vld.idx.msk [tilespmem:v18+s1+$0x0], $0xffff  }
0x141: {  	v15 =	vadd.s32 $0x1, v7;
	v3 =	vmin.f32 v3, $1.022999940e+03;
	v4 =	vld.idx.msk [tilespmem:v4+s1+$0x0], $0xffff;
	v17 =	vmul.f32 v19, v0  }
0x142: {  	v20 =	vld.idx.msk [tilespmem:v7+s1+$0x0], $0xffff;
	v7 =	vcvt.s32.f32 v7;
	v2 =	vadd.f32 v2, v12;
	v18 =	vcvt.s32.f32 v5  }
0x143: {  	v11 =	vld [tilespmem:s31+$0x8C80];
	v12 =	vadd.s32 $0x1, v5;
	v19 =	vtrunc.f32 v3;
	v17 =	vmin.f32 v17, $1.022999940e+03  }
0x144: {  	[tilespmem:s29+$0x80] =	vst v2;
	v2 =	vcvt.s32.f32 v8;
	v13 =	vsub.f32 v13, v18;
	v18 =	vtrunc.f32 v17  }
0x145: {  	v8 =	vcvt.f32.s32 v19;
	v19 =	vld [tilespmem:s5+$0xAC90];
	v18 =	vcvt.f32.s32 v18  }
0x146: {  	v15 =	vld.idx.msk [tilespmem:v15+s1+$0x0], $0xffff;
	v2 =	vsub.f32 v9, v2;
	v9 =	vsub.f32 v14, v1  }
0x147: {  	v7 =	vsub.f32 v16, v7;
	v4 =	vsub.f32 v4, v6;
	v22 =	vadd.s32 $0x400, v18  }
0x148: {  	v11 =	vmul.f32 v11, v0;
	v5 =	vld.idx.msk [tilespmem:v5+s1+$0x0], $0xffff;
	v2 =	vmul.f32 v2, v9;
	v9 =	vadd.s32 $0x401, v18  }
0x149: {  	s7 =	simm.s32 $0x80;
	v14 =	vadd.s32 $0x800, v8;
	v21 =	vadd.s32 $0x801, v8;
	v12 =	vld.idx.msk [tilespmem:v12+s1+$0x0], $0xffff;
	v4 =	vmul.f32 v10, v4  }
0x14a: {  	v24 =	vld [tilespmem:s7+$0x6C80];
	v8 =	vcvt.s32.f32 v8;
	v23 =	vmin.f32 v11, $1.022999940e+03;
	v11 =	vmul.f32 v19, v0  }
0x14b: {  	v10 =	vtrunc.f32 v23;
	v15 =	vsub.f32 v15, v20;
	v19 =	vld [tilespmem:s7+$0x6C90];
	v4 =	vadd.f32 v4, v6  }
0x14c: {  	v10 =	vcvt.f32.s32 v10;
	v26 =	vadd.f32 v2, v1;
	v25 =	vmin.f32 v11, $1.022999940e+03;
	v2 =	vld.idx.msk [tilespmem:v22+s1+$0x0], $0xffff  }
0x14d: {  	s11 =	simm.s32 $0x180;
	v6 =	vmul.f32 v7, v15;
	[tilespmem:s30+$0x80] =	vst v4;
	v1 =	vtrunc.f32 v25;
	v9 =	vld.idx.msk [tilespmem:v9+s1+$0x0], $0xffff  }
0x14e: {  	s6 =	sand.u32 $0x7E00, s11;
	s9 =	simm.s32 $0x70;
	v7 =	vsub.f32 v12, v5;
	v4 =	vadd.s32 $0x400, v10;
	v16 =	vld [tilespmem:s5+$0xAC80];
	v12 =	vcvt.f32.s32 v1  }
0x14f: {  	s12 =	sadd.s32 $0x14C80, s6;
	s13 =	sand.u32 $0x70, s9;
	v15 =	vcvt.s32.f32 v10;
	v6 =	vadd.f32 v6, v20;
	v1 =	vld.idx.msk [tilespmem:v14+s1+$0x0], $0xffff;
	v14 =	vmul.f32 v24, v0  }
0x150: {  	s6 =	sor.u32 s13, s12;
	v7 =	vmul.f32 v13, v7;
	v11 =	vmul.f32 v19, v0;
	v19 =	vadd.s32 $0x800, v12  }
0x151: {  	v10 =	vadd.s32 $0x401, v10;
	v20 =	vld.idx.msk [tilespmem:v21+s1+$0x0], $0xffff;
	[tilespmem:s6+$0x0] =	vst v6;
	v6 =	vcvt.s32.f32 v18;
	v13 =	vadd.s32 $0x801, v12  }
0x152: {  	v18 =	vmin.f32 v14, $1.022999940e+03;
	v21 =	vld [tilespmem:s22+$0x8C90];
	v7 =	vadd.f32 v7, v5;
	v11 =	vmin.f32 v11, $1.022999940e+03  }
0x153: {  	s14 =	simm.s32 $0x60;
	v6 =	vsub.f32 v17, v6;
	v5 =	vld.idx.msk [tilespmem:v4+s1+$0x0], $0xffff;
	v14 =	vtrunc.f32 v11;
	v4 =	vsub.f32 v9, v2  }
0x154: {  	s5 =	sand.u32 $0x60, s14;
	v22 =	vsub.f32 v3, v8;
	v16 =	vmul.f32 v16, v0;
	v14 =	vcvt.f32.s32 v14  }
0x155: {  	v8 =	vsub.f32 v23, v15;
	s5 =	sor.u32 s5, s12;
	v9 =	vtrunc.f32 v18;
	v6 =	vmul.f32 v6, v4;
	v3 =	vld.idx.msk [tilespmem:v19+s1+$0x0], $0xffff  }
0x156: {  	[tilespmem:s5+$0x0] =	vst v7;
	v15 =	vcvt.f32.s32 v9;
	v4 =	vmin.f32 v16, $1.022999940e+03;
	v9 =	vld.idx.msk [tilespmem:v13+s1+$0x0], $0xffff;
	v19 =	vadd.s32 $0x1, v14  }
0x157: {  	v23 =	vld [tilespmem:s22+$0x8C80];
	v13 =	vsub.f32 v20, v1;
	v7 =	vmul.f32 v21, v0;
	v2 =	vadd.f32 v6, v2  }
0x158: {  	v20 =	vadd.s32 $0x1, v15;
	v21 =	vld.idx.msk [tilespmem:v10+s1+$0x0], $0xffff;
	v10 =	vtrunc.f32 v4;
	v6 =	vcvt.s32.f32 v15  }
0x159: {  	v27 =	vcvt.f32.s32 v10;
	v10 =	vcvt.s32.f32 v12;
	v7 =	vmin.f32 v7, $1.022999940e+03;
	[tilespmem:s4+$0x80] =	vst v2  }
0x15a: {  	v18 =	vsub.f32 v18, v6;
	v6 =	vtrunc.f32 v7;
	v2 =	vmul.f32 v22, v13;
	v16 =	vld [tilespmem:s31+$0xAC90]  }
0x15b: {  	v10 =	vsub.f32 v25, v10;
	v17 =	vld.idx.msk [tilespmem:v14+s1+$0x0], $0xffff;
	v13 =	vcvt.f32.s32 v6;
	v12 =	vsub.f32 v9, v3  }
0x15c: {  	v25 =	vmul.f32 v23, v0;
	v6 =	vadd.s32 $0x801, v27;
	v24 =	vld.idx.msk [tilespmem:v19+s1+$0x0], $0xffff;
	v9 =	vadd.s32 $0x800, v27  }
0x15d: {  	v23 =	vld.idx.msk [tilespmem:v20+s1+$0x0], $0xffff;
	v22 =	vsub.f32 v21, v5;
	v20 =	vadd.s32 $0x400, v13;
	v10 =	vmul.f32 v10, v12  }
0x15e: {  	s11 =	simm.s32 $0x280;
	s10 =	simm.s32 $0x200;
	[tilespmem:s8+$0x100] =	vst v26;
	s8 =	simm.s32 $0x8;
	v19 =	vld.idx.msk [tilespmem:v15+s1+$0x0], $0xffff;
	v15 =	vmin.f32 v25, $1.022999940e+03;
	v21 =	vadd.s32 $0x401, v13;
	v12 =	vcvt.s32.f32 v27  }
.LBB2_4:
0x15f: {  	s12 =	sshra.s32 s11, $0x2;
	v14 =	vcvt.s32.f32 v14;
	v16 =	vmul.f32 v16, v0;
	v3 =	vadd.f32 v10, v3  }
0x160: {  	v25 =	vtrunc.f32 v15;
	v8 =	vmul.f32 v8, v22;
	v10 =	vld [tilespmem:s12+$0x6C90];
	v12 =	vsub.f32 v4, v12  }
0x161: {  	v4 =	vld [tilespmem:s12+$0x6C80];
	v11 =	vsub.f32 v11, v14;
	v14 =	vsub.f32 v24, v17;
	v22 =	vmin.f32 v16, $1.022999940e+03;
	[tilespmem:s29+$0x100] =	vst v3;
	s29 =	smov.u32 s4;
	s4 =	smov.u32 s6  }
0x162: {  	s8 =	sadd.s32 $0x2, s8;
	v3 =	vcvt.f32.s32 v25;
	v5 =	vadd.f32 v8, v5;
	v16 =	vld.idx.msk [tilespmem:v20+s1+$0x0], $0xffff;
	v8 =	vtrunc.f32 v22  }
0x163: {  	p0 =	slt.u32 s8, $0x1FE;
	v20 =	vsub.f32 v23, v19;
	v11 =	vmul.f32 v11, v14;
	v21 =	vld.idx.msk [tilespmem:v21+s1+$0x0], $0xffff;
	v23 =	vcvt.f32.s32 v8  }
0x164: {  	s9 =	sadd.s32 $0x20, s9;
	s6 =	sand.u32 $0x7E00, s10;
	s10 =	smov.u32 s11;
	v8 =	vcvt.s32.f32 v3;
	v24 =	vadd.s32 $0x400, v3;
	v25 =	vadd.s32 $0x401, v3;
	[tilespmem:s0+$0x80] =	vst v5;
	v9 =	vld.idx.msk [tilespmem:v9+s1+$0x0], $0xffff  }
0x165: {  	s13 =	sadd.s32 $0xFFFFFFF0, s9;
	s14 =	sadd.s32 $0x14C80, s6;
	s6 =	sand.u32 $0x70, s9;
	v3 =	vmul.f32 v10, v0;
	v5 =	vadd.f32 v11, v17;
	v10 =	vld [tilespmem:s31+$0xAC80];
	v17 =	vadd.s32 $0x800, v23  }
0x166: {  	s13 =	sand.u32 $0x60, s13;
	s6 =	sor.u32 s6, s14;
	v14 =	vmul.f32 v18, v20;
	v18 =	vadd.s32 $0x801, v23;
	s31 =	smov.u32 s22;
	v4 =	vmul.f32 v4, v0;
	v6 =	vld.idx.msk [tilespmem:v6+s1+$0x0], $0xffff  }
0x167: {  	s13 =	sor.u32 s13, s14;
	v8 =	vsub.f32 v15, v8;
	s22 =	smov.u32 s7;
	s7 =	smov.u32 s12;
	v11 =	vmin.f32 v3, $1.022999940e+03;
	[tilespmem:s6+$0x0] =	vst v5;
	v3 =	vcvt.s32.f32 v13  }
0x168: {  	v15 =	vadd.f32 v14, v19;
	v13 =	vmin.f32 v4, $1.022999940e+03;
	v4 =	vtrunc.f32 v11;
	v19 =	vld [tilespmem:s22+$0x8C90]  }
0x169: {  	v14 =	vcvt.f32.s32 v4;
	v5 =	vld.idx.msk [tilespmem:v24+s1+$0x0], $0xffff;
	v4 =	vsub.f32 v7, v3;
	v7 =	vsub.f32 v21, v16  }
0x16a: {  	v2 =	vadd.f32 v2, v1;
	v20 =	vtrunc.f32 v13;
	[tilespmem:s13+$0x0] =	vst v15;
	v10 =	vmul.f32 v10, v0;
	v3 =	vld.idx.msk [tilespmem:v17+s1+$0x0], $0xffff  }
0x16b: {  	v1 =	vmov v9;
	v15 =	vcvt.f32.s32 v20;
	v7 =	vmul.f32 v4, v7;
	v20 =	vld.idx.msk [tilespmem:v18+s1+$0x0], $0xffff  }
0x16c: {  	v9 =	vadd.s32 $0x1, v14;
	v6 =	vsub.f32 v6, v1;
	v21 =	vld [tilespmem:s22+$0x8C80];
	v4 =	vmin.f32 v10, $1.022999940e+03;
	[tilespmem:s3+$0x100] =	vst v2;
	s3 =	smov.u32 s30;
	s30 =	smov.u32 s0;
	s0 =	smov.u32 s5  }
0x16d: {  	v10 =	vadd.s32 $0x1, v15;
	s5 =	smov.u32 s13;
	v2 =	vmul.f32 v19, v0;
	v25 =	vld.idx.msk [tilespmem:v25+s1+$0x0], $0xffff;
	v16 =	vadd.f32 v7, v16  }
0x16e: {  	v18 =	vcvt.s32.f32 v15;
	v19 =	vtrunc.f32 v4  }
0x16f: {  	v26 =	vcvt.f32.s32 v19;
	v19 =	vcvt.s32.f32 v23;
	v17 =	vld.idx.msk [tilespmem:v14+s1+$0x0], $0xffff;
	v7 =	vmin.f32 v2, $1.022999940e+03;
	[tilespmem:s4+$0x80] =	vst v16  }
.Ltmp1:
0x170: {  	v18 =	vsub.f32 v13, v18;
	v2 =	vmul.f32 v12, v6;
	v13 =	vtrunc.f32 v7;
	v16 =	vld [tilespmem:s31+$0xAC90];
	(pc) =	sbr.rel @p0 .LBB2_4-.Ltmp1, $4  }
0x171: {  	v12 =	vsub.f32 v22, v19;
	v27 =	vsub.f32 v20, v3;
	v24 =	vld.idx.msk [tilespmem:v9+s1+$0x0], $0xffff;
	v13 =	vcvt.f32.s32 v13  }
0x172: {  	v6 =	vadd.s32 $0x801, v26;
	v21 =	vmul.f32 v21, v0;
	v9 =	vadd.s32 $0x800, v26;
	v23 =	vld.idx.msk [tilespmem:v10+s1+$0x0], $0xffff  }
0x173: {  	v22 =	vsub.f32 v25, v5;
	v10 =	vmul.f32 v12, v27;
	v19 =	vld.idx.msk [tilespmem:v15+s1+$0x0], $0xffff;
	v20 =	vadd.s32 $0x400, v13  }
0x174: {  	s11 =	sadd.s32 $0x80, s11;
	v12 =	vcvt.s32.f32 v26;
	v15 =	vmin.f32 v21, $1.022999940e+03;
	v21 =	vadd.s32 $0x401, v13  }
0x175: {  	v14 =	vcvt.s32.f32 v14;
	_ =	sdelay $0x1  }
0x176: {  	v11 =	vsub.f32 v11, v14;
	v14 =	vsub.f32 v24, v17;
	_ =	sdelay $0x1  }
0x177: {  	v23 =	vsub.f32 v23, v19;
	v11 =	vmul.f32 v11, v14  }
0x178: {  	s8 =	sand.u32 $0x7E00, s10;
	s9 =	sadd.s32 $0x20, s9  }
0x179: {  	s10 =	sadd.s32 $0x14C80, s8;
	s12 =	sand.u32 $0x70, s9;
	v14 =	vmul.f32 v18, v23;
	v11 =	vadd.f32 v11, v17  }
0x17a: {  	s9 =	sadd.s32 $0xFFFFFFF0, s9;
	s8 =	sor.u32 s12, s10  }
0x17b: {  	s9 =	sand.u32 $0x60, s9;
	[tilespmem:s8+$0x0] =	vst v11;
	v11 =	vadd.f32 v14, v19  }
0x17c: {  	s9 =	sor.u32 s9, s10;
	v14 =	vld [tilespmem:s7+$0x8C90]  }
0x17d: {  	[tilespmem:s9+$0x0] =	vst v11  }
0x17e: {  	v17 =	vtrunc.f32 v15;
	v11 =	vld [tilespmem:s7+$0x8C80]  }
0x17f: {  	v17 =	vcvt.f32.s32 v17;
	_ =	sdelay $0x1  }
0x180: {  	v18 =	vadd.s32 $0x400, v17;
	v14 =	vmul.f32 v14, v0  }
0x181: {  	v23 =	vadd.s32 $0x401, v17  }
0x182: {  	v20 =	vld.idx.msk [tilespmem:v20+s1+$0x0], $0xffff;
	v14 =	vmin.f32 v14, $1.022999940e+03;
	v11 =	vmul.f32 v11, v0  }
0x183: {  	v21 =	vld.idx.msk [tilespmem:v21+s1+$0x0], $0xffff;
	v19 =	vtrunc.f32 v14  }
0x184: {  	v19 =	vcvt.f32.s32 v19;
	v11 =	vmin.f32 v11, $1.022999940e+03  }
0x185: {  	v18 =	vld.idx.msk [tilespmem:v18+s1+$0x0], $0xffff;
	v24 =	vtrunc.f32 v11  }
0x186: {  	v13 =	vcvt.s32.f32 v13;
	v23 =	vld.idx.msk [tilespmem:v23+s1+$0x0], $0xffff;
	v25 =	vadd.s32 $0x400, v19;
	v24 =	vcvt.f32.s32 v24  }
0x187: {  	v8 =	vmul.f32 v8, v22;
	v26 =	vadd.s32 $0x401, v19  }
0x188: {  	v7 =	vsub.f32 v7, v13;
	v13 =	vsub.f32 v21, v20;
	v27 =	vadd.s32 $0x400, v24  }
0x189: {  	v17 =	vcvt.s32.f32 v17;
	v28 =	vadd.s32 $0x401, v24  }
0x18a: {  	v5 =	vadd.f32 v8, v5;
	v7 =	vmul.f32 v7, v13  }
0x18b: {  	v15 =	vsub.f32 v15, v17;
	v13 =	vsub.f32 v23, v18;
	v22 =	vld.idx.msk [tilespmem:v25+s1+$0x0], $0xffff  }
0x18c: {  	[tilespmem:s0+$0x80] =	vst v5;
	v5 =	vadd.f32 v7, v20;
	v21 =	vld.idx.msk [tilespmem:v26+s1+$0x0], $0xffff  }
0x18d: {  	v7 =	vmul.f32 v15, v13;
	v8 =	vld.idx.msk [tilespmem:v27+s1+$0x0], $0xffff  }
0x18e: {  	[tilespmem:s6+$0x80] =	vst v5;
	v17 =	vld.idx.msk [tilespmem:v28+s1+$0x0], $0xffff  }
0x18f: {  	v19 =	vcvt.s32.f32 v19;
	v5 =	vadd.f32 v7, v18;
	v7 =	vld [tilespmem:s22+$0xAC90];
	_ =	sdelay $0x1  }
0x190: {  	v13 =	vld [tilespmem:s31+$0xAC80];
	v15 =	vcvt.s32.f32 v24;
	v14 =	vsub.f32 v14, v19;
	v19 =	vsub.f32 v21, v22;
	_ =	sdelay $0x1  }
0x191: {  	v11 =	vsub.f32 v11, v15;
	v14 =	vmul.f32 v14, v19;
	v15 =	vsub.f32 v17, v8  }
0x192: {  	v7 =	vmul.f32 v7, v0  }
0x193: {  	[tilespmem:s5+$0x80] =	vst v5;
	v5 =	vadd.f32 v14, v22;
	v11 =	vmul.f32 v11, v15  }
0x194: {  	v16 =	vmul.f32 v16, v0;
	v13 =	vmul.f32 v13, v0;
	v7 =	vmin.f32 v7, $1.022999940e+03;
	v14 =	vld [tilespmem:s22+$0xAC80]  }
0x195: {  	v18 =	vtrunc.f32 v7;
	[tilespmem:s8+$0x80] =	vst v5;
	v5 =	vadd.f32 v11, v8  }
0x196: {  	v18 =	vcvt.f32.s32 v18;
	v15 =	vmin.f32 v16, $1.022999940e+03;
	v11 =	vmin.f32 v13, $1.022999940e+03;
	v13 =	vld [tilespmem:s7+$0xAC90]  }
0x197: {  	v8 =	vtrunc.f32 v15;
	v16 =	vtrunc.f32 v11;
	[tilespmem:s9+$0x80] =	vst v5  }
0x198: {  	v8 =	vcvt.f32.s32 v8;
	v5 =	vcvt.f32.s32 v16;
	v16 =	vld [tilespmem:s7+$0xAC80]  }
0x199: {  	v21 =	vadd.s32 $0x800, v18;
	v14 =	vmul.f32 v14, v0  }
0x19a: {  	v17 =	vadd.s32 $0x800, v8  }
0x19b: {  	v19 =	vadd.s32 $0x801, v8;
	v14 =	vmin.f32 v14, $1.022999940e+03;
	v13 =	vmul.f32 v13, v0  }
0x19c: {  	v9 =	vld.idx.msk [tilespmem:v9+s1+$0x0], $0xffff;
	v22 =	vadd.s32 $0x801, v18;
	v20 =	vadd.s32 $0x800, v5;
	v23 =	vtrunc.f32 v14  }
0x19d: {  	v6 =	vld.idx.msk [tilespmem:v6+s1+$0x0], $0xffff;
	v23 =	vcvt.f32.s32 v23;
	v13 =	vmin.f32 v13, $1.022999940e+03;
	v16 =	vmul.f32 v16, v0  }
0x19e: {  	v21 =	vld.idx.msk [tilespmem:v21+s1+$0x0], $0xffff;
	v24 =	vadd.s32 $0x801, v5;
	v25 =	vtrunc.f32 v13  }
0x19f: {  	v17 =	vld.idx.msk [tilespmem:v17+s1+$0x0], $0xffff;
	v26 =	vadd.s32 $0x800, v23;
	v25 =	vcvt.f32.s32 v25;
	v16 =	vmin.f32 v16, $1.022999940e+03  }
0x1a0: {  	v19 =	vld.idx.msk [tilespmem:v19+s1+$0x0], $0xffff;
	v27 =	vadd.s32 $0x801, v23;
	v63 =	vtrunc.f32 v16  }
0x1a1: {  	v22 =	vld.idx.msk [tilespmem:v22+s1+$0x0], $0xffff;
	v29 =	vadd.s32 $0x800, v25;
	v28 =	vcvt.f32.s32 v63  }
0x1a2: {  	v20 =	vld.idx.msk [tilespmem:v20+s1+$0x0], $0xffff;
	v30 =	vadd.s32 $0x801, v25  }
0x1a3: {  	v8 =	vcvt.s32.f32 v8;
	v24 =	vld.idx.msk [tilespmem:v24+s1+$0x0], $0xffff;
	v31 =	vadd.s32 $0x800, v28  }
0x1a4: {  	v4 =	vsub.f32 v4, v12;
	v6 =	vsub.f32 v6, v9;
	v26 =	vld.idx.msk [tilespmem:v26+s1+$0x0], $0xffff;
	v32 =	vadd.s32 $0x801, v28  }
0x1a5: {  	v18 =	vcvt.s32.f32 v18;
	v8 =	vsub.f32 v15, v8;
	v15 =	vsub.f32 v19, v17;
	v19 =	vld.idx.msk [tilespmem:v27+s1+$0x0], $0xffff  }
0x1a6: {  	v3 =	vadd.f32 v10, v3;
	v4 =	vmul.f32 v4, v6;
	v5 =	vcvt.s32.f32 v5;
	v12 =	vld.idx.msk [tilespmem:v29+s1+$0x0], $0xffff  }
0x1a7: {  	v1 =	vadd.f32 v2, v1;
	v7 =	vsub.f32 v7, v18;
	v8 =	vmul.f32 v8, v15;
	v18 =	vld.idx.msk [tilespmem:v30+s1+$0x0], $0xffff  }
0x1a8: {  	v4 =	vadd.f32 v4, v9;
	v5 =	vsub.f32 v11, v5;
	v6 =	vld.idx.msk [tilespmem:v31+s1+$0x0], $0xffff  }
0x1a9: {  	v9 =	vcvt.s32.f32 v25;
	v10 =	vsub.f32 v24, v20;
	v2 =	vadd.f32 v8, v17;
	v8 =	vld.idx.msk [tilespmem:v32+s1+$0x0], $0xffff  }
0x1aa: {  	[tilespmem:s29+$0x100] =	vst v3;
	v11 =	vcvt.s32.f32 v23  }
0x1ab: {  	[tilespmem:s3+$0x100] =	vst v1;
	v3 =	vsub.f32 v13, v9;
	v15 =	vsub.f32 v22, v21;
	v1 =	vmul.f32 v5, v10  }
0x1ac: {  	v13 =	vcvt.s32.f32 v28;
	v5 =	vsub.f32 v14, v11;
	v9 =	vsub.f32 v18, v12  }
0x1ad: {  	v7 =	vmul.f32 v7, v15;
	v1 =	vadd.f32 v1, v20;
	v10 =	vsub.f32 v19, v26  }
0x1ae: {  	[tilespmem:s4+$0x100] =	vst v2;
	v2 =	vmul.f32 v3, v9;
	v3 =	vsub.f32 v16, v13;
	v8 =	vsub.f32 v8, v6  }
0x1af: {  	[tilespmem:s30+$0x100] =	vst v4;
	v7 =	vadd.f32 v7, v21;
	v4 =	vmul.f32 v5, v10  }
0x1b0: {  	[tilespmem:s0+$0x100] =	vst v1;
	v2 =	vadd.f32 v2, v12;
	v3 =	vmul.f32 v3, v8  }
0x1b1: {  	[tilespmem:s6+$0x100] =	vst v7;
	v1 =	vadd.f32 v4, v26  }
0x1b2: {  	[tilespmem:s8+$0x100] =	vst v2;
	v2 =	vadd.f32 v3, v6  }
0x1b3: {  	[tilespmem:s5+$0x100] =	vst v1  }
0x1b4: {  	s13 =	simm.s32 $0x0;
	s14 =	simm.s32 $0x14C80;
	[tilespmem:s9+$0x100] =	vst v2  }
0x1b5: {  	[hbm4b:s15+s13] =	stream.linear.scatter [tilespmem:s14], [sflag:$0x4], $0x8000, $0x38;
	[tilespmem:$0x1CC80] =	vst v63  }
0x1b6: {  	_ =	swait.ge [sflag:s28], $0x2000  }
0x1b7: {  	[sflag:s28] =	ssyncset.done $0x0  }
0x1b8: {  	[sflag:s28] =	ssyncadd.s32 $0xFFFFE000  }
0x1b9: {  	_ =	swait.ge [sflag:s28], $0x2000  }
0x1ba: {  	[sflag:s28] =	ssyncset.done $0x0  }
0x1bb: {  	[sflag:s28] =	ssyncadd.s32 $0xFFFFE000  }
0x1bc: {  	_ =	swait.ge [sflag:s28], $0x2000  }
0x1bd: {  	[sflag:s28] =	ssyncset.done $0x0  }
0x1be: {  	s22 =	simm.s32 $0x6C80;
	[sflag:s28] =	ssyncadd.s32 $0xFFFFE000  }
0x1bf: {  	[tilespmem:s22], [sflag:$0x2] =	stream.linear.gather [hbm4b:s16+s13], $0x2000, $0x38;
	[tilespmem:$0x1CC80] =	vst v63  }
0x1c0: {  	s4 =	simm.s32 $0x8C80  }
0x1c1: {  	[tilespmem:s4], [sflag:$0x2] =	stream.linear.gather [hbm4b:s17+s13], $0x2000, $0x38;
	[tilespmem:$0x1CC80] =	vst v63  }
0x1c2: {  	s5 =	simm.s32 $0xAC80  }
0x1c3: {  	[tilespmem:s5], [sflag:$0x2] =	stream.linear.gather [hbm4b:s18+s13], $0x2000, $0x38;
	[tilespmem:$0x1CC80] =	vst v63  }
0x1c4: {  	_ =	swait.ge [sflag:s23], $0x8000  }
0x1c5: {  	[sflag:s23] =	ssyncset.done $0x0  }
0x1c6: {  	s0 =	simm.s32 $0x0;
	[sflag:s23] =	ssyncadd.s32 $0xFFFF8000  }
0x1c7: {  	v1 =	vld [tilespmem:s0+$0xC90];
	_ =	sdelay $0x4  }
0x1c8: {  	v1 =	vmul.f32 v1, v0  }
0x1c9: {  	v2 =	vld [tilespmem:s0+$0xC80]  }
0x1ca: {  	v1 =	vmin.f32 v1, $1.022999940e+03  }
0x1cb: {  	v3 =	vtrunc.f32 v1  }
0x1cc: {  	v3 =	vcvt.f32.s32 v3;
	_ =	sdelay $0x1  }
0x1cd: {  	v2 =	vmul.f32 v2, v0;
	v4 =	vadd.s32 $0x1, v3;
	_ =	sdelay $0x1  }
0x1ce: {  	v2 =	vmin.f32 v2, $1.022999940e+03  }
0x1cf: {  	v5 =	vtrunc.f32 v2  }
0x1d0: {  	v5 =	vcvt.f32.s32 v5;
	v6 =	vld.idx.msk [tilespmem:v3+s1+$0x0], $0xffff  }
0x1d1: {  	v4 =	vld.idx.msk [tilespmem:v4+s1+$0x0], $0xffff  }
0x1d2: {  	v7 =	vadd.s32 $0x1, v5;
	_ =	sdelay $0x1  }
0x1d3: {  	v3 =	vcvt.s32.f32 v3  }
0x1d4: {  	s5 =	simm.s32 $0x20  }
0x1d5: {  	v8 =	vld [tilespmem:s5+$0xC90];
	v1 =	vsub.f32 v1, v3;
	v3 =	vsub.f32 v4, v6  }
0x1d6: {  	v4 =	vld.idx.msk [tilespmem:v7+s1+$0x0], $0xffff  }
0x1d7: {  	v7 =	vld.idx.msk [tilespmem:v5+s1+$0x0], $0xffff;
	v1 =	vmul.f32 v1, v3  }
0x1d8: {  	s3 =	sand.u32 $0x7E00, s13;
	s6 =	simm.s32 $0x10  }
0x1d9: {  	s3 =	sadd.s32 $0xCC80, s3;
	s4 =	sand.u32 $0x70, s6;
	v1 =	vadd.f32 v1, v6  }
0x1da: {  	s8 =	sor.u32 s4, s3;
	v5 =	vcvt.s32.f32 v5;
	v3 =	vld [tilespmem:s5+$0xC80];
	v6 =	vmul.f32 v8, v0  }
0x1db: {  	[tilespmem:s8+$0x0] =	vst v1  }
0x1dc: {  	v1 =	vsub.f32 v2, v5;
	v2 =	vsub.f32 v4, v7;
	v4 =	vmin.f32 v6, $1.022999940e+03;
	v5 =	vld [tilespmem:s0+$0x2C90]  }
0x1dd: {  	v6 =	vtrunc.f32 v4  }
0x1de: {  	v1 =	vmul.f32 v1, v2;
	v2 =	vcvt.f32.s32 v6  }
0x1df: {  	s7 =	simm.s32 $0x0;
	v3 =	vmul.f32 v3, v0  }
0x1e0: {  	s4 =	sand.u32 $0x60, s7;
	v1 =	vadd.f32 v1, v7;
	v7 =	vadd.s32 $0x1, v2  }
0x1e1: {  	s3 =	sor.u32 s4, s3;
	v3 =	vmin.f32 v3, $1.022999940e+03;
	v5 =	vmul.f32 v5, v0  }
0x1e2: {  	v6 =	vtrunc.f32 v3;
	[tilespmem:s3+$0x0] =	vst v1  }
0x1e3: {  	v6 =	vcvt.f32.s32 v6;
	v1 =	vld [tilespmem:s0+$0x2C80];
	v5 =	vmin.f32 v5, $1.022999940e+03  }
0x1e4: {  	v9 =	vld.idx.msk [tilespmem:v2+s1+$0x0], $0xffff;
	v10 =	vtrunc.f32 v5  }
0x1e5: {  	v8 =	vadd.s32 $0x1, v6;
	v7 =	vld.idx.msk [tilespmem:v7+s1+$0x0], $0xffff;
	v10 =	vcvt.f32.s32 v10;
	_ =	sdelay $0x1  }
0x1e6: {  	s31 =	simm.s32 $0x40;
	v11 =	vadd.s32 $0x400, v10  }
0x1e7: {  	v13 =	vld [tilespmem:s31+$0xC90];
	v2 =	vcvt.s32.f32 v2;
	v12 =	vadd.s32 $0x401, v10  }
0x1e8: {  	v14 =	vld.idx.msk [tilespmem:v6+s1+$0x0], $0xffff;
	v1 =	vmul.f32 v1, v0  }
0x1e9: {  	v2 =	vsub.f32 v4, v2;
	v8 =	vld.idx.msk [tilespmem:v8+s1+$0x0], $0xffff;
	v4 =	vsub.f32 v7, v9  }
0x1ea: {  	v1 =	vmin.f32 v1, $1.022999940e+03;
	v7 =	vld [tilespmem:s31+$0xC80]  }
0x1eb: {  	s9 =	simm.s32 $0x80;
	v15 =	vtrunc.f32 v1;
	v2 =	vmul.f32 v2, v4;
	v11 =	vld.idx.msk [tilespmem:v11+s1+$0x0], $0xffff  }
0x1ec: {  	s10 =	simm.s32 $0x30;
	s4 =	sand.u32 $0x7E00, s9;
	v4 =	vcvt.s32.f32 v6;
	v6 =	vcvt.f32.s32 v15;
	v12 =	vld.idx.msk [tilespmem:v12+s1+$0x0], $0xffff  }
0x1ed: {  	s6 =	sand.u32 $0x70, s10;
	s4 =	sadd.s32 $0xCC80, s4;
	v13 =	vmul.f32 v13, v0;
	v2 =	vadd.f32 v2, v9  }
0x1ee: {  	s29 =	sor.u32 s6, s4;
	v3 =	vsub.f32 v3, v4;
	v4 =	vsub.f32 v8, v14;
	v8 =	vadd.s32 $0x400, v6  }
0x1ef: {  	v9 =	vmin.f32 v13, $1.022999940e+03;
	v7 =	vmul.f32 v7, v0;
	[tilespmem:s29+$0x0] =	vst v2;
	v2 =	vcvt.s32.f32 v10  }
0x1f0: {  	v10 =	vadd.s32 $0x401, v6;
	v3 =	vmul.f32 v3, v4;
	v4 =	vtrunc.f32 v9  }
0x1f1: {  	s11 =	simm.s32 $0x20;
	v13 =	vld [tilespmem:s5+$0x2C90];
	v4 =	vcvt.f32.s32 v4;
	v2 =	vsub.f32 v5, v2;
	v5 =	vsub.f32 v12, v11  }
0x1f2: {  	s6 =	sand.u32 $0x60, s11;
	v7 =	vmin.f32 v7, $1.022999940e+03;
	v3 =	vadd.f32 v3, v14  }
0x1f3: {  	s30 =	sor.u32 s6, s4;
	v12 =	vtrunc.f32 v7;
	v2 =	vmul.f32 v2, v5  }
0x1f4: {  	v5 =	vld.idx.msk [tilespmem:v8+s1+$0x0], $0xffff;
	[tilespmem:s30+$0x0] =	vst v3;
	v3 =	vcvt.f32.s32 v12;
	v8 =	vadd.s32 $0x1, v4  }
0x1f5: {  	v12 =	vld [tilespmem:s5+$0x2C80];
	v2 =	vadd.f32 v2, v11  }
0x1f6: {  	v10 =	vld.idx.msk [tilespmem:v10+s1+$0x0], $0xffff;
	v13 =	vmul.f32 v13, v0;
	v11 =	vadd.s32 $0x1, v3  }
0x1f7: {  	v14 =	vld.idx.msk [tilespmem:v4+s1+$0x0], $0xffff;
	[tilespmem:s8+$0x80] =	vst v2  }
0x1f8: {  	v13 =	vmin.f32 v13, $1.022999940e+03;
	v15 =	vld [tilespmem:s0+$0x4C90]  }
0x1f9: {  	v6 =	vcvt.s32.f32 v6;
	v2 =	vtrunc.f32 v13;
	v8 =	vld.idx.msk [tilespmem:v8+s1+$0x0], $0xffff  }
0x1fa: {  	v4 =	vcvt.s32.f32 v4;
	v2 =	vcvt.f32.s32 v2  }
0x1fb: {  	s22 =	simm.s32 $0x60;
	v1 =	vsub.f32 v1, v6;
	v16 =	vcvt.s32.f32 v3;
	v6 =	vld.idx.msk [tilespmem:v11+s1+$0x0], $0xffff;
	v11 =	vmul.f32 v12, v0  }
0x1fc: {  	v18 =	vld [tilespmem:s22+$0xC90];
	v4 =	vsub.f32 v9, v4;
	v10 =	vsub.f32 v10, v5;
	v12 =	vadd.s32 $0x400, v2  }
0x1fd: {  	v3 =	vld.idx.msk [tilespmem:v3+s1+$0x0], $0xffff;
	v17 =	vadd.s32 $0x401, v2;
	v11 =	vmin.f32 v11, $1.022999940e+03;
	v15 =	vmul.f32 v15, v0  }
0x1fe: {  	v1 =	vmul.f32 v1, v10;
	v19 =	vtrunc.f32 v11;
	v8 =	vsub.f32 v8, v14  }
0x1ff: {  	v10 =	vcvt.f32.s32 v19;
	v9 =	vmin.f32 v15, $1.022999940e+03  }
0x200: {  	s12 =	simm.s32 $0x100;
	v20 =	vld [tilespmem:s22+$0xC80];
	v1 =	vadd.f32 v1, v5;
	v4 =	vmul.f32 v4, v8;
	v15 =	vtrunc.f32 v9  }
0x201: {  	s13 =	simm.s32 $0x50;
	s4 =	sand.u32 $0x7E00, s12;
	v7 =	vsub.f32 v7, v16;
	v16 =	vmul.f32 v18, v0;
	v12 =	vld.idx.msk [tilespmem:v12+s1+$0x0], $0xffff;
	v8 =	vcvt.f32.s32 v15  }
0x202: {  	s9 =	sand.u32 $0x70, s13;
	s14 =	sadd.s32 $0xCC80, s4;
	v6 =	vsub.f32 v6, v3;
	[tilespmem:s3+$0x80] =	vst v1;
	v5 =	vld.idx.msk [tilespmem:v17+s1+$0x0], $0xffff;
	v15 =	vadd.s32 $0x400, v10;
	v4 =	vadd.f32 v4, v14  }
0x203: {  	s4 =	sor.u32 s9, s14;
	v16 =	vmin.f32 v16, $1.022999940e+03;
	v2 =	vcvt.s32.f32 v2;
	v17 =	vld [tilespmem:s0+$0x4C80];
	v1 =	vadd.s32 $0x800, v8  }
0x204: {  	v6 =	vmul.f32 v7, v6;
	v7 =	vtrunc.f32 v16;
	v18 =	vadd.s32 $0x801, v8;
	[tilespmem:s4+$0x0] =	vst v4  }
0x205: {  	s10 =	simm.s32 $0x40;
	v14 =	vmul.f32 v20, v0;
	v7 =	vcvt.f32.s32 v7;
	v4 =	vadd.s32 $0x401, v10;
	v19 =	vld [tilespmem:s31+$0x2C90]  }
0x206: {  	v2 =	vsub.f32 v13, v2;
	s0 =	sand.u32 $0x60, s10;
	v3 =	vadd.f32 v6, v3  }
0x207: {  	s0 =	sor.u32 s0, s14;
	v10 =	vcvt.s32.f32 v10;
	v13 =	vmin.f32 v14, $1.022999940e+03;
	v5 =	vsub.f32 v5, v12;
	v6 =	vld.idx.msk [tilespmem:v15+s1+$0x0], $0xffff  }
0x208: {  	v14 =	vtrunc.f32 v13;
	[tilespmem:s0+$0x0] =	vst v3;
	v3 =	vmul.f32 v17, v0;
	v1 =	vld.idx.msk [tilespmem:v1+s1+$0x0], $0xffff  }
0x209: {  	v10 =	vsub.f32 v11, v10;
	v2 =	vmul.f32 v2, v5;
	v5 =	vcvt.f32.s32 v14;
	v14 =	vld.idx.msk [tilespmem:v18+s1+$0x0], $0xffff  }
0x20a: {  	v15 =	vadd.s32 $0x1, v7;
	v3 =	vmin.f32 v3, $1.022999940e+03;
	v4 =	vld.idx.msk [tilespmem:v4+s1+$0x0], $0xffff;
	v17 =	vmul.f32 v19, v0  }
0x20b: {  	v20 =	vld.idx.msk [tilespmem:v7+s1+$0x0], $0xffff;
	v7 =	vcvt.s32.f32 v7;
	v2 =	vadd.f32 v2, v12;
	v18 =	vcvt.s32.f32 v5  }
0x20c: {  	v11 =	vld [tilespmem:s31+$0x2C80];
	v12 =	vadd.s32 $0x1, v5;
	v19 =	vtrunc.f32 v3;
	v17 =	vmin.f32 v17, $1.022999940e+03  }
0x20d: {  	[tilespmem:s29+$0x80] =	vst v2;
	v2 =	vcvt.s32.f32 v8;
	v13 =	vsub.f32 v13, v18;
	v18 =	vtrunc.f32 v17  }
0x20e: {  	v8 =	vcvt.f32.s32 v19;
	v19 =	vld [tilespmem:s5+$0x4C90];
	v18 =	vcvt.f32.s32 v18  }
0x20f: {  	v15 =	vld.idx.msk [tilespmem:v15+s1+$0x0], $0xffff;
	v2 =	vsub.f32 v9, v2;
	v9 =	vsub.f32 v14, v1  }
0x210: {  	v7 =	vsub.f32 v16, v7;
	v4 =	vsub.f32 v4, v6;
	v22 =	vadd.s32 $0x400, v18  }
0x211: {  	v11 =	vmul.f32 v11, v0;
	v5 =	vld.idx.msk [tilespmem:v5+s1+$0x0], $0xffff;
	v2 =	vmul.f32 v2, v9;
	v9 =	vadd.s32 $0x401, v18  }
0x212: {  	s7 =	simm.s32 $0x80;
	v14 =	vadd.s32 $0x800, v8;
	v21 =	vadd.s32 $0x801, v8;
	v12 =	vld.idx.msk [tilespmem:v12+s1+$0x0], $0xffff;
	v4 =	vmul.f32 v10, v4  }
0x213: {  	v24 =	vld [tilespmem:s7+$0xC80];
	v8 =	vcvt.s32.f32 v8;
	v23 =	vmin.f32 v11, $1.022999940e+03;
	v11 =	vmul.f32 v19, v0  }
0x214: {  	v10 =	vtrunc.f32 v23;
	v15 =	vsub.f32 v15, v20;
	v19 =	vld [tilespmem:s7+$0xC90];
	v4 =	vadd.f32 v4, v6  }
0x215: {  	v10 =	vcvt.f32.s32 v10;
	v26 =	vadd.f32 v2, v1;
	v25 =	vmin.f32 v11, $1.022999940e+03;
	v2 =	vld.idx.msk [tilespmem:v22+s1+$0x0], $0xffff  }
0x216: {  	s11 =	simm.s32 $0x180;
	v6 =	vmul.f32 v7, v15;
	[tilespmem:s30+$0x80] =	vst v4;
	v1 =	vtrunc.f32 v25;
	v9 =	vld.idx.msk [tilespmem:v9+s1+$0x0], $0xffff  }
0x217: {  	s6 =	sand.u32 $0x7E00, s11;
	s9 =	simm.s32 $0x70;
	v7 =	vsub.f32 v12, v5;
	v4 =	vadd.s32 $0x400, v10;
	v16 =	vld [tilespmem:s5+$0x4C80];
	v12 =	vcvt.f32.s32 v1  }
0x218: {  	s12 =	sadd.s32 $0xCC80, s6;
	s13 =	sand.u32 $0x70, s9;
	v15 =	vcvt.s32.f32 v10;
	v6 =	vadd.f32 v6, v20;
	v1 =	vld.idx.msk [tilespmem:v14+s1+$0x0], $0xffff;
	v14 =	vmul.f32 v24, v0  }
0x219: {  	s6 =	sor.u32 s13, s12;
	v7 =	vmul.f32 v13, v7;
	v11 =	vmul.f32 v19, v0;
	v19 =	vadd.s32 $0x800, v12  }
0x21a: {  	v10 =	vadd.s32 $0x401, v10;
	v20 =	vld.idx.msk [tilespmem:v21+s1+$0x0], $0xffff;
	[tilespmem:s6+$0x0] =	vst v6;
	v6 =	vcvt.s32.f32 v18;
	v13 =	vadd.s32 $0x801, v12  }
0x21b: {  	v18 =	vmin.f32 v14, $1.022999940e+03;
	v21 =	vld [tilespmem:s22+$0x2C90];
	v7 =	vadd.f32 v7, v5;
	v11 =	vmin.f32 v11, $1.022999940e+03  }
0x21c: {  	s14 =	simm.s32 $0x60;
	v6 =	vsub.f32 v17, v6;
	v5 =	vld.idx.msk [tilespmem:v4+s1+$0x0], $0xffff;
	v14 =	vtrunc.f32 v11;
	v4 =	vsub.f32 v9, v2  }
0x21d: {  	s5 =	sand.u32 $0x60, s14;
	v22 =	vsub.f32 v3, v8;
	v16 =	vmul.f32 v16, v0;
	v14 =	vcvt.f32.s32 v14  }
0x21e: {  	v8 =	vsub.f32 v23, v15;
	s5 =	sor.u32 s5, s12;
	v9 =	vtrunc.f32 v18;
	v6 =	vmul.f32 v6, v4;
	v3 =	vld.idx.msk [tilespmem:v19+s1+$0x0], $0xffff  }
0x21f: {  	[tilespmem:s5+$0x0] =	vst v7;
	v15 =	vcvt.f32.s32 v9;
	v4 =	vmin.f32 v16, $1.022999940e+03;
	v9 =	vld.idx.msk [tilespmem:v13+s1+$0x0], $0xffff;
	v19 =	vadd.s32 $0x1, v14  }
0x220: {  	v23 =	vld [tilespmem:s22+$0x2C80];
	v13 =	vsub.f32 v20, v1;
	v7 =	vmul.f32 v21, v0;
	v2 =	vadd.f32 v6, v2  }
0x221: {  	v20 =	vadd.s32 $0x1, v15;
	v21 =	vld.idx.msk [tilespmem:v10+s1+$0x0], $0xffff;
	v10 =	vtrunc.f32 v4;
	v6 =	vcvt.s32.f32 v15  }
0x222: {  	v27 =	vcvt.f32.s32 v10;
	v10 =	vcvt.s32.f32 v12;
	v7 =	vmin.f32 v7, $1.022999940e+03;
	[tilespmem:s4+$0x80] =	vst v2  }
0x223: {  	v18 =	vsub.f32 v18, v6;
	v6 =	vtrunc.f32 v7;
	v2 =	vmul.f32 v22, v13;
	v16 =	vld [tilespmem:s31+$0x4C90]  }
0x224: {  	v10 =	vsub.f32 v25, v10;
	v17 =	vld.idx.msk [tilespmem:v14+s1+$0x0], $0xffff;
	v13 =	vcvt.f32.s32 v6;
	v12 =	vsub.f32 v9, v3  }
0x225: {  	v25 =	vmul.f32 v23, v0;
	v6 =	vadd.s32 $0x801, v27;
	v24 =	vld.idx.msk [tilespmem:v19+s1+$0x0], $0xffff;
	v9 =	vadd.s32 $0x800, v27  }
0x226: {  	v23 =	vld.idx.msk [tilespmem:v20+s1+$0x0], $0xffff;
	v22 =	vsub.f32 v21, v5;
	v20 =	vadd.s32 $0x400, v13;
	v10 =	vmul.f32 v10, v12  }
0x227: {  	s11 =	simm.s32 $0x280;
	s10 =	simm.s32 $0x200;
	[tilespmem:s8+$0x100] =	vst v26;
	s8 =	simm.s32 $0x8;
	v19 =	vld.idx.msk [tilespmem:v15+s1+$0x0], $0xffff;
	v15 =	vmin.f32 v25, $1.022999940e+03;
	v21 =	vadd.s32 $0x401, v13;
	v12 =	vcvt.s32.f32 v27  }
.LBB2_6:
0x228: {  	s12 =	sshra.s32 s11, $0x2;
	v14 =	vcvt.s32.f32 v14;
	v16 =	vmul.f32 v16, v0;
	v3 =	vadd.f32 v10, v3  }
0x229: {  	v25 =	vtrunc.f32 v15;
	v8 =	vmul.f32 v8, v22;
	v10 =	vld [tilespmem:s12+$0xC90];
	v12 =	vsub.f32 v4, v12  }
0x22a: {  	v4 =	vld [tilespmem:s12+$0xC80];
	v11 =	vsub.f32 v11, v14;
	v14 =	vsub.f32 v24, v17;
	v22 =	vmin.f32 v16, $1.022999940e+03;
	[tilespmem:s29+$0x100] =	vst v3;
	s29 =	smov.u32 s4;
	s4 =	smov.u32 s6  }
0x22b: {  	s8 =	sadd.s32 $0x2, s8;
	v3 =	vcvt.f32.s32 v25;
	v5 =	vadd.f32 v8, v5;
	v16 =	vld.idx.msk [tilespmem:v20+s1+$0x0], $0xffff;
	v8 =	vtrunc.f32 v22  }
0x22c: {  	p0 =	slt.u32 s8, $0x1FE;
	v20 =	vsub.f32 v23, v19;
	v11 =	vmul.f32 v11, v14;
	v21 =	vld.idx.msk [tilespmem:v21+s1+$0x0], $0xffff;
	v23 =	vcvt.f32.s32 v8  }
0x22d: {  	s9 =	sadd.s32 $0x20, s9;
	s6 =	sand.u32 $0x7E00, s10;
	s10 =	smov.u32 s11;
	v8 =	vcvt.s32.f32 v3;
	v24 =	vadd.s32 $0x400, v3;
	v25 =	vadd.s32 $0x401, v3;
	[tilespmem:s0+$0x80] =	vst v5;
	v9 =	vld.idx.msk [tilespmem:v9+s1+$0x0], $0xffff  }
0x22e: {  	s13 =	sadd.s32 $0xFFFFFFF0, s9;
	s14 =	sadd.s32 $0xCC80, s6;
	s6 =	sand.u32 $0x70, s9;
	v3 =	vmul.f32 v10, v0;
	v5 =	vadd.f32 v11, v17;
	v10 =	vld [tilespmem:s31+$0x4C80];
	v17 =	vadd.s32 $0x800, v23  }
0x22f: {  	s13 =	sand.u32 $0x60, s13;
	s6 =	sor.u32 s6, s14;
	v14 =	vmul.f32 v18, v20;
	v18 =	vadd.s32 $0x801, v23;
	s31 =	smov.u32 s22;
	v4 =	vmul.f32 v4, v0;
	v6 =	vld.idx.msk [tilespmem:v6+s1+$0x0], $0xffff  }
0x230: {  	s13 =	sor.u32 s13, s14;
	v8 =	vsub.f32 v15, v8;
	s22 =	smov.u32 s7;
	s7 =	smov.u32 s12;
	v11 =	vmin.f32 v3, $1.022999940e+03;
	[tilespmem:s6+$0x0] =	vst v5;
	v3 =	vcvt.s32.f32 v13  }
0x231: {  	v15 =	vadd.f32 v14, v19;
	v13 =	vmin.f32 v4, $1.022999940e+03;
	v4 =	vtrunc.f32 v11;
	v19 =	vld [tilespmem:s22+$0x2C90]  }
0x232: {  	v14 =	vcvt.f32.s32 v4;
	v5 =	vld.idx.msk [tilespmem:v24+s1+$0x0], $0xffff;
	v4 =	vsub.f32 v7, v3;
	v7 =	vsub.f32 v21, v16  }
0x233: {  	v2 =	vadd.f32 v2, v1;
	v20 =	vtrunc.f32 v13;
	[tilespmem:s13+$0x0] =	vst v15;
	v10 =	vmul.f32 v10, v0;
	v3 =	vld.idx.msk [tilespmem:v17+s1+$0x0], $0xffff  }
0x234: {  	v1 =	vmov v9;
	v15 =	vcvt.f32.s32 v20;
	v7 =	vmul.f32 v4, v7;
	v20 =	vld.idx.msk [tilespmem:v18+s1+$0x0], $0xffff  }
0x235: {  	v9 =	vadd.s32 $0x1, v14;
	v6 =	vsub.f32 v6, v1;
	v21 =	vld [tilespmem:s22+$0x2C80];
	v4 =	vmin.f32 v10, $1.022999940e+03;
	[tilespmem:s3+$0x100] =	vst v2;
	s3 =	smov.u32 s30;
	s30 =	smov.u32 s0;
	s0 =	smov.u32 s5  }
0x236: {  	v10 =	vadd.s32 $0x1, v15;
	s5 =	smov.u32 s13;
	v2 =	vmul.f32 v19, v0;
	v25 =	vld.idx.msk [tilespmem:v25+s1+$0x0], $0xffff;
	v16 =	vadd.f32 v7, v16  }
0x237: {  	v18 =	vcvt.s32.f32 v15;
	v19 =	vtrunc.f32 v4  }
0x238: {  	v26 =	vcvt.f32.s32 v19;
	v19 =	vcvt.s32.f32 v23;
	v17 =	vld.idx.msk [tilespmem:v14+s1+$0x0], $0xffff;
	v7 =	vmin.f32 v2, $1.022999940e+03;
	[tilespmem:s4+$0x80] =	vst v16  }
.Ltmp2:
0x239: {  	v18 =	vsub.f32 v13, v18;
	v2 =	vmul.f32 v12, v6;
	v13 =	vtrunc.f32 v7;
	v16 =	vld [tilespmem:s31+$0x4C90];
	(pc) =	sbr.rel @p0 .LBB2_6-.Ltmp2, $4  }
0x23a: {  	v12 =	vsub.f32 v22, v19;
	v27 =	vsub.f32 v20, v3;
	v24 =	vld.idx.msk [tilespmem:v9+s1+$0x0], $0xffff;
	v13 =	vcvt.f32.s32 v13  }
0x23b: {  	v6 =	vadd.s32 $0x801, v26;
	v21 =	vmul.f32 v21, v0;
	v9 =	vadd.s32 $0x800, v26;
	v23 =	vld.idx.msk [tilespmem:v10+s1+$0x0], $0xffff  }
0x23c: {  	v22 =	vsub.f32 v25, v5;
	v10 =	vmul.f32 v12, v27;
	v19 =	vld.idx.msk [tilespmem:v15+s1+$0x0], $0xffff;
	v20 =	vadd.s32 $0x400, v13  }
0x23d: {  	s11 =	sadd.s32 $0x80, s11;
	v12 =	vcvt.s32.f32 v26;
	v15 =	vmin.f32 v21, $1.022999940e+03;
	v21 =	vadd.s32 $0x401, v13  }
0x23e: {  	v14 =	vcvt.s32.f32 v14;
	_ =	sdelay $0x1  }
0x23f: {  	v11 =	vsub.f32 v11, v14;
	v14 =	vsub.f32 v24, v17;
	_ =	sdelay $0x1  }
0x240: {  	v23 =	vsub.f32 v23, v19;
	v11 =	vmul.f32 v11, v14  }
0x241: {  	s8 =	sand.u32 $0x7E00, s10;
	s9 =	sadd.s32 $0x20, s9  }
0x242: {  	s10 =	sadd.s32 $0xCC80, s8;
	s14 =	sand.u32 $0x70, s9;
	v14 =	vmul.f32 v18, v23;
	v11 =	vadd.f32 v11, v17  }
0x243: {  	s9 =	sadd.s32 $0xFFFFFFF0, s9;
	s8 =	sor.u32 s14, s10  }
0x244: {  	s9 =	sand.u32 $0x60, s9;
	[tilespmem:s8+$0x0] =	vst v11;
	v11 =	vadd.f32 v14, v19  }
0x245: {  	s9 =	sor.u32 s9, s10;
	v14 =	vld [tilespmem:s7+$0x2C90]  }
0x246: {  	[tilespmem:s9+$0x0] =	vst v11  }
0x247: {  	v17 =	vtrunc.f32 v15;
	v11 =	vld [tilespmem:s7+$0x2C80]  }
0x248: {  	v17 =	vcvt.f32.s32 v17;
	_ =	sdelay $0x1  }
0x249: {  	v18 =	vadd.s32 $0x400, v17;
	v14 =	vmul.f32 v14, v0  }
0x24a: {  	v23 =	vadd.s32 $0x401, v17  }
0x24b: {  	v20 =	vld.idx.msk [tilespmem:v20+s1+$0x0], $0xffff;
	v14 =	vmin.f32 v14, $1.022999940e+03;
	v11 =	vmul.f32 v11, v0  }
0x24c: {  	v21 =	vld.idx.msk [tilespmem:v21+s1+$0x0], $0xffff;
	v19 =	vtrunc.f32 v14  }
0x24d: {  	v19 =	vcvt.f32.s32 v19;
	v11 =	vmin.f32 v11, $1.022999940e+03  }
0x24e: {  	v18 =	vld.idx.msk [tilespmem:v18+s1+$0x0], $0xffff;
	v24 =	vtrunc.f32 v11  }
0x24f: {  	v13 =	vcvt.s32.f32 v13;
	v23 =	vld.idx.msk [tilespmem:v23+s1+$0x0], $0xffff;
	v25 =	vadd.s32 $0x400, v19;
	v24 =	vcvt.f32.s32 v24  }
0x250: {  	v8 =	vmul.f32 v8, v22;
	v26 =	vadd.s32 $0x401, v19  }
0x251: {  	v7 =	vsub.f32 v7, v13;
	v13 =	vsub.f32 v21, v20;
	v27 =	vadd.s32 $0x400, v24  }
0x252: {  	v17 =	vcvt.s32.f32 v17;
	v28 =	vadd.s32 $0x401, v24  }
0x253: {  	v5 =	vadd.f32 v8, v5;
	v7 =	vmul.f32 v7, v13  }
0x254: {  	v15 =	vsub.f32 v15, v17;
	v13 =	vsub.f32 v23, v18;
	v22 =	vld.idx.msk [tilespmem:v25+s1+$0x0], $0xffff  }
0x255: {  	[tilespmem:s0+$0x80] =	vst v5;
	v5 =	vadd.f32 v7, v20;
	v21 =	vld.idx.msk [tilespmem:v26+s1+$0x0], $0xffff  }
0x256: {  	v7 =	vmul.f32 v15, v13;
	v8 =	vld.idx.msk [tilespmem:v27+s1+$0x0], $0xffff  }
0x257: {  	[tilespmem:s6+$0x80] =	vst v5;
	v17 =	vld.idx.msk [tilespmem:v28+s1+$0x0], $0xffff  }
0x258: {  	v19 =	vcvt.s32.f32 v19;
	v5 =	vadd.f32 v7, v18;
	v7 =	vld [tilespmem:s22+$0x4C90];
	_ =	sdelay $0x1  }
0x259: {  	v13 =	vld [tilespmem:s31+$0x4C80];
	v15 =	vcvt.s32.f32 v24;
	v14 =	vsub.f32 v14, v19;
	v19 =	vsub.f32 v21, v22;
	_ =	sdelay $0x1  }
0x25a: {  	v11 =	vsub.f32 v11, v15;
	v14 =	vmul.f32 v14, v19;
	v15 =	vsub.f32 v17, v8  }
0x25b: {  	v7 =	vmul.f32 v7, v0  }
0x25c: {  	[tilespmem:s5+$0x80] =	vst v5;
	v5 =	vadd.f32 v14, v22;
	v11 =	vmul.f32 v11, v15  }
0x25d: {  	v16 =	vmul.f32 v16, v0;
	v13 =	vmul.f32 v13, v0;
	v7 =	vmin.f32 v7, $1.022999940e+03;
	v14 =	vld [tilespmem:s22+$0x4C80]  }
0x25e: {  	v18 =	vtrunc.f32 v7;
	[tilespmem:s8+$0x80] =	vst v5;
	v5 =	vadd.f32 v11, v8  }
0x25f: {  	v18 =	vcvt.f32.s32 v18;
	v15 =	vmin.f32 v16, $1.022999940e+03;
	v11 =	vmin.f32 v13, $1.022999940e+03;
	v13 =	vld [tilespmem:s7+$0x4C90]  }
0x260: {  	v8 =	vtrunc.f32 v15;
	v16 =	vtrunc.f32 v11;
	[tilespmem:s9+$0x80] =	vst v5  }
0x261: {  	v8 =	vcvt.f32.s32 v8;
	v5 =	vcvt.f32.s32 v16;
	v16 =	vld [tilespmem:s7+$0x4C80]  }
0x262: {  	v21 =	vadd.s32 $0x800, v18;
	v14 =	vmul.f32 v14, v0  }
0x263: {  	v17 =	vadd.s32 $0x800, v8  }
0x264: {  	v19 =	vadd.s32 $0x801, v8;
	v14 =	vmin.f32 v14, $1.022999940e+03;
	v13 =	vmul.f32 v13, v0  }
0x265: {  	v9 =	vld.idx.msk [tilespmem:v9+s1+$0x0], $0xffff;
	v22 =	vadd.s32 $0x801, v18;
	v20 =	vadd.s32 $0x800, v5;
	v23 =	vtrunc.f32 v14  }
0x266: {  	v6 =	vld.idx.msk [tilespmem:v6+s1+$0x0], $0xffff;
	v23 =	vcvt.f32.s32 v23;
	v13 =	vmin.f32 v13, $1.022999940e+03;
	v16 =	vmul.f32 v16, v0  }
0x267: {  	v21 =	vld.idx.msk [tilespmem:v21+s1+$0x0], $0xffff;
	v24 =	vadd.s32 $0x801, v5;
	v25 =	vtrunc.f32 v13  }
0x268: {  	v17 =	vld.idx.msk [tilespmem:v17+s1+$0x0], $0xffff;
	v26 =	vadd.s32 $0x800, v23;
	v25 =	vcvt.f32.s32 v25;
	v16 =	vmin.f32 v16, $1.022999940e+03  }
0x269: {  	v19 =	vld.idx.msk [tilespmem:v19+s1+$0x0], $0xffff;
	v27 =	vadd.s32 $0x801, v23;
	v63 =	vtrunc.f32 v16  }
0x26a: {  	v22 =	vld.idx.msk [tilespmem:v22+s1+$0x0], $0xffff;
	v29 =	vadd.s32 $0x800, v25;
	v28 =	vcvt.f32.s32 v63  }
0x26b: {  	v20 =	vld.idx.msk [tilespmem:v20+s1+$0x0], $0xffff;
	v30 =	vadd.s32 $0x801, v25  }
0x26c: {  	v8 =	vcvt.s32.f32 v8;
	v24 =	vld.idx.msk [tilespmem:v24+s1+$0x0], $0xffff;
	v31 =	vadd.s32 $0x800, v28  }
0x26d: {  	v4 =	vsub.f32 v4, v12;
	v6 =	vsub.f32 v6, v9;
	v26 =	vld.idx.msk [tilespmem:v26+s1+$0x0], $0xffff;
	v32 =	vadd.s32 $0x801, v28  }
0x26e: {  	v18 =	vcvt.s32.f32 v18;
	v8 =	vsub.f32 v15, v8;
	v15 =	vsub.f32 v19, v17;
	v19 =	vld.idx.msk [tilespmem:v27+s1+$0x0], $0xffff  }
0x26f: {  	v3 =	vadd.f32 v10, v3;
	v4 =	vmul.f32 v4, v6;
	v5 =	vcvt.s32.f32 v5;
	v12 =	vld.idx.msk [tilespmem:v29+s1+$0x0], $0xffff  }
0x270: {  	v1 =	vadd.f32 v2, v1;
	v7 =	vsub.f32 v7, v18;
	v8 =	vmul.f32 v8, v15;
	v18 =	vld.idx.msk [tilespmem:v30+s1+$0x0], $0xffff  }
0x271: {  	v4 =	vadd.f32 v4, v9;
	v5 =	vsub.f32 v11, v5;
	v6 =	vld.idx.msk [tilespmem:v31+s1+$0x0], $0xffff  }
0x272: {  	v9 =	vcvt.s32.f32 v25;
	v10 =	vsub.f32 v24, v20;
	v2 =	vadd.f32 v8, v17;
	v8 =	vld.idx.msk [tilespmem:v32+s1+$0x0], $0xffff  }
0x273: {  	[tilespmem:s29+$0x100] =	vst v3;
	v11 =	vcvt.s32.f32 v23  }
0x274: {  	[tilespmem:s3+$0x100] =	vst v1;
	v3 =	vsub.f32 v13, v9;
	v15 =	vsub.f32 v22, v21;
	v1 =	vmul.f32 v5, v10  }
0x275: {  	v13 =	vcvt.s32.f32 v28;
	v5 =	vsub.f32 v14, v11;
	v9 =	vsub.f32 v18, v12  }
0x276: {  	v7 =	vmul.f32 v7, v15;
	v1 =	vadd.f32 v1, v20;
	v10 =	vsub.f32 v19, v26  }
0x277: {  	[tilespmem:s4+$0x100] =	vst v2;
	v2 =	vmul.f32 v3, v9;
	v3 =	vsub.f32 v16, v13;
	v8 =	vsub.f32 v8, v6  }
0x278: {  	[tilespmem:s30+$0x100] =	vst v4;
	v7 =	vadd.f32 v7, v21;
	v4 =	vmul.f32 v5, v10  }
0x279: {  	[tilespmem:s0+$0x100] =	vst v1;
	v2 =	vadd.f32 v2, v12;
	v3 =	vmul.f32 v3, v8  }
0x27a: {  	[tilespmem:s6+$0x100] =	vst v7;
	v1 =	vadd.f32 v4, v26  }
0x27b: {  	[tilespmem:s8+$0x100] =	vst v2;
	v2 =	vadd.f32 v3, v6  }
0x27c: {  	[tilespmem:s5+$0x100] =	vst v1  }
0x27d: {  	s4 =	simm.s32 $0x0;
	s5 =	simm.s32 $0xCC80;
	[tilespmem:s9+$0x100] =	vst v2  }
0x27e: {  	[hbm4b:s19+s4] =	stream.linear.scatter [tilespmem:s5], [sflag:$0x3], $0x8000, $0x38;
	[tilespmem:$0x1CC80] =	vst v63  }
0x27f: {  	_ =	swait.ge [sflag:s2], $0x2000  }
0x280: {  	[sflag:s2] =	ssyncset.done $0x0  }
0x281: {  	[sflag:s2] =	ssyncadd.s32 $0xFFFFE000  }
0x282: {  	_ =	swait.ge [sflag:s2], $0x2000  }
0x283: {  	[sflag:s2] =	ssyncset.done $0x0  }
0x284: {  	[sflag:s2] =	ssyncadd.s32 $0xFFFFE000  }
0x285: {  	_ =	swait.ge [sflag:s2], $0x2000  }
0x286: {  	[sflag:s2] =	ssyncset.done $0x0  }
0x287: {  	[sflag:s2] =	ssyncadd.s32 $0xFFFFE000  }
0x288: {  	_ =	swait.ge [sflag:s24], $0x8000  }
0x289: {  	[sflag:s24] =	ssyncset.done $0x0  }
0x28a: {  	s0 =	simm.s32 $0x0;
	[sflag:s24] =	ssyncadd.s32 $0xFFFF8000  }
0x28b: {  	v1 =	vld [tilespmem:s0+$0x6C90];
	_ =	sdelay $0x4  }
0x28c: {  	v1 =	vmul.f32 v1, v0  }
0x28d: {  	v2 =	vld [tilespmem:s0+$0x6C80]  }
0x28e: {  	v1 =	vmin.f32 v1, $1.022999940e+03  }
0x28f: {  	v3 =	vtrunc.f32 v1  }
0x290: {  	v3 =	vcvt.f32.s32 v3;
	_ =	sdelay $0x1  }
0x291: {  	v2 =	vmul.f32 v2, v0;
	v4 =	vadd.s32 $0x1, v3;
	_ =	sdelay $0x1  }
0x292: {  	v2 =	vmin.f32 v2, $1.022999940e+03  }
0x293: {  	v5 =	vtrunc.f32 v2  }
0x294: {  	v5 =	vcvt.f32.s32 v5;
	v6 =	vld.idx.msk [tilespmem:v3+s1+$0x0], $0xffff  }
0x295: {  	v4 =	vld.idx.msk [tilespmem:v4+s1+$0x0], $0xffff  }
0x296: {  	v7 =	vadd.s32 $0x1, v5;
	_ =	sdelay $0x1  }
0x297: {  	v3 =	vcvt.s32.f32 v3  }
0x298: {  	s5 =	simm.s32 $0x20  }
0x299: {  	v8 =	vld [tilespmem:s5+$0x6C90];
	v1 =	vsub.f32 v1, v3;
	v3 =	vsub.f32 v4, v6  }
0x29a: {  	v4 =	vld.idx.msk [tilespmem:v7+s1+$0x0], $0xffff  }
0x29b: {  	v7 =	vld.idx.msk [tilespmem:v5+s1+$0x0], $0xffff;
	v1 =	vmul.f32 v1, v3  }
0x29c: {  	s3 =	sand.u32 $0x7E00, s4;
	s6 =	simm.s32 $0x10  }
0x29d: {  	s3 =	sadd.s32 $0x14C80, s3;
	s4 =	sand.u32 $0x70, s6;
	v1 =	vadd.f32 v1, v6  }
0x29e: {  	s8 =	sor.u32 s4, s3;
	v5 =	vcvt.s32.f32 v5;
	v3 =	vld [tilespmem:s5+$0x6C80];
	v6 =	vmul.f32 v8, v0  }
0x29f: {  	[tilespmem:s8+$0x0] =	vst v1  }
0x2a0: {  	v1 =	vsub.f32 v2, v5;
	v2 =	vsub.f32 v4, v7;
	v4 =	vmin.f32 v6, $1.022999940e+03;
	v5 =	vld [tilespmem:s0+$0x8C90]  }
0x2a1: {  	v6 =	vtrunc.f32 v4  }
0x2a2: {  	v1 =	vmul.f32 v1, v2;
	v2 =	vcvt.f32.s32 v6  }
0x2a3: {  	s7 =	simm.s32 $0x0;
	v3 =	vmul.f32 v3, v0  }
0x2a4: {  	s4 =	sand.u32 $0x60, s7;
	v1 =	vadd.f32 v1, v7;
	v7 =	vadd.s32 $0x1, v2  }
0x2a5: {  	s3 =	sor.u32 s4, s3;
	v3 =	vmin.f32 v3, $1.022999940e+03;
	v5 =	vmul.f32 v5, v0  }
0x2a6: {  	v6 =	vtrunc.f32 v3;
	[tilespmem:s3+$0x0] =	vst v1  }
0x2a7: {  	v6 =	vcvt.f32.s32 v6;
	v1 =	vld [tilespmem:s0+$0x8C80];
	v5 =	vmin.f32 v5, $1.022999940e+03  }
0x2a8: {  	v9 =	vld.idx.msk [tilespmem:v2+s1+$0x0], $0xffff;
	v10 =	vtrunc.f32 v5  }
0x2a9: {  	v8 =	vadd.s32 $0x1, v6;
	v7 =	vld.idx.msk [tilespmem:v7+s1+$0x0], $0xffff;
	v10 =	vcvt.f32.s32 v10;
	_ =	sdelay $0x1  }
0x2aa: {  	s31 =	simm.s32 $0x40;
	v11 =	vadd.s32 $0x400, v10  }
0x2ab: {  	v13 =	vld [tilespmem:s31+$0x6C90];
	v2 =	vcvt.s32.f32 v2;
	v12 =	vadd.s32 $0x401, v10  }
0x2ac: {  	v14 =	vld.idx.msk [tilespmem:v6+s1+$0x0], $0xffff;
	v1 =	vmul.f32 v1, v0  }
0x2ad: {  	v2 =	vsub.f32 v4, v2;
	v8 =	vld.idx.msk [tilespmem:v8+s1+$0x0], $0xffff;
	v4 =	vsub.f32 v7, v9  }
0x2ae: {  	v1 =	vmin.f32 v1, $1.022999940e+03;
	v7 =	vld [tilespmem:s31+$0x6C80]  }
0x2af: {  	s9 =	simm.s32 $0x80;
	v15 =	vtrunc.f32 v1;
	v2 =	vmul.f32 v2, v4;
	v11 =	vld.idx.msk [tilespmem:v11+s1+$0x0], $0xffff  }
0x2b0: {  	s10 =	simm.s32 $0x30;
	s4 =	sand.u32 $0x7E00, s9;
	v4 =	vcvt.s32.f32 v6;
	v6 =	vcvt.f32.s32 v15;
	v12 =	vld.idx.msk [tilespmem:v12+s1+$0x0], $0xffff  }
0x2b1: {  	s6 =	sand.u32 $0x70, s10;
	s4 =	sadd.s32 $0x14C80, s4;
	v13 =	vmul.f32 v13, v0;
	v2 =	vadd.f32 v2, v9  }
0x2b2: {  	s29 =	sor.u32 s6, s4;
	v3 =	vsub.f32 v3, v4;
	v4 =	vsub.f32 v8, v14;
	v8 =	vadd.s32 $0x400, v6  }
0x2b3: {  	v9 =	vmin.f32 v13, $1.022999940e+03;
	v7 =	vmul.f32 v7, v0;
	[tilespmem:s29+$0x0] =	vst v2;
	v2 =	vcvt.s32.f32 v10  }
0x2b4: {  	v10 =	vadd.s32 $0x401, v6;
	v3 =	vmul.f32 v3, v4;
	v4 =	vtrunc.f32 v9  }
0x2b5: {  	s11 =	simm.s32 $0x20;
	v13 =	vld [tilespmem:s5+$0x8C90];
	v4 =	vcvt.f32.s32 v4;
	v2 =	vsub.f32 v5, v2;
	v5 =	vsub.f32 v12, v11  }
0x2b6: {  	s6 =	sand.u32 $0x60, s11;
	v7 =	vmin.f32 v7, $1.022999940e+03;
	v3 =	vadd.f32 v3, v14  }
0x2b7: {  	s30 =	sor.u32 s6, s4;
	v12 =	vtrunc.f32 v7;
	v2 =	vmul.f32 v2, v5  }
0x2b8: {  	v5 =	vld.idx.msk [tilespmem:v8+s1+$0x0], $0xffff;
	[tilespmem:s30+$0x0] =	vst v3;
	v3 =	vcvt.f32.s32 v12;
	v8 =	vadd.s32 $0x1, v4  }
0x2b9: {  	v12 =	vld [tilespmem:s5+$0x8C80];
	v2 =	vadd.f32 v2, v11  }
0x2ba: {  	v10 =	vld.idx.msk [tilespmem:v10+s1+$0x0], $0xffff;
	v13 =	vmul.f32 v13, v0;
	v11 =	vadd.s32 $0x1, v3  }
0x2bb: {  	v14 =	vld.idx.msk [tilespmem:v4+s1+$0x0], $0xffff;
	[tilespmem:s8+$0x80] =	vst v2  }
0x2bc: {  	v13 =	vmin.f32 v13, $1.022999940e+03;
	v15 =	vld [tilespmem:s0+$0xAC90]  }
0x2bd: {  	v6 =	vcvt.s32.f32 v6;
	v2 =	vtrunc.f32 v13;
	v8 =	vld.idx.msk [tilespmem:v8+s1+$0x0], $0xffff  }
0x2be: {  	v4 =	vcvt.s32.f32 v4;
	v2 =	vcvt.f32.s32 v2  }
0x2bf: {  	s22 =	simm.s32 $0x60;
	v1 =	vsub.f32 v1, v6;
	v16 =	vcvt.s32.f32 v3;
	v6 =	vld.idx.msk [tilespmem:v11+s1+$0x0], $0xffff;
	v11 =	vmul.f32 v12, v0  }
0x2c0: {  	v18 =	vld [tilespmem:s22+$0x6C90];
	v4 =	vsub.f32 v9, v4;
	v10 =	vsub.f32 v10, v5;
	v12 =	vadd.s32 $0x400, v2  }
0x2c1: {  	v3 =	vld.idx.msk [tilespmem:v3+s1+$0x0], $0xffff;
	v17 =	vadd.s32 $0x401, v2;
	v11 =	vmin.f32 v11, $1.022999940e+03;
	v15 =	vmul.f32 v15, v0  }
0x2c2: {  	v1 =	vmul.f32 v1, v10;
	v19 =	vtrunc.f32 v11;
	v8 =	vsub.f32 v8, v14  }
0x2c3: {  	v10 =	vcvt.f32.s32 v19;
	v9 =	vmin.f32 v15, $1.022999940e+03  }
0x2c4: {  	s12 =	simm.s32 $0x100;
	v20 =	vld [tilespmem:s22+$0x6C80];
	v1 =	vadd.f32 v1, v5;
	v4 =	vmul.f32 v4, v8;
	v15 =	vtrunc.f32 v9  }
0x2c5: {  	s13 =	simm.s32 $0x50;
	s4 =	sand.u32 $0x7E00, s12;
	v7 =	vsub.f32 v7, v16;
	v16 =	vmul.f32 v18, v0;
	v12 =	vld.idx.msk [tilespmem:v12+s1+$0x0], $0xffff;
	v8 =	vcvt.f32.s32 v15  }
0x2c6: {  	s9 =	sand.u32 $0x70, s13;
	s14 =	sadd.s32 $0x14C80, s4;
	v6 =	vsub.f32 v6, v3;
	[tilespmem:s3+$0x80] =	vst v1;
	v5 =	vld.idx.msk [tilespmem:v17+s1+$0x0], $0xffff;
	v15 =	vadd.s32 $0x400, v10;
	v4 =	vadd.f32 v4, v14  }
0x2c7: {  	s4 =	sor.u32 s9, s14;
	v16 =	vmin.f32 v16, $1.022999940e+03;
	v2 =	vcvt.s32.f32 v2;
	v17 =	vld [tilespmem:s0+$0xAC80];
	v1 =	vadd.s32 $0x800, v8  }
0x2c8: {  	v6 =	vmul.f32 v7, v6;
	v7 =	vtrunc.f32 v16;
	v18 =	vadd.s32 $0x801, v8;
	[tilespmem:s4+$0x0] =	vst v4  }
0x2c9: {  	s10 =	simm.s32 $0x40;
	v14 =	vmul.f32 v20, v0;
	v7 =	vcvt.f32.s32 v7;
	v4 =	vadd.s32 $0x401, v10;
	v19 =	vld [tilespmem:s31+$0x8C90]  }
0x2ca: {  	v2 =	vsub.f32 v13, v2;
	s0 =	sand.u32 $0x60, s10;
	v3 =	vadd.f32 v6, v3  }
0x2cb: {  	s0 =	sor.u32 s0, s14;
	v10 =	vcvt.s32.f32 v10;
	v13 =	vmin.f32 v14, $1.022999940e+03;
	v5 =	vsub.f32 v5, v12;
	v6 =	vld.idx.msk [tilespmem:v15+s1+$0x0], $0xffff  }
0x2cc: {  	v14 =	vtrunc.f32 v13;
	[tilespmem:s0+$0x0] =	vst v3;
	v3 =	vmul.f32 v17, v0;
	v1 =	vld.idx.msk [tilespmem:v1+s1+$0x0], $0xffff  }
0x2cd: {  	v10 =	vsub.f32 v11, v10;
	v2 =	vmul.f32 v2, v5;
	v5 =	vcvt.f32.s32 v14;
	v14 =	vld.idx.msk [tilespmem:v18+s1+$0x0], $0xffff  }
0x2ce: {  	v15 =	vadd.s32 $0x1, v7;
	v3 =	vmin.f32 v3, $1.022999940e+03;
	v4 =	vld.idx.msk [tilespmem:v4+s1+$0x0], $0xffff;
	v17 =	vmul.f32 v19, v0  }
0x2cf: {  	v20 =	vld.idx.msk [tilespmem:v7+s1+$0x0], $0xffff;
	v7 =	vcvt.s32.f32 v7;
	v2 =	vadd.f32 v2, v12;
	v18 =	vcvt.s32.f32 v5  }
0x2d0: {  	v11 =	vld [tilespmem:s31+$0x8C80];
	v12 =	vadd.s32 $0x1, v5;
	v19 =	vtrunc.f32 v3;
	v17 =	vmin.f32 v17, $1.022999940e+03  }
0x2d1: {  	[tilespmem:s29+$0x80] =	vst v2;
	v2 =	vcvt.s32.f32 v8;
	v13 =	vsub.f32 v13, v18;
	v18 =	vtrunc.f32 v17  }
0x2d2: {  	v8 =	vcvt.f32.s32 v19;
	v19 =	vld [tilespmem:s5+$0xAC90];
	v18 =	vcvt.f32.s32 v18  }
0x2d3: {  	v15 =	vld.idx.msk [tilespmem:v15+s1+$0x0], $0xffff;
	v2 =	vsub.f32 v9, v2;
	v9 =	vsub.f32 v14, v1  }
0x2d4: {  	v7 =	vsub.f32 v16, v7;
	v4 =	vsub.f32 v4, v6;
	v22 =	vadd.s32 $0x400, v18  }
0x2d5: {  	v11 =	vmul.f32 v11, v0;
	v5 =	vld.idx.msk [tilespmem:v5+s1+$0x0], $0xffff;
	v2 =	vmul.f32 v2, v9;
	v9 =	vadd.s32 $0x401, v18  }
0x2d6: {  	s7 =	simm.s32 $0x80;
	v14 =	vadd.s32 $0x800, v8;
	v21 =	vadd.s32 $0x801, v8;
	v12 =	vld.idx.msk [tilespmem:v12+s1+$0x0], $0xffff;
	v4 =	vmul.f32 v10, v4  }
0x2d7: {  	v24 =	vld [tilespmem:s7+$0x6C80];
	v8 =	vcvt.s32.f32 v8;
	v23 =	vmin.f32 v11, $1.022999940e+03;
	v11 =	vmul.f32 v19, v0  }
0x2d8: {  	v10 =	vtrunc.f32 v23;
	v15 =	vsub.f32 v15, v20;
	v19 =	vld [tilespmem:s7+$0x6C90];
	v4 =	vadd.f32 v4, v6  }
0x2d9: {  	v10 =	vcvt.f32.s32 v10;
	v26 =	vadd.f32 v2, v1;
	v25 =	vmin.f32 v11, $1.022999940e+03;
	v2 =	vld.idx.msk [tilespmem:v22+s1+$0x0], $0xffff  }
0x2da: {  	s11 =	simm.s32 $0x180;
	v6 =	vmul.f32 v7, v15;
	[tilespmem:s30+$0x80] =	vst v4;
	v1 =	vtrunc.f32 v25;
	v9 =	vld.idx.msk [tilespmem:v9+s1+$0x0], $0xffff  }
0x2db: {  	s6 =	sand.u32 $0x7E00, s11;
	s9 =	simm.s32 $0x70;
	v7 =	vsub.f32 v12, v5;
	v4 =	vadd.s32 $0x400, v10;
	v16 =	vld [tilespmem:s5+$0xAC80];
	v12 =	vcvt.f32.s32 v1  }
0x2dc: {  	s12 =	sadd.s32 $0x14C80, s6;
	s13 =	sand.u32 $0x70, s9;
	v15 =	vcvt.s32.f32 v10;
	v6 =	vadd.f32 v6, v20;
	v1 =	vld.idx.msk [tilespmem:v14+s1+$0x0], $0xffff;
	v14 =	vmul.f32 v24, v0  }
0x2dd: {  	s6 =	sor.u32 s13, s12;
	v7 =	vmul.f32 v13, v7;
	v11 =	vmul.f32 v19, v0;
	v19 =	vadd.s32 $0x800, v12  }
0x2de: {  	v10 =	vadd.s32 $0x401, v10;
	v20 =	vld.idx.msk [tilespmem:v21+s1+$0x0], $0xffff;
	[tilespmem:s6+$0x0] =	vst v6;
	v6 =	vcvt.s32.f32 v18;
	v13 =	vadd.s32 $0x801, v12  }
0x2df: {  	v18 =	vmin.f32 v14, $1.022999940e+03;
	v21 =	vld [tilespmem:s22+$0x8C90];
	v7 =	vadd.f32 v7, v5;
	v11 =	vmin.f32 v11, $1.022999940e+03  }
0x2e0: {  	s14 =	simm.s32 $0x60;
	v6 =	vsub.f32 v17, v6;
	v5 =	vld.idx.msk [tilespmem:v4+s1+$0x0], $0xffff;
	v14 =	vtrunc.f32 v11;
	v4 =	vsub.f32 v9, v2  }
0x2e1: {  	s5 =	sand.u32 $0x60, s14;
	v22 =	vsub.f32 v3, v8;
	v16 =	vmul.f32 v16, v0;
	v14 =	vcvt.f32.s32 v14  }
0x2e2: {  	v8 =	vsub.f32 v23, v15;
	s5 =	sor.u32 s5, s12;
	v9 =	vtrunc.f32 v18;
	v6 =	vmul.f32 v6, v4;
	v3 =	vld.idx.msk [tilespmem:v19+s1+$0x0], $0xffff  }
0x2e3: {  	[tilespmem:s5+$0x0] =	vst v7;
	v15 =	vcvt.f32.s32 v9;
	v4 =	vmin.f32 v16, $1.022999940e+03;
	v9 =	vld.idx.msk [tilespmem:v13+s1+$0x0], $0xffff;
	v19 =	vadd.s32 $0x1, v14  }
0x2e4: {  	v23 =	vld [tilespmem:s22+$0x8C80];
	v13 =	vsub.f32 v20, v1;
	v7 =	vmul.f32 v21, v0;
	v2 =	vadd.f32 v6, v2  }
0x2e5: {  	v20 =	vadd.s32 $0x1, v15;
	v21 =	vld.idx.msk [tilespmem:v10+s1+$0x0], $0xffff;
	v10 =	vtrunc.f32 v4;
	v6 =	vcvt.s32.f32 v15  }
0x2e6: {  	v27 =	vcvt.f32.s32 v10;
	v10 =	vcvt.s32.f32 v12;
	v7 =	vmin.f32 v7, $1.022999940e+03;
	[tilespmem:s4+$0x80] =	vst v2  }
0x2e7: {  	v18 =	vsub.f32 v18, v6;
	v6 =	vtrunc.f32 v7;
	v2 =	vmul.f32 v22, v13;
	v16 =	vld [tilespmem:s31+$0xAC90]  }
0x2e8: {  	v10 =	vsub.f32 v25, v10;
	v17 =	vld.idx.msk [tilespmem:v14+s1+$0x0], $0xffff;
	v13 =	vcvt.f32.s32 v6;
	v12 =	vsub.f32 v9, v3  }
0x2e9: {  	v25 =	vmul.f32 v23, v0;
	v6 =	vadd.s32 $0x801, v27;
	v24 =	vld.idx.msk [tilespmem:v19+s1+$0x0], $0xffff;
	v9 =	vadd.s32 $0x800, v27  }
0x2ea: {  	v23 =	vld.idx.msk [tilespmem:v20+s1+$0x0], $0xffff;
	v22 =	vsub.f32 v21, v5;
	v20 =	vadd.s32 $0x400, v13;
	v10 =	vmul.f32 v10, v12  }
0x2eb: {  	s11 =	simm.s32 $0x280;
	s10 =	simm.s32 $0x200;
	[tilespmem:s8+$0x100] =	vst v26;
	s8 =	simm.s32 $0x8;
	v19 =	vld.idx.msk [tilespmem:v15+s1+$0x0], $0xffff;
	v15 =	vmin.f32 v25, $1.022999940e+03;
	v21 =	vadd.s32 $0x401, v13;
	v12 =	vcvt.s32.f32 v27  }
.LBB2_8:
0x2ec: {  	s12 =	sshra.s32 s11, $0x2;
	v14 =	vcvt.s32.f32 v14;
	v16 =	vmul.f32 v16, v0;
	v3 =	vadd.f32 v10, v3  }
0x2ed: {  	v25 =	vtrunc.f32 v15;
	v8 =	vmul.f32 v8, v22;
	v10 =	vld [tilespmem:s12+$0x6C90];
	v12 =	vsub.f32 v4, v12  }
0x2ee: {  	v4 =	vld [tilespmem:s12+$0x6C80];
	v11 =	vsub.f32 v11, v14;
	v14 =	vsub.f32 v24, v17;
	v22 =	vmin.f32 v16, $1.022999940e+03;
	[tilespmem:s29+$0x100] =	vst v3;
	s29 =	smov.u32 s4;
	s4 =	smov.u32 s6  }
0x2ef: {  	s8 =	sadd.s32 $0x2, s8;
	v3 =	vcvt.f32.s32 v25;
	v5 =	vadd.f32 v8, v5;
	v16 =	vld.idx.msk [tilespmem:v20+s1+$0x0], $0xffff;
	v8 =	vtrunc.f32 v22  }
0x2f0: {  	p0 =	slt.u32 s8, $0x1FE;
	v20 =	vsub.f32 v23, v19;
	v11 =	vmul.f32 v11, v14;
	v21 =	vld.idx.msk [tilespmem:v21+s1+$0x0], $0xffff;
	v23 =	vcvt.f32.s32 v8  }
0x2f1: {  	s9 =	sadd.s32 $0x20, s9;
	s6 =	sand.u32 $0x7E00, s10;
	s10 =	smov.u32 s11;
	v8 =	vcvt.s32.f32 v3;
	v24 =	vadd.s32 $0x400, v3;
	v25 =	vadd.s32 $0x401, v3;
	[tilespmem:s0+$0x80] =	vst v5;
	v9 =	vld.idx.msk [tilespmem:v9+s1+$0x0], $0xffff  }
0x2f2: {  	s13 =	sadd.s32 $0xFFFFFFF0, s9;
	s14 =	sadd.s32 $0x14C80, s6;
	s6 =	sand.u32 $0x70, s9;
	v3 =	vmul.f32 v10, v0;
	v5 =	vadd.f32 v11, v17;
	v10 =	vld [tilespmem:s31+$0xAC80];
	v17 =	vadd.s32 $0x800, v23  }
0x2f3: {  	s13 =	sand.u32 $0x60, s13;
	s6 =	sor.u32 s6, s14;
	v14 =	vmul.f32 v18, v20;
	v18 =	vadd.s32 $0x801, v23;
	s31 =	smov.u32 s22;
	v4 =	vmul.f32 v4, v0;
	v6 =	vld.idx.msk [tilespmem:v6+s1+$0x0], $0xffff  }
0x2f4: {  	s13 =	sor.u32 s13, s14;
	v8 =	vsub.f32 v15, v8;
	s22 =	smov.u32 s7;
	s7 =	smov.u32 s12;
	v11 =	vmin.f32 v3, $1.022999940e+03;
	[tilespmem:s6+$0x0] =	vst v5;
	v3 =	vcvt.s32.f32 v13  }
0x2f5: {  	v15 =	vadd.f32 v14, v19;
	v13 =	vmin.f32 v4, $1.022999940e+03;
	v4 =	vtrunc.f32 v11;
	v19 =	vld [tilespmem:s22+$0x8C90]  }
0x2f6: {  	v14 =	vcvt.f32.s32 v4;
	v5 =	vld.idx.msk [tilespmem:v24+s1+$0x0], $0xffff;
	v4 =	vsub.f32 v7, v3;
	v7 =	vsub.f32 v21, v16  }
0x2f7: {  	v2 =	vadd.f32 v2, v1;
	v20 =	vtrunc.f32 v13;
	[tilespmem:s13+$0x0] =	vst v15;
	v10 =	vmul.f32 v10, v0;
	v3 =	vld.idx.msk [tilespmem:v17+s1+$0x0], $0xffff  }
0x2f8: {  	v1 =	vmov v9;
	v15 =	vcvt.f32.s32 v20;
	v7 =	vmul.f32 v4, v7;
	v20 =	vld.idx.msk [tilespmem:v18+s1+$0x0], $0xffff  }
0x2f9: {  	v9 =	vadd.s32 $0x1, v14;
	v6 =	vsub.f32 v6, v1;
	v21 =	vld [tilespmem:s22+$0x8C80];
	v4 =	vmin.f32 v10, $1.022999940e+03;
	[tilespmem:s3+$0x100] =	vst v2;
	s3 =	smov.u32 s30;
	s30 =	smov.u32 s0;
	s0 =	smov.u32 s5  }
0x2fa: {  	v10 =	vadd.s32 $0x1, v15;
	s5 =	smov.u32 s13;
	v2 =	vmul.f32 v19, v0;
	v25 =	vld.idx.msk [tilespmem:v25+s1+$0x0], $0xffff;
	v16 =	vadd.f32 v7, v16  }
0x2fb: {  	v18 =	vcvt.s32.f32 v15;
	v19 =	vtrunc.f32 v4  }
0x2fc: {  	v26 =	vcvt.f32.s32 v19;
	v19 =	vcvt.s32.f32 v23;
	v17 =	vld.idx.msk [tilespmem:v14+s1+$0x0], $0xffff;
	v7 =	vmin.f32 v2, $1.022999940e+03;
	[tilespmem:s4+$0x80] =	vst v16  }
.Ltmp3:
0x2fd: {  	v18 =	vsub.f32 v13, v18;
	v2 =	vmul.f32 v12, v6;
	v13 =	vtrunc.f32 v7;
	v16 =	vld [tilespmem:s31+$0xAC90];
	(pc) =	sbr.rel @p0 .LBB2_8-.Ltmp3, $4  }
0x2fe: {  	v12 =	vsub.f32 v22, v19;
	v27 =	vsub.f32 v20, v3;
	v24 =	vld.idx.msk [tilespmem:v9+s1+$0x0], $0xffff;
	v13 =	vcvt.f32.s32 v13  }
0x2ff: {  	v6 =	vadd.s32 $0x801, v26;
	v21 =	vmul.f32 v21, v0;
	v9 =	vadd.s32 $0x800, v26;
	v23 =	vld.idx.msk [tilespmem:v10+s1+$0x0], $0xffff  }
0x300: {  	v22 =	vsub.f32 v25, v5;
	v10 =	vmul.f32 v12, v27;
	v19 =	vld.idx.msk [tilespmem:v15+s1+$0x0], $0xffff;
	v20 =	vadd.s32 $0x400, v13  }
0x301: {  	s11 =	sadd.s32 $0x80, s11;
	v12 =	vcvt.s32.f32 v26;
	v15 =	vmin.f32 v21, $1.022999940e+03;
	v21 =	vadd.s32 $0x401, v13  }
0x302: {  	v14 =	vcvt.s32.f32 v14;
	_ =	sdelay $0x1  }
0x303: {  	v31 =	vsub.f32 v24, v17;
	v11 =	vsub.f32 v11, v14;
	_ =	sdelay $0x1  }
0x304: {  	v23 =	vsub.f32 v23, v19;
	v11 =	vmul.f32 v11, v31  }
0x305: {  	s8 =	sand.u32 $0x7E00, s10;
	s9 =	sadd.s32 $0x20, s9  }
0x306: {  	s10 =	sadd.s32 $0x14C80, s8;
	s14 =	sand.u32 $0x70, s9;
	v32 =	vmul.f32 v18, v23;
	v11 =	vadd.f32 v11, v17  }
0x307: {  	s9 =	sadd.s32 $0xFFFFFFF0, s9;
	s8 =	sor.u32 s14, s10  }
0x308: {  	s9 =	sand.u32 $0x60, s9;
	v33 =	vadd.f32 v32, v19;
	[tilespmem:s8+$0x0] =	vst v11  }
0x309: {  	s9 =	sor.u32 s9, s10;
	v34 =	vld [tilespmem:s7+$0x8C90]  }
0x30a: {  	[tilespmem:s9+$0x0] =	vst v33  }
0x30b: {  	v11 =	vld [tilespmem:s7+$0x8C80];
	_ =	sdelay $0x2  }
0x30c: {  	v35 =	vtrunc.f32 v15;
	v14 =	vmul.f32 v34, v0  }
0x30d: {  	v17 =	vcvt.f32.s32 v35  }
0x30e: {  	v11 =	vmul.f32 v11, v0;
	v14 =	vmin.f32 v14, $1.022999940e+03  }
0x30f: {  	v36 =	vadd.s32 $0x400, v17;
	v37 =	vtrunc.f32 v14  }
0x310: {  	v38 =	vadd.s32 $0x401, v17;
	v11 =	vmin.f32 v11, $1.022999940e+03;
	v19 =	vcvt.f32.s32 v37  }
0x311: {  	v39 =	vtrunc.f32 v11  }
0x312: {  	v20 =	vld.idx.msk [tilespmem:v20+s1+$0x0], $0xffff;
	v24 =	vcvt.f32.s32 v39;
	v25 =	vadd.s32 $0x400, v19  }
0x313: {  	v21 =	vld.idx.msk [tilespmem:v21+s1+$0x0], $0xffff;
	v26 =	vadd.s32 $0x401, v19  }
0x314: {  	v18 =	vld.idx.msk [tilespmem:v36+s1+$0x0], $0xffff;
	v27 =	vadd.s32 $0x400, v24  }
0x315: {  	v23 =	vld.idx.msk [tilespmem:v38+s1+$0x0], $0xffff;
	v28 =	vadd.s32 $0x401, v24  }
0x316: {  	v13 =	vcvt.s32.f32 v13  }
0x317: {  	v8 =	vmul.f32 v8, v22;
	v40 =	vld.idx.msk [tilespmem:v25+s1+$0x0], $0xffff  }
0x318: {  	v7 =	vsub.f32 v7, v13;
	v41 =	vsub.f32 v21, v20;
	v17 =	vcvt.s32.f32 v17;
	v42 =	vld.idx.msk [tilespmem:v26+s1+$0x0], $0xffff  }
0x319: {  	v5 =	vadd.f32 v8, v5;
	v43 =	vld.idx.msk [tilespmem:v27+s1+$0x0], $0xffff  }
0x31a: {  	v7 =	vmul.f32 v7, v41;
	v44 =	vsub.f32 v15, v17;
	v45 =	vsub.f32 v23, v18;
	v46 =	vld.idx.msk [tilespmem:v28+s1+$0x0], $0xffff  }
0x31b: {  	[tilespmem:s0+$0x80] =	vst v5;
	v19 =	vcvt.s32.f32 v19  }
0x31c: {  	v49 =	vld [tilespmem:s31+$0xAC80];
	v47 =	vadd.f32 v7, v20;
	v48 =	vmul.f32 v44, v45  }
0x31d: {  	v50 =	vcvt.s32.f32 v24;
	v14 =	vsub.f32 v14, v19;
	v51 =	vsub.f32 v42, v40  }
0x31e: {  	[tilespmem:s6+$0x80] =	vst v47;
	v52 =	vadd.f32 v48, v18  }
0x31f: {  	v53 =	vld [tilespmem:s22+$0xAC90];
	v11 =	vsub.f32 v11, v50;
	v54 =	vsub.f32 v46, v43;
	v14 =	vmul.f32 v14, v51;
	_ =	sdelay $0x1  }
0x320: {  	v13 =	vmul.f32 v49, v0;
	[tilespmem:s5+$0x80] =	vst v52;
	v11 =	vmul.f32 v11, v54;
	v55 =	vadd.f32 v14, v40  }
0x321: {  	v16 =	vmul.f32 v16, v0;
	v56 =	vld [tilespmem:s22+$0xAC80]  }
0x322: {  	v60 =	vmin.f32 v13, $1.022999940e+03;
	v58 =	vadd.f32 v11, v43;
	[tilespmem:s8+$0x80] =	vst v55  }
0x323: {  	v57 =	vmin.f32 v16, $1.022999940e+03;
	v62 =	vtrunc.f32 v60;
	v7 =	vmul.f32 v53, v0;
	v61 =	vld [tilespmem:s7+$0xAC90]  }
0x324: {  	v59 =	vtrunc.f32 v57;
	v63 =	vcvt.f32.s32 v62;
	[tilespmem:s9+$0x80] =	vst v58  }
0x325: {  	v8 =	vcvt.f32.s32 v59;
	v7 =	vmin.f32 v7, $1.022999940e+03;
	v27 =	vld [tilespmem:s7+$0xAC80]  }
0x326: {  	v31 =	vadd.s32 $0x800, v63;
	v29 =	vtrunc.f32 v7;
	v14 =	vmul.f32 v56, v0  }
0x327: {  	v30 =	vadd.s32 $0x801, v8;
	v18 =	vcvt.f32.s32 v29  }
0x328: {  	v37 =	vadd.s32 $0x801, v63;
	v14 =	vmin.f32 v14, $1.022999940e+03;
	v13 =	vmul.f32 v61, v0  }
0x329: {  	v9 =	vld.idx.msk [tilespmem:v9+s1+$0x0], $0xffff;
	v32 =	vadd.s32 $0x800, v18;
	v33 =	vadd.s32 $0x801, v18;
	v34 =	vtrunc.f32 v14  }
0x32a: {  	v6 =	vld.idx.msk [tilespmem:v6+s1+$0x0], $0xffff;
	v23 =	vcvt.f32.s32 v34;
	v35 =	vmul.f32 v27, v0;
	v13 =	vmin.f32 v13, $1.022999940e+03  }
0x32b: {  	v20 =	vld.idx.msk [tilespmem:v31+s1+$0x0], $0xffff;
	v28 =	vadd.s32 $0x800, v8;
	v38 =	vtrunc.f32 v13  }
0x32c: {  	v19 =	vld.idx.msk [tilespmem:v30+s1+$0x0], $0xffff;
	v39 =	vadd.s32 $0x800, v23;
	v0 =	vmin.f32 v35, $1.022999940e+03;
	v24 =	vcvt.f32.s32 v38  }
0x32d: {  	v17 =	vld.idx.msk [tilespmem:v37+s1+$0x0], $0xffff;
	v40 =	vadd.s32 $0x801, v23;
	v41 =	vtrunc.f32 v0  }
0x32e: {  	v21 =	vld.idx.msk [tilespmem:v32+s1+$0x0], $0xffff;
	v27 =	vcvt.f32.s32 v41;
	v42 =	vadd.s32 $0x800, v24  }
0x32f: {  	v22 =	vld.idx.msk [tilespmem:v33+s1+$0x0], $0xffff;
	v29 =	vadd.s32 $0x801, v24  }
0x330: {  	v36 =	vld.idx.msk [tilespmem:v28+s1+$0x0], $0xffff;
	v30 =	vadd.s32 $0x800, v27  }
0x331: {  	v1 =	vadd.f32 v2, v1;
	v5 =	vcvt.s32.f32 v63;
	v25 =	vld.idx.msk [tilespmem:v39+s1+$0x0], $0xffff;
	v31 =	vadd.s32 $0x801, v27  }
0x332: {  	v4 =	vsub.f32 v4, v12;
	v6 =	vsub.f32 v6, v9;
	v18 =	vcvt.s32.f32 v18;
	v44 =	vld.idx.msk [tilespmem:v40+s1+$0x0], $0xffff  }
0x333: {  	v5 =	vsub.f32 v60, v5;
	v8 =	vcvt.s32.f32 v8;
	v52 =	vsub.f32 v17, v20;
	v45 =	vld.idx.msk [tilespmem:v42+s1+$0x0], $0xffff  }
0x334: {  	v7 =	vsub.f32 v7, v18;
	v46 =	vsub.f32 v22, v21;
	v47 =	vld.idx.msk [tilespmem:v29+s1+$0x0], $0xffff  }
0x335: {  	v4 =	vmul.f32 v4, v6;
	v8 =	vsub.f32 v57, v8;
	v57 =	vmul.f32 v5, v52;
	v48 =	vld.idx.msk [tilespmem:v30+s1+$0x0], $0xffff  }
0x336: {  	v3 =	vadd.f32 v10, v3;
	v7 =	vmul.f32 v7, v46;
	v50 =	vld.idx.msk [tilespmem:v31+s1+$0x0], $0xffff  }
0x337: {  	[tilespmem:s3+$0x100] =	vst v1;
	v4 =	vadd.f32 v4, v9;
	v1 =	vadd.f32 v57, v20;
	v53 =	vcvt.s32.f32 v23  }
0x338: {  	v43 =	vsub.f32 v19, v36;
	v7 =	vadd.f32 v7, v21;
	v51 =	vcvt.s32.f32 v24  }
0x339: {  	v58 =	vsub.f32 v14, v53;
	v56 =	vcvt.s32.f32 v27;
	v59 =	vsub.f32 v44, v25  }
0x33a: {  	[tilespmem:s29+$0x100] =	vst v3;
	v8 =	vmul.f32 v8, v43;
	v54 =	vsub.f32 v13, v51;
	v55 =	vsub.f32 v47, v45  }
0x33b: {  	[tilespmem:s30+$0x100] =	vst v4;
	v0 =	vsub.f32 v0, v56;
	v62 =	vmul.f32 v58, v59;
	v61 =	vsub.f32 v50, v48  }
0x33c: {  	[tilespmem:s0+$0x100] =	vst v1;
	v49 =	vadd.f32 v8, v36;
	v60 =	vmul.f32 v54, v55  }
0x33d: {  	[tilespmem:s6+$0x100] =	vst v7;
	v63 =	vadd.f32 v62, v25;
	v0 =	vmul.f32 v0, v61  }
0x33e: {  	[tilespmem:s4+$0x100] =	vst v49;
	v2 =	vadd.f32 v60, v45  }
0x33f: {  	[tilespmem:s5+$0x100] =	vst v63;
	v0 =	vadd.f32 v0, v48  }
0x340: {  	[tilespmem:s8+$0x100] =	vst v2  }
0x341: {  	s25 =	sadd.s32 $0x1, s25;
	s31 =	simm.s32 $0x14C80;
	[tilespmem:s9+$0x100] =	vst v0  }
0x342: {  	[hbm4b:s20+s1] =	stream.linear.scatter [tilespmem:s31], [sflag:$0x4], $0x8000, $0x38;
	[tilespmem:$0x1CC80] =	vst v63  }
0x343: {  	p0 =	sne.s32 s25, s21;
	_ =	swait.ge [sflag:s23], $0x8000  }
.Ltmp4:
0x344: {  	[sflag:s23] =	ssyncset.done $0x0;
	(pc) =	sbr.rel @p0 .LBB2_1-.Ltmp4, $4  }
0x345: {  	[sflag:s23] =	ssyncadd.s32 $0xFFFF8000  }
0x346: {  	_ =	swait.ge [sflag:s24], $0x8000  }
0x347: {  	[sflag:s24] =	ssyncset.done $0x0  }
0x348: {  	[sflag:s24] =	ssyncadd.s32 $0xFFFF8000  }
0x349: {  	_ =	sfence.sel $0x180000  }
0x34a: {  	[bflag:$0x0] =	sbarrier.arrive $0xFFFF  }
0x34b: {  	_ =	strace $0x90000047  }
0x34c: {  	s0 =	stileid.u32;
	[bflag:$0x2] =	sbarrier.arrive $0xFFFF  }
0x34d: {  	p0 =	sne.s32 s0, $0x0;
	s0 =	rddreg [dreg:$0x2]  }
0x34e: {  	s0 =	sadd.s32 @!p0 $0x100000, s0  }
0x34f: {  	[sflag:s0] =	ssyncadd.tile.s32 @!p0 $0x1;
	_ =	shalt  }
.Lfunc_end2:
_tile_overlayer_lowered:
.L_overlay_start_2:
0x350: {  	(tag) =	ssettag $0x2  }
0x351: {  	s0 =	rddreg [dreg:$0x0];
	s2 =	stileid.u32  }
0x352: {  	s1 =	rddreg [dreg:$0x1];
	p0 =	sne.s32 s2, $0x0  }
0x353: {  	s3 =	rddreg [dreg:$0x2];
	[bflag:$0x3] =	sbarrier.arrive $0xFFFF;
	s2 =	simm.s32 @!p0 $0x1C06  }
0x354: {  	[timem:s3], [sflag:s2] =	dma.local @!p0 [hbm:s0], s1  }
0x355: {  	s0 =	simm.s32 @!p0 $0x6  }
0x356: {  	_ =	swait.ge @!p0 [sflag:s0], s1  }
0x357: {  	s1 =	ssub.s32 @!p0 $0x0, s1;
	[sflag:s0] =	ssyncset.done @!p0 $0x0  }
0x358: {  	[sflag:s0] =	ssyncadd.s32 @!p0 s1  }
0x359: {  	[bflag:$0x3] =	sbarrier.arrive $0xFFFF  }
0x35a: {  	_ =	shalt  }

// kernel: kernel.8.cloned.1.call-start
scs
__scs_entry_jumppad:
0x0: {  	(pc) =	sbr.rel $0x88, $3  }
0x1: {  	(tag) =	ssettag $0x0;
	lr =	simm.s32 $0x1  }
0x2: {  	[smem:$0x3F9C] =	sst lr;
	_ =	strace $0xD0000000  }
0x3: {  	_ = 	snop  }
0x4: {  	_ = 	snop  }
0x5: {  	_ = 	snop  }
0x6: {  	_ = 	snop  }
0x7: {  	_ = 	snop  }
__scs_overlays_trampoline_lowered:
0x8: {  	[smem:$0x3FAB] =	sst s0  }
0x9: {  	[smem:$0x3FAC] =	sst s1  }
0xa: {  	[smem:$0x3FAD] =	sst s2  }
0xb: {  	[smem:$0x3FAE] =	sst s3  }
0xc: {  	[smem:$0x3FAF] =	sst s4  }
0xd: {  	[smem:$0x3FB0] =	sst s5  }
0xe: {  	[smem:$0x3FB1] =	sst s6  }
0xf: {  	[smem:$0x3FB2] =	sst s7  }
0x10: {  	[smem:$0x3FB3] =	sst s8  }
0x11: {  	[smem:$0x3FB4] =	sst s9;
	s0 =	simm.s32 @!p0 $0x0  }
0x12: {  	s1 =	sld [smem:$0x3F9A];
	s0 =	simm.s32 @p0 $0x1  }
0x13: {  	[smem:$0x3FB5] =	sst s0;
	s0 =	simm.s32 @!p1 $0x0  }
0x14: {  	s2 =	sld [smem:$0x3F99];
	s0 =	simm.s32 @p1 $0x1  }
0x15: {  	[smem:$0x3FB6] =	sst s0;
	s0 =	simm.s32 @!p2 $0x0  }
0x16: {  	s3 =	sld [smem:$0x3FDB];
	s0 =	simm.s32 @p2 $0x1  }
0x17: {  	s4 =	simm.s32 $0x1BF5;
	[smem:$0x3FB8] =	sst s0  }
0x18: {  	s0 =	sld [smem:$0x3F9B];
	_ =	swait.ge [sflag:s4], $0x0  }
0x19: {  	s7 =	sld [smem:$0x3F9C]  }
0x1a: {  	s8 =	sadd.s32 $0xFFFFE003, lr  }
0x1b: {  	s9 =	sadd.s32 $0xFFFFFEF7, lr;
	s5 =	simm.s32 $0xFFFFFFFF;
	p2 =	slt.u32 s8, $0xFFFFF086  }
0x1c: {  	p1 =	slt.u32 s9, $0xF7A;
	s5 =	simm.s32 @!p2 $0x0  }
0x1d: {  	s5 =	simm.s32 @p1 $0x1;
	p0 =	seq.s32 s7, s2  }
0x1e: {  	s7 =	smul.u32 @!p0 $0xF7A, s2;
	p2 =	seq.s32 @!p0 s5, $0x0  }
0x1f: {  	s9 =	smul.u32 $0xF7A, s1;
	s8 =	simm.s32 @!p0 $0x1BF5;
	p2 =	por !p2, p0  }
0x20: {  	[sflag:s8] =	ssyncset.s32 @!p0 $0xFFFFF086;
	s6 =	sadd.s32 @!p0 s3, s7;
	s7 =	simm.s32 @!p0 $0x108  }
0x21: {  	s3 =	sadd.s32 s3, s9;
	s6 =	sadd.s32 @!p0 $0x88, s6;
	s7 =	simm.s32 @p2 $0x1082  }
0x22: {  	[simem:s7], [sflag:s8] =	dma.local @!p0 [hbm:s6], $0xF7A  }
0x23: {  	s9 =	sor.u32 $0xD0000000, s2;
	s6 =	simm.s32 $0x108;
	_ =	swait.ge @!p0 [sflag:s8], $0x0  }
0x24: {  	s3 =	sadd.s32 $0x88, s3;
	s6 =	simm.s32 @!p1 $0x1082;
	[sflag:s4] =	ssyncset.s32 $0xFFFFF086  }
0x25: {  	[simem:s6], [sflag:s4] =	dma.local [hbm:s3], $0xF7A  }
0x26: {  	[smem:$0x3F9C] =	sst s1;
	(tag) =	ssettag s2;
	_ =	strace s9  }
0x27: {  	s1 =	sld [smem:$0x3FAC]  }
0x28: {  	s2 =	sld [smem:$0x3FAD]  }
0x29: {  	s4 =	sld [smem:$0x3FAF]  }
0x2a: {  	p0 =	seq.s32 s5, $0x0;
	s5 =	sld [smem:$0x3FB0]  }
0x2b: {  	s6 =	sld [smem:$0x3FB1]  }
0x2c: {  	s7 =	sld [smem:$0x3FB2]  }
0x2d: {  	s3 =	simm.s32 $0x108;
	s8 =	sld [smem:$0x3FB3]  }
0x2e: {  	s3 =	simm.s32 @!p0 $0x1082;
	s9 =	sld [smem:$0x3FB4]  }
0x2f: {  	lr =	sadd.s32 s0, s3;
	s0 =	sld [smem:$0x3FAB]  }
0x30: {  	s3 =	sld [smem:$0x3FAE]  }
0x31: {  	[smem:$0x3FB7] =	sst s10  }
0x32: {  	s10 =	sld [smem:$0x3FB5];
	_ =	sdelay $0x3  }
0x33: {  	p0 =	seq.s32 s10, $0x1;
	s10 =	sld [smem:$0x3FB7];
	_ =	sdelay $0x3  }
0x34: {  	[smem:$0x3FB7] =	sst s10  }
0x35: {  	s10 =	sld [smem:$0x3FB6];
	_ =	sdelay $0x3  }
0x36: {  	p1 =	seq.s32 s10, $0x1;
	s10 =	sld [smem:$0x3FB7];
	_ =	sdelay $0x3  }
0x37: {  	[smem:$0x3FB7] =	sst s10  }
0x38: {  	s10 =	sld [smem:$0x3FB8]  }
0x39: {  	_ = 	snop;
	(pc) =	sbr.ind lr, $3  }
0x3a: {  	_ = 	snop  }
0x3b: {  	_ = 	snop  }
0x3c: {  	p2 =	seq.s32 s10, $0x1;
	s10 =	sld [smem:$0x3FB7]  }
0x3d: {  	_ =	shalt  }
0x3e: {  	_ =	shalt  }
0x3f: {  	_ =	shalt  }
0x40: {  	_ =	shalt  }
0x41: {  	_ =	shalt  }
0x42: {  	_ =	shalt  }
0x43: {  	_ =	shalt  }
0x44: {  	_ =	shalt  }
0x45: {  	_ =	shalt  }
0x46: {  	_ =	shalt  }
0x47: {  	_ =	shalt  }
0x48: {  	_ =	shalt  }
0x49: {  	_ =	shalt  }
0x4a: {  	_ =	shalt  }
0x4b: {  	_ =	shalt  }
0x4c: {  	_ =	shalt  }
0x4d: {  	_ =	shalt  }
0x4e: {  	_ =	shalt  }
0x4f: {  	_ =	shalt  }
0x50: {  	_ =	shalt  }
0x51: {  	_ =	shalt  }
0x52: {  	_ =	shalt  }
0x53: {  	_ =	shalt  }
0x54: {  	_ =	shalt  }
0x55: {  	_ =	shalt  }
0x56: {  	_ =	shalt  }
0x57: {  	_ =	shalt  }
0x58: {  	_ =	shalt  }
0x59: {  	_ =	shalt  }
0x5a: {  	_ =	shalt  }
0x5b: {  	_ =	shalt  }
0x5c: {  	_ =	shalt  }
0x5d: {  	_ =	shalt  }
0x5e: {  	_ =	shalt  }
0x5f: {  	_ =	shalt  }
0x60: {  	_ =	shalt  }
0x61: {  	_ =	shalt  }
0x62: {  	_ =	shalt  }
0x63: {  	_ =	shalt  }
0x64: {  	_ =	shalt  }
0x65: {  	_ =	shalt  }
0x66: {  	_ =	shalt  }
0x67: {  	_ =	shalt  }
0x68: {  	_ =	shalt  }
0x69: {  	_ =	shalt  }
0x6a: {  	_ =	shalt  }
0x6b: {  	_ =	shalt  }
0x6c: {  	_ =	shalt  }
0x6d: {  	_ =	shalt  }
0x6e: {  	_ =	shalt  }
0x6f: {  	_ =	shalt  }
0x70: {  	_ =	shalt  }
0x71: {  	_ =	shalt  }
0x72: {  	_ =	shalt  }
0x73: {  	_ =	shalt  }
0x74: {  	_ =	shalt  }
0x75: {  	_ =	shalt  }
0x76: {  	_ =	shalt  }
0x77: {  	_ =	shalt  }
0x78: {  	_ =	shalt  }
0x79: {  	_ =	shalt  }
0x7a: {  	_ =	shalt  }
0x7b: {  	_ =	shalt  }
0x7c: {  	_ =	shalt  }
0x7d: {  	_ =	shalt  }
0x7e: {  	_ =	shalt  }
0x7f: {  	_ =	shalt  }
0x80: {  	_ =	shalt  }
0x81: {  	_ =	shalt  }
0x82: {  	_ =	shalt  }
0x83: {  	_ =	shalt  }
0x84: {  	_ =	shalt  }
0x85: {  	_ =	shalt  }
0x86: {  	_ =	shalt  }
0x87: {  	_ =	shalt  }
.Lfunc_end0:
.L_simem_size_0:
called_computation.1_lowered:
.L_overlay_start_0:
0x88: {  	s2 =	sld [smem:$0x3FD9]  }
0x89: {  	s3 =	sld [smem:$0x3FFE];
	_ =	sdelay $0x1  }
0x8a: {  	s1 =	srdreg.scid  }
0x8b: {  	s0 =	sand.u32 $0x1, s1  }
0x8c: {  	s17 =	sshll.u32 s0, $0xA;
	s2 =	sadd.s32 s3, s2  }
0x8d: {  	s2 =	sadd.s32 s2, s17  }
0x8e: {  	[smem:$0x3FC3] =	sst s2  }
0x8f: {  	_ = 	snop  }
0x90: {  	s2 =	sld [smem:$0x3FD0];
	(tm) =	ssettm $0x1  }
0x91: {  	s18 =	sld [smem:$0x3FFB];
	_ =	sdelay $0x3  }
0x92: {  	_ =	strace s18  }
0x93: {  	s3 =	sld [smem:$0x3FFC];
	_ =	sdelay $0x3  }
0x94: {  	_ =	strace s3  }
0x95: {  	s3 =	sld [smem:$0x3FFD];
	_ =	sdelay $0x3  }
0x96: {  	_ =	strace s3  }
0x97: {  	_ =	strace $0x8FFFFFFF  }
0x98: {  	s19 =	sld [smem:$0x3FDB];
	_ =	sdelay $0x1  }
0x99: {  	s4 =	simm.s32 $_scs_section_size  }
0x9a: {  	s5 =	simm.s32 $_size__tile_overlayer_lowered;
	s6 =	simm.s32 $_tile_overlayer_lowered  }
0x9b: {  	s22 =	simm.s32 $0x1BFF;
	s21 =	sshll.u32 s6, $0x1;
	s3 =	sadd.s32 s4, s19  }
0x9c: {  	s7 =	simm.s32 $0x0;
	s20 =	sshll.u32 s5, $0x1;
	s5 =	sadd.s32 s21, s3  }
0x9d: {  	[timem:s7], [sflag:s22] =	dma.local [hbm:s5], s20  }
0x9e: {  	_ =	swait.ge [sflag:s22], s20  }
0x9f: {  	s4 =	ssub.s32 $0x0, s20;
	[sflag:s22] =	ssyncset.done $0x0  }
0xa0: {  	[sflag:s22] =	ssyncadd.s32 s4;
	_ =	sdelay $0x1  }
0xa1: {  	s23 =	simm.s32 $0x1B8B  }
0xa2: {  	_ =	swait.ge [sflag:s23], $0x1  }
0xa3: {  	[sflag:s23] =	ssyncset.done $0x0  }
0xa4: {  	s25 =	simm.s32 $0x1B8E;
	s24 =	sld [smem:$0x3FFE];
	[sflag:s23] =	ssyncadd.s32 $0xFFFFFFFF  }
0xa5: {  	s26 =	simm.s32 $execute0_lowered;
	[smem:$0x3FD2] =	sst s25  }
0xa6: {  	s5 =	sshll.u32 s26, $0x1;
	_ =	strace $0x80000049;
	[dreg:$0x1] =	wrdreg $0xFFFFFFFF  }
0xa7: {  	s28 =	simm.s32 $_size_execute0_lowered;
	s3 =	sadd.s32 s3, s5;
	[dreg:$0x0] =	wrdreg $0x0  }
0xa8: {  	s5 =	sshll.u32 s28, $0x1;
	[dreg:$0x2] =	wrdreg s3  }
0xa9: {  	[dreg:$0x3] =	wrdreg s5  }
0xaa: {  	[dreg:$0x4] =	wrdreg $0xC0  }
0xab: {  	_ =	task [dreg:s7], $0x5FFFF  }
0xac: {  	[dreg:$0x1] =	wrdreg $0xFFFFFFFF  }
0xad: {  	[dreg:$0x0] =	wrdreg $0x60  }
0xae: {  	[dreg:$0x2] =	wrdreg s24  }
0xaf: {  	[dreg:$0x3] =	wrdreg s2  }
0xb0: {  	[dreg:$0x4] =	wrdreg $0x9  }
0xb1: {  	_ =	task.clear_ibuf [dreg:s7], $0x5FFFF;
	_ =	strace $0x90000049  }
0xb2: {  	s29 =	simm.s32 $0x9;
	_ =	strace $0x8000004B  }
0xb3: {  	_ =	swait.ge [sflag:s29], $0x1  }
0xb4: {  	[sflag:s29] =	ssyncadd.s32 $0xFFFFFFFF  }
0xb5: {  	_ =	strace $0x9000004B  }
0xb6: {  	_ =	sfence  }
0xb7: {  	s30 =	sld [smem:$0x0];
	_ =	sdelay $0x2  }
0xb8: {  	s31 =	sshll.u32 s1, $0xD;
	s1 =	sshrl.u32 s1, $0x2  }
0xb9: {  	s3 =	sand.u32 $0x4000, s31;
	s1 =	sadd.s32 s1, s30  }
0xba: {  	s0 =	sor.u32 s3, s0;
	s1 =	sshll.u32 s1, $0x11  }
0xbb: {  	s0 =	sor.u32 s1, s0  }
0xbc: {  	s0 =	sadd.s32 $0x8F2B, s0  }
0xbd: {  	[sflag:s0] =	ssyncadd.remote.s32 $0x1  }
0xbe: {  	_ =	sfence.sel $0xFFFF  }
0xbf: {  	[dreg:$0x0] =	wrdreg $0xFFFFFFFF;
	(pc) =	sbr.abs _section_cstart, $3  }
0xc0: {  	[dreg:$0x1] =	wrdreg $0xFFFFFFFF  }
0xc1: {  	_ =	task.clear_ibuf [dreg:s7], $0x2FFFF;
	_ =	strace $0x9FFFFFFF  }
0xc2: {  	(tm) =	ssettm $0x7FFFFFFF  }
0xc3: {  	_ =	shalt  }
tec
execute0_lowered:
.L_overlay_start_1:
0x0: {  	(tag) =	ssettag $0x1  }
0x1: {  	s0 =	rddreg [dreg:$0x0]  }
0x2: {  	s2 =	rddreg [dreg:$0x1];
	s1 =	simm.s32 $0x0  }
0x3: {  	s5 =	srdreg.scid;
	s7 =	stileid.u32;
	s28 =	simm.s32 $0x1  }
0x4: {  	[smem:$0x7FF] =	sst s1;
	s3 =	sadd.s32 $0xA1800, s0;
	s4 =	sadd.s32 $0x81800, s0  }
0x5: {  	s6 =	sadd.s32 $0x61800, s0;
	s5 =	sand.u32 $0x1, s5;
	s7 =	sshll.u32 s7, $0x1  }
0x6: {  	s8 =	sadd.s32 $0x61600, s0;
	s0 =	sadd.s32 $0x61200, s0;
	s2 =	sadd.s32 $0x80000, s2  }
0x7: {  	_ =	strace $0x8000004A;
	[dreg:$0x3] =	wrdreg s8;
	s15 =	ssub.s32 $0x2, s5  }
0x8: {  	s5 =	sor.u32 s5, s7;
	[dreg:$0x4] =	wrdreg s0;
	s16 =	sshrl.u32 s15, $0x1  }
0x9: {  	s7 =	sshll.u32 s5, $0xF;
	s17 =	sshll.u32 s5, $0xC;
	s5 =	sshll.u32 s5, $0xE  }
0xa: {  	s0 =	ssub.s32 s15, s16;
	s9 =	sor.u32 $0x2000, s7;
	s10 =	sadd.s32 s3, s17  }
0xb: {  	s18 =	sadd.s32 s4, s17;
	s8 =	sadd.s32 s6, s17;
	[dreg:$0x5] =	wrdreg s10  }
0xc: {  	s22 =	sor.u32 $0x4000, s7;
	s5 =	sadd.s32 s5, s2;
	[dreg:$0x6] =	wrdreg s18  }
0xd: {  	s7 =	sor.u32 $0x6000, s7;
	s19 =	sshrl.u32 s9, $0x3;
	[dreg:$0x7] =	wrdreg s8  }
0xe: {  	[dreg:$0xb] =	wrdreg s5;
	s23 =	sshrl.u32 s22, $0x3;
	s26 =	sshrl.u32 s9, $0x1  }
0xf: {  	s29 =	sshrl.u32 s7, $0x3;
	s30 =	sshrl.u32 s22, $0x1;
	s31 =	sshrl.u32 s7, $0x1  }
0x10: {  	s20 =	sadd.s32 s3, s19;
	s21 =	sadd.s32 s4, s19;
	s10 =	sadd.s32 s6, s19  }
0x11: {  	s24 =	sadd.s32 s3, s23;
	s25 =	sadd.s32 s4, s23;
	[dreg:$0x8] =	wrdreg s20  }
0x12: {  	s5 =	sadd.s32 s6, s23;
	s15 =	sadd.s32 s26, s2;
	[dreg:$0x9] =	wrdreg s21  }
0x13: {  	s16 =	sadd.s32 s3, s29;
	s17 =	sadd.s32 s4, s29;
	[dreg:$0xa] =	wrdreg s10  }
0x14: {  	s18 =	sadd.s32 s6, s29;
	s19 =	sadd.s32 s30, s2;
	[dreg:$0xc] =	wrdreg s24  }
0x15: {  	s26 =	simm.s32 $0x5;
	s23 =	simm.s32 $0x3;
	[dreg:$0xd] =	wrdreg s25  }
0x16: {  	[dreg:$0xe] =	wrdreg s5;
	s20 =	sadd.s32 s31, s2;
	s21 =	smax.u32 s0, $0x1  }
0x17: {  	s2 =	simm.s32 $0x2;
	s24 =	simm.s32 $0x4;
	s25 =	simm.s32 $0x0  }
.LBB2_1:
0x18: {  	s0 =	rddreg [dreg:$0x4]  }
0x19: {  	[tilespmem:s1], [sflag:$0x5] =	stream.linear.gather [hbm4b:s0+s1], $0xC00, $0x38;
	[tilespmem:$0x1CC80] =	vst v63  }
0x1a: {  	s11 =	rddreg [dreg:$0x3];
	s3 =	simm.s32 $0xC00  }
0x1b: {  	[tilespmem:s3], [sflag:$0x5] =	stream.linear.gather [hbm4b:s11+s1], $0x80, $0x38;
	[tilespmem:$0x1CC80] =	vst v63  }
0x1c: {  	s12 =	rddreg [dreg:$0x5];
	s13 =	simm.s32 $0xC80  }
0x1d: {  	[tilespmem:s13], [sflag:$0x1] =	stream.linear.gather [hbm4b:s12+s1], $0x2000, $0x38;
	[tilespmem:$0x1CC80] =	vst v63  }
0x1e: {  	s14 =	rddreg [dreg:$0x6];
	s22 =	simm.s32 $0x2C80  }
0x1f: {  	[tilespmem:s22], [sflag:$0x1] =	stream.linear.gather [hbm4b:s14+s1], $0x2000, $0x38;
	[tilespmem:$0x1CC80] =	vst v63  }
0x20: {  	s4 =	simm.s32 $0x4C80;
	s3 =	rddreg [dreg:$0x7]  }
0x21: {  	[tilespmem:s4], [sflag:$0x1] =	stream.linear.gather [hbm4b:s3+s1], $0x2000, $0x38;
	[tilespmem:$0x1CC80] =	vst v63  }
0x22: {  	_ =	swait.ge [sflag:s26], $0xC00  }
0x23: {  	[sflag:s26] =	ssyncset.done $0x0  }
0x24: {  	[sflag:s26] =	ssyncadd.s32 $0xFFFFF400  }
0x25: {  	_ =	swait.ge [sflag:s26], $0x80  }
0x26: {  	[sflag:s26] =	ssyncset.done $0x0  }
0x27: {  	[sflag:s26] =	ssyncadd.s32 $0xFFFFFF80  }
0x28: {  	v0 =	vld [tilespmem:$0xC00];
	_ =	swait.ge [sflag:s28], $0x2000  }
0x29: {  	[sflag:s28] =	ssyncset.done $0x0  }
0x2a: {  	[sflag:s28] =	ssyncadd.s32 $0xFFFFE000  }
0x2b: {  	_ =	swait.ge [sflag:s28], $0x2000  }
0x2c: {  	[sflag:s28] =	ssyncset.done $0x0  }
0x2d: {  	[sflag:s28] =	ssyncadd.s32 $0xFFFFE000  }
0x2e: {  	_ =	swait.ge [sflag:s28], $0x2000  }
0x2f: {  	[sflag:s28] =	ssyncset.done $0x0  }
0x30: {  	s6 =	simm.s32 $0x6C80;
	s5 =	rddreg [dreg:$0x8];
	[sflag:s28] =	ssyncadd.s32 $0xFFFFE000  }
0x31: {  	[tilespmem:s6], [sflag:$0x2] =	stream.linear.gather [hbm4b:s5+s1], $0x2000, $0x38;
	[tilespmem:$0x1CC80] =	vst v63  }
0x32: {  	s8 =	simm.s32 $0x8C80;
	s7 =	rddreg [dreg:$0x9]  }
0x33: {  	[tilespmem:s8], [sflag:$0x2] =	stream.linear.gather [hbm4b:s7+s1], $0x2000, $0x38;
	[tilespmem:$0x1CC80] =	vst v63  }
0x34: {  	s10 =	simm.s32 $0xAC80;
	s11 =	simm.s32 $0x0;
	s9 =	rddreg [dreg:$0xa]  }
0x35: {  	[tilespmem:s10], [sflag:$0x2] =	stream.linear.gather [hbm4b:s9+s1], $0x2000, $0x38;
	[tilespmem:$0x1CC80] =	vst v63  }
0x36: {  	v1 =	vld [tilespmem:s11+$0xC90];
	_ =	sdelay $0x2  }
0x37: {  	v0 =	vmul.f32 $1.023000000e+03, v0;
	_ =	sdelay $0x1  }
0x38: {  	v1 =	vmul.f32 v1, v0  }
0x39: {  	v2 =	vld [tilespmem:s11+$0xC80]  }
0x3a: {  	v1 =	vmin.f32 v1, $1.022999940e+03  }
0x3b: {  	v3 =	vtrunc.f32 v1  }
0x3c: {  	v3 =	vcvt.f32.s32 v3;
	_ =	sdelay $0x1  }
0x3d: {  	v2 =	vmul.f32 v2, v0;
	v4 =	vadd.s32 $0x1, v3;
	_ =	sdelay $0x1  }
0x3e: {  	v2 =	vmin.f32 v2, $1.022999940e+03  }
0x3f: {  	v5 =	vtrunc.f32 v2  }
0x40: {  	v5 =	vcvt.f32.s32 v5;
	v6 =	vld.idx.msk [tilespmem:v3+s1+$0x0], $0xffff  }
0x41: {  	v4 =	vld.idx.msk [tilespmem:v4+s1+$0x0], $0xffff  }
0x42: {  	v7 =	vadd.s32 $0x1, v5;
	_ =	sdelay $0x1  }
0x43: {  	v3 =	vcvt.s32.f32 v3  }
0x44: {  	s5 =	simm.s32 $0x20  }
0x45: {  	v8 =	vld [tilespmem:s5+$0xC90];
	v1 =	vsub.f32 v1, v3;
	v3 =	vsub.f32 v4, v6  }
0x46: {  	v4 =	vld.idx.msk [tilespmem:v7+s1+$0x0], $0xffff  }
0x47: {  	v7 =	vld.idx.msk [tilespmem:v5+s1+$0x0], $0xffff;
	v1 =	vmul.f32 v1, v3  }
0x48: {  	s12 =	simm.s32 $0x10;
	s4 =	sand.u32 $0x7E00, s1  }
0x49: {  	s3 =	sand.u32 $0x70, s12;
	s4 =	sadd.s32 $0xCC80, s4;
	v1 =	vadd.f32 v1, v6  }
0x4a: {  	s8 =	sor.u32 s3, s4;
	v5 =	vcvt.s32.f32 v5;
	v3 =	vld [tilespmem:s5+$0xC80];
	v6 =	vmul.f32 v8, v0  }
0x4b: {  	[tilespmem:s8+$0x0] =	vst v1  }
0x4c: {  	v1 =	vsub.f32 v2, v5;
	v2 =	vsub.f32 v4, v7;
	v4 =	vmin.f32 v6, $1.022999940e+03;
	v5 =	vld [tilespmem:s11+$0x2C90]  }
0x4d: {  	v6 =	vtrunc.f32 v4  }
0x4e: {  	v1 =	vmul.f32 v1, v2;
	v2 =	vcvt.f32.s32 v6  }
0x4f: {  	s13 =	simm.s32 $0x0;
	v3 =	vmul.f32 v3, v0  }
0x50: {  	s3 =	sand.u32 $0x60, s13;
	v1 =	vadd.f32 v1, v7;
	v7 =	vadd.s32 $0x1, v2  }
0x51: {  	s3 =	sor.u32 s3, s4;
	v3 =	vmin.f32 v3, $1.022999940e+03;
	v5 =	vmul.f32 v5, v0  }
0x52: {  	v6 =	vtrunc.f32 v3;
	[tilespmem:s3+$0x0] =	vst v1  }
0x53: {  	v6 =	vcvt.f32.s32 v6;
	v1 =	vld [tilespmem:s11+$0x2C80];
	v5 =	vmin.f32 v5, $1.022999940e+03  }
0x54: {  	v9 =	vld.idx.msk [tilespmem:v2+s1+$0x0], $0xffff;
	v10 =	vtrunc.f32 v5  }
0x55: {  	v8 =	vadd.s32 $0x1, v6;
	v7 =	vld.idx.msk [tilespmem:v7+s1+$0x0], $0xffff;
	v10 =	vcvt.f32.s32 v10;
	_ =	sdelay $0x1  }
0x56: {  	s31 =	simm.s32 $0x40;
	v11 =	vadd.s32 $0x400, v10  }
0x57: {  	v13 =	vld [tilespmem:s31+$0xC90];
	v2 =	vcvt.s32.f32 v2;
	v12 =	vadd.s32 $0x401, v10  }
0x58: {  	v14 =	vld.idx.msk [tilespmem:v6+s1+$0x0], $0xffff;
	v1 =	vmul.f32 v1, v0  }
0x59: {  	v2 =	vsub.f32 v4, v2;
	v8 =	vld.idx.msk [tilespmem:v8+s1+$0x0], $0xffff;
	v4 =	vsub.f32 v7, v9  }
0x5a: {  	v1 =	vmin.f32 v1, $1.022999940e+03;
	v7 =	vld [tilespmem:s31+$0xC80]  }
0x5b: {  	s14 =	simm.s32 $0x80;
	v15 =	vtrunc.f32 v1;
	v2 =	vmul.f32 v2, v4;
	v11 =	vld.idx.msk [tilespmem:v11+s1+$0x0], $0xffff  }
0x5c: {  	s6 =	simm.s32 $0x30;
	s4 =	sand.u32 $0x7E00, s14;
	v4 =	vcvt.s32.f32 v6;
	v6 =	vcvt.f32.s32 v15;
	v12 =	vld.idx.msk [tilespmem:v12+s1+$0x0], $0xffff  }
0x5d: {  	s6 =	sand.u32 $0x70, s6;
	s4 =	sadd.s32 $0xCC80, s4;
	v13 =	vmul.f32 v13, v0;
	v2 =	vadd.f32 v2, v9  }
0x5e: {  	s29 =	sor.u32 s6, s4;
	v3 =	vsub.f32 v3, v4;
	v4 =	vsub.f32 v8, v14;
	v8 =	vadd.s32 $0x400, v6  }
0x5f: {  	v9 =	vmin.f32 v13, $1.022999940e+03;
	v7 =	vmul.f32 v7, v0;
	[tilespmem:s29+$0x0] =	vst v2;
	v2 =	vcvt.s32.f32 v10  }
0x60: {  	v10 =	vadd.s32 $0x401, v6;
	v3 =	vmul.f32 v3, v4;
	v4 =	vtrunc.f32 v9  }
0x61: {  	s22 =	simm.s32 $0x20;
	v13 =	vld [tilespmem:s5+$0x2C90];
	v4 =	vcvt.f32.s32 v4;
	v2 =	vsub.f32 v5, v2;
	v5 =	vsub.f32 v12, v11  }
0x62: {  	s6 =	sand.u32 $0x60, s22;
	v7 =	vmin.f32 v7, $1.022999940e+03;
	v3 =	vadd.f32 v3, v14  }
0x63: {  	s30 =	sor.u32 s6, s4;
	v12 =	vtrunc.f32 v7;
	v2 =	vmul.f32 v2, v5  }
0x64: {  	v5 =	vld.idx.msk [tilespmem:v8+s1+$0x0], $0xffff;
	[tilespmem:s30+$0x0] =	vst v3;
	v3 =	vcvt.f32.s32 v12;
	v8 =	vadd.s32 $0x1, v4  }
0x65: {  	v12 =	vld [tilespmem:s5+$0x2C80];
	v2 =	vadd.f32 v2, v11  }
0x66: {  	v10 =	vld.idx.msk [tilespmem:v10+s1+$0x0], $0xffff;
	v13 =	vmul.f32 v13, v0;
	v11 =	vadd.s32 $0x1, v3  }
0x67: {  	v14 =	vld.idx.msk [tilespmem:v4+s1+$0x0], $0xffff;
	[tilespmem:s8+$0x80] =	vst v2  }
0x68: {  	v13 =	vmin.f32 v13, $1.022999940e+03;
	v15 =	vld [tilespmem:s11+$0x4C90]  }
0x69: {  	v6 =	vcvt.s32.f32 v6;
	v2 =	vtrunc.f32 v13;
	v8 =	vld.idx.msk [tilespmem:v8+s1+$0x0], $0xffff  }
0x6a: {  	v4 =	vcvt.s32.f32 v4;
	v2 =	vcvt.f32.s32 v2  }
0x6b: {  	s22 =	simm.s32 $0x60;
	v1 =	vsub.f32 v1, v6;
	v16 =	vcvt.s32.f32 v3;
	v6 =	vld.idx.msk [tilespmem:v11+s1+$0x0], $0xffff;
	v11 =	vmul.f32 v12, v0  }
0x6c: {  	v18 =	vld [tilespmem:s22+$0xC90];
	v4 =	vsub.f32 v9, v4;
	v10 =	vsub.f32 v10, v5;
	v12 =	vadd.s32 $0x400, v2  }
0x6d: {  	v3 =	vld.idx.msk [tilespmem:v3+s1+$0x0], $0xffff;
	v17 =	vadd.s32 $0x401, v2;
	v11 =	vmin.f32 v11, $1.022999940e+03;
	v15 =	vmul.f32 v15, v0  }
0x6e: {  	v1 =	vmul.f32 v1, v10;
	v19 =	vtrunc.f32 v11;
	v8 =	vsub.f32 v8, v14  }
0x6f: {  	v10 =	vcvt.f32.s32 v19;
	v9 =	vmin.f32 v15, $1.022999940e+03  }
0x70: {  	s7 =	simm.s32 $0x100;
	v20 =	vld [tilespmem:s22+$0xC80];
	v1 =	vadd.f32 v1, v5;
	v4 =	vmul.f32 v4, v8;
	v15 =	vtrunc.f32 v9  }
0x71: {  	s9 =	simm.s32 $0x50;
	s4 =	sand.u32 $0x7E00, s7;
	v7 =	vsub.f32 v7, v16;
	v16 =	vmul.f32 v18, v0;
	v12 =	vld.idx.msk [tilespmem:v12+s1+$0x0], $0xffff;
	v8 =	vcvt.f32.s32 v15  }
0x72: {  	s10 =	sand.u32 $0x70, s9;
	s7 =	sadd.s32 $0xCC80, s4;
	v6 =	vsub.f32 v6, v3;
	[tilespmem:s3+$0x80] =	vst v1;
	v5 =	vld.idx.msk [tilespmem:v17+s1+$0x0], $0xffff;
	v15 =	vadd.s32 $0x400, v10;
	v4 =	vadd.f32 v4, v14  }
0x73: {  	s4 =	sor.u32 s10, s7;
	v16 =	vmin.f32 v16, $1.022999940e+03;
	v2 =	vcvt.s32.f32 v2;
	v17 =	vld [tilespmem:s11+$0x4C80];
	v1 =	vadd.s32 $0x800, v8  }
0x74: {  	v6 =	vmul.f32 v7, v6;
	v7 =	vtrunc.f32 v16;
	v18 =	vadd.s32 $0x801, v8;
	[tilespmem:s4+$0x0] =	vst v4  }
0x75: {  	s11 =	simm.s32 $0x40;
	v14 =	vmul.f32 v20, v0;
	v7 =	vcvt.f32.s32 v7;
	v4 =	vadd.s32 $0x401, v10;
	v19 =	vld [tilespmem:s31+$0x2C90]  }
0x76: {  	v2 =	vsub.f32 v13, v2;
	s0 =	sand.u32 $0x60, s11;
	v3 =	vadd.f32 v6, v3  }
0x77: {  	s0 =	sor.u32 s0, s7;
	v10 =	vcvt.s32.f32 v10;
	v13 =	vmin.f32 v14, $1.022999940e+03;
	v5 =	vsub.f32 v5, v12;
	v6 =	vld.idx.msk [tilespmem:v15+s1+$0x0], $0xffff  }
0x78: {  	v14 =	vtrunc.f32 v13;
	[tilespmem:s0+$0x0] =	vst v3;
	v3 =	vmul.f32 v17, v0;
	v1 =	vld.idx.msk [tilespmem:v1+s1+$0x0], $0xffff  }
0x79: {  	v10 =	vsub.f32 v11, v10;
	v2 =	vmul.f32 v2, v5;
	v5 =	vcvt.f32.s32 v14;
	v14 =	vld.idx.msk [tilespmem:v18+s1+$0x0], $0xffff  }
0x7a: {  	v15 =	vadd.s32 $0x1, v7;
	v3 =	vmin.f32 v3, $1.022999940e+03;
	v4 =	vld.idx.msk [tilespmem:v4+s1+$0x0], $0xffff;
	v17 =	vmul.f32 v19, v0  }
0x7b: {  	v20 =	vld.idx.msk [tilespmem:v7+s1+$0x0], $0xffff;
	v7 =	vcvt.s32.f32 v7;
	v2 =	vadd.f32 v2, v12;
	v18 =	vcvt.s32.f32 v5  }
0x7c: {  	v11 =	vld [tilespmem:s31+$0x2C80];
	v12 =	vadd.s32 $0x1, v5;
	v19 =	vtrunc.f32 v3;
	v17 =	vmin.f32 v17, $1.022999940e+03  }
0x7d: {  	[tilespmem:s29+$0x80] =	vst v2;
	v2 =	vcvt.s32.f32 v8;
	v13 =	vsub.f32 v13, v18;
	v18 =	vtrunc.f32 v17  }
0x7e: {  	v8 =	vcvt.f32.s32 v19;
	v19 =	vld [tilespmem:s5+$0x4C90];
	v18 =	vcvt.f32.s32 v18  }
0x7f: {  	v15 =	vld.idx.msk [tilespmem:v15+s1+$0x0], $0xffff;
	v2 =	vsub.f32 v9, v2;
	v9 =	vsub.f32 v14, v1  }
0x80: {  	v7 =	vsub.f32 v16, v7;
	v4 =	vsub.f32 v4, v6;
	v22 =	vadd.s32 $0x400, v18  }
0x81: {  	v11 =	vmul.f32 v11, v0;
	v5 =	vld.idx.msk [tilespmem:v5+s1+$0x0], $0xffff;
	v2 =	vmul.f32 v2, v9;
	v9 =	vadd.s32 $0x401, v18  }
0x82: {  	s7 =	simm.s32 $0x80;
	v14 =	vadd.s32 $0x800, v8;
	v21 =	vadd.s32 $0x801, v8;
	v12 =	vld.idx.msk [tilespmem:v12+s1+$0x0], $0xffff;
	v4 =	vmul.f32 v10, v4  }
0x83: {  	v24 =	vld [tilespmem:s7+$0xC80];
	v8 =	vcvt.s32.f32 v8;
	v23 =	vmin.f32 v11, $1.022999940e+03;
	v11 =	vmul.f32 v19, v0  }
0x84: {  	v10 =	vtrunc.f32 v23;
	v15 =	vsub.f32 v15, v20;
	v19 =	vld [tilespmem:s7+$0xC90];
	v4 =	vadd.f32 v4, v6  }
0x85: {  	v10 =	vcvt.f32.s32 v10;
	v26 =	vadd.f32 v2, v1;
	v25 =	vmin.f32 v11, $1.022999940e+03;
	v2 =	vld.idx.msk [tilespmem:v22+s1+$0x0], $0xffff  }
0x86: {  	s12 =	simm.s32 $0x180;
	v6 =	vmul.f32 v7, v15;
	[tilespmem:s30+$0x80] =	vst v4;
	v1 =	vtrunc.f32 v25;
	v9 =	vld.idx.msk [tilespmem:v9+s1+$0x0], $0xffff  }
0x87: {  	s9 =	simm.s32 $0x70;
	s6 =	sand.u32 $0x7E00, s12;
	v7 =	vsub.f32 v12, v5;
	v4 =	vadd.s32 $0x400, v10;
	v16 =	vld [tilespmem:s5+$0x4C80];
	v12 =	vcvt.f32.s32 v1  }
0x88: {  	s13 =	sand.u32 $0x70, s9;
	s10 =	sadd.s32 $0xCC80, s6;
	v15 =	vcvt.s32.f32 v10;
	v6 =	vadd.f32 v6, v20;
	v1 =	vld.idx.msk [tilespmem:v14+s1+$0x0], $0xffff;
	v14 =	vmul.f32 v24, v0  }
0x89: {  	s6 =	sor.u32 s13, s10;
	v7 =	vmul.f32 v13, v7;
	v11 =	vmul.f32 v19, v0;
	v19 =	vadd.s32 $0x800, v12  }
0x8a: {  	v10 =	vadd.s32 $0x401, v10;
	v20 =	vld.idx.msk [tilespmem:v21+s1+$0x0], $0xffff;
	[tilespmem:s6+$0x0] =	vst v6;
	v6 =	vcvt.s32.f32 v18;
	v13 =	vadd.s32 $0x801, v12  }
0x8b: {  	v18 =	vmin.f32 v14, $1.022999940e+03;
	v21 =	vld [tilespmem:s22+$0x2C90];
	v7 =	vadd.f32 v7, v5;
	v11 =	vmin.f32 v11, $1.022999940e+03  }
0x8c: {  	s14 =	simm.s32 $0x60;
	v6 =	vsub.f32 v17, v6;
	v5 =	vld.idx.msk [tilespmem:v4+s1+$0x0], $0xffff;
	v14 =	vtrunc.f32 v11;
	v4 =	vsub.f32 v9, v2  }
0x8d: {  	s5 =	sand.u32 $0x60, s14;
	v22 =	vsub.f32 v3, v8;
	v16 =	vmul.f32 v16, v0;
	v14 =	vcvt.f32.s32 v14  }
0x8e: {  	v8 =	vsub.f32 v23, v15;
	s5 =	sor.u32 s5, s10;
	v9 =	vtrunc.f32 v18;
	v6 =	vmul.f32 v6, v4;
	v3 =	vld.idx.msk [tilespmem:v19+s1+$0x0], $0xffff  }
0x8f: {  	[tilespmem:s5+$0x0] =	vst v7;
	v15 =	vcvt.f32.s32 v9;
	v4 =	vmin.f32 v16, $1.022999940e+03;
	v9 =	vld.idx.msk [tilespmem:v13+s1+$0x0], $0xffff;
	v19 =	vadd.s32 $0x1, v14  }
0x90: {  	v23 =	vld [tilespmem:s22+$0x2C80];
	v13 =	vsub.f32 v20, v1;
	v7 =	vmul.f32 v21, v0;
	v2 =	vadd.f32 v6, v2  }
0x91: {  	v20 =	vadd.s32 $0x1, v15;
	v21 =	vld.idx.msk [tilespmem:v10+s1+$0x0], $0xffff;
	v10 =	vtrunc.f32 v4;
	v6 =	vcvt.s32.f32 v15  }
0x92: {  	v27 =	vcvt.f32.s32 v10;
	v10 =	vcvt.s32.f32 v12;
	v7 =	vmin.f32 v7, $1.022999940e+03;
	[tilespmem:s4+$0x80] =	vst v2  }
0x93: {  	v18 =	vsub.f32 v18, v6;
	v6 =	vtrunc.f32 v7;
	v2 =	vmul.f32 v22, v13;
	v16 =	vld [tilespmem:s31+$0x4C90]  }
0x94: {  	v10 =	vsub.f32 v25, v10;
	v17 =	vld.idx.msk [tilespmem:v14+s1+$0x0], $0xffff;
	v13 =	vcvt.f32.s32 v6;
	v12 =	vsub.f32 v9, v3  }
0x95: {  	v25 =	vmul.f32 v23, v0;
	v6 =	vadd.s32 $0x801, v27;
	v24 =	vld.idx.msk [tilespmem:v19+s1+$0x0], $0xffff;
	v9 =	vadd.s32 $0x800, v27  }
0x96: {  	v23 =	vld.idx.msk [tilespmem:v20+s1+$0x0], $0xffff;
	v22 =	vsub.f32 v21, v5;
	v20 =	vadd.s32 $0x400, v13;
	v10 =	vmul.f32 v10, v12  }
0x97: {  	s11 =	simm.s32 $0x280;
	[tilespmem:s8+$0x100] =	vst v26;
	s8 =	simm.s32 $0x8;
	s10 =	simm.s32 $0x200;
	v19 =	vld.idx.msk [tilespmem:v15+s1+$0x0], $0xffff;
	v15 =	vmin.f32 v25, $1.022999940e+03;
	v21 =	vadd.s32 $0x401, v13;
	v12 =	vcvt.s32.f32 v27  }
.LBB2_2:
0x98: {  	s12 =	sshra.s32 s11, $0x2;
	v14 =	vcvt.s32.f32 v14;
	v16 =	vmul.f32 v16, v0;
	v3 =	vadd.f32 v10, v3  }
0x99: {  	v25 =	vtrunc.f32 v15;
	v8 =	vmul.f32 v8, v22;
	v10 =	vld [tilespmem:s12+$0xC90];
	v12 =	vsub.f32 v4, v12  }
0x9a: {  	v4 =	vld [tilespmem:s12+$0xC80];
	v11 =	vsub.f32 v11, v14;
	v14 =	vsub.f32 v24, v17;
	v22 =	vmin.f32 v16, $1.022999940e+03;
	[tilespmem:s29+$0x100] =	vst v3;
	s29 =	smov.u32 s4;
	s4 =	smov.u32 s6  }
0x9b: {  	s8 =	sadd.s32 $0x2, s8;
	v3 =	vcvt.f32.s32 v25;
	v5 =	vadd.f32 v8, v5;
	v16 =	vld.idx.msk [tilespmem:v20+s1+$0x0], $0xffff;
	v8 =	vtrunc.f32 v22  }
0x9c: {  	p0 =	slt.u32 s8, $0x1FE;
	v20 =	vsub.f32 v23, v19;
	v11 =	vmul.f32 v11, v14;
	v21 =	vld.idx.msk [tilespmem:v21+s1+$0x0], $0xffff;
	v23 =	vcvt.f32.s32 v8  }
0x9d: {  	s9 =	sadd.s32 $0x20, s9;
	s6 =	sand.u32 $0x7E00, s10;
	s10 =	smov.u32 s11;
	v8 =	vcvt.s32.f32 v3;
	v24 =	vadd.s32 $0x400, v3;
	v25 =	vadd.s32 $0x401, v3;
	[tilespmem:s0+$0x80] =	vst v5;
	v9 =	vld.idx.msk [tilespmem:v9+s1+$0x0], $0xffff  }
0x9e: {  	s13 =	sadd.s32 $0xFFFFFFF0, s9;
	s14 =	sadd.s32 $0xCC80, s6;
	s6 =	sand.u32 $0x70, s9;
	v3 =	vmul.f32 v10, v0;
	v5 =	vadd.f32 v11, v17;
	v10 =	vld [tilespmem:s31+$0x4C80];
	v17 =	vadd.s32 $0x800, v23  }
0x9f: {  	s13 =	sand.u32 $0x60, s13;
	s6 =	sor.u32 s6, s14;
	v14 =	vmul.f32 v18, v20;
	v18 =	vadd.s32 $0x801, v23;
	s31 =	smov.u32 s22;
	v4 =	vmul.f32 v4, v0;
	v6 =	vld.idx.msk [tilespmem:v6+s1+$0x0], $0xffff  }
0xa0: {  	s13 =	sor.u32 s13, s14;
	v8 =	vsub.f32 v15, v8;
	s22 =	smov.u32 s7;
	s7 =	smov.u32 s12;
	v11 =	vmin.f32 v3, $1.022999940e+03;
	[tilespmem:s6+$0x0] =	vst v5;
	v3 =	vcvt.s32.f32 v13  }
0xa1: {  	v15 =	vadd.f32 v14, v19;
	v13 =	vmin.f32 v4, $1.022999940e+03;
	v4 =	vtrunc.f32 v11;
	v19 =	vld [tilespmem:s22+$0x2C90]  }
0xa2: {  	v14 =	vcvt.f32.s32 v4;
	v5 =	vld.idx.msk [tilespmem:v24+s1+$0x0], $0xffff;
	v4 =	vsub.f32 v7, v3;
	v7 =	vsub.f32 v21, v16  }
0xa3: {  	v2 =	vadd.f32 v2, v1;
	v20 =	vtrunc.f32 v13;
	[tilespmem:s13+$0x0] =	vst v15;
	v10 =	vmul.f32 v10, v0;
	v3 =	vld.idx.msk [tilespmem:v17+s1+$0x0], $0xffff  }
0xa4: {  	v1 =	vmov v9;
	v15 =	vcvt.f32.s32 v20;
	v7 =	vmul.f32 v4, v7;
	v20 =	vld.idx.msk [tilespmem:v18+s1+$0x0], $0xffff  }
0xa5: {  	v9 =	vadd.s32 $0x1, v14;
	v6 =	vsub.f32 v6, v1;
	v21 =	vld [tilespmem:s22+$0x2C80];
	v4 =	vmin.f32 v10, $1.022999940e+03;
	[tilespmem:s3+$0x100] =	vst v2;
	s3 =	smov.u32 s30;
	s30 =	smov.u32 s0;
	s0 =	smov.u32 s5  }
0xa6: {  	v10 =	vadd.s32 $0x1, v15;
	s5 =	smov.u32 s13;
	v2 =	vmul.f32 v19, v0;
	v25 =	vld.idx.msk [tilespmem:v25+s1+$0x0], $0xffff;
	v16 =	vadd.f32 v7, v16  }
0xa7: {  	v18 =	vcvt.s32.f32 v15;
	v19 =	vtrunc.f32 v4  }
0xa8: {  	v26 =	vcvt.f32.s32 v19;
	v19 =	vcvt.s32.f32 v23;
	v17 =	vld.idx.msk [tilespmem:v14+s1+$0x0], $0xffff;
	v7 =	vmin.f32 v2, $1.022999940e+03;
	[tilespmem:s4+$0x80] =	vst v16  }
.Ltmp0:
0xa9: {  	v18 =	vsub.f32 v13, v18;
	v2 =	vmul.f32 v12, v6;
	v13 =	vtrunc.f32 v7;
	v16 =	vld [tilespmem:s31+$0x4C90];
	(pc) =	sbr.rel @p0 .LBB2_2-.Ltmp0, $4  }
0xaa: {  	v12 =	vsub.f32 v22, v19;
	v27 =	vsub.f32 v20, v3;
	v24 =	vld.idx.msk [tilespmem:v9+s1+$0x0], $0xffff;
	v13 =	vcvt.f32.s32 v13  }
0xab: {  	v6 =	vadd.s32 $0x801, v26;
	v21 =	vmul.f32 v21, v0;
	v9 =	vadd.s32 $0x800, v26;
	v23 =	vld.idx.msk [tilespmem:v10+s1+$0x0], $0xffff  }
0xac: {  	v22 =	vsub.f32 v25, v5;
	v10 =	vmul.f32 v12, v27;
	v19 =	vld.idx.msk [tilespmem:v15+s1+$0x0], $0xffff;
	v20 =	vadd.s32 $0x400, v13  }
0xad: {  	s11 =	sadd.s32 $0x80, s11;
	v12 =	vcvt.s32.f32 v26;
	v15 =	vmin.f32 v21, $1.022999940e+03;
	v21 =	vadd.s32 $0x401, v13  }
0xae: {  	v14 =	vcvt.s32.f32 v14;
	_ =	sdelay $0x1  }
0xaf: {  	v11 =	vsub.f32 v11, v14;
	v14 =	vsub.f32 v24, v17;
	_ =	sdelay $0x1  }
0xb0: {  	v23 =	vsub.f32 v23, v19;
	v11 =	vmul.f32 v11, v14  }
0xb1: {  	s8 =	sand.u32 $0x7E00, s10;
	s9 =	sadd.s32 $0x20, s9  }
0xb2: {  	s10 =	sadd.s32 $0xCC80, s8;
	s14 =	sand.u32 $0x70, s9;
	v14 =	vmul.f32 v18, v23;
	v11 =	vadd.f32 v11, v17  }
0xb3: {  	s9 =	sadd.s32 $0xFFFFFFF0, s9;
	s8 =	sor.u32 s14, s10  }
0xb4: {  	s9 =	sand.u32 $0x60, s9;
	[tilespmem:s8+$0x0] =	vst v11;
	v11 =	vadd.f32 v14, v19  }
0xb5: {  	s9 =	sor.u32 s9, s10;
	v14 =	vld [tilespmem:s7+$0x2C90]  }
0xb6: {  	[tilespmem:s9+$0x0] =	vst v11  }
0xb7: {  	v17 =	vtrunc.f32 v15;
	v11 =	vld [tilespmem:s7+$0x2C80]  }
0xb8: {  	v17 =	vcvt.f32.s32 v17;
	_ =	sdelay $0x1  }
0xb9: {  	v18 =	vadd.s32 $0x400, v17;
	v14 =	vmul.f32 v14, v0  }
0xba: {  	v23 =	vadd.s32 $0x401, v17  }
0xbb: {  	v20 =	vld.idx.msk [tilespmem:v20+s1+$0x0], $0xffff;
	v14 =	vmin.f32 v14, $1.022999940e+03;
	v11 =	vmul.f32 v11, v0  }
0xbc: {  	v21 =	vld.idx.msk [tilespmem:v21+s1+$0x0], $0xffff;
	v19 =	vtrunc.f32 v14  }
0xbd: {  	v19 =	vcvt.f32.s32 v19;
	v11 =	vmin.f32 v11, $1.022999940e+03  }
0xbe: {  	v18 =	vld.idx.msk [tilespmem:v18+s1+$0x0], $0xffff;
	v24 =	vtrunc.f32 v11  }
0xbf: {  	v13 =	vcvt.s32.f32 v13;
	v23 =	vld.idx.msk [tilespmem:v23+s1+$0x0], $0xffff;
	v25 =	vadd.s32 $0x400, v19;
	v24 =	vcvt.f32.s32 v24  }
0xc0: {  	v8 =	vmul.f32 v8, v22;
	v26 =	vadd.s32 $0x401, v19  }
0xc1: {  	v7 =	vsub.f32 v7, v13;
	v13 =	vsub.f32 v21, v20;
	v27 =	vadd.s32 $0x400, v24  }
0xc2: {  	v17 =	vcvt.s32.f32 v17;
	v28 =	vadd.s32 $0x401, v24  }
0xc3: {  	v5 =	vadd.f32 v8, v5;
	v7 =	vmul.f32 v7, v13  }
0xc4: {  	v15 =	vsub.f32 v15, v17;
	v13 =	vsub.f32 v23, v18;
	v22 =	vld.idx.msk [tilespmem:v25+s1+$0x0], $0xffff  }
0xc5: {  	[tilespmem:s0+$0x80] =	vst v5;
	v5 =	vadd.f32 v7, v20;
	v21 =	vld.idx.msk [tilespmem:v26+s1+$0x0], $0xffff  }
0xc6: {  	v7 =	vmul.f32 v15, v13;
	v8 =	vld.idx.msk [tilespmem:v27+s1+$0x0], $0xffff  }
0xc7: {  	[tilespmem:s6+$0x80] =	vst v5;
	v17 =	vld.idx.msk [tilespmem:v28+s1+$0x0], $0xffff  }
0xc8: {  	v19 =	vcvt.s32.f32 v19;
	v5 =	vadd.f32 v7, v18;
	v7 =	vld [tilespmem:s22+$0x4C90];
	_ =	sdelay $0x1  }
0xc9: {  	v13 =	vld [tilespmem:s31+$0x4C80];
	v15 =	vcvt.s32.f32 v24;
	v14 =	vsub.f32 v14, v19;
	v19 =	vsub.f32 v21, v22;
	_ =	sdelay $0x1  }
0xca: {  	v11 =	vsub.f32 v11, v15;
	v14 =	vmul.f32 v14, v19;
	v15 =	vsub.f32 v17, v8  }
0xcb: {  	v7 =	vmul.f32 v7, v0  }
0xcc: {  	[tilespmem:s5+$0x80] =	vst v5;
	v5 =	vadd.f32 v14, v22;
	v11 =	vmul.f32 v11, v15  }
0xcd: {  	v16 =	vmul.f32 v16, v0;
	v13 =	vmul.f32 v13, v0;
	v7 =	vmin.f32 v7, $1.022999940e+03;
	v14 =	vld [tilespmem:s22+$0x4C80]  }
0xce: {  	v18 =	vtrunc.f32 v7;
	[tilespmem:s8+$0x80] =	vst v5;
	v5 =	vadd.f32 v11, v8  }
0xcf: {  	v18 =	vcvt.f32.s32 v18;
	v15 =	vmin.f32 v16, $1.022999940e+03;
	v11 =	vmin.f32 v13, $1.022999940e+03;
	v13 =	vld [tilespmem:s7+$0x4C90]  }
0xd0: {  	v8 =	vtrunc.f32 v15;
	v16 =	vtrunc.f32 v11;
	[tilespmem:s9+$0x80] =	vst v5  }
0xd1: {  	v8 =	vcvt.f32.s32 v8;
	v5 =	vcvt.f32.s32 v16;
	v16 =	vld [tilespmem:s7+$0x4C80]  }
0xd2: {  	v21 =	vadd.s32 $0x800, v18;
	v14 =	vmul.f32 v14, v0  }
0xd3: {  	v17 =	vadd.s32 $0x800, v8  }
0xd4: {  	v19 =	vadd.s32 $0x801, v8;
	v14 =	vmin.f32 v14, $1.022999940e+03;
	v13 =	vmul.f32 v13, v0  }
0xd5: {  	v9 =	vld.idx.msk [tilespmem:v9+s1+$0x0], $0xffff;
	v22 =	vadd.s32 $0x801, v18;
	v20 =	vadd.s32 $0x800, v5;
	v23 =	vtrunc.f32 v14  }
0xd6: {  	v6 =	vld.idx.msk [tilespmem:v6+s1+$0x0], $0xffff;
	v23 =	vcvt.f32.s32 v23;
	v13 =	vmin.f32 v13, $1.022999940e+03;
	v16 =	vmul.f32 v16, v0  }
0xd7: {  	v21 =	vld.idx.msk [tilespmem:v21+s1+$0x0], $0xffff;
	v24 =	vadd.s32 $0x801, v5;
	v25 =	vtrunc.f32 v13  }
0xd8: {  	v17 =	vld.idx.msk [tilespmem:v17+s1+$0x0], $0xffff;
	v26 =	vadd.s32 $0x800, v23;
	v25 =	vcvt.f32.s32 v25;
	v16 =	vmin.f32 v16, $1.022999940e+03  }
0xd9: {  	v19 =	vld.idx.msk [tilespmem:v19+s1+$0x0], $0xffff;
	v27 =	vadd.s32 $0x801, v23;
	v63 =	vtrunc.f32 v16  }
0xda: {  	v22 =	vld.idx.msk [tilespmem:v22+s1+$0x0], $0xffff;
	v29 =	vadd.s32 $0x800, v25;
	v28 =	vcvt.f32.s32 v63  }
0xdb: {  	v20 =	vld.idx.msk [tilespmem:v20+s1+$0x0], $0xffff;
	v30 =	vadd.s32 $0x801, v25  }
0xdc: {  	v8 =	vcvt.s32.f32 v8;
	v24 =	vld.idx.msk [tilespmem:v24+s1+$0x0], $0xffff;
	v31 =	vadd.s32 $0x800, v28  }
0xdd: {  	v4 =	vsub.f32 v4, v12;
	v6 =	vsub.f32 v6, v9;
	v26 =	vld.idx.msk [tilespmem:v26+s1+$0x0], $0xffff;
	v32 =	vadd.s32 $0x801, v28  }
0xde: {  	v18 =	vcvt.s32.f32 v18;
	v8 =	vsub.f32 v15, v8;
	v15 =	vsub.f32 v19, v17;
	v19 =	vld.idx.msk [tilespmem:v27+s1+$0x0], $0xffff  }
0xdf: {  	v3 =	vadd.f32 v10, v3;
	v4 =	vmul.f32 v4, v6;
	v5 =	vcvt.s32.f32 v5;
	v12 =	vld.idx.msk [tilespmem:v29+s1+$0x0], $0xffff  }
0xe0: {  	v1 =	vadd.f32 v2, v1;
	v7 =	vsub.f32 v7, v18;
	v8 =	vmul.f32 v8, v15;
	v18 =	vld.idx.msk [tilespmem:v30+s1+$0x0], $0xffff  }
0xe1: {  	v4 =	vadd.f32 v4, v9;
	v5 =	vsub.f32 v11, v5;
	v6 =	vld.idx.msk [tilespmem:v31+s1+$0x0], $0xffff  }
0xe2: {  	v9 =	vcvt.s32.f32 v25;
	v10 =	vsub.f32 v24, v20;
	v2 =	vadd.f32 v8, v17;
	v8 =	vld.idx.msk [tilespmem:v32+s1+$0x0], $0xffff  }
0xe3: {  	[tilespmem:s29+$0x100] =	vst v3;
	v11 =	vcvt.s32.f32 v23  }
0xe4: {  	[tilespmem:s3+$0x100] =	vst v1;
	v3 =	vsub.f32 v13, v9;
	v15 =	vsub.f32 v22, v21;
	v1 =	vmul.f32 v5, v10  }
0xe5: {  	v13 =	vcvt.s32.f32 v28;
	v5 =	vsub.f32 v14, v11;
	v9 =	vsub.f32 v18, v12  }
0xe6: {  	v7 =	vmul.f32 v7, v15;
	v1 =	vadd.f32 v1, v20;
	v10 =	vsub.f32 v19, v26  }
0xe7: {  	[tilespmem:s4+$0x100] =	vst v2;
	v2 =	vmul.f32 v3, v9;
	v3 =	vsub.f32 v16, v13;
	v8 =	vsub.f32 v8, v6  }
0xe8: {  	[tilespmem:s30+$0x100] =	vst v4;
	v7 =	vadd.f32 v7, v21;
	v4 =	vmul.f32 v5, v10  }
0xe9: {  	[tilespmem:s0+$0x100] =	vst v1;
	v2 =	vadd.f32 v2, v12;
	v3 =	vmul.f32 v3, v8  }
0xea: {  	[tilespmem:s6+$0x100] =	vst v7;
	v1 =	vadd.f32 v4, v26  }
0xeb: {  	[tilespmem:s8+$0x100] =	vst v2;
	v2 =	vadd.f32 v3, v6  }
0xec: {  	[tilespmem:s5+$0x100] =	vst v1  }
0xed: {  	[tilespmem:s9+$0x100] =	vst v2  }
0xee: {  	s11 =	simm.s32 $0xCC80;
	s10 =	simm.s32 $0x0;
	s0 =	rddreg [dreg:$0xb]  }
0xef: {  	[hbm4b:s0+s10] =	stream.linear.scatter [tilespmem:s11], [sflag:$0x3], $0x8000, $0x38;
	[tilespmem:$0x1CC80] =	vst v63  }
0xf0: {  	_ =	swait.ge [sflag:s2], $0x2000  }
0xf1: {  	[sflag:s2] =	ssyncset.done $0x0  }
0xf2: {  	[sflag:s2] =	ssyncadd.s32 $0xFFFFE000  }
0xf3: {  	_ =	swait.ge [sflag:s2], $0x2000  }
0xf4: {  	[sflag:s2] =	ssyncset.done $0x0  }
0xf5: {  	[sflag:s2] =	ssyncadd.s32 $0xFFFFE000  }
0xf6: {  	_ =	swait.ge [sflag:s2], $0x2000  }
0xf7: {  	[sflag:s2] =	ssyncset.done $0x0  }
0xf8: {  	s13 =	simm.s32 $0xC80;
	s12 =	rddreg [dreg:$0xc];
	[sflag:s2] =	ssyncadd.s32 $0xFFFFE000  }
0xf9: {  	[tilespmem:s13], [sflag:$0x1] =	stream.linear.gather [hbm4b:s12+s10], $0x2000, $0x38;
	[tilespmem:$0x1CC80] =	vst v63  }
0xfa: {  	s22 =	simm.s32 $0x2C80;
	s14 =	rddreg [dreg:$0xd]  }
0xfb: {  	[tilespmem:s22], [sflag:$0x1] =	stream.linear.gather [hbm4b:s14+s10], $0x2000, $0x38;
	[tilespmem:$0x1CC80] =	vst v63  }
0xfc: {  	s5 =	simm.s32 $0x4C80;
	s0 =	simm.s32 $0x0;
	s4 =	rddreg [dreg:$0xe]  }
0xfd: {  	[tilespmem:s5], [sflag:$0x1] =	stream.linear.gather [hbm4b:s4+s10], $0x2000, $0x38;
	[tilespmem:$0x1CC80] =	vst v63  }
0xfe: {  	v1 =	vld [tilespmem:s0+$0x6C90];
	_ =	sdelay $0x4  }
0xff: {  	v1 =	vmul.f32 v1, v0  }
0x100: {  	v2 =	vld [tilespmem:s0+$0x6C80]  }
0x101: {  	v1 =	vmin.f32 v1, $1.022999940e+03  }
0x102: {  	v3 =	vtrunc.f32 v1  }
0x103: {  	v3 =	vcvt.f32.s32 v3;
	_ =	sdelay $0x1  }
0x104: {  	v2 =	vmul.f32 v2, v0;
	v4 =	vadd.s32 $0x1, v3;
	_ =	sdelay $0x1  }
0x105: {  	v2 =	vmin.f32 v2, $1.022999940e+03  }
0x106: {  	v5 =	vtrunc.f32 v2  }
0x107: {  	v5 =	vcvt.f32.s32 v5;
	v6 =	vld.idx.msk [tilespmem:v3+s1+$0x0], $0xffff  }
0x108: {  	v4 =	vld.idx.msk [tilespmem:v4+s1+$0x0], $0xffff  }
0x109: {  	v7 =	vadd.s32 $0x1, v5;
	_ =	sdelay $0x1  }
0x10a: {  	v3 =	vcvt.s32.f32 v3  }
0x10b: {  	s5 =	simm.s32 $0x20  }
0x10c: {  	v8 =	vld [tilespmem:s5+$0x6C90];
	v1 =	vsub.f32 v1, v3;
	v3 =	vsub.f32 v4, v6  }
0x10d: {  	v4 =	vld.idx.msk [tilespmem:v7+s1+$0x0], $0xffff  }
0x10e: {  	v7 =	vld.idx.msk [tilespmem:v5+s1+$0x0], $0xffff;
	v1 =	vmul.f32 v1, v3  }
0x10f: {  	s3 =	sand.u32 $0x7E00, s10;
	s6 =	simm.s32 $0x10  }
0x110: {  	s3 =	sadd.s32 $0x14C80, s3;
	s4 =	sand.u32 $0x70, s6;
	v1 =	vadd.f32 v1, v6  }
0x111: {  	s8 =	sor.u32 s4, s3;
	v5 =	vcvt.s32.f32 v5;
	v3 =	vld [tilespmem:s5+$0x6C80];
	v6 =	vmul.f32 v8, v0  }
0x112: {  	[tilespmem:s8+$0x0] =	vst v1  }
0x113: {  	v1 =	vsub.f32 v2, v5;
	v2 =	vsub.f32 v4, v7;
	v4 =	vmin.f32 v6, $1.022999940e+03;
	v5 =	vld [tilespmem:s0+$0x8C90]  }
0x114: {  	v6 =	vtrunc.f32 v4  }
0x115: {  	v1 =	vmul.f32 v1, v2;
	v2 =	vcvt.f32.s32 v6  }
0x116: {  	s7 =	simm.s32 $0x0;
	v3 =	vmul.f32 v3, v0  }
0x117: {  	s4 =	sand.u32 $0x60, s7;
	v1 =	vadd.f32 v1, v7;
	v7 =	vadd.s32 $0x1, v2  }
0x118: {  	s3 =	sor.u32 s4, s3;
	v3 =	vmin.f32 v3, $1.022999940e+03;
	v5 =	vmul.f32 v5, v0  }
0x119: {  	v6 =	vtrunc.f32 v3;
	[tilespmem:s3+$0x0] =	vst v1  }
0x11a: {  	v6 =	vcvt.f32.s32 v6;
	v1 =	vld [tilespmem:s0+$0x8C80];
	v5 =	vmin.f32 v5, $1.022999940e+03  }
0x11b: {  	v9 =	vld.idx.msk [tilespmem:v2+s1+$0x0], $0xffff;
	v10 =	vtrunc.f32 v5  }
0x11c: {  	v8 =	vadd.s32 $0x1, v6;
	v7 =	vld.idx.msk [tilespmem:v7+s1+$0x0], $0xffff;
	v10 =	vcvt.f32.s32 v10;
	_ =	sdelay $0x1  }
0x11d: {  	s31 =	simm.s32 $0x40;
	v11 =	vadd.s32 $0x400, v10  }
0x11e: {  	v13 =	vld [tilespmem:s31+$0x6C90];
	v2 =	vcvt.s32.f32 v2;
	v12 =	vadd.s32 $0x401, v10  }
0x11f: {  	v14 =	vld.idx.msk [tilespmem:v6+s1+$0x0], $0xffff;
	v1 =	vmul.f32 v1, v0  }
0x120: {  	v2 =	vsub.f32 v4, v2;
	v8 =	vld.idx.msk [tilespmem:v8+s1+$0x0], $0xffff;
	v4 =	vsub.f32 v7, v9  }
0x121: {  	v1 =	vmin.f32 v1, $1.022999940e+03;
	v7 =	vld [tilespmem:s31+$0x6C80]  }
0x122: {  	s9 =	simm.s32 $0x80;
	v15 =	vtrunc.f32 v1;
	v2 =	vmul.f32 v2, v4;
	v11 =	vld.idx.msk [tilespmem:v11+s1+$0x0], $0xffff  }
0x123: {  	s10 =	simm.s32 $0x30;
	s4 =	sand.u32 $0x7E00, s9;
	v4 =	vcvt.s32.f32 v6;
	v6 =	vcvt.f32.s32 v15;
	v12 =	vld.idx.msk [tilespmem:v12+s1+$0x0], $0xffff  }
0x124: {  	s6 =	sand.u32 $0x70, s10;
	s4 =	sadd.s32 $0x14C80, s4;
	v13 =	vmul.f32 v13, v0;
	v2 =	vadd.f32 v2, v9  }
0x125: {  	s29 =	sor.u32 s6, s4;
	v3 =	vsub.f32 v3, v4;
	v4 =	vsub.f32 v8, v14;
	v8 =	vadd.s32 $0x400, v6  }
0x126: {  	v9 =	vmin.f32 v13, $1.022999940e+03;
	v7 =	vmul.f32 v7, v0;
	[tilespmem:s29+$0x0] =	vst v2;
	v2 =	vcvt.s32.f32 v10  }
0x127: {  	v10 =	vadd.s32 $0x401, v6;
	v3 =	vmul.f32 v3, v4;
	v4 =	vtrunc.f32 v9  }
0x128: {  	s11 =	simm.s32 $0x20;
	v13 =	vld [tilespmem:s5+$0x8C90];
	v4 =	vcvt.f32.s32 v4;
	v2 =	vsub.f32 v5, v2;
	v5 =	vsub.f32 v12, v11  }
0x129: {  	s6 =	sand.u32 $0x60, s11;
	v7 =	vmin.f32 v7, $1.022999940e+03;
	v3 =	vadd.f32 v3, v14  }
0x12a: {  	s30 =	sor.u32 s6, s4;
	v12 =	vtrunc.f32 v7;
	v2 =	vmul.f32 v2, v5  }
0x12b: {  	v5 =	vld.idx.msk [tilespmem:v8+s1+$0x0], $0xffff;
	[tilespmem:s30+$0x0] =	vst v3;
	v3 =	vcvt.f32.s32 v12;
	v8 =	vadd.s32 $0x1, v4  }
0x12c: {  	v12 =	vld [tilespmem:s5+$0x8C80];
	v2 =	vadd.f32 v2, v11  }
0x12d: {  	v10 =	vld.idx.msk [tilespmem:v10+s1+$0x0], $0xffff;
	v13 =	vmul.f32 v13, v0;
	v11 =	vadd.s32 $0x1, v3  }
0x12e: {  	v14 =	vld.idx.msk [tilespmem:v4+s1+$0x0], $0xffff;
	[tilespmem:s8+$0x80] =	vst v2  }
0x12f: {  	v13 =	vmin.f32 v13, $1.022999940e+03;
	v15 =	vld [tilespmem:s0+$0xAC90]  }
0x130: {  	v6 =	vcvt.s32.f32 v6;
	v2 =	vtrunc.f32 v13;
	v8 =	vld.idx.msk [tilespmem:v8+s1+$0x0], $0xffff  }
0x131: {  	v4 =	vcvt.s32.f32 v4;
	v2 =	vcvt.f32.s32 v2  }
0x132: {  	s22 =	simm.s32 $0x60;
	v1 =	vsub.f32 v1, v6;
	v16 =	vcvt.s32.f32 v3;
	v6 =	vld.idx.msk [tilespmem:v11+s1+$0x0], $0xffff;
	v11 =	vmul.f32 v12, v0  }
0x133: {  	v18 =	vld [tilespmem:s22+$0x6C90];
	v4 =	vsub.f32 v9, v4;
	v10 =	vsub.f32 v10, v5;
	v12 =	vadd.s32 $0x400, v2  }
0x134: {  	v3 =	vld.idx.msk [tilespmem:v3+s1+$0x0], $0xffff;
	v17 =	vadd.s32 $0x401, v2;
	v11 =	vmin.f32 v11, $1.022999940e+03;
	v15 =	vmul.f32 v15, v0  }
0x135: {  	v1 =	vmul.f32 v1, v10;
	v19 =	vtrunc.f32 v11;
	v8 =	vsub.f32 v8, v14  }
0x136: {  	v10 =	vcvt.f32.s32 v19;
	v9 =	vmin.f32 v15, $1.022999940e+03  }
0x137: {  	s12 =	simm.s32 $0x100;
	v20 =	vld [tilespmem:s22+$0x6C80];
	v1 =	vadd.f32 v1, v5;
	v4 =	vmul.f32 v4, v8;
	v15 =	vtrunc.f32 v9  }
0x138: {  	s13 =	simm.s32 $0x50;
	s4 =	sand.u32 $0x7E00, s12;
	v7 =	vsub.f32 v7, v16;
	v16 =	vmul.f32 v18, v0;
	v12 =	vld.idx.msk [tilespmem:v12+s1+$0x0], $0xffff;
	v8 =	vcvt.f32.s32 v15  }
0x139: {  	s9 =	sand.u32 $0x70, s13;
	s14 =	sadd.s32 $0x14C80, s4;
	v6 =	vsub.f32 v6, v3;
	[tilespmem:s3+$0x80] =	vst v1;
	v5 =	vld.idx.msk [tilespmem:v17+s1+$0x0], $0xffff;
	v15 =	vadd.s32 $0x400, v10;
	v4 =	vadd.f32 v4, v14  }
0x13a: {  	s4 =	sor.u32 s9, s14;
	v16 =	vmin.f32 v16, $1.022999940e+03;
	v2 =	vcvt.s32.f32 v2;
	v17 =	vld [tilespmem:s0+$0xAC80];
	v1 =	vadd.s32 $0x800, v8  }
0x13b: {  	v6 =	vmul.f32 v7, v6;
	v7 =	vtrunc.f32 v16;
	v18 =	vadd.s32 $0x801, v8;
	[tilespmem:s4+$0x0] =	vst v4  }
0x13c: {  	s10 =	simm.s32 $0x40;
	v14 =	vmul.f32 v20, v0;
	v7 =	vcvt.f32.s32 v7;
	v4 =	vadd.s32 $0x401, v10;
	v19 =	vld [tilespmem:s31+$0x8C90]  }
0x13d: {  	v2 =	vsub.f32 v13, v2;
	s0 =	sand.u32 $0x60, s10;
	v3 =	vadd.f32 v6, v3  }
0x13e: {  	s0 =	sor.u32 s0, s14;
	v10 =	vcvt.s32.f32 v10;
	v13 =	vmin.f32 v14, $1.022999940e+03;
	v5 =	vsub.f32 v5, v12;
	v6 =	vld.idx.msk [tilespmem:v15+s1+$0x0], $0xffff  }
0x13f: {  	v14 =	vtrunc.f32 v13;
	[tilespmem:s0+$0x0] =	vst v3;
	v3 =	vmul.f32 v17, v0;
	v1 =	vld.idx.msk [tilespmem:v1+s1+$0x0], $0xffff  }
0x140: {  	v10 =	vsub.f32 v11, v10;
	v2 =	vmul.f32 v2, v5;
	v5 =	vcvt.f32.s32 v14;
	v14 =	vld.idx.msk [tilespmem:v18+s1+$0x0], $0xffff  }
0x141: {  	v15 =	vadd.s32 $0x1, v7;
	v3 =	vmin.f32 v3, $1.022999940e+03;
	v4 =	vld.idx.msk [tilespmem:v4+s1+$0x0], $0xffff;
	v17 =	vmul.f32 v19, v0  }
0x142: {  	v20 =	vld.idx.msk [tilespmem:v7+s1+$0x0], $0xffff;
	v7 =	vcvt.s32.f32 v7;
	v2 =	vadd.f32 v2, v12;
	v18 =	vcvt.s32.f32 v5  }
0x143: {  	v11 =	vld [tilespmem:s31+$0x8C80];
	v12 =	vadd.s32 $0x1, v5;
	v19 =	vtrunc.f32 v3;
	v17 =	vmin.f32 v17, $1.022999940e+03  }
0x144: {  	[tilespmem:s29+$0x80] =	vst v2;
	v2 =	vcvt.s32.f32 v8;
	v13 =	vsub.f32 v13, v18;
	v18 =	vtrunc.f32 v17  }
0x145: {  	v8 =	vcvt.f32.s32 v19;
	v19 =	vld [tilespmem:s5+$0xAC90];
	v18 =	vcvt.f32.s32 v18  }
0x146: {  	v15 =	vld.idx.msk [tilespmem:v15+s1+$0x0], $0xffff;
	v2 =	vsub.f32 v9, v2;
	v9 =	vsub.f32 v14, v1  }
0x147: {  	v7 =	vsub.f32 v16, v7;
	v4 =	vsub.f32 v4, v6;
	v22 =	vadd.s32 $0x400, v18  }
0x148: {  	v11 =	vmul.f32 v11, v0;
	v5 =	vld.idx.msk [tilespmem:v5+s1+$0x0], $0xffff;
	v2 =	vmul.f32 v2, v9;
	v9 =	vadd.s32 $0x401, v18  }
0x149: {  	s7 =	simm.s32 $0x80;
	v14 =	vadd.s32 $0x800, v8;
	v21 =	vadd.s32 $0x801, v8;
	v12 =	vld.idx.msk [tilespmem:v12+s1+$0x0], $0xffff;
	v4 =	vmul.f32 v10, v4  }
0x14a: {  	v24 =	vld [tilespmem:s7+$0x6C80];
	v8 =	vcvt.s32.f32 v8;
	v23 =	vmin.f32 v11, $1.022999940e+03;
	v11 =	vmul.f32 v19, v0  }
0x14b: {  	v10 =	vtrunc.f32 v23;
	v15 =	vsub.f32 v15, v20;
	v19 =	vld [tilespmem:s7+$0x6C90];
	v4 =	vadd.f32 v4, v6  }
0x14c: {  	v10 =	vcvt.f32.s32 v10;
	v26 =	vadd.f32 v2, v1;
	v25 =	vmin.f32 v11, $1.022999940e+03;
	v2 =	vld.idx.msk [tilespmem:v22+s1+$0x0], $0xffff  }
0x14d: {  	s11 =	simm.s32 $0x180;
	v6 =	vmul.f32 v7, v15;
	[tilespmem:s30+$0x80] =	vst v4;
	v1 =	vtrunc.f32 v25;
	v9 =	vld.idx.msk [tilespmem:v9+s1+$0x0], $0xffff  }
0x14e: {  	s6 =	sand.u32 $0x7E00, s11;
	s9 =	simm.s32 $0x70;
	v7 =	vsub.f32 v12, v5;
	v4 =	vadd.s32 $0x400, v10;
	v16 =	vld [tilespmem:s5+$0xAC80];
	v12 =	vcvt.f32.s32 v1  }
0x14f: {  	s12 =	sadd.s32 $0x14C80, s6;
	s13 =	sand.u32 $0x70, s9;
	v15 =	vcvt.s32.f32 v10;
	v6 =	vadd.f32 v6, v20;
	v1 =	vld.idx.msk [tilespmem:v14+s1+$0x0], $0xffff;
	v14 =	vmul.f32 v24, v0  }
0x150: {  	s6 =	sor.u32 s13, s12;
	v7 =	vmul.f32 v13, v7;
	v11 =	vmul.f32 v19, v0;
	v19 =	vadd.s32 $0x800, v12  }
0x151: {  	v10 =	vadd.s32 $0x401, v10;
	v20 =	vld.idx.msk [tilespmem:v21+s1+$0x0], $0xffff;
	[tilespmem:s6+$0x0] =	vst v6;
	v6 =	vcvt.s32.f32 v18;
	v13 =	vadd.s32 $0x801, v12  }
0x152: {  	v18 =	vmin.f32 v14, $1.022999940e+03;
	v21 =	vld [tilespmem:s22+$0x8C90];
	v7 =	vadd.f32 v7, v5;
	v11 =	vmin.f32 v11, $1.022999940e+03  }
0x153: {  	s14 =	simm.s32 $0x60;
	v6 =	vsub.f32 v17, v6;
	v5 =	vld.idx.msk [tilespmem:v4+s1+$0x0], $0xffff;
	v14 =	vtrunc.f32 v11;
	v4 =	vsub.f32 v9, v2  }
0x154: {  	s5 =	sand.u32 $0x60, s14;
	v22 =	vsub.f32 v3, v8;
	v16 =	vmul.f32 v16, v0;
	v14 =	vcvt.f32.s32 v14  }
0x155: {  	v8 =	vsub.f32 v23, v15;
	s5 =	sor.u32 s5, s12;
	v9 =	vtrunc.f32 v18;
	v6 =	vmul.f32 v6, v4;
	v3 =	vld.idx.msk [tilespmem:v19+s1+$0x0], $0xffff  }
0x156: {  	[tilespmem:s5+$0x0] =	vst v7;
	v15 =	vcvt.f32.s32 v9;
	v4 =	vmin.f32 v16, $1.022999940e+03;
	v9 =	vld.idx.msk [tilespmem:v13+s1+$0x0], $0xffff;
	v19 =	vadd.s32 $0x1, v14  }
0x157: {  	v23 =	vld [tilespmem:s22+$0x8C80];
	v13 =	vsub.f32 v20, v1;
	v7 =	vmul.f32 v21, v0;
	v2 =	vadd.f32 v6, v2  }
0x158: {  	v20 =	vadd.s32 $0x1, v15;
	v21 =	vld.idx.msk [tilespmem:v10+s1+$0x0], $0xffff;
	v10 =	vtrunc.f32 v4;
	v6 =	vcvt.s32.f32 v15  }
0x159: {  	v27 =	vcvt.f32.s32 v10;
	v10 =	vcvt.s32.f32 v12;
	v7 =	vmin.f32 v7, $1.022999940e+03;
	[tilespmem:s4+$0x80] =	vst v2  }
0x15a: {  	v18 =	vsub.f32 v18, v6;
	v6 =	vtrunc.f32 v7;
	v2 =	vmul.f32 v22, v13;
	v16 =	vld [tilespmem:s31+$0xAC90]  }
0x15b: {  	v10 =	vsub.f32 v25, v10;
	v17 =	vld.idx.msk [tilespmem:v14+s1+$0x0], $0xffff;
	v13 =	vcvt.f32.s32 v6;
	v12 =	vsub.f32 v9, v3  }
0x15c: {  	v25 =	vmul.f32 v23, v0;
	v6 =	vadd.s32 $0x801, v27;
	v24 =	vld.idx.msk [tilespmem:v19+s1+$0x0], $0xffff;
	v9 =	vadd.s32 $0x800, v27  }
0x15d: {  	v23 =	vld.idx.msk [tilespmem:v20+s1+$0x0], $0xffff;
	v22 =	vsub.f32 v21, v5;
	v20 =	vadd.s32 $0x400, v13;
	v10 =	vmul.f32 v10, v12  }
0x15e: {  	s11 =	simm.s32 $0x280;
	s10 =	simm.s32 $0x200;
	[tilespmem:s8+$0x100] =	vst v26;
	s8 =	simm.s32 $0x8;
	v19 =	vld.idx.msk [tilespmem:v15+s1+$0x0], $0xffff;
	v15 =	vmin.f32 v25, $1.022999940e+03;
	v21 =	vadd.s32 $0x401, v13;
	v12 =	vcvt.s32.f32 v27  }
.LBB2_4:
0x15f: {  	s12 =	sshra.s32 s11, $0x2;
	v14 =	vcvt.s32.f32 v14;
	v16 =	vmul.f32 v16, v0;
	v3 =	vadd.f32 v10, v3  }
0x160: {  	v25 =	vtrunc.f32 v15;
	v8 =	vmul.f32 v8, v22;
	v10 =	vld [tilespmem:s12+$0x6C90];
	v12 =	vsub.f32 v4, v12  }
0x161: {  	v4 =	vld [tilespmem:s12+$0x6C80];
	v11 =	vsub.f32 v11, v14;
	v14 =	vsub.f32 v24, v17;
	v22 =	vmin.f32 v16, $1.022999940e+03;
	[tilespmem:s29+$0x100] =	vst v3;
	s29 =	smov.u32 s4;
	s4 =	smov.u32 s6  }
0x162: {  	s8 =	sadd.s32 $0x2, s8;
	v3 =	vcvt.f32.s32 v25;
	v5 =	vadd.f32 v8, v5;
	v16 =	vld.idx.msk [tilespmem:v20+s1+$0x0], $0xffff;
	v8 =	vtrunc.f32 v22  }
0x163: {  	p0 =	slt.u32 s8, $0x1FE;
	v20 =	vsub.f32 v23, v19;
	v11 =	vmul.f32 v11, v14;
	v21 =	vld.idx.msk [tilespmem:v21+s1+$0x0], $0xffff;
	v23 =	vcvt.f32.s32 v8  }
0x164: {  	s9 =	sadd.s32 $0x20, s9;
	s6 =	sand.u32 $0x7E00, s10;
	s10 =	smov.u32 s11;
	v8 =	vcvt.s32.f32 v3;
	v24 =	vadd.s32 $0x400, v3;
	v25 =	vadd.s32 $0x401, v3;
	[tilespmem:s0+$0x80] =	vst v5;
	v9 =	vld.idx.msk [tilespmem:v9+s1+$0x0], $0xffff  }
0x165: {  	s13 =	sadd.s32 $0xFFFFFFF0, s9;
	s14 =	sadd.s32 $0x14C80, s6;
	s6 =	sand.u32 $0x70, s9;
	v3 =	vmul.f32 v10, v0;
	v5 =	vadd.f32 v11, v17;
	v10 =	vld [tilespmem:s31+$0xAC80];
	v17 =	vadd.s32 $0x800, v23  }
0x166: {  	s13 =	sand.u32 $0x60, s13;
	s6 =	sor.u32 s6, s14;
	v14 =	vmul.f32 v18, v20;
	v18 =	vadd.s32 $0x801, v23;
	s31 =	smov.u32 s22;
	v4 =	vmul.f32 v4, v0;
	v6 =	vld.idx.msk [tilespmem:v6+s1+$0x0], $0xffff  }
0x167: {  	s13 =	sor.u32 s13, s14;
	v8 =	vsub.f32 v15, v8;
	s22 =	smov.u32 s7;
	s7 =	smov.u32 s12;
	v11 =	vmin.f32 v3, $1.022999940e+03;
	[tilespmem:s6+$0x0] =	vst v5;
	v3 =	vcvt.s32.f32 v13  }
0x168: {  	v15 =	vadd.f32 v14, v19;
	v13 =	vmin.f32 v4, $1.022999940e+03;
	v4 =	vtrunc.f32 v11;
	v19 =	vld [tilespmem:s22+$0x8C90]  }
0x169: {  	v14 =	vcvt.f32.s32 v4;
	v5 =	vld.idx.msk [tilespmem:v24+s1+$0x0], $0xffff;
	v4 =	vsub.f32 v7, v3;
	v7 =	vsub.f32 v21, v16  }
0x16a: {  	v2 =	vadd.f32 v2, v1;
	v20 =	vtrunc.f32 v13;
	[tilespmem:s13+$0x0] =	vst v15;
	v10 =	vmul.f32 v10, v0;
	v3 =	vld.idx.msk [tilespmem:v17+s1+$0x0], $0xffff  }
0x16b: {  	v1 =	vmov v9;
	v15 =	vcvt.f32.s32 v20;
	v7 =	vmul.f32 v4, v7;
	v20 =	vld.idx.msk [tilespmem:v18+s1+$0x0], $0xffff  }
0x16c: {  	v9 =	vadd.s32 $0x1, v14;
	v6 =	vsub.f32 v6, v1;
	v21 =	vld [tilespmem:s22+$0x8C80];
	v4 =	vmin.f32 v10, $1.022999940e+03;
	[tilespmem:s3+$0x100] =	vst v2;
	s3 =	smov.u32 s30;
	s30 =	smov.u32 s0;
	s0 =	smov.u32 s5  }
0x16d: {  	v10 =	vadd.s32 $0x1, v15;
	s5 =	smov.u32 s13;
	v2 =	vmul.f32 v19, v0;
	v25 =	vld.idx.msk [tilespmem:v25+s1+$0x0], $0xffff;
	v16 =	vadd.f32 v7, v16  }
0x16e: {  	v18 =	vcvt.s32.f32 v15;
	v19 =	vtrunc.f32 v4  }
0x16f: {  	v26 =	vcvt.f32.s32 v19;
	v19 =	vcvt.s32.f32 v23;
	v17 =	vld.idx.msk [tilespmem:v14+s1+$0x0], $0xffff;
	v7 =	vmin.f32 v2, $1.022999940e+03;
	[tilespmem:s4+$0x80] =	vst v16  }
.Ltmp1:
0x170: {  	v18 =	vsub.f32 v13, v18;
	v2 =	vmul.f32 v12, v6;
	v13 =	vtrunc.f32 v7;
	v16 =	vld [tilespmem:s31+$0xAC90];
	(pc) =	sbr.rel @p0 .LBB2_4-.Ltmp1, $4  }
0x171: {  	v12 =	vsub.f32 v22, v19;
	v27 =	vsub.f32 v20, v3;
	v24 =	vld.idx.msk [tilespmem:v9+s1+$0x0], $0xffff;
	v13 =	vcvt.f32.s32 v13  }
0x172: {  	v6 =	vadd.s32 $0x801, v26;
	v21 =	vmul.f32 v21, v0;
	v9 =	vadd.s32 $0x800, v26;
	v23 =	vld.idx.msk [tilespmem:v10+s1+$0x0], $0xffff  }
0x173: {  	v22 =	vsub.f32 v25, v5;
	v10 =	vmul.f32 v12, v27;
	v19 =	vld.idx.msk [tilespmem:v15+s1+$0x0], $0xffff;
	v20 =	vadd.s32 $0x400, v13  }
0x174: {  	s11 =	sadd.s32 $0x80, s11;
	v12 =	vcvt.s32.f32 v26;
	v15 =	vmin.f32 v21, $1.022999940e+03;
	v21 =	vadd.s32 $0x401, v13  }
0x175: {  	v14 =	vcvt.s32.f32 v14;
	_ =	sdelay $0x1  }
0x176: {  	v11 =	vsub.f32 v11, v14;
	v14 =	vsub.f32 v24, v17;
	_ =	sdelay $0x1  }
0x177: {  	v23 =	vsub.f32 v23, v19;
	v11 =	vmul.f32 v11, v14  }
0x178: {  	s8 =	sand.u32 $0x7E00, s10;
	s9 =	sadd.s32 $0x20, s9  }
0x179: {  	s10 =	sadd.s32 $0x14C80, s8;
	s12 =	sand.u32 $0x70, s9;
	v14 =	vmul.f32 v18, v23;
	v11 =	vadd.f32 v11, v17  }
0x17a: {  	s9 =	sadd.s32 $0xFFFFFFF0, s9;
	s8 =	sor.u32 s12, s10  }
0x17b: {  	s9 =	sand.u32 $0x60, s9;
	[tilespmem:s8+$0x0] =	vst v11;
	v11 =	vadd.f32 v14, v19  }
0x17c: {  	s9 =	sor.u32 s9, s10;
	v14 =	vld [tilespmem:s7+$0x8C90]  }
0x17d: {  	[tilespmem:s9+$0x0] =	vst v11  }
0x17e: {  	v17 =	vtrunc.f32 v15;
	v11 =	vld [tilespmem:s7+$0x8C80]  }
0x17f: {  	v17 =	vcvt.f32.s32 v17;
	_ =	sdelay $0x1  }
0x180: {  	v18 =	vadd.s32 $0x400, v17;
	v14 =	vmul.f32 v14, v0  }
0x181: {  	v23 =	vadd.s32 $0x401, v17  }
0x182: {  	v20 =	vld.idx.msk [tilespmem:v20+s1+$0x0], $0xffff;
	v14 =	vmin.f32 v14, $1.022999940e+03;
	v11 =	vmul.f32 v11, v0  }
0x183: {  	v21 =	vld.idx.msk [tilespmem:v21+s1+$0x0], $0xffff;
	v19 =	vtrunc.f32 v14  }
0x184: {  	v19 =	vcvt.f32.s32 v19;
	v11 =	vmin.f32 v11, $1.022999940e+03  }
0x185: {  	v18 =	vld.idx.msk [tilespmem:v18+s1+$0x0], $0xffff;
	v24 =	vtrunc.f32 v11  }
0x186: {  	v13 =	vcvt.s32.f32 v13;
	v23 =	vld.idx.msk [tilespmem:v23+s1+$0x0], $0xffff;
	v25 =	vadd.s32 $0x400, v19;
	v24 =	vcvt.f32.s32 v24  }
0x187: {  	v8 =	vmul.f32 v8, v22;
	v26 =	vadd.s32 $0x401, v19  }
0x188: {  	v7 =	vsub.f32 v7, v13;
	v13 =	vsub.f32 v21, v20;
	v27 =	vadd.s32 $0x400, v24  }
0x189: {  	v17 =	vcvt.s32.f32 v17;
	v28 =	vadd.s32 $0x401, v24  }
0x18a: {  	v5 =	vadd.f32 v8, v5;
	v7 =	vmul.f32 v7, v13  }
0x18b: {  	v15 =	vsub.f32 v15, v17;
	v13 =	vsub.f32 v23, v18;
	v22 =	vld.idx.msk [tilespmem:v25+s1+$0x0], $0xffff  }
0x18c: {  	[tilespmem:s0+$0x80] =	vst v5;
	v5 =	vadd.f32 v7, v20;
	v21 =	vld.idx.msk [tilespmem:v26+s1+$0x0], $0xffff  }
0x18d: {  	v7 =	vmul.f32 v15, v13;
	v8 =	vld.idx.msk [tilespmem:v27+s1+$0x0], $0xffff  }
0x18e: {  	[tilespmem:s6+$0x80] =	vst v5;
	v17 =	vld.idx.msk [tilespmem:v28+s1+$0x0], $0xffff  }
0x18f: {  	v19 =	vcvt.s32.f32 v19;
	v5 =	vadd.f32 v7, v18;
	v7 =	vld [tilespmem:s22+$0xAC90];
	_ =	sdelay $0x1  }
0x190: {  	v13 =	vld [tilespmem:s31+$0xAC80];
	v15 =	vcvt.s32.f32 v24;
	v14 =	vsub.f32 v14, v19;
	v19 =	vsub.f32 v21, v22;
	_ =	sdelay $0x1  }
0x191: {  	v11 =	vsub.f32 v11, v15;
	v14 =	vmul.f32 v14, v19;
	v15 =	vsub.f32 v17, v8  }
0x192: {  	v7 =	vmul.f32 v7, v0  }
0x193: {  	[tilespmem:s5+$0x80] =	vst v5;
	v5 =	vadd.f32 v14, v22;
	v11 =	vmul.f32 v11, v15  }
0x194: {  	v16 =	vmul.f32 v16, v0;
	v13 =	vmul.f32 v13, v0;
	v7 =	vmin.f32 v7, $1.022999940e+03;
	v14 =	vld [tilespmem:s22+$0xAC80]  }
0x195: {  	v18 =	vtrunc.f32 v7;
	[tilespmem:s8+$0x80] =	vst v5;
	v5 =	vadd.f32 v11, v8  }
0x196: {  	v18 =	vcvt.f32.s32 v18;
	v15 =	vmin.f32 v16, $1.022999940e+03;
	v11 =	vmin.f32 v13, $1.022999940e+03;
	v13 =	vld [tilespmem:s7+$0xAC90]  }
0x197: {  	v8 =	vtrunc.f32 v15;
	v16 =	vtrunc.f32 v11;
	[tilespmem:s9+$0x80] =	vst v5  }
0x198: {  	v8 =	vcvt.f32.s32 v8;
	v5 =	vcvt.f32.s32 v16;
	v16 =	vld [tilespmem:s7+$0xAC80]  }
0x199: {  	v21 =	vadd.s32 $0x800, v18;
	v14 =	vmul.f32 v14, v0  }
0x19a: {  	v17 =	vadd.s32 $0x800, v8  }
0x19b: {  	v19 =	vadd.s32 $0x801, v8;
	v14 =	vmin.f32 v14, $1.022999940e+03;
	v13 =	vmul.f32 v13, v0  }
0x19c: {  	v9 =	vld.idx.msk [tilespmem:v9+s1+$0x0], $0xffff;
	v22 =	vadd.s32 $0x801, v18;
	v20 =	vadd.s32 $0x800, v5;
	v23 =	vtrunc.f32 v14  }
0x19d: {  	v6 =	vld.idx.msk [tilespmem:v6+s1+$0x0], $0xffff;
	v23 =	vcvt.f32.s32 v23;
	v13 =	vmin.f32 v13, $1.022999940e+03;
	v16 =	vmul.f32 v16, v0  }
0x19e: {  	v21 =	vld.idx.msk [tilespmem:v21+s1+$0x0], $0xffff;
	v24 =	vadd.s32 $0x801, v5;
	v25 =	vtrunc.f32 v13  }
0x19f: {  	v17 =	vld.idx.msk [tilespmem:v17+s1+$0x0], $0xffff;
	v26 =	vadd.s32 $0x800, v23;
	v25 =	vcvt.f32.s32 v25;
	v16 =	vmin.f32 v16, $1.022999940e+03  }
0x1a0: {  	v19 =	vld.idx.msk [tilespmem:v19+s1+$0x0], $0xffff;
	v27 =	vadd.s32 $0x801, v23;
	v63 =	vtrunc.f32 v16  }
0x1a1: {  	v22 =	vld.idx.msk [tilespmem:v22+s1+$0x0], $0xffff;
	v29 =	vadd.s32 $0x800, v25;
	v28 =	vcvt.f32.s32 v63  }
0x1a2: {  	v20 =	vld.idx.msk [tilespmem:v20+s1+$0x0], $0xffff;
	v30 =	vadd.s32 $0x801, v25  }
0x1a3: {  	v8 =	vcvt.s32.f32 v8;
	v24 =	vld.idx.msk [tilespmem:v24+s1+$0x0], $0xffff;
	v31 =	vadd.s32 $0x800, v28  }
0x1a4: {  	v4 =	vsub.f32 v4, v12;
	v6 =	vsub.f32 v6, v9;
	v26 =	vld.idx.msk [tilespmem:v26+s1+$0x0], $0xffff;
	v32 =	vadd.s32 $0x801, v28  }
0x1a5: {  	v18 =	vcvt.s32.f32 v18;
	v8 =	vsub.f32 v15, v8;
	v15 =	vsub.f32 v19, v17;
	v19 =	vld.idx.msk [tilespmem:v27+s1+$0x0], $0xffff  }
0x1a6: {  	v3 =	vadd.f32 v10, v3;
	v4 =	vmul.f32 v4, v6;
	v5 =	vcvt.s32.f32 v5;
	v12 =	vld.idx.msk [tilespmem:v29+s1+$0x0], $0xffff  }
0x1a7: {  	v1 =	vadd.f32 v2, v1;
	v7 =	vsub.f32 v7, v18;
	v8 =	vmul.f32 v8, v15;
	v18 =	vld.idx.msk [tilespmem:v30+s1+$0x0], $0xffff  }
0x1a8: {  	v4 =	vadd.f32 v4, v9;
	v5 =	vsub.f32 v11, v5;
	v6 =	vld.idx.msk [tilespmem:v31+s1+$0x0], $0xffff  }
0x1a9: {  	v9 =	vcvt.s32.f32 v25;
	v10 =	vsub.f32 v24, v20;
	v2 =	vadd.f32 v8, v17;
	v8 =	vld.idx.msk [tilespmem:v32+s1+$0x0], $0xffff  }
0x1aa: {  	[tilespmem:s29+$0x100] =	vst v3;
	v11 =	vcvt.s32.f32 v23  }
0x1ab: {  	[tilespmem:s3+$0x100] =	vst v1;
	v3 =	vsub.f32 v13, v9;
	v15 =	vsub.f32 v22, v21;
	v1 =	vmul.f32 v5, v10  }
0x1ac: {  	v13 =	vcvt.s32.f32 v28;
	v5 =	vsub.f32 v14, v11;
	v9 =	vsub.f32 v18, v12  }
0x1ad: {  	v7 =	vmul.f32 v7, v15;
	v1 =	vadd.f32 v1, v20;
	v10 =	vsub.f32 v19, v26  }
0x1ae: {  	[tilespmem:s4+$0x100] =	vst v2;
	v2 =	vmul.f32 v3, v9;
	v3 =	vsub.f32 v16, v13;
	v8 =	vsub.f32 v8, v6  }
0x1af: {  	[tilespmem:s30+$0x100] =	vst v4;
	v7 =	vadd.f32 v7, v21;
	v4 =	vmul.f32 v5, v10  }
0x1b0: {  	[tilespmem:s0+$0x100] =	vst v1;
	v2 =	vadd.f32 v2, v12;
	v3 =	vmul.f32 v3, v8  }
0x1b1: {  	[tilespmem:s6+$0x100] =	vst v7;
	v1 =	vadd.f32 v4, v26  }
0x1b2: {  	[tilespmem:s8+$0x100] =	vst v2;
	v2 =	vadd.f32 v3, v6  }
0x1b3: {  	[tilespmem:s5+$0x100] =	vst v1  }
0x1b4: {  	s13 =	simm.s32 $0x0;
	s14 =	simm.s32 $0x14C80;
	[tilespmem:s9+$0x100] =	vst v2  }
0x1b5: {  	[hbm4b:s15+s13] =	stream.linear.scatter [tilespmem:s14], [sflag:$0x4], $0x8000, $0x38;
	[tilespmem:$0x1CC80] =	vst v63  }
0x1b6: {  	_ =	swait.ge [sflag:s28], $0x2000  }
0x1b7: {  	[sflag:s28] =	ssyncset.done $0x0  }
0x1b8: {  	[sflag:s28] =	ssyncadd.s32 $0xFFFFE000  }
0x1b9: {  	_ =	swait.ge [sflag:s28], $0x2000  }
0x1ba: {  	[sflag:s28] =	ssyncset.done $0x0  }
0x1bb: {  	[sflag:s28] =	ssyncadd.s32 $0xFFFFE000  }
0x1bc: {  	_ =	swait.ge [sflag:s28], $0x2000  }
0x1bd: {  	[sflag:s28] =	ssyncset.done $0x0  }
0x1be: {  	s22 =	simm.s32 $0x6C80;
	[sflag:s28] =	ssyncadd.s32 $0xFFFFE000  }
0x1bf: {  	[tilespmem:s22], [sflag:$0x2] =	stream.linear.gather [hbm4b:s16+s13], $0x2000, $0x38;
	[tilespmem:$0x1CC80] =	vst v63  }
0x1c0: {  	s4 =	simm.s32 $0x8C80  }
0x1c1: {  	[tilespmem:s4], [sflag:$0x2] =	stream.linear.gather [hbm4b:s17+s13], $0x2000, $0x38;
	[tilespmem:$0x1CC80] =	vst v63  }
0x1c2: {  	s5 =	simm.s32 $0xAC80  }
0x1c3: {  	[tilespmem:s5], [sflag:$0x2] =	stream.linear.gather [hbm4b:s18+s13], $0x2000, $0x38;
	[tilespmem:$0x1CC80] =	vst v63  }
0x1c4: {  	_ =	swait.ge [sflag:s23], $0x8000  }
0x1c5: {  	[sflag:s23] =	ssyncset.done $0x0  }
0x1c6: {  	s0 =	simm.s32 $0x0;
	[sflag:s23] =	ssyncadd.s32 $0xFFFF8000  }
0x1c7: {  	v1 =	vld [tilespmem:s0+$0xC90];
	_ =	sdelay $0x4  }
0x1c8: {  	v1 =	vmul.f32 v1, v0  }
0x1c9: {  	v2 =	vld [tilespmem:s0+$0xC80]  }
0x1ca: {  	v1 =	vmin.f32 v1, $1.022999940e+03  }
0x1cb: {  	v3 =	vtrunc.f32 v1  }
0x1cc: {  	v3 =	vcvt.f32.s32 v3;
	_ =	sdelay $0x1  }
0x1cd: {  	v2 =	vmul.f32 v2, v0;
	v4 =	vadd.s32 $0x1, v3;
	_ =	sdelay $0x1  }
0x1ce: {  	v2 =	vmin.f32 v2, $1.022999940e+03  }
0x1cf: {  	v5 =	vtrunc.f32 v2  }
0x1d0: {  	v5 =	vcvt.f32.s32 v5;
	v6 =	vld.idx.msk [tilespmem:v3+s1+$0x0], $0xffff  }
0x1d1: {  	v4 =	vld.idx.msk [tilespmem:v4+s1+$0x0], $0xffff  }
0x1d2: {  	v7 =	vadd.s32 $0x1, v5;
	_ =	sdelay $0x1  }
0x1d3: {  	v3 =	vcvt.s32.f32 v3  }
0x1d4: {  	s5 =	simm.s32 $0x20  }
0x1d5: {  	v8 =	vld [tilespmem:s5+$0xC90];
	v1 =	vsub.f32 v1, v3;
	v3 =	vsub.f32 v4, v6  }
0x1d6: {  	v4 =	vld.idx.msk [tilespmem:v7+s1+$0x0], $0xffff  }
0x1d7: {  	v7 =	vld.idx.msk [tilespmem:v5+s1+$0x0], $0xffff;
	v1 =	vmul.f32 v1, v3  }
0x1d8: {  	s3 =	sand.u32 $0x7E00, s13;
	s6 =	simm.s32 $0x10  }
0x1d9: {  	s3 =	sadd.s32 $0xCC80, s3;
	s4 =	sand.u32 $0x70, s6;
	v1 =	vadd.f32 v1, v6  }
0x1da: {  	s8 =	sor.u32 s4, s3;
	v5 =	vcvt.s32.f32 v5;
	v3 =	vld [tilespmem:s5+$0xC80];
	v6 =	vmul.f32 v8, v0  }
0x1db: {  	[tilespmem:s8+$0x0] =	vst v1  }
0x1dc: {  	v1 =	vsub.f32 v2, v5;
	v2 =	vsub.f32 v4, v7;
	v4 =	vmin.f32 v6, $1.022999940e+03;
	v5 =	vld [tilespmem:s0+$0x2C90]  }
0x1dd: {  	v6 =	vtrunc.f32 v4  }
0x1de: {  	v1 =	vmul.f32 v1, v2;
	v2 =	vcvt.f32.s32 v6  }
0x1df: {  	s7 =	simm.s32 $0x0;
	v3 =	vmul.f32 v3, v0  }
0x1e0: {  	s4 =	sand.u32 $0x60, s7;
	v1 =	vadd.f32 v1, v7;
	v7 =	vadd.s32 $0x1, v2  }
0x1e1: {  	s3 =	sor.u32 s4, s3;
	v3 =	vmin.f32 v3, $1.022999940e+03;
	v5 =	vmul.f32 v5, v0  }
0x1e2: {  	v6 =	vtrunc.f32 v3;
	[tilespmem:s3+$0x0] =	vst v1  }
0x1e3: {  	v6 =	vcvt.f32.s32 v6;
	v1 =	vld [tilespmem:s0+$0x2C80];
	v5 =	vmin.f32 v5, $1.022999940e+03  }
0x1e4: {  	v9 =	vld.idx.msk [tilespmem:v2+s1+$0x0], $0xffff;
	v10 =	vtrunc.f32 v5  }
0x1e5: {  	v8 =	vadd.s32 $0x1, v6;
	v7 =	vld.idx.msk [tilespmem:v7+s1+$0x0], $0xffff;
	v10 =	vcvt.f32.s32 v10;
	_ =	sdelay $0x1  }
0x1e6: {  	s31 =	simm.s32 $0x40;
	v11 =	vadd.s32 $0x400, v10  }
0x1e7: {  	v13 =	vld [tilespmem:s31+$0xC90];
	v2 =	vcvt.s32.f32 v2;
	v12 =	vadd.s32 $0x401, v10  }
0x1e8: {  	v14 =	vld.idx.msk [tilespmem:v6+s1+$0x0], $0xffff;
	v1 =	vmul.f32 v1, v0  }
0x1e9: {  	v2 =	vsub.f32 v4, v2;
	v8 =	vld.idx.msk [tilespmem:v8+s1+$0x0], $0xffff;
	v4 =	vsub.f32 v7, v9  }
0x1ea: {  	v1 =	vmin.f32 v1, $1.022999940e+03;
	v7 =	vld [tilespmem:s31+$0xC80]  }
0x1eb: {  	s9 =	simm.s32 $0x80;
	v15 =	vtrunc.f32 v1;
	v2 =	vmul.f32 v2, v4;
	v11 =	vld.idx.msk [tilespmem:v11+s1+$0x0], $0xffff  }
0x1ec: {  	s10 =	simm.s32 $0x30;
	s4 =	sand.u32 $0x7E00, s9;
	v4 =	vcvt.s32.f32 v6;
	v6 =	vcvt.f32.s32 v15;
	v12 =	vld.idx.msk [tilespmem:v12+s1+$0x0], $0xffff  }
0x1ed: {  	s6 =	sand.u32 $0x70, s10;
	s4 =	sadd.s32 $0xCC80, s4;
	v13 =	vmul.f32 v13, v0;
	v2 =	vadd.f32 v2, v9  }
0x1ee: {  	s29 =	sor.u32 s6, s4;
	v3 =	vsub.f32 v3, v4;
	v4 =	vsub.f32 v8, v14;
	v8 =	vadd.s32 $0x400, v6  }
0x1ef: {  	v9 =	vmin.f32 v13, $1.022999940e+03;
	v7 =	vmul.f32 v7, v0;
	[tilespmem:s29+$0x0] =	vst v2;
	v2 =	vcvt.s32.f32 v10  }
0x1f0: {  	v10 =	vadd.s32 $0x401, v6;
	v3 =	vmul.f32 v3, v4;
	v4 =	vtrunc.f32 v9  }
0x1f1: {  	s11 =	simm.s32 $0x20;
	v13 =	vld [tilespmem:s5+$0x2C90];
	v4 =	vcvt.f32.s32 v4;
	v2 =	vsub.f32 v5, v2;
	v5 =	vsub.f32 v12, v11  }
0x1f2: {  	s6 =	sand.u32 $0x60, s11;
	v7 =	vmin.f32 v7, $1.022999940e+03;
	v3 =	vadd.f32 v3, v14  }
0x1f3: {  	s30 =	sor.u32 s6, s4;
	v12 =	vtrunc.f32 v7;
	v2 =	vmul.f32 v2, v5  }
0x1f4: {  	v5 =	vld.idx.msk [tilespmem:v8+s1+$0x0], $0xffff;
	[tilespmem:s30+$0x0] =	vst v3;
	v3 =	vcvt.f32.s32 v12;
	v8 =	vadd.s32 $0x1, v4  }
0x1f5: {  	v12 =	vld [tilespmem:s5+$0x2C80];
	v2 =	vadd.f32 v2, v11  }
0x1f6: {  	v10 =	vld.idx.msk [tilespmem:v10+s1+$0x0], $0xffff;
	v13 =	vmul.f32 v13, v0;
	v11 =	vadd.s32 $0x1, v3  }
0x1f7: {  	v14 =	vld.idx.msk [tilespmem:v4+s1+$0x0], $0xffff;
	[tilespmem:s8+$0x80] =	vst v2  }
0x1f8: {  	v13 =	vmin.f32 v13, $1.022999940e+03;
	v15 =	vld [tilespmem:s0+$0x4C90]  }
0x1f9: {  	v6 =	vcvt.s32.f32 v6;
	v2 =	vtrunc.f32 v13;
	v8 =	vld.idx.msk [tilespmem:v8+s1+$0x0], $0xffff  }
0x1fa: {  	v4 =	vcvt.s32.f32 v4;
	v2 =	vcvt.f32.s32 v2  }
0x1fb: {  	s22 =	simm.s32 $0x60;
	v1 =	vsub.f32 v1, v6;
	v16 =	vcvt.s32.f32 v3;
	v6 =	vld.idx.msk [tilespmem:v11+s1+$0x0], $0xffff;
	v11 =	vmul.f32 v12, v0  }
0x1fc: {  	v18 =	vld [tilespmem:s22+$0xC90];
	v4 =	vsub.f32 v9, v4;
	v10 =	vsub.f32 v10, v5;
	v12 =	vadd.s32 $0x400, v2  }
0x1fd: {  	v3 =	vld.idx.msk [tilespmem:v3+s1+$0x0], $0xffff;
	v17 =	vadd.s32 $0x401, v2;
	v11 =	vmin.f32 v11, $1.022999940e+03;
	v15 =	vmul.f32 v15, v0  }
0x1fe: {  	v1 =	vmul.f32 v1, v10;
	v19 =	vtrunc.f32 v11;
	v8 =	vsub.f32 v8, v14  }
0x1ff: {  	v10 =	vcvt.f32.s32 v19;
	v9 =	vmin.f32 v15, $1.022999940e+03  }
0x200: {  	s12 =	simm.s32 $0x100;
	v20 =	vld [tilespmem:s22+$0xC80];
	v1 =	vadd.f32 v1, v5;
	v4 =	vmul.f32 v4, v8;
	v15 =	vtrunc.f32 v9  }
0x201: {  	s13 =	simm.s32 $0x50;
	s4 =	sand.u32 $0x7E00, s12;
	v7 =	vsub.f32 v7, v16;
	v16 =	vmul.f32 v18, v0;
	v12 =	vld.idx.msk [tilespmem:v12+s1+$0x0], $0xffff;
	v8 =	vcvt.f32.s32 v15  }
0x202: {  	s9 =	sand.u32 $0x70, s13;
	s14 =	sadd.s32 $0xCC80, s4;
	v6 =	vsub.f32 v6, v3;
	[tilespmem:s3+$0x80] =	vst v1;
	v5 =	vld.idx.msk [tilespmem:v17+s1+$0x0], $0xffff;
	v15 =	vadd.s32 $0x400, v10;
	v4 =	vadd.f32 v4, v14  }
0x203: {  	s4 =	sor.u32 s9, s14;
	v16 =	vmin.f32 v16, $1.022999940e+03;
	v2 =	vcvt.s32.f32 v2;
	v17 =	vld [tilespmem:s0+$0x4C80];
	v1 =	vadd.s32 $0x800, v8  }
0x204: {  	v6 =	vmul.f32 v7, v6;
	v7 =	vtrunc.f32 v16;
	v18 =	vadd.s32 $0x801, v8;
	[tilespmem:s4+$0x0] =	vst v4  }
0x205: {  	s10 =	simm.s32 $0x40;
	v14 =	vmul.f32 v20, v0;
	v7 =	vcvt.f32.s32 v7;
	v4 =	vadd.s32 $0x401, v10;
	v19 =	vld [tilespmem:s31+$0x2C90]  }
0x206: {  	v2 =	vsub.f32 v13, v2;
	s0 =	sand.u32 $0x60, s10;
	v3 =	vadd.f32 v6, v3  }
0x207: {  	s0 =	sor.u32 s0, s14;
	v10 =	vcvt.s32.f32 v10;
	v13 =	vmin.f32 v14, $1.022999940e+03;
	v5 =	vsub.f32 v5, v12;
	v6 =	vld.idx.msk [tilespmem:v15+s1+$0x0], $0xffff  }
0x208: {  	v14 =	vtrunc.f32 v13;
	[tilespmem:s0+$0x0] =	vst v3;
	v3 =	vmul.f32 v17, v0;
	v1 =	vld.idx.msk [tilespmem:v1+s1+$0x0], $0xffff  }
0x209: {  	v10 =	vsub.f32 v11, v10;
	v2 =	vmul.f32 v2, v5;
	v5 =	vcvt.f32.s32 v14;
	v14 =	vld.idx.msk [tilespmem:v18+s1+$0x0], $0xffff  }
0x20a: {  	v15 =	vadd.s32 $0x1, v7;
	v3 =	vmin.f32 v3, $1.022999940e+03;
	v4 =	vld.idx.msk [tilespmem:v4+s1+$0x0], $0xffff;
	v17 =	vmul.f32 v19, v0  }
0x20b: {  	v20 =	vld.idx.msk [tilespmem:v7+s1+$0x0], $0xffff;
	v7 =	vcvt.s32.f32 v7;
	v2 =	vadd.f32 v2, v12;
	v18 =	vcvt.s32.f32 v5  }
0x20c: {  	v11 =	vld [tilespmem:s31+$0x2C80];
	v12 =	vadd.s32 $0x1, v5;
	v19 =	vtrunc.f32 v3;
	v17 =	vmin.f32 v17, $1.022999940e+03  }
0x20d: {  	[tilespmem:s29+$0x80] =	vst v2;
	v2 =	vcvt.s32.f32 v8;
	v13 =	vsub.f32 v13, v18;
	v18 =	vtrunc.f32 v17  }
0x20e: {  	v8 =	vcvt.f32.s32 v19;
	v19 =	vld [tilespmem:s5+$0x4C90];
	v18 =	vcvt.f32.s32 v18  }
0x20f: {  	v15 =	vld.idx.msk [tilespmem:v15+s1+$0x0], $0xffff;
	v2 =	vsub.f32 v9, v2;
	v9 =	vsub.f32 v14, v1  }
0x210: {  	v7 =	vsub.f32 v16, v7;
	v4 =	vsub.f32 v4, v6;
	v22 =	vadd.s32 $0x400, v18  }
0x211: {  	v11 =	vmul.f32 v11, v0;
	v5 =	vld.idx.msk [tilespmem:v5+s1+$0x0], $0xffff;
	v2 =	vmul.f32 v2, v9;
	v9 =	vadd.s32 $0x401, v18  }
0x212: {  	s7 =	simm.s32 $0x80;
	v14 =	vadd.s32 $0x800, v8;
	v21 =	vadd.s32 $0x801, v8;
	v12 =	vld.idx.msk [tilespmem:v12+s1+$0x0], $0xffff;
	v4 =	vmul.f32 v10, v4  }
0x213: {  	v24 =	vld [tilespmem:s7+$0xC80];
	v8 =	vcvt.s32.f32 v8;
	v23 =	vmin.f32 v11, $1.022999940e+03;
	v11 =	vmul.f32 v19, v0  }
0x214: {  	v10 =	vtrunc.f32 v23;
	v15 =	vsub.f32 v15, v20;
	v19 =	vld [tilespmem:s7+$0xC90];
	v4 =	vadd.f32 v4, v6  }
0x215: {  	v10 =	vcvt.f32.s32 v10;
	v26 =	vadd.f32 v2, v1;
	v25 =	vmin.f32 v11, $1.022999940e+03;
	v2 =	vld.idx.msk [tilespmem:v22+s1+$0x0], $0xffff  }
0x216: {  	s11 =	simm.s32 $0x180;
	v6 =	vmul.f32 v7, v15;
	[tilespmem:s30+$0x80] =	vst v4;
	v1 =	vtrunc.f32 v25;
	v9 =	vld.idx.msk [tilespmem:v9+s1+$0x0], $0xffff  }
0x217: {  	s6 =	sand.u32 $0x7E00, s11;
	s9 =	simm.s32 $0x70;
	v7 =	vsub.f32 v12, v5;
	v4 =	vadd.s32 $0x400, v10;
	v16 =	vld [tilespmem:s5+$0x4C80];
	v12 =	vcvt.f32.s32 v1  }
0x218: {  	s12 =	sadd.s32 $0xCC80, s6;
	s13 =	sand.u32 $0x70, s9;
	v15 =	vcvt.s32.f32 v10;
	v6 =	vadd.f32 v6, v20;
	v1 =	vld.idx.msk [tilespmem:v14+s1+$0x0], $0xffff;
	v14 =	vmul.f32 v24, v0  }
0x219: {  	s6 =	sor.u32 s13, s12;
	v7 =	vmul.f32 v13, v7;
	v11 =	vmul.f32 v19, v0;
	v19 =	vadd.s32 $0x800, v12  }
0x21a: {  	v10 =	vadd.s32 $0x401, v10;
	v20 =	vld.idx.msk [tilespmem:v21+s1+$0x0], $0xffff;
	[tilespmem:s6+$0x0] =	vst v6;
	v6 =	vcvt.s32.f32 v18;
	v13 =	vadd.s32 $0x801, v12  }
0x21b: {  	v18 =	vmin.f32 v14, $1.022999940e+03;
	v21 =	vld [tilespmem:s22+$0x2C90];
	v7 =	vadd.f32 v7, v5;
	v11 =	vmin.f32 v11, $1.022999940e+03  }
0x21c: {  	s14 =	simm.s32 $0x60;
	v6 =	vsub.f32 v17, v6;
	v5 =	vld.idx.msk [tilespmem:v4+s1+$0x0], $0xffff;
	v14 =	vtrunc.f32 v11;
	v4 =	vsub.f32 v9, v2  }
0x21d: {  	s5 =	sand.u32 $0x60, s14;
	v22 =	vsub.f32 v3, v8;
	v16 =	vmul.f32 v16, v0;
	v14 =	vcvt.f32.s32 v14  }
0x21e: {  	v8 =	vsub.f32 v23, v15;
	s5 =	sor.u32 s5, s12;
	v9 =	vtrunc.f32 v18;
	v6 =	vmul.f32 v6, v4;
	v3 =	vld.idx.msk [tilespmem:v19+s1+$0x0], $0xffff  }
0x21f: {  	[tilespmem:s5+$0x0] =	vst v7;
	v15 =	vcvt.f32.s32 v9;
	v4 =	vmin.f32 v16, $1.022999940e+03;
	v9 =	vld.idx.msk [tilespmem:v13+s1+$0x0], $0xffff;
	v19 =	vadd.s32 $0x1, v14  }
0x220: {  	v23 =	vld [tilespmem:s22+$0x2C80];
	v13 =	vsub.f32 v20, v1;
	v7 =	vmul.f32 v21, v0;
	v2 =	vadd.f32 v6, v2  }
0x221: {  	v20 =	vadd.s32 $0x1, v15;
	v21 =	vld.idx.msk [tilespmem:v10+s1+$0x0], $0xffff;
	v10 =	vtrunc.f32 v4;
	v6 =	vcvt.s32.f32 v15  }
0x222: {  	v27 =	vcvt.f32.s32 v10;
	v10 =	vcvt.s32.f32 v12;
	v7 =	vmin.f32 v7, $1.022999940e+03;
	[tilespmem:s4+$0x80] =	vst v2  }
0x223: {  	v18 =	vsub.f32 v18, v6;
	v6 =	vtrunc.f32 v7;
	v2 =	vmul.f32 v22, v13;
	v16 =	vld [tilespmem:s31+$0x4C90]  }
0x224: {  	v10 =	vsub.f32 v25, v10;
	v17 =	vld.idx.msk [tilespmem:v14+s1+$0x0], $0xffff;
	v13 =	vcvt.f32.s32 v6;
	v12 =	vsub.f32 v9, v3  }
0x225: {  	v25 =	vmul.f32 v23, v0;
	v6 =	vadd.s32 $0x801, v27;
	v24 =	vld.idx.msk [tilespmem:v19+s1+$0x0], $0xffff;
	v9 =	vadd.s32 $0x800, v27  }
0x226: {  	v23 =	vld.idx.msk [tilespmem:v20+s1+$0x0], $0xffff;
	v22 =	vsub.f32 v21, v5;
	v20 =	vadd.s32 $0x400, v13;
	v10 =	vmul.f32 v10, v12  }
0x227: {  	s11 =	simm.s32 $0x280;
	s10 =	simm.s32 $0x200;
	[tilespmem:s8+$0x100] =	vst v26;
	s8 =	simm.s32 $0x8;
	v19 =	vld.idx.msk [tilespmem:v15+s1+$0x0], $0xffff;
	v15 =	vmin.f32 v25, $1.022999940e+03;
	v21 =	vadd.s32 $0x401, v13;
	v12 =	vcvt.s32.f32 v27  }
.LBB2_6:
0x228: {  	s12 =	sshra.s32 s11, $0x2;
	v14 =	vcvt.s32.f32 v14;
	v16 =	vmul.f32 v16, v0;
	v3 =	vadd.f32 v10, v3  }
0x229: {  	v25 =	vtrunc.f32 v15;
	v8 =	vmul.f32 v8, v22;
	v10 =	vld [tilespmem:s12+$0xC90];
	v12 =	vsub.f32 v4, v12  }
0x22a: {  	v4 =	vld [tilespmem:s12+$0xC80];
	v11 =	vsub.f32 v11, v14;
	v14 =	vsub.f32 v24, v17;
	v22 =	vmin.f32 v16, $1.022999940e+03;
	[tilespmem:s29+$0x100] =	vst v3;
	s29 =	smov.u32 s4;
	s4 =	smov.u32 s6  }
0x22b: {  	s8 =	sadd.s32 $0x2, s8;
	v3 =	vcvt.f32.s32 v25;
	v5 =	vadd.f32 v8, v5;
	v16 =	vld.idx.msk [tilespmem:v20+s1+$0x0], $0xffff;
	v8 =	vtrunc.f32 v22  }
0x22c: {  	p0 =	slt.u32 s8, $0x1FE;
	v20 =	vsub.f32 v23, v19;
	v11 =	vmul.f32 v11, v14;
	v21 =	vld.idx.msk [tilespmem:v21+s1+$0x0], $0xffff;
	v23 =	vcvt.f32.s32 v8  }
0x22d: {  	s9 =	sadd.s32 $0x20, s9;
	s6 =	sand.u32 $0x7E00, s10;
	s10 =	smov.u32 s11;
	v8 =	vcvt.s32.f32 v3;
	v24 =	vadd.s32 $0x400, v3;
	v25 =	vadd.s32 $0x401, v3;
	[tilespmem:s0+$0x80] =	vst v5;
	v9 =	vld.idx.msk [tilespmem:v9+s1+$0x0], $0xffff  }
0x22e: {  	s13 =	sadd.s32 $0xFFFFFFF0, s9;
	s14 =	sadd.s32 $0xCC80, s6;
	s6 =	sand.u32 $0x70, s9;
	v3 =	vmul.f32 v10, v0;
	v5 =	vadd.f32 v11, v17;
	v10 =	vld [tilespmem:s31+$0x4C80];
	v17 =	vadd.s32 $0x800, v23  }
0x22f: {  	s13 =	sand.u32 $0x60, s13;
	s6 =	sor.u32 s6, s14;
	v14 =	vmul.f32 v18, v20;
	v18 =	vadd.s32 $0x801, v23;
	s31 =	smov.u32 s22;
	v4 =	vmul.f32 v4, v0;
	v6 =	vld.idx.msk [tilespmem:v6+s1+$0x0], $0xffff  }
0x230: {  	s13 =	sor.u32 s13, s14;
	v8 =	vsub.f32 v15, v8;
	s22 =	smov.u32 s7;
	s7 =	smov.u32 s12;
	v11 =	vmin.f32 v3, $1.022999940e+03;
	[tilespmem:s6+$0x0] =	vst v5;
	v3 =	vcvt.s32.f32 v13  }
0x231: {  	v15 =	vadd.f32 v14, v19;
	v13 =	vmin.f32 v4, $1.022999940e+03;
	v4 =	vtrunc.f32 v11;
	v19 =	vld [tilespmem:s22+$0x2C90]  }
0x232: {  	v14 =	vcvt.f32.s32 v4;
	v5 =	vld.idx.msk [tilespmem:v24+s1+$0x0], $0xffff;
	v4 =	vsub.f32 v7, v3;
	v7 =	vsub.f32 v21, v16  }
0x233: {  	v2 =	vadd.f32 v2, v1;
	v20 =	vtrunc.f32 v13;
	[tilespmem:s13+$0x0] =	vst v15;
	v10 =	vmul.f32 v10, v0;
	v3 =	vld.idx.msk [tilespmem:v17+s1+$0x0], $0xffff  }
0x234: {  	v1 =	vmov v9;
	v15 =	vcvt.f32.s32 v20;
	v7 =	vmul.f32 v4, v7;
	v20 =	vld.idx.msk [tilespmem:v18+s1+$0x0], $0xffff  }
0x235: {  	v9 =	vadd.s32 $0x1, v14;
	v6 =	vsub.f32 v6, v1;
	v21 =	vld [tilespmem:s22+$0x2C80];
	v4 =	vmin.f32 v10, $1.022999940e+03;
	[tilespmem:s3+$0x100] =	vst v2;
	s3 =	smov.u32 s30;
	s30 =	smov.u32 s0;
	s0 =	smov.u32 s5  }
0x236: {  	v10 =	vadd.s32 $0x1, v15;
	s5 =	smov.u32 s13;
	v2 =	vmul.f32 v19, v0;
	v25 =	vld.idx.msk [tilespmem:v25+s1+$0x0], $0xffff;
	v16 =	vadd.f32 v7, v16  }
0x237: {  	v18 =	vcvt.s32.f32 v15;
	v19 =	vtrunc.f32 v4  }
0x238: {  	v26 =	vcvt.f32.s32 v19;
	v19 =	vcvt.s32.f32 v23;
	v17 =	vld.idx.msk [tilespmem:v14+s1+$0x0], $0xffff;
	v7 =	vmin.f32 v2, $1.022999940e+03;
	[tilespmem:s4+$0x80] =	vst v16  }
.Ltmp2:
0x239: {  	v18 =	vsub.f32 v13, v18;
	v2 =	vmul.f32 v12, v6;
	v13 =	vtrunc.f32 v7;
	v16 =	vld [tilespmem:s31+$0x4C90];
	(pc) =	sbr.rel @p0 .LBB2_6-.Ltmp2, $4  }
0x23a: {  	v12 =	vsub.f32 v22, v19;
	v27 =	vsub.f32 v20, v3;
	v24 =	vld.idx.msk [tilespmem:v9+s1+$0x0], $0xffff;
	v13 =	vcvt.f32.s32 v13  }
0x23b: {  	v6 =	vadd.s32 $0x801, v26;
	v21 =	vmul.f32 v21, v0;
	v9 =	vadd.s32 $0x800, v26;
	v23 =	vld.idx.msk [tilespmem:v10+s1+$0x0], $0xffff  }
0x23c: {  	v22 =	vsub.f32 v25, v5;
	v10 =	vmul.f32 v12, v27;
	v19 =	vld.idx.msk [tilespmem:v15+s1+$0x0], $0xffff;
	v20 =	vadd.s32 $0x400, v13  }
0x23d: {  	s11 =	sadd.s32 $0x80, s11;
	v12 =	vcvt.s32.f32 v26;
	v15 =	vmin.f32 v21, $1.022999940e+03;
	v21 =	vadd.s32 $0x401, v13  }
0x23e: {  	v14 =	vcvt.s32.f32 v14;
	_ =	sdelay $0x1  }
0x23f: {  	v11 =	vsub.f32 v11, v14;
	v14 =	vsub.f32 v24, v17;
	_ =	sdelay $0x1  }
0x240: {  	v23 =	vsub.f32 v23, v19;
	v11 =	vmul.f32 v11, v14  }
0x241: {  	s8 =	sand.u32 $0x7E00, s10;
	s9 =	sadd.s32 $0x20, s9  }
0x242: {  	s10 =	sadd.s32 $0xCC80, s8;
	s14 =	sand.u32 $0x70, s9;
	v14 =	vmul.f32 v18, v23;
	v11 =	vadd.f32 v11, v17  }
0x243: {  	s9 =	sadd.s32 $0xFFFFFFF0, s9;
	s8 =	sor.u32 s14, s10  }
0x244: {  	s9 =	sand.u32 $0x60, s9;
	[tilespmem:s8+$0x0] =	vst v11;
	v11 =	vadd.f32 v14, v19  }
0x245: {  	s9 =	sor.u32 s9, s10;
	v14 =	vld [tilespmem:s7+$0x2C90]  }
0x246: {  	[tilespmem:s9+$0x0] =	vst v11  }
0x247: {  	v17 =	vtrunc.f32 v15;
	v11 =	vld [tilespmem:s7+$0x2C80]  }
0x248: {  	v17 =	vcvt.f32.s32 v17;
	_ =	sdelay $0x1  }
0x249: {  	v18 =	vadd.s32 $0x400, v17;
	v14 =	vmul.f32 v14, v0  }
0x24a: {  	v23 =	vadd.s32 $0x401, v17  }
0x24b: {  	v20 =	vld.idx.msk [tilespmem:v20+s1+$0x0], $0xffff;
	v14 =	vmin.f32 v14, $1.022999940e+03;
	v11 =	vmul.f32 v11, v0  }
0x24c: {  	v21 =	vld.idx.msk [tilespmem:v21+s1+$0x0], $0xffff;
	v19 =	vtrunc.f32 v14  }
0x24d: {  	v19 =	vcvt.f32.s32 v19;
	v11 =	vmin.f32 v11, $1.022999940e+03  }
0x24e: {  	v18 =	vld.idx.msk [tilespmem:v18+s1+$0x0], $0xffff;
	v24 =	vtrunc.f32 v11  }
0x24f: {  	v13 =	vcvt.s32.f32 v13;
	v23 =	vld.idx.msk [tilespmem:v23+s1+$0x0], $0xffff;
	v25 =	vadd.s32 $0x400, v19;
	v24 =	vcvt.f32.s32 v24  }
0x250: {  	v8 =	vmul.f32 v8, v22;
	v26 =	vadd.s32 $0x401, v19  }
0x251: {  	v7 =	vsub.f32 v7, v13;
	v13 =	vsub.f32 v21, v20;
	v27 =	vadd.s32 $0x400, v24  }
0x252: {  	v17 =	vcvt.s32.f32 v17;
	v28 =	vadd.s32 $0x401, v24  }
0x253: {  	v5 =	vadd.f32 v8, v5;
	v7 =	vmul.f32 v7, v13  }
0x254: {  	v15 =	vsub.f32 v15, v17;
	v13 =	vsub.f32 v23, v18;
	v22 =	vld.idx.msk [tilespmem:v25+s1+$0x0], $0xffff  }
0x255: {  	[tilespmem:s0+$0x80] =	vst v5;
	v5 =	vadd.f32 v7, v20;
	v21 =	vld.idx.msk [tilespmem:v26+s1+$0x0], $0xffff  }
0x256: {  	v7 =	vmul.f32 v15, v13;
	v8 =	vld.idx.msk [tilespmem:v27+s1+$0x0], $0xffff  }
0x257: {  	[tilespmem:s6+$0x80] =	vst v5;
	v17 =	vld.idx.msk [tilespmem:v28+s1+$0x0], $0xffff  }
0x258: {  	v19 =	vcvt.s32.f32 v19;
	v5 =	vadd.f32 v7, v18;
	v7 =	vld [tilespmem:s22+$0x4C90];
	_ =	sdelay $0x1  }
0x259: {  	v13 =	vld [tilespmem:s31+$0x4C80];
	v15 =	vcvt.s32.f32 v24;
	v14 =	vsub.f32 v14, v19;
	v19 =	vsub.f32 v21, v22;
	_ =	sdelay $0x1  }
0x25a: {  	v11 =	vsub.f32 v11, v15;
	v14 =	vmul.f32 v14, v19;
	v15 =	vsub.f32 v17, v8  }
0x25b: {  	v7 =	vmul.f32 v7, v0  }
0x25c: {  	[tilespmem:s5+$0x80] =	vst v5;
	v5 =	vadd.f32 v14, v22;
	v11 =	vmul.f32 v11, v15  }
0x25d: {  	v16 =	vmul.f32 v16, v0;
	v13 =	vmul.f32 v13, v0;
	v7 =	vmin.f32 v7, $1.022999940e+03;
	v14 =	vld [tilespmem:s22+$0x4C80]  }
0x25e: {  	v18 =	vtrunc.f32 v7;
	[tilespmem:s8+$0x80] =	vst v5;
	v5 =	vadd.f32 v11, v8  }
0x25f: {  	v18 =	vcvt.f32.s32 v18;
	v15 =	vmin.f32 v16, $1.022999940e+03;
	v11 =	vmin.f32 v13, $1.022999940e+03;
	v13 =	vld [tilespmem:s7+$0x4C90]  }
0x260: {  	v8 =	vtrunc.f32 v15;
	v16 =	vtrunc.f32 v11;
	[tilespmem:s9+$0x80] =	vst v5  }
0x261: {  	v8 =	vcvt.f32.s32 v8;
	v5 =	vcvt.f32.s32 v16;
	v16 =	vld [tilespmem:s7+$0x4C80]  }
0x262: {  	v21 =	vadd.s32 $0x800, v18;
	v14 =	vmul.f32 v14, v0  }
0x263: {  	v17 =	vadd.s32 $0x800, v8  }
0x264: {  	v19 =	vadd.s32 $0x801, v8;
	v14 =	vmin.f32 v14, $1.022999940e+03;
	v13 =	vmul.f32 v13, v0  }
0x265: {  	v9 =	vld.idx.msk [tilespmem:v9+s1+$0x0], $0xffff;
	v22 =	vadd.s32 $0x801, v18;
	v20 =	vadd.s32 $0x800, v5;
	v23 =	vtrunc.f32 v14  }
0x266: {  	v6 =	vld.idx.msk [tilespmem:v6+s1+$0x0], $0xffff;
	v23 =	vcvt.f32.s32 v23;
	v13 =	vmin.f32 v13, $1.022999940e+03;
	v16 =	vmul.f32 v16, v0  }
0x267: {  	v21 =	vld.idx.msk [tilespmem:v21+s1+$0x0], $0xffff;
	v24 =	vadd.s32 $0x801, v5;
	v25 =	vtrunc.f32 v13  }
0x268: {  	v17 =	vld.idx.msk [tilespmem:v17+s1+$0x0], $0xffff;
	v26 =	vadd.s32 $0x800, v23;
	v25 =	vcvt.f32.s32 v25;
	v16 =	vmin.f32 v16, $1.022999940e+03  }
0x269: {  	v19 =	vld.idx.msk [tilespmem:v19+s1+$0x0], $0xffff;
	v27 =	vadd.s32 $0x801, v23;
	v63 =	vtrunc.f32 v16  }
0x26a: {  	v22 =	vld.idx.msk [tilespmem:v22+s1+$0x0], $0xffff;
	v29 =	vadd.s32 $0x800, v25;
	v28 =	vcvt.f32.s32 v63  }
0x26b: {  	v20 =	vld.idx.msk [tilespmem:v20+s1+$0x0], $0xffff;
	v30 =	vadd.s32 $0x801, v25  }
0x26c: {  	v8 =	vcvt.s32.f32 v8;
	v24 =	vld.idx.msk [tilespmem:v24+s1+$0x0], $0xffff;
	v31 =	vadd.s32 $0x800, v28  }
0x26d: {  	v4 =	vsub.f32 v4, v12;
	v6 =	vsub.f32 v6, v9;
	v26 =	vld.idx.msk [tilespmem:v26+s1+$0x0], $0xffff;
	v32 =	vadd.s32 $0x801, v28  }
0x26e: {  	v18 =	vcvt.s32.f32 v18;
	v8 =	vsub.f32 v15, v8;
	v15 =	vsub.f32 v19, v17;
	v19 =	vld.idx.msk [tilespmem:v27+s1+$0x0], $0xffff  }
0x26f: {  	v3 =	vadd.f32 v10, v3;
	v4 =	vmul.f32 v4, v6;
	v5 =	vcvt.s32.f32 v5;
	v12 =	vld.idx.msk [tilespmem:v29+s1+$0x0], $0xffff  }
0x270: {  	v1 =	vadd.f32 v2, v1;
	v7 =	vsub.f32 v7, v18;
	v8 =	vmul.f32 v8, v15;
	v18 =	vld.idx.msk [tilespmem:v30+s1+$0x0], $0xffff  }
0x271: {  	v4 =	vadd.f32 v4, v9;
	v5 =	vsub.f32 v11, v5;
	v6 =	vld.idx.msk [tilespmem:v31+s1+$0x0], $0xffff  }
0x272: {  	v9 =	vcvt.s32.f32 v25;
	v10 =	vsub.f32 v24, v20;
	v2 =	vadd.f32 v8, v17;
	v8 =	vld.idx.msk [tilespmem:v32+s1+$0x0], $0xffff  }
0x273: {  	[tilespmem:s29+$0x100] =	vst v3;
	v11 =	vcvt.s32.f32 v23  }
0x274: {  	[tilespmem:s3+$0x100] =	vst v1;
	v3 =	vsub.f32 v13, v9;
	v15 =	vsub.f32 v22, v21;
	v1 =	vmul.f32 v5, v10  }
0x275: {  	v13 =	vcvt.s32.f32 v28;
	v5 =	vsub.f32 v14, v11;
	v9 =	vsub.f32 v18, v12  }
0x276: {  	v7 =	vmul.f32 v7, v15;
	v1 =	vadd.f32 v1, v20;
	v10 =	vsub.f32 v19, v26  }
0x277: {  	[tilespmem:s4+$0x100] =	vst v2;
	v2 =	vmul.f32 v3, v9;
	v3 =	vsub.f32 v16, v13;
	v8 =	vsub.f32 v8, v6  }
0x278: {  	[tilespmem:s30+$0x100] =	vst v4;
	v7 =	vadd.f32 v7, v21;
	v4 =	vmul.f32 v5, v10  }
0x279: {  	[tilespmem:s0+$0x100] =	vst v1;
	v2 =	vadd.f32 v2, v12;
	v3 =	vmul.f32 v3, v8  }
0x27a: {  	[tilespmem:s6+$0x100] =	vst v7;
	v1 =	vadd.f32 v4, v26  }
0x27b: {  	[tilespmem:s8+$0x100] =	vst v2;
	v2 =	vadd.f32 v3, v6  }
0x27c: {  	[tilespmem:s5+$0x100] =	vst v1  }
0x27d: {  	s4 =	simm.s32 $0x0;
	s5 =	simm.s32 $0xCC80;
	[tilespmem:s9+$0x100] =	vst v2  }
0x27e: {  	[hbm4b:s19+s4] =	stream.linear.scatter [tilespmem:s5], [sflag:$0x3], $0x8000, $0x38;
	[tilespmem:$0x1CC80] =	vst v63  }
0x27f: {  	_ =	swait.ge [sflag:s2], $0x2000  }
0x280: {  	[sflag:s2] =	ssyncset.done $0x0  }
0x281: {  	[sflag:s2] =	ssyncadd.s32 $0xFFFFE000  }
0x282: {  	_ =	swait.ge [sflag:s2], $0x2000  }
0x283: {  	[sflag:s2] =	ssyncset.done $0x0  }
0x284: {  	[sflag:s2] =	ssyncadd.s32 $0xFFFFE000  }
0x285: {  	_ =	swait.ge [sflag:s2], $0x2000  }
0x286: {  	[sflag:s2] =	ssyncset.done $0x0  }
0x287: {  	[sflag:s2] =	ssyncadd.s32 $0xFFFFE000  }
0x288: {  	_ =	swait.ge [sflag:s24], $0x8000  }
0x289: {  	[sflag:s24] =	ssyncset.done $0x0  }
0x28a: {  	s0 =	simm.s32 $0x0;
	[sflag:s24] =	ssyncadd.s32 $0xFFFF8000  }
0x28b: {  	v1 =	vld [tilespmem:s0+$0x6C90];
	_ =	sdelay $0x4  }
0x28c: {  	v1 =	vmul.f32 v1, v0  }
0x28d: {  	v2 =	vld [tilespmem:s0+$0x6C80]  }
0x28e: {  	v1 =	vmin.f32 v1, $1.022999940e+03  }
0x28f: {  	v3 =	vtrunc.f32 v1  }
0x290: {  	v3 =	vcvt.f32.s32 v3;
	_ =	sdelay $0x1  }
0x291: {  	v2 =	vmul.f32 v2, v0;
	v4 =	vadd.s32 $0x1, v3;
	_ =	sdelay $0x1  }
0x292: {  	v2 =	vmin.f32 v2, $1.022999940e+03  }
0x293: {  	v5 =	vtrunc.f32 v2  }
0x294: {  	v5 =	vcvt.f32.s32 v5;
	v6 =	vld.idx.msk [tilespmem:v3+s1+$0x0], $0xffff  }
0x295: {  	v4 =	vld.idx.msk [tilespmem:v4+s1+$0x0], $0xffff  }
0x296: {  	v7 =	vadd.s32 $0x1, v5;
	_ =	sdelay $0x1  }
0x297: {  	v3 =	vcvt.s32.f32 v3  }
0x298: {  	s5 =	simm.s32 $0x20  }
0x299: {  	v8 =	vld [tilespmem:s5+$0x6C90];
	v1 =	vsub.f32 v1, v3;
	v3 =	vsub.f32 v4, v6  }
0x29a: {  	v4 =	vld.idx.msk [tilespmem:v7+s1+$0x0], $0xffff  }
0x29b: {  	v7 =	vld.idx.msk [tilespmem:v5+s1+$0x0], $0xffff;
	v1 =	vmul.f32 v1, v3  }
0x29c: {  	s3 =	sand.u32 $0x7E00, s4;
	s6 =	simm.s32 $0x10  }
0x29d: {  	s3 =	sadd.s32 $0x14C80, s3;
	s4 =	sand.u32 $0x70, s6;
	v1 =	vadd.f32 v1, v6  }
0x29e: {  	s8 =	sor.u32 s4, s3;
	v5 =	vcvt.s32.f32 v5;
	v3 =	vld [tilespmem:s5+$0x6C80];
	v6 =	vmul.f32 v8, v0  }
0x29f: {  	[tilespmem:s8+$0x0] =	vst v1  }
0x2a0: {  	v1 =	vsub.f32 v2, v5;
	v2 =	vsub.f32 v4, v7;
	v4 =	vmin.f32 v6, $1.022999940e+03;
	v5 =	vld [tilespmem:s0+$0x8C90]  }
0x2a1: {  	v6 =	vtrunc.f32 v4  }
0x2a2: {  	v1 =	vmul.f32 v1, v2;
	v2 =	vcvt.f32.s32 v6  }
0x2a3: {  	s7 =	simm.s32 $0x0;
	v3 =	vmul.f32 v3, v0  }
0x2a4: {  	s4 =	sand.u32 $0x60, s7;
	v1 =	vadd.f32 v1, v7;
	v7 =	vadd.s32 $0x1, v2  }
0x2a5: {  	s3 =	sor.u32 s4, s3;
	v3 =	vmin.f32 v3, $1.022999940e+03;
	v5 =	vmul.f32 v5, v0  }
0x2a6: {  	v6 =	vtrunc.f32 v3;
	[tilespmem:s3+$0x0] =	vst v1  }
0x2a7: {  	v6 =	vcvt.f32.s32 v6;
	v1 =	vld [tilespmem:s0+$0x8C80];
	v5 =	vmin.f32 v5, $1.022999940e+03  }
0x2a8: {  	v9 =	vld.idx.msk [tilespmem:v2+s1+$0x0], $0xffff;
	v10 =	vtrunc.f32 v5  }
0x2a9: {  	v8 =	vadd.s32 $0x1, v6;
	v7 =	vld.idx.msk [tilespmem:v7+s1+$0x0], $0xffff;
	v10 =	vcvt.f32.s32 v10;
	_ =	sdelay $0x1  }
0x2aa: {  	s31 =	simm.s32 $0x40;
	v11 =	vadd.s32 $0x400, v10  }
0x2ab: {  	v13 =	vld [tilespmem:s31+$0x6C90];
	v2 =	vcvt.s32.f32 v2;
	v12 =	vadd.s32 $0x401, v10  }
0x2ac: {  	v14 =	vld.idx.msk [tilespmem:v6+s1+$0x0], $0xffff;
	v1 =	vmul.f32 v1, v0  }
0x2ad: {  	v2 =	vsub.f32 v4, v2;
	v8 =	vld.idx.msk [tilespmem:v8+s1+$0x0], $0xffff;
	v4 =	vsub.f32 v7, v9  }
0x2ae: {  	v1 =	vmin.f32 v1, $1.022999940e+03;
	v7 =	vld [tilespmem:s31+$0x6C80]  }
0x2af: {  	s9 =	simm.s32 $0x80;
	v15 =	vtrunc.f32 v1;
	v2 =	vmul.f32 v2, v4;
	v11 =	vld.idx.msk [tilespmem:v11+s1+$0x0], $0xffff  }
0x2b0: {  	s10 =	simm.s32 $0x30;
	s4 =	sand.u32 $0x7E00, s9;
	v4 =	vcvt.s32.f32 v6;
	v6 =	vcvt.f32.s32 v15;
	v12 =	vld.idx.msk [tilespmem:v12+s1+$0x0], $0xffff  }
0x2b1: {  	s6 =	sand.u32 $0x70, s10;
	s4 =	sadd.s32 $0x14C80, s4;
	v13 =	vmul.f32 v13, v0;
	v2 =	vadd.f32 v2, v9  }
0x2b2: {  	s29 =	sor.u32 s6, s4;
	v3 =	vsub.f32 v3, v4;
	v4 =	vsub.f32 v8, v14;
	v8 =	vadd.s32 $0x400, v6  }
0x2b3: {  	v9 =	vmin.f32 v13, $1.022999940e+03;
	v7 =	vmul.f32 v7, v0;
	[tilespmem:s29+$0x0] =	vst v2;
	v2 =	vcvt.s32.f32 v10  }
0x2b4: {  	v10 =	vadd.s32 $0x401, v6;
	v3 =	vmul.f32 v3, v4;
	v4 =	vtrunc.f32 v9  }
0x2b5: {  	s11 =	simm.s32 $0x20;
	v13 =	vld [tilespmem:s5+$0x8C90];
	v4 =	vcvt.f32.s32 v4;
	v2 =	vsub.f32 v5, v2;
	v5 =	vsub.f32 v12, v11  }
0x2b6: {  	s6 =	sand.u32 $0x60, s11;
	v7 =	vmin.f32 v7, $1.022999940e+03;
	v3 =	vadd.f32 v3, v14  }
0x2b7: {  	s30 =	sor.u32 s6, s4;
	v12 =	vtrunc.f32 v7;
	v2 =	vmul.f32 v2, v5  }
0x2b8: {  	v5 =	vld.idx.msk [tilespmem:v8+s1+$0x0], $0xffff;
	[tilespmem:s30+$0x0] =	vst v3;
	v3 =	vcvt.f32.s32 v12;
	v8 =	vadd.s32 $0x1, v4  }
0x2b9: {  	v12 =	vld [tilespmem:s5+$0x8C80];
	v2 =	vadd.f32 v2, v11  }
0x2ba: {  	v10 =	vld.idx.msk [tilespmem:v10+s1+$0x0], $0xffff;
	v13 =	vmul.f32 v13, v0;
	v11 =	vadd.s32 $0x1, v3  }
0x2bb: {  	v14 =	vld.idx.msk [tilespmem:v4+s1+$0x0], $0xffff;
	[tilespmem:s8+$0x80] =	vst v2  }
0x2bc: {  	v13 =	vmin.f32 v13, $1.022999940e+03;
	v15 =	vld [tilespmem:s0+$0xAC90]  }
0x2bd: {  	v6 =	vcvt.s32.f32 v6;
	v2 =	vtrunc.f32 v13;
	v8 =	vld.idx.msk [tilespmem:v8+s1+$0x0], $0xffff  }
0x2be: {  	v4 =	vcvt.s32.f32 v4;
	v2 =	vcvt.f32.s32 v2  }
0x2bf: {  	s22 =	simm.s32 $0x60;
	v1 =	vsub.f32 v1, v6;
	v16 =	vcvt.s32.f32 v3;
	v6 =	vld.idx.msk [tilespmem:v11+s1+$0x0], $0xffff;
	v11 =	vmul.f32 v12, v0  }
0x2c0: {  	v18 =	vld [tilespmem:s22+$0x6C90];
	v4 =	vsub.f32 v9, v4;
	v10 =	vsub.f32 v10, v5;
	v12 =	vadd.s32 $0x400, v2  }
0x2c1: {  	v3 =	vld.idx.msk [tilespmem:v3+s1+$0x0], $0xffff;
	v17 =	vadd.s32 $0x401, v2;
	v11 =	vmin.f32 v11, $1.022999940e+03;
	v15 =	vmul.f32 v15, v0  }
0x2c2: {  	v1 =	vmul.f32 v1, v10;
	v19 =	vtrunc.f32 v11;
	v8 =	vsub.f32 v8, v14  }
0x2c3: {  	v10 =	vcvt.f32.s32 v19;
	v9 =	vmin.f32 v15, $1.022999940e+03  }
0x2c4: {  	s12 =	simm.s32 $0x100;
	v20 =	vld [tilespmem:s22+$0x6C80];
	v1 =	vadd.f32 v1, v5;
	v4 =	vmul.f32 v4, v8;
	v15 =	vtrunc.f32 v9  }
0x2c5: {  	s13 =	simm.s32 $0x50;
	s4 =	sand.u32 $0x7E00, s12;
	v7 =	vsub.f32 v7, v16;
	v16 =	vmul.f32 v18, v0;
	v12 =	vld.idx.msk [tilespmem:v12+s1+$0x0], $0xffff;
	v8 =	vcvt.f32.s32 v15  }
0x2c6: {  	s9 =	sand.u32 $0x70, s13;
	s14 =	sadd.s32 $0x14C80, s4;
	v6 =	vsub.f32 v6, v3;
	[tilespmem:s3+$0x80] =	vst v1;
	v5 =	vld.idx.msk [tilespmem:v17+s1+$0x0], $0xffff;
	v15 =	vadd.s32 $0x400, v10;
	v4 =	vadd.f32 v4, v14  }
0x2c7: {  	s4 =	sor.u32 s9, s14;
	v16 =	vmin.f32 v16, $1.022999940e+03;
	v2 =	vcvt.s32.f32 v2;
	v17 =	vld [tilespmem:s0+$0xAC80];
	v1 =	vadd.s32 $0x800, v8  }
0x2c8: {  	v6 =	vmul.f32 v7, v6;
	v7 =	vtrunc.f32 v16;
	v18 =	vadd.s32 $0x801, v8;
	[tilespmem:s4+$0x0] =	vst v4  }
0x2c9: {  	s10 =	simm.s32 $0x40;
	v14 =	vmul.f32 v20, v0;
	v7 =	vcvt.f32.s32 v7;
	v4 =	vadd.s32 $0x401, v10;
	v19 =	vld [tilespmem:s31+$0x8C90]  }
0x2ca: {  	v2 =	vsub.f32 v13, v2;
	s0 =	sand.u32 $0x60, s10;
	v3 =	vadd.f32 v6, v3  }
0x2cb: {  	s0 =	sor.u32 s0, s14;
	v10 =	vcvt.s32.f32 v10;
	v13 =	vmin.f32 v14, $1.022999940e+03;
	v5 =	vsub.f32 v5, v12;
	v6 =	vld.idx.msk [tilespmem:v15+s1+$0x0], $0xffff  }
0x2cc: {  	v14 =	vtrunc.f32 v13;
	[tilespmem:s0+$0x0] =	vst v3;
	v3 =	vmul.f32 v17, v0;
	v1 =	vld.idx.msk [tilespmem:v1+s1+$0x0], $0xffff  }
0x2cd: {  	v10 =	vsub.f32 v11, v10;
	v2 =	vmul.f32 v2, v5;
	v5 =	vcvt.f32.s32 v14;
	v14 =	vld.idx.msk [tilespmem:v18+s1+$0x0], $0xffff  }
0x2ce: {  	v15 =	vadd.s32 $0x1, v7;
	v3 =	vmin.f32 v3, $1.022999940e+03;
	v4 =	vld.idx.msk [tilespmem:v4+s1+$0x0], $0xffff;
	v17 =	vmul.f32 v19, v0  }
0x2cf: {  	v20 =	vld.idx.msk [tilespmem:v7+s1+$0x0], $0xffff;
	v7 =	vcvt.s32.f32 v7;
	v2 =	vadd.f32 v2, v12;
	v18 =	vcvt.s32.f32 v5  }
0x2d0: {  	v11 =	vld [tilespmem:s31+$0x8C80];
	v12 =	vadd.s32 $0x1, v5;
	v19 =	vtrunc.f32 v3;
	v17 =	vmin.f32 v17, $1.022999940e+03  }
0x2d1: {  	[tilespmem:s29+$0x80] =	vst v2;
	v2 =	vcvt.s32.f32 v8;
	v13 =	vsub.f32 v13, v18;
	v18 =	vtrunc.f32 v17  }
0x2d2: {  	v8 =	vcvt.f32.s32 v19;
	v19 =	vld [tilespmem:s5+$0xAC90];
	v18 =	vcvt.f32.s32 v18  }
0x2d3: {  	v15 =	vld.idx.msk [tilespmem:v15+s1+$0x0], $0xffff;
	v2 =	vsub.f32 v9, v2;
	v9 =	vsub.f32 v14, v1  }
0x2d4: {  	v7 =	vsub.f32 v16, v7;
	v4 =	vsub.f32 v4, v6;
	v22 =	vadd.s32 $0x400, v18  }
0x2d5: {  	v11 =	vmul.f32 v11, v0;
	v5 =	vld.idx.msk [tilespmem:v5+s1+$0x0], $0xffff;
	v2 =	vmul.f32 v2, v9;
	v9 =	vadd.s32 $0x401, v18  }
0x2d6: {  	s7 =	simm.s32 $0x80;
	v14 =	vadd.s32 $0x800, v8;
	v21 =	vadd.s32 $0x801, v8;
	v12 =	vld.idx.msk [tilespmem:v12+s1+$0x0], $0xffff;
	v4 =	vmul.f32 v10, v4  }
0x2d7: {  	v24 =	vld [tilespmem:s7+$0x6C80];
	v8 =	vcvt.s32.f32 v8;
	v23 =	vmin.f32 v11, $1.022999940e+03;
	v11 =	vmul.f32 v19, v0  }
0x2d8: {  	v10 =	vtrunc.f32 v23;
	v15 =	vsub.f32 v15, v20;
	v19 =	vld [tilespmem:s7+$0x6C90];
	v4 =	vadd.f32 v4, v6  }
0x2d9: {  	v10 =	vcvt.f32.s32 v10;
	v26 =	vadd.f32 v2, v1;
	v25 =	vmin.f32 v11, $1.022999940e+03;
	v2 =	vld.idx.msk [tilespmem:v22+s1+$0x0], $0xffff  }
0x2da: {  	s11 =	simm.s32 $0x180;
	v6 =	vmul.f32 v7, v15;
	[tilespmem:s30+$0x80] =	vst v4;
	v1 =	vtrunc.f32 v25;
	v9 =	vld.idx.msk [tilespmem:v9+s1+$0x0], $0xffff  }
0x2db: {  	s6 =	sand.u32 $0x7E00, s11;
	s9 =	simm.s32 $0x70;
	v7 =	vsub.f32 v12, v5;
	v4 =	vadd.s32 $0x400, v10;
	v16 =	vld [tilespmem:s5+$0xAC80];
	v12 =	vcvt.f32.s32 v1  }
0x2dc: {  	s12 =	sadd.s32 $0x14C80, s6;
	s13 =	sand.u32 $0x70, s9;
	v15 =	vcvt.s32.f32 v10;
	v6 =	vadd.f32 v6, v20;
	v1 =	vld.idx.msk [tilespmem:v14+s1+$0x0], $0xffff;
	v14 =	vmul.f32 v24, v0  }
0x2dd: {  	s6 =	sor.u32 s13, s12;
	v7 =	vmul.f32 v13, v7;
	v11 =	vmul.f32 v19, v0;
	v19 =	vadd.s32 $0x800, v12  }
0x2de: {  	v10 =	vadd.s32 $0x401, v10;
	v20 =	vld.idx.msk [tilespmem:v21+s1+$0x0], $0xffff;
	[tilespmem:s6+$0x0] =	vst v6;
	v6 =	vcvt.s32.f32 v18;
	v13 =	vadd.s32 $0x801, v12  }
0x2df: {  	v18 =	vmin.f32 v14, $1.022999940e+03;
	v21 =	vld [tilespmem:s22+$0x8C90];
	v7 =	vadd.f32 v7, v5;
	v11 =	vmin.f32 v11, $1.022999940e+03  }
0x2e0: {  	s14 =	simm.s32 $0x60;
	v6 =	vsub.f32 v17, v6;
	v5 =	vld.idx.msk [tilespmem:v4+s1+$0x0], $0xffff;
	v14 =	vtrunc.f32 v11;
	v4 =	vsub.f32 v9, v2  }
0x2e1: {  	s5 =	sand.u32 $0x60, s14;
	v22 =	vsub.f32 v3, v8;
	v16 =	vmul.f32 v16, v0;
	v14 =	vcvt.f32.s32 v14  }
0x2e2: {  	v8 =	vsub.f32 v23, v15;
	s5 =	sor.u32 s5, s12;
	v9 =	vtrunc.f32 v18;
	v6 =	vmul.f32 v6, v4;
	v3 =	vld.idx.msk [tilespmem:v19+s1+$0x0], $0xffff  }
0x2e3: {  	[tilespmem:s5+$0x0] =	vst v7;
	v15 =	vcvt.f32.s32 v9;
	v4 =	vmin.f32 v16, $1.022999940e+03;
	v9 =	vld.idx.msk [tilespmem:v13+s1+$0x0], $0xffff;
	v19 =	vadd.s32 $0x1, v14  }
0x2e4: {  	v23 =	vld [tilespmem:s22+$0x8C80];
	v13 =	vsub.f32 v20, v1;
	v7 =	vmul.f32 v21, v0;
	v2 =	vadd.f32 v6, v2  }
0x2e5: {  	v20 =	vadd.s32 $0x1, v15;
	v21 =	vld.idx.msk [tilespmem:v10+s1+$0x0], $0xffff;
	v10 =	vtrunc.f32 v4;
	v6 =	vcvt.s32.f32 v15  }
0x2e6: {  	v27 =	vcvt.f32.s32 v10;
	v10 =	vcvt.s32.f32 v12;
	v7 =	vmin.f32 v7, $1.022999940e+03;
	[tilespmem:s4+$0x80] =	vst v2  }
0x2e7: {  	v18 =	vsub.f32 v18, v6;
	v6 =	vtrunc.f32 v7;
	v2 =	vmul.f32 v22, v13;
	v16 =	vld [tilespmem:s31+$0xAC90]  }
0x2e8: {  	v10 =	vsub.f32 v25, v10;
	v17 =	vld.idx.msk [tilespmem:v14+s1+$0x0], $0xffff;
	v13 =	vcvt.f32.s32 v6;
	v12 =	vsub.f32 v9, v3  }
0x2e9: {  	v25 =	vmul.f32 v23, v0;
	v6 =	vadd.s32 $0x801, v27;
	v24 =	vld.idx.msk [tilespmem:v19+s1+$0x0], $0xffff;
	v9 =	vadd.s32 $0x800, v27  }
0x2ea: {  	v23 =	vld.idx.msk [tilespmem:v20+s1+$0x0], $0xffff;
	v22 =	vsub.f32 v21, v5;
	v20 =	vadd.s32 $0x400, v13;
	v10 =	vmul.f32 v10, v12  }
0x2eb: {  	s11 =	simm.s32 $0x280;
	s10 =	simm.s32 $0x200;
	[tilespmem:s8+$0x100] =	vst v26;
	s8 =	simm.s32 $0x8;
	v19 =	vld.idx.msk [tilespmem:v15+s1+$0x0], $0xffff;
	v15 =	vmin.f32 v25, $1.022999940e+03;
	v21 =	vadd.s32 $0x401, v13;
	v12 =	vcvt.s32.f32 v27  }
.LBB2_8:
0x2ec: {  	s12 =	sshra.s32 s11, $0x2;
	v14 =	vcvt.s32.f32 v14;
	v16 =	vmul.f32 v16, v0;
	v3 =	vadd.f32 v10, v3  }
0x2ed: {  	v25 =	vtrunc.f32 v15;
	v8 =	vmul.f32 v8, v22;
	v10 =	vld [tilespmem:s12+$0x6C90];
	v12 =	vsub.f32 v4, v12  }
0x2ee: {  	v4 =	vld [tilespmem:s12+$0x6C80];
	v11 =	vsub.f32 v11, v14;
	v14 =	vsub.f32 v24, v17;
	v22 =	vmin.f32 v16, $1.022999940e+03;
	[tilespmem:s29+$0x100] =	vst v3;
	s29 =	smov.u32 s4;
	s4 =	smov.u32 s6  }
0x2ef: {  	s8 =	sadd.s32 $0x2, s8;
	v3 =	vcvt.f32.s32 v25;
	v5 =	vadd.f32 v8, v5;
	v16 =	vld.idx.msk [tilespmem:v20+s1+$0x0], $0xffff;
	v8 =	vtrunc.f32 v22  }
0x2f0: {  	p0 =	slt.u32 s8, $0x1FE;
	v20 =	vsub.f32 v23, v19;
	v11 =	vmul.f32 v11, v14;
	v21 =	vld.idx.msk [tilespmem:v21+s1+$0x0], $0xffff;
	v23 =	vcvt.f32.s32 v8  }
0x2f1: {  	s9 =	sadd.s32 $0x20, s9;
	s6 =	sand.u32 $0x7E00, s10;
	s10 =	smov.u32 s11;
	v8 =	vcvt.s32.f32 v3;
	v24 =	vadd.s32 $0x400, v3;
	v25 =	vadd.s32 $0x401, v3;
	[tilespmem:s0+$0x80] =	vst v5;
	v9 =	vld.idx.msk [tilespmem:v9+s1+$0x0], $0xffff  }
0x2f2: {  	s13 =	sadd.s32 $0xFFFFFFF0, s9;
	s14 =	sadd.s32 $0x14C80, s6;
	s6 =	sand.u32 $0x70, s9;
	v3 =	vmul.f32 v10, v0;
	v5 =	vadd.f32 v11, v17;
	v10 =	vld [tilespmem:s31+$0xAC80];
	v17 =	vadd.s32 $0x800, v23  }
0x2f3: {  	s13 =	sand.u32 $0x60, s13;
	s6 =	sor.u32 s6, s14;
	v14 =	vmul.f32 v18, v20;
	v18 =	vadd.s32 $0x801, v23;
	s31 =	smov.u32 s22;
	v4 =	vmul.f32 v4, v0;
	v6 =	vld.idx.msk [tilespmem:v6+s1+$0x0], $0xffff  }
0x2f4: {  	s13 =	sor.u32 s13, s14;
	v8 =	vsub.f32 v15, v8;
	s22 =	smov.u32 s7;
	s7 =	smov.u32 s12;
	v11 =	vmin.f32 v3, $1.022999940e+03;
	[tilespmem:s6+$0x0] =	vst v5;
	v3 =	vcvt.s32.f32 v13  }
0x2f5: {  	v15 =	vadd.f32 v14, v19;
	v13 =	vmin.f32 v4, $1.022999940e+03;
	v4 =	vtrunc.f32 v11;
	v19 =	vld [tilespmem:s22+$0x8C90]  }
0x2f6: {  	v14 =	vcvt.f32.s32 v4;
	v5 =	vld.idx.msk [tilespmem:v24+s1+$0x0], $0xffff;
	v4 =	vsub.f32 v7, v3;
	v7 =	vsub.f32 v21, v16  }
0x2f7: {  	v2 =	vadd.f32 v2, v1;
	v20 =	vtrunc.f32 v13;
	[tilespmem:s13+$0x0] =	vst v15;
	v10 =	vmul.f32 v10, v0;
	v3 =	vld.idx.msk [tilespmem:v17+s1+$0x0], $0xffff  }
0x2f8: {  	v1 =	vmov v9;
	v15 =	vcvt.f32.s32 v20;
	v7 =	vmul.f32 v4, v7;
	v20 =	vld.idx.msk [tilespmem:v18+s1+$0x0], $0xffff  }
0x2f9: {  	v9 =	vadd.s32 $0x1, v14;
	v6 =	vsub.f32 v6, v1;
	v21 =	vld [tilespmem:s22+$0x8C80];
	v4 =	vmin.f32 v10, $1.022999940e+03;
	[tilespmem:s3+$0x100] =	vst v2;
	s3 =	smov.u32 s30;
	s30 =	smov.u32 s0;
	s0 =	smov.u32 s5  }
0x2fa: {  	v10 =	vadd.s32 $0x1, v15;
	s5 =	smov.u32 s13;
	v2 =	vmul.f32 v19, v0;
	v25 =	vld.idx.msk [tilespmem:v25+s1+$0x0], $0xffff;
	v16 =	vadd.f32 v7, v16  }
0x2fb: {  	v18 =	vcvt.s32.f32 v15;
	v19 =	vtrunc.f32 v4  }
0x2fc: {  	v26 =	vcvt.f32.s32 v19;
	v19 =	vcvt.s32.f32 v23;
	v17 =	vld.idx.msk [tilespmem:v14+s1+$0x0], $0xffff;
	v7 =	vmin.f32 v2, $1.022999940e+03;
	[tilespmem:s4+$0x80] =	vst v16  }
.Ltmp3:
0x2fd: {  	v18 =	vsub.f32 v13, v18;
	v2 =	vmul.f32 v12, v6;
	v13 =	vtrunc.f32 v7;
	v16 =	vld [tilespmem:s31+$0xAC90];
	(pc) =	sbr.rel @p0 .LBB2_8-.Ltmp3, $4  }
0x2fe: {  	v12 =	vsub.f32 v22, v19;
	v27 =	vsub.f32 v20, v3;
	v24 =	vld.idx.msk [tilespmem:v9+s1+$0x0], $0xffff;
	v13 =	vcvt.f32.s32 v13  }
0x2ff: {  	v6 =	vadd.s32 $0x801, v26;
	v21 =	vmul.f32 v21, v0;
	v9 =	vadd.s32 $0x800, v26;
	v23 =	vld.idx.msk [tilespmem:v10+s1+$0x0], $0xffff  }
0x300: {  	v22 =	vsub.f32 v25, v5;
	v10 =	vmul.f32 v12, v27;
	v19 =	vld.idx.msk [tilespmem:v15+s1+$0x0], $0xffff;
	v20 =	vadd.s32 $0x400, v13  }
0x301: {  	s11 =	sadd.s32 $0x80, s11;
	v12 =	vcvt.s32.f32 v26;
	v15 =	vmin.f32 v21, $1.022999940e+03;
	v21 =	vadd.s32 $0x401, v13  }
0x302: {  	v14 =	vcvt.s32.f32 v14;
	_ =	sdelay $0x1  }
0x303: {  	v31 =	vsub.f32 v24, v17;
	v11 =	vsub.f32 v11, v14;
	_ =	sdelay $0x1  }
0x304: {  	v23 =	vsub.f32 v23, v19;
	v11 =	vmul.f32 v11, v31  }
0x305: {  	s8 =	sand.u32 $0x7E00, s10;
	s9 =	sadd.s32 $0x20, s9  }
0x306: {  	s10 =	sadd.s32 $0x14C80, s8;
	s14 =	sand.u32 $0x70, s9;
	v32 =	vmul.f32 v18, v23;
	v11 =	vadd.f32 v11, v17  }
0x307: {  	s9 =	sadd.s32 $0xFFFFFFF0, s9;
	s8 =	sor.u32 s14, s10  }
0x308: {  	s9 =	sand.u32 $0x60, s9;
	v33 =	vadd.f32 v32, v19;
	[tilespmem:s8+$0x0] =	vst v11  }
0x309: {  	s9 =	sor.u32 s9, s10;
	v34 =	vld [tilespmem:s7+$0x8C90]  }
0x30a: {  	[tilespmem:s9+$0x0] =	vst v33  }
0x30b: {  	v11 =	vld [tilespmem:s7+$0x8C80];
	_ =	sdelay $0x2  }
0x30c: {  	v35 =	vtrunc.f32 v15;
	v14 =	vmul.f32 v34, v0  }
0x30d: {  	v17 =	vcvt.f32.s32 v35  }
0x30e: {  	v11 =	vmul.f32 v11, v0;
	v14 =	vmin.f32 v14, $1.022999940e+03  }
0x30f: {  	v36 =	vadd.s32 $0x400, v17;
	v37 =	vtrunc.f32 v14  }
0x310: {  	v38 =	vadd.s32 $0x401, v17;
	v11 =	vmin.f32 v11, $1.022999940e+03;
	v19 =	vcvt.f32.s32 v37  }
0x311: {  	v39 =	vtrunc.f32 v11  }
0x312: {  	v20 =	vld.idx.msk [tilespmem:v20+s1+$0x0], $0xffff;
	v24 =	vcvt.f32.s32 v39;
	v25 =	vadd.s32 $0x400, v19  }
0x313: {  	v21 =	vld.idx.msk [tilespmem:v21+s1+$0x0], $0xffff;
	v26 =	vadd.s32 $0x401, v19  }
0x314: {  	v18 =	vld.idx.msk [tilespmem:v36+s1+$0x0], $0xffff;
	v27 =	vadd.s32 $0x400, v24  }
0x315: {  	v23 =	vld.idx.msk [tilespmem:v38+s1+$0x0], $0xffff;
	v28 =	vadd.s32 $0x401, v24  }
0x316: {  	v13 =	vcvt.s32.f32 v13  }
0x317: {  	v8 =	vmul.f32 v8, v22;
	v40 =	vld.idx.msk [tilespmem:v25+s1+$0x0], $0xffff  }
0x318: {  	v7 =	vsub.f32 v7, v13;
	v41 =	vsub.f32 v21, v20;
	v17 =	vcvt.s32.f32 v17;
	v42 =	vld.idx.msk [tilespmem:v26+s1+$0x0], $0xffff  }
0x319: {  	v5 =	vadd.f32 v8, v5;
	v43 =	vld.idx.msk [tilespmem:v27+s1+$0x0], $0xffff  }
0x31a: {  	v7 =	vmul.f32 v7, v41;
	v44 =	vsub.f32 v15, v17;
	v45 =	vsub.f32 v23, v18;
	v46 =	vld.idx.msk [tilespmem:v28+s1+$0x0], $0xffff  }
0x31b: {  	[tilespmem:s0+$0x80] =	vst v5;
	v19 =	vcvt.s32.f32 v19  }
0x31c: {  	v49 =	vld [tilespmem:s31+$0xAC80];
	v47 =	vadd.f32 v7, v20;
	v48 =	vmul.f32 v44, v45  }
0x31d: {  	v50 =	vcvt.s32.f32 v24;
	v14 =	vsub.f32 v14, v19;
	v51 =	vsub.f32 v42, v40  }
0x31e: {  	[tilespmem:s6+$0x80] =	vst v47;
	v52 =	vadd.f32 v48, v18  }
0x31f: {  	v53 =	vld [tilespmem:s22+$0xAC90];
	v11 =	vsub.f32 v11, v50;
	v54 =	vsub.f32 v46, v43;
	v14 =	vmul.f32 v14, v51;
	_ =	sdelay $0x1  }
0x320: {  	v13 =	vmul.f32 v49, v0;
	[tilespmem:s5+$0x80] =	vst v52;
	v11 =	vmul.f32 v11, v54;
	v55 =	vadd.f32 v14, v40  }
0x321: {  	v16 =	vmul.f32 v16, v0;
	v56 =	vld [tilespmem:s22+$0xAC80]  }
0x322: {  	v60 =	vmin.f32 v13, $1.022999940e+03;
	v58 =	vadd.f32 v11, v43;
	[tilespmem:s8+$0x80] =	vst v55  }
0x323: {  	v57 =	vmin.f32 v16, $1.022999940e+03;
	v62 =	vtrunc.f32 v60;
	v7 =	vmul.f32 v53, v0;
	v61 =	vld [tilespmem:s7+$0xAC90]  }
0x324: {  	v59 =	vtrunc.f32 v57;
	v63 =	vcvt.f32.s32 v62;
	[tilespmem:s9+$0x80] =	vst v58  }
0x325: {  	v8 =	vcvt.f32.s32 v59;
	v7 =	vmin.f32 v7, $1.022999940e+03;
	v27 =	vld [tilespmem:s7+$0xAC80]  }
0x326: {  	v31 =	vadd.s32 $0x800, v63;
	v29 =	vtrunc.f32 v7;
	v14 =	vmul.f32 v56, v0  }
0x327: {  	v30 =	vadd.s32 $0x801, v8;
	v18 =	vcvt.f32.s32 v29  }
0x328: {  	v37 =	vadd.s32 $0x801, v63;
	v14 =	vmin.f32 v14, $1.022999940e+03;
	v13 =	vmul.f32 v61, v0  }
0x329: {  	v9 =	vld.idx.msk [tilespmem:v9+s1+$0x0], $0xffff;
	v32 =	vadd.s32 $0x800, v18;
	v33 =	vadd.s32 $0x801, v18;
	v34 =	vtrunc.f32 v14  }
0x32a: {  	v6 =	vld.idx.msk [tilespmem:v6+s1+$0x0], $0xffff;
	v23 =	vcvt.f32.s32 v34;
	v35 =	vmul.f32 v27, v0;
	v13 =	vmin.f32 v13, $1.022999940e+03  }
0x32b: {  	v20 =	vld.idx.msk [tilespmem:v31+s1+$0x0], $0xffff;
	v28 =	vadd.s32 $0x800, v8;
	v38 =	vtrunc.f32 v13  }
0x32c: {  	v19 =	vld.idx.msk [tilespmem:v30+s1+$0x0], $0xffff;
	v39 =	vadd.s32 $0x800, v23;
	v0 =	vmin.f32 v35, $1.022999940e+03;
	v24 =	vcvt.f32.s32 v38  }
0x32d: {  	v17 =	vld.idx.msk [tilespmem:v37+s1+$0x0], $0xffff;
	v40 =	vadd.s32 $0x801, v23;
	v41 =	vtrunc.f32 v0  }
0x32e: {  	v21 =	vld.idx.msk [tilespmem:v32+s1+$0x0], $0xffff;
	v27 =	vcvt.f32.s32 v41;
	v42 =	vadd.s32 $0x800, v24  }
0x32f: {  	v22 =	vld.idx.msk [tilespmem:v33+s1+$0x0], $0xffff;
	v29 =	vadd.s32 $0x801, v24  }
0x330: {  	v36 =	vld.idx.msk [tilespmem:v28+s1+$0x0], $0xffff;
	v30 =	vadd.s32 $0x800, v27  }
0x331: {  	v1 =	vadd.f32 v2, v1;
	v5 =	vcvt.s32.f32 v63;
	v25 =	vld.idx.msk [tilespmem:v39+s1+$0x0], $0xffff;
	v31 =	vadd.s32 $0x801, v27  }
0x332: {  	v4 =	vsub.f32 v4, v12;
	v6 =	vsub.f32 v6, v9;
	v18 =	vcvt.s32.f32 v18;
	v44 =	vld.idx.msk [tilespmem:v40+s1+$0x0], $0xffff  }
0x333: {  	v5 =	vsub.f32 v60, v5;
	v8 =	vcvt.s32.f32 v8;
	v52 =	vsub.f32 v17, v20;
	v45 =	vld.idx.msk [tilespmem:v42+s1+$0x0], $0xffff  }
0x334: {  	v7 =	vsub.f32 v7, v18;
	v46 =	vsub.f32 v22, v21;
	v47 =	vld.idx.msk [tilespmem:v29+s1+$0x0], $0xffff  }
0x335: {  	v4 =	vmul.f32 v4, v6;
	v8 =	vsub.f32 v57, v8;
	v57 =	vmul.f32 v5, v52;
	v48 =	vld.idx.msk [tilespmem:v30+s1+$0x0], $0xffff  }
0x336: {  	v3 =	vadd.f32 v10, v3;
	v7 =	vmul.f32 v7, v46;
	v50 =	vld.idx.msk [tilespmem:v31+s1+$0x0], $0xffff  }
0x337: {  	[tilespmem:s3+$0x100] =	vst v1;
	v4 =	vadd.f32 v4, v9;
	v1 =	vadd.f32 v57, v20;
	v53 =	vcvt.s32.f32 v23  }
0x338: {  	v43 =	vsub.f32 v19, v36;
	v7 =	vadd.f32 v7, v21;
	v51 =	vcvt.s32.f32 v24  }
0x339: {  	v58 =	vsub.f32 v14, v53;
	v56 =	vcvt.s32.f32 v27;
	v59 =	vsub.f32 v44, v25  }
0x33a: {  	[tilespmem:s29+$0x100] =	vst v3;
	v8 =	vmul.f32 v8, v43;
	v54 =	vsub.f32 v13, v51;
	v55 =	vsub.f32 v47, v45  }
0x33b: {  	[tilespmem:s30+$0x100] =	vst v4;
	v0 =	vsub.f32 v0, v56;
	v62 =	vmul.f32 v58, v59;
	v61 =	vsub.f32 v50, v48  }
0x33c: {  	[tilespmem:s0+$0x100] =	vst v1;
	v49 =	vadd.f32 v8, v36;
	v60 =	vmul.f32 v54, v55  }
0x33d: {  	[tilespmem:s6+$0x100] =	vst v7;
	v63 =	vadd.f32 v62, v25;
	v0 =	vmul.f32 v0, v61  }
0x33e: {  	[tilespmem:s4+$0x100] =	vst v49;
	v2 =	vadd.f32 v60, v45  }
0x33f: {  	[tilespmem:s5+$0x100] =	vst v63;
	v0 =	vadd.f32 v0, v48  }
0x340: {  	[tilespmem:s8+$0x100] =	vst v2  }
0x341: {  	s25 =	sadd.s32 $0x1, s25;
	s31 =	simm.s32 $0x14C80;
	[tilespmem:s9+$0x100] =	vst v0  }
0x342: {  	[hbm4b:s20+s1] =	stream.linear.scatter [tilespmem:s31], [sflag:$0x4], $0x8000, $0x38;
	[tilespmem:$0x1CC80] =	vst v63  }
0x343: {  	p0 =	sne.s32 s25, s21;
	_ =	swait.ge [sflag:s23], $0x8000  }
.Ltmp4:
0x344: {  	[sflag:s23] =	ssyncset.done $0x0;
	(pc) =	sbr.rel @p0 .LBB2_1-.Ltmp4, $4  }
0x345: {  	[sflag:s23] =	ssyncadd.s32 $0xFFFF8000  }
0x346: {  	_ =	swait.ge [sflag:s24], $0x8000  }
0x347: {  	[sflag:s24] =	ssyncset.done $0x0  }
0x348: {  	[sflag:s24] =	ssyncadd.s32 $0xFFFF8000  }
0x349: {  	_ =	sfence.sel $0x180000  }
0x34a: {  	[bflag:$0x0] =	sbarrier.arrive $0xFFFF  }
0x34b: {  	_ =	strace $0x9000004A  }
0x34c: {  	s0 =	stileid.u32;
	[bflag:$0x2] =	sbarrier.arrive $0xFFFF  }
0x34d: {  	p0 =	sne.s32 s0, $0x0;
	s0 =	rddreg [dreg:$0x2]  }
0x34e: {  	s0 =	sadd.s32 @!p0 $0x100000, s0  }
0x34f: {  	[sflag:s0] =	ssyncadd.tile.s32 @!p0 $0x1;
	_ =	shalt  }
.Lfunc_end2:
_tile_overlayer_lowered:
.L_overlay_start_2:
0x350: {  	(tag) =	ssettag $0x2  }
0x351: {  	s0 =	rddreg [dreg:$0x0];
	s2 =	stileid.u32  }
0x352: {  	s1 =	rddreg [dreg:$0x1];
	p0 =	sne.s32 s2, $0x0  }
0x353: {  	s3 =	rddreg [dreg:$0x2];
	[bflag:$0x3] =	sbarrier.arrive $0xFFFF;
	s2 =	simm.s32 @!p0 $0x1C06  }
0x354: {  	[timem:s3], [sflag:s2] =	dma.local @!p0 [hbm:s0], s1  }
0x355: {  	s0 =	simm.s32 @!p0 $0x6  }
0x356: {  	_ =	swait.ge @!p0 [sflag:s0], s1  }
0x357: {  	s1 =	ssub.s32 @!p0 $0x0, s1;
	[sflag:s0] =	ssyncset.done @!p0 $0x0  }
0x358: {  	[sflag:s0] =	ssyncadd.s32 @!p0 s1  }
0x359: {  	[bflag:$0x3] =	sbarrier.arrive $0xFFFF  }
0x35a: {  	_ =	shalt  }

</sc_bundles>
